<compile_context>
chip_gen: v7x
topology: tpu7x:2x2x1
jax: 0.10.2.dev20260603
libtpu: 0.0.44.dev20260713+nightly
codegen_flags: <defaults>
</compile_context>

<pallas_src>
import functools

import jax
import jax.numpy as jnp
from jax import lax
from jax.experimental import pallas as pl
from jax.experimental.pallas import tpu as pltpu
from jax.experimental.pallas import tpu_sc as plsc

B, L, N, E = 2, 4, 2500, 40000
FIN, HID, HEADS, SEQH = 2, 64, 4, 128
G = B * L
F = HEADS * HID
E2 = E + N
NCORE, NSUB = 2, 16
CH = 64
EPAD = 43008
GPC = G // NCORE
NPAD = 2560



NCHT = G * EPAD // (NCORE * NSUB * CH)
F2 = F + 128


NCHP = NCHT + 8


def _sc_edges_body(xl_hbm, xr_hbm, srcg_hbm, dstg_hbm, att_hbm,
                   zu_hbm, U_hbm,
                   att_v, src_i, dst_i, xl_a, xr_a, xl_b, xr_b, u_r,
                   sga, sgb, ss):
    c = lax.axis_index("c")
    s = lax.axis_index("s")
    pltpu.sync_copy(att_hbm, att_v)
    att_rows = [att_v[i] for i in range(F // 16)]
    lanes = lax.iota(jnp.int32, 16)
    onehot = [(lanes == h).astype(jnp.float32) for h in range(HEADS)]

    zrows = GPC * NPAD // NSUB
    zoff = c * GPC * NPAD + s * zrows
    pltpu.sync_copy(zu_hbm, U_hbm.at[pl.ds(zoff, zrows)])
    pltpu.sync_copy(srcg_hbm.at[c, s], src_i)
    pltpu.sync_copy(dstg_hbm.at[c, s], dst_i)
    @pl.loop(0, CH)
    def _clr(t):
        for q in range(F + 16, F2, 16):
            u_r[t, pl.ds(q, 16)] = jnp.zeros((16,), jnp.float32)
    plsc.subcore_barrier()

    def gather(j, xl_r, xr_r, sem):
        pltpu.async_copy(xl_hbm.at[src_i.at[j, pl.ds(0, CH)]], xl_r, sem)
        pltpu.async_copy(xr_hbm.at[dst_i.at[j, pl.ds(0, CH)]], xr_r, sem)

    def drain_gather(j, xl_r, xr_r, sem):
        pltpu.make_async_copy(
            xl_hbm.at[src_i.at[j, pl.ds(0, CH)]], xl_r, sem).wait()
        pltpu.make_async_copy(
            xr_hbm.at[dst_i.at[j, pl.ds(0, CH)]], xr_r, sem).wait()

    def compute(xl_r, xr_r):
        @plsc.parallel_loop(0, CH, unroll=4)
        def _edge(t):
            svec = jnp.zeros((16,), jnp.float32)
            for h in range(HEADS):
                acc = None
                a_regs = []
                for q in (2 * h, 2 * h + 1):
                    va = plsc.bitcast(xl_r[t, pl.ds(16 * q, 16)],
                                      jnp.bfloat16)
                    vb = plsc.bitcast(xr_r[t, pl.ds(16 * q, 16)],
                                      jnp.bfloat16)
                    a0, a1 = plsc.unpack(
                        va, format=plsc.PackFormat.INTERLEAVED)
                    b0, b1 = plsc.unpack(
                        vb, format=plsc.PackFormat.INTERLEAVED)
                    for aa, bb, sg in ((a0, b0, 2 * q), (a1, b1, 2 * q + 1)):
                        z = aa + bb
                        lr = jnp.maximum(z, 0.2 * z)
                        term = lr * att_rows[sg]
                        acc = term if acc is None else acc + term
                        a_regs.append((aa, sg))
                e_h = jnp.sum(acc)
                ex = jnp.exp(jnp.full((16,), e_h, jnp.float32))
                for aa, sg in a_regs:
                    u_r[t, pl.ds(16 * sg, 16)] = ex * aa
                svec = svec + ex * onehot[h]
            u_r[t, pl.ds(F, 16)] = svec

    def drain_scatter():
        pltpu.make_async_copy(
            u_r, U_hbm.at[dst_i.at[0, pl.ds(0, CH)]], ss).wait()

    gather(0, xl_a, xr_a, sga)

    @pl.loop(0, NCHT, step=2)
    def _chunk(j):
        gather(j + 1, xl_b, xr_b, sgb)
        drain_gather(j, xl_a, xr_a, sga)

        @pl.when(j > 0)
        def _():
            drain_scatter()

        compute(xl_a, xr_a)
        pltpu.async_copy(
            u_r, U_hbm.at[dst_i.at[j, pl.ds(0, CH)]], ss, add=True)
        gather(j + 2, xl_a, xr_a, sga)
        drain_gather(j + 1, xl_b, xr_b, sgb)
        drain_scatter()
        compute(xl_b, xr_b)
        pltpu.async_copy(
            u_r, U_hbm.at[dst_i.at[j + 1, pl.ds(0, CH)]], ss, add=True)

    drain_gather(NCHT, xl_a, xr_a, sga)
    drain_scatter()


@functools.cache
def _build_sc_edges():
  return pl.kernel(
    _sc_edges_body,
    out_type=jax.ShapeDtypeStruct((G * NPAD, F2), jnp.float32),
    mesh=plsc.VectorSubcoreMesh(
        core_axis_name="c", subcore_axis_name="s",
        num_cores=NCORE, num_subcores=NSUB),
    compiler_params=pltpu.CompilerParams(needs_layout_passes=False),
    scratch_types=[
        pltpu.VMEM((F // 16, 16), jnp.float32),
        pltpu.VMEM((NCHP, 128), jnp.int32),
        pltpu.VMEM((NCHP, 128), jnp.int32),
        pltpu.VMEM((CH, F // 2), jnp.int32),
        pltpu.VMEM((CH, F // 2), jnp.int32),
        pltpu.VMEM((CH, F // 2), jnp.int32),
        pltpu.VMEM((CH, F // 2), jnp.int32),
        pltpu.VMEM((CH, F2), jnp.float32),
        pltpu.SemaphoreType.DMA,
        pltpu.SemaphoreType.DMA,
        pltpu.SemaphoreType.DMA,
    ],
  )


def _sc_edges(*args):
    return _build_sc_edges()(*args)



def _dot(a, b):
    return jnp.dot(a, b, preferred_element_type=jnp.float32)


def _prep_body(x_ref, winT_ref, b_ref, wlT_ref, wrT_ref, xl_ref, xr_ref):
    h0 = jnp.maximum(_dot(x_ref[0], winT_ref[...]) + b_ref[...], 0.0)
    xl_ref[0] = _dot(h0, wlT_ref[...]).astype(jnp.bfloat16)
    xr_ref[0] = _dot(h0, wrT_ref[...]).astype(jnp.bfloat16)


def _norm_h(Uw, bg, gg, be, Bmat, Cmat):
    U = Uw[:, :F]
    S = Uw[:, F:F + 16]
    Sinv = 1.0 / (S + 1e-16)
    out64 = _dot(U * _dot(Sinv, Bmat), Cmat) + bg
    m = jnp.mean(out64, -1, keepdims=True)
    v = jnp.mean((out64 - m) ** 2, -1, keepdims=True)
    return jnp.maximum((out64 - m) * lax.rsqrt(v + 1e-5) * gg + be, 0.0)


def _normproj_body(U_ref, bg_ref, g_ref, be_ref, Bmat_ref, Cmat_ref,
                   wlT_ref, wrT_ref, xl_ref, xr_ref):
    h = _norm_h(U_ref[0], bg_ref[...], g_ref[...], be_ref[...],
                Bmat_ref[...], Cmat_ref[...])
    xl_ref[0] = _dot(h, wlT_ref[...]).astype(jnp.bfloat16)
    xr_ref[0] = _dot(h, wrT_ref[...]).astype(jnp.bfloat16)


def _normpool_body(U_ref, bg_ref, g_ref, be_ref, Bmat_ref, Cmat_ref,
                   pooled_ref):
    h = _norm_h(U_ref[0], bg_ref[...], g_ref[...], be_ref[...],
                Bmat_ref[...], Cmat_ref[...])
    pooled_ref[0, 0] = jnp.mean(h[:N], axis=0)


def _head_body(emb_ref, wih0_ref, whh0_ref, b0_ref, wih1_ref, whh1_ref,
               b1_ref, w1_ref, bh1_ref, w2_ref, bh2_ref, w3_ref, bh3_ref,
               out_ref):
    emb = emb_ref[...]
    h1 = jnp.zeros((B, SEQH), jnp.float32)
    c1 = jnp.zeros((B, SEQH), jnp.float32)
    h2 = jnp.zeros((B, SEQH), jnp.float32)
    c2 = jnp.zeros((B, SEQH), jnp.float32)

    def cell(xt, h, c, wih, whh, bb):
        z = _dot(xt, wih) + _dot(h, whh) + bb
        i = jax.nn.sigmoid(z[:, 0 * SEQH:1 * SEQH])
        f = jax.nn.sigmoid(z[:, 1 * SEQH:2 * SEQH])
        g = jnp.tanh(z[:, 2 * SEQH:3 * SEQH])
        o = jax.nn.sigmoid(z[:, 3 * SEQH:4 * SEQH])
        c = f * c + i * g
        return o * jnp.tanh(c), c

    for t in range(L):
        xt = emb[t * B:(t + 1) * B]
        h1, c1 = cell(xt, h1, c1, wih0_ref[...], whh0_ref[...], b0_ref[...])
        h2, c2 = cell(h1, h2, c2, wih1_ref[...], whh1_ref[...], b1_ref[...])

    y = jnp.maximum(_dot(h2, w1_ref[...]) + bh1_ref[...], 0.0)
    y = jnp.maximum(_dot(y, w2_ref[...]) + bh2_ref[...], 0.0)
    out_ref[...] = jax.nn.sigmoid(_dot(y, w3_ref[...]) + bh3_ref[...])


def _full(shape):
    return pl.BlockSpec(shape, lambda *a: (0,) * len(shape))


def _tc_prep(x, winT, b_in, wlT, wrT):
    return pl.pallas_call(
        _prep_body,
        grid=(G,),
        in_specs=[
            pl.BlockSpec((1, NPAD, FIN), lambda g: (g, 0, 0)),
            _full((FIN, HID)), _full((1, HID)),
            _full((HID, F)), _full((HID, F)),
        ],
        out_specs=[
            pl.BlockSpec((1, NPAD, F), lambda g: (g, 0, 0)),
            pl.BlockSpec((1, NPAD, F), lambda g: (g, 0, 0)),
        ],
        out_shape=[
            jax.ShapeDtypeStruct((G, NPAD, F), jnp.bfloat16),
            jax.ShapeDtypeStruct((G, NPAD, F), jnp.bfloat16),
        ],
    )(x, winT, b_in, wlT, wrT)


def _tc_normproj(U, bg, gg, be, Bmat, Cmat, wlT, wrT):
    return pl.pallas_call(
        _normproj_body,
        grid=(G,),
        in_specs=[
            pl.BlockSpec((1, NPAD, F2), lambda g: (g, 0, 0)),
            _full((1, HID)), _full((1, HID)), _full((1, HID)),
            _full((16, F)), _full((F, HID)),
            _full((HID, F)), _full((HID, F)),
        ],
        out_specs=[
            pl.BlockSpec((1, NPAD, F), lambda g: (g, 0, 0)),
            pl.BlockSpec((1, NPAD, F), lambda g: (g, 0, 0)),
        ],
        out_shape=[
            jax.ShapeDtypeStruct((G, NPAD, F), jnp.bfloat16),
            jax.ShapeDtypeStruct((G, NPAD, F), jnp.bfloat16),
        ],
    )(U, bg, gg, be, Bmat, Cmat, wlT, wrT)


def _tc_normpool(U, bg, gg, be, Bmat, Cmat):
    return pl.pallas_call(
        _normpool_body,
        grid=(G,),
        in_specs=[
            pl.BlockSpec((1, NPAD, F2), lambda g: (g, 0, 0)),
            _full((1, HID)), _full((1, HID)), _full((1, HID)),
            _full((16, F)), _full((F, HID)),
        ],
        out_specs=pl.BlockSpec((1, 1, HID), lambda g: (g, 0, 0)),
        out_shape=jax.ShapeDtypeStruct((G, 1, HID), jnp.float32),
    )(U, bg, gg, be, Bmat, Cmat)


def _tc_head(emb, wih0T, whh0T, b0, wih1T, whh1T, b1, w1T, bh1, w2T, bh2,
             w3T, bh3):
    return pl.pallas_call(
        _head_body,
        in_specs=[
            _full((L * B, HID)),
            _full((HID, 4 * SEQH)), _full((SEQH, 4 * SEQH)),
            _full((1, 4 * SEQH)),
            _full((SEQH, 4 * SEQH)), _full((SEQH, 4 * SEQH)),
            _full((1, 4 * SEQH)),
            _full((SEQH, SEQH // 2)), _full((1, SEQH // 2)),
            _full((SEQH // 2, SEQH // 4)), _full((1, SEQH // 4)),
            _full((SEQH // 4, 1)), _full((1, 1)),
        ],
        out_specs=_full((B, 1)),
        out_shape=jax.ShapeDtypeStruct((B, 1), jnp.float32),
    )(emb, wih0T, whh0T, b0, wih1T, whh1T, b1, w1T, bh1, w2T, bh2, w3T, bh3)



def kernel(x, edge_index, W_in, b_in, Wl0, Wr0, att0, bg0, g0, be0,
           Wl1, Wr1, att1, bg1, g1, be1,
           Wih0, Whh0, bih0, bhh0, Wih1, Whh1, bih1, bhh1,
           Wh1, bh1, Wh2, bh2, Wh3, bh3):
    f32 = jnp.float32

    eis = edge_index.reshape(G, 2, E)
    loop = jnp.arange(N, dtype=jnp.int32)
    src = jnp.concatenate(
        [eis[:, 0, :], jnp.broadcast_to(loop, (G, N))], axis=1)
    dst = jnp.concatenate(
        [eis[:, 1, :], jnp.broadcast_to(loop, (G, N))], axis=1)
    pad = jnp.full((G, EPAD - E2), N, jnp.int32)
    srcp = jnp.concatenate([src, pad], axis=1)
    dstp = jnp.concatenate([dst, pad], axis=1)
    goff = (jnp.arange(G, dtype=jnp.int32) * NPAD)[:, None]
    shape4 = (NCORE, NSUB, NCHT, CH)
    srcg = (srcp + goff).reshape(shape4)
    dstg = (dstp + goff).reshape(shape4)
    padv = (jnp.arange(NCORE, dtype=jnp.int32) * (GPC * NPAD) + N)

    def _pad_idx(a):
        rows = jnp.broadcast_to(padv[:, None, None, None],
                                (NCORE, NSUB, NCHP - NCHT, CH))
        a = jnp.concatenate([a, rows], axis=2)
        lanes = jnp.broadcast_to(padv[:, None, None, None],
                                 (NCORE, NSUB, NCHP, 128 - CH))
        return jnp.concatenate([a, lanes], axis=3)

    srcg = _pad_idx(srcg)
    dstg = _pad_idx(dstg)

    zrows = GPC * NPAD // NSUB
    zu = jnp.zeros((zrows, F2), f32)

    sidx = jnp.arange(F)
    sg = sidx // 16
    permF = 32 * (sg // 2) + 2 * (sidx % 16) + (sg % 2)
    Bmat = (permF[None, :] // HID
            == jnp.arange(16)[:, None]).astype(f32)
    Cmat = jnp.zeros((F, HID), f32).at[sidx, permF % HID].set(1.0 / HEADS)

    def att_slots(att):
        flat = att.reshape(F)
        i16 = jnp.arange(16)
        rows = []
        for q in range(8):
            rows.append(flat[32 * q + 2 * i16])
            rows.append(flat[32 * q + 2 * i16 + 1])
        return jnp.stack(rows)

    r1 = lambda a: a.reshape(1, -1)

    xpad = jnp.concatenate(
        [x.reshape(G, N, FIN), jnp.zeros((G, NPAD - N, FIN), f32)], axis=1)
    xl0, xr0 = _tc_prep(xpad, W_in.T, r1(b_in), Wl0.T, Wr0.T)

    as32 = lambda a: lax.bitcast_convert_type(
        a.reshape(G * NPAD, F // 2, 2), jnp.int32)
    U0 = _sc_edges(as32(xl0), as32(xr0), srcg, dstg, att_slots(att0), zu)
    U0 = U0.reshape(G, NPAD, F2)

    xl1, xr1 = _tc_normproj(U0, r1(bg0), r1(g0), r1(be0), Bmat, Cmat,
                            Wl1.T, Wr1.T)

    U1 = _sc_edges(as32(xl1), as32(xr1), srcg, dstg, att_slots(att1), zu)
    U1 = U1.reshape(G, NPAD, F2)

    pooled = _tc_normpool(U1, r1(bg1), r1(g1), r1(be1), Bmat, Cmat)

    emb = pooled.reshape(B, L, HID).transpose(1, 0, 2).reshape(L * B, HID)
    out = _tc_head(emb, Wih0.T, Whh0.T, r1(bih0 + bhh0),
                   Wih1.T, Whh1.T, r1(bih1 + bhh1),
                   Wh1.T, r1(bh1), Wh2.T, r1(bh2), Wh3.T, r1(bh3))
    return out

# --- scband reference (transcript-rebuilt; emitter-appended) ---
"""Pipeline reference for scband-progressive-gat-76605036691788 (READ-ONLY COPY).

The authoritative reference and input builder live on the scoring server;
editing this copy changes nothing except your own understanding.
"""

import jax, jax.numpy as jnp
import numpy as np

B, L, N, E = 2, 4, 2500, 40000
FIN, HID, HEADS, SEQH = 2, 64, 4, 128

def _ln(x, g, b):
    m = x.mean(-1, keepdims=True)
    v = ((x - m) ** 2).mean(-1, keepdims=True)
    return (x - m) / jnp.sqrt(v + 1e-5) * g + b

def _gat(x, src, dst, Wl, Wr, att, bias, n):
    xl = (x @ Wl.T).reshape(n, HEADS, HID)
    xr = (x @ Wr.T).reshape(n, HEADS, HID)
    e = jnp.sum(att[None] * jax.nn.leaky_relu(xl[src] + xr[dst], 0.2), axis=-1)
    m = jax.ops.segment_max(e, dst, num_segments=n)
    ex = jnp.exp(e - m[dst])
    s = jax.ops.segment_sum(ex, dst, num_segments=n)
    a = ex / (s[dst] + 1e-16)
    out = jax.ops.segment_sum(a[:, :, None] * xl[src], dst, num_segments=n)
    return out.mean(axis=1) + bias

def _lstm(seq, Wih, Whh, bih, bhh, H):
    Bb = seq.shape[0]
    def step(carry, xt):
        h, cc = carry
        z = xt @ Wih.T + h @ Whh.T + bih + bhh
        i, f, g, o = jnp.split(z, 4, axis=-1)
        i = jax.nn.sigmoid(i); f = jax.nn.sigmoid(f); g = jnp.tanh(g); o = jax.nn.sigmoid(o)
        cc = f * cc + i * g
        h = o * jnp.tanh(cc)
        return (h, cc), h
    init = (jnp.zeros((Bb, H), seq.dtype), jnp.zeros((Bb, H), seq.dtype))
    (hf, cf), ys = jax.lax.scan(step, init, jnp.swapaxes(seq, 0, 1))
    return jnp.swapaxes(ys, 0, 1), hf

def _forward(x, W_in, b_in, Wl0, Wr0, att0, bg0, g0, be0, Wl1, Wr1, att1, bg1, g1, be1,
             Wih0, Whh0, bih0, bhh0, Wih1, Whh1, bih1, bhh1, Wh1, bh1, Wh2, bh2, Wh3, bh3, edge_index):
    xs = x.reshape(B * L, N, FIN)
    eis = edge_index.reshape(B * L, 2, E)
    def single(xg, ei):
        loop = jnp.arange(N, dtype=ei.dtype)
        src = jnp.concatenate([ei[0], loop])
        dst = jnp.concatenate([ei[1], loop])
        h = jax.nn.relu(xg @ W_in.T + b_in)
        h = jax.nn.relu(_ln(_gat(h, src, dst, Wl0, Wr0, att0, bg0, N), g0, be0))
        h = jax.nn.relu(_ln(_gat(h, src, dst, Wl1, Wr1, att1, bg1, N), g1, be1))
        return h.mean(axis=0)
    emb = jax.vmap(single)(xs, eis).reshape(B, L, HID)
    o1, _ = _lstm(emb, Wih0, Whh0, bih0, bhh0, SEQH)
    o2, h2 = _lstm(o1, Wih1, Whh1, bih1, bhh1, SEQH)
    h = jax.nn.relu(h2 @ Wh1.T + bh1)
    h = jax.nn.relu(h @ Wh2.T + bh2)
    return jax.nn.sigmoid(h @ Wh3.T + bh3)

def setup_inputs(seed: int = 0):
    key = jax.random.key(seed)
    ks = jax.random.split(key, 32)
    p = lambda i, s: jax.random.normal(ks[i], s, jnp.float32) * 0.05
    inp = {}
    inp["x"] = jax.random.normal(ks[0], (B, L, N, FIN), jnp.float32)
    inp["edge_index"] = jax.random.randint(ks[1], (B, L, 2, E), 0, N, jnp.int32)
    inp["W_in"] = p(2, (HID, FIN)); inp["b_in"] = jnp.zeros((HID,), jnp.float32)
    inp["Wl0"] = p(3, (HEADS * HID, HID)); inp["Wr0"] = p(4, (HEADS * HID, HID))
    inp["att0"] = p(5, (HEADS, HID)); inp["bg0"] = jnp.zeros((HID,), jnp.float32)
    inp["g0"] = jnp.ones((HID,), jnp.float32); inp["be0"] = jnp.zeros((HID,), jnp.float32)
    inp["Wl1"] = p(6, (HEADS * HID, HID)); inp["Wr1"] = p(7, (HEADS * HID, HID))
    inp["att1"] = p(8, (HEADS, HID)); inp["bg1"] = jnp.zeros((HID,), jnp.float32)
    inp["g1"] = jnp.ones((HID,), jnp.float32); inp["be1"] = jnp.zeros((HID,), jnp.float32)
    inp["Wih0"] = p(9, (4 * SEQH, HID)); inp["Whh0"] = p(10, (4 * SEQH, SEQH))
    inp["bih0"] = jnp.zeros((4 * SEQH,), jnp.float32); inp["bhh0"] = jnp.zeros((4 * SEQH,), jnp.float32)
    inp["Wih1"] = p(11, (4 * SEQH, SEQH)); inp["Whh1"] = p(12, (4 * SEQH, SEQH))
    inp["bih1"] = jnp.zeros((4 * SEQH,), jnp.float32); inp["bhh1"] = jnp.zeros((4 * SEQH,), jnp.float32)
    inp["Wh1"] = p(13, (SEQH // 2, SEQH)); inp["bh1"] = jnp.zeros((SEQH // 2,), jnp.float32)
    inp["Wh2"] = p(14, (SEQH // 4, SEQH // 2)); inp["bh2"] = jnp.zeros((SEQH // 4,), jnp.float32)
    inp["Wh3"] = p(15, (1, SEQH // 4)); inp["bh3"] = jnp.zeros((1,), jnp.float32)
    return inp

def reference(x, edge_index, W_in, b_in, Wl0, Wr0, att0, bg0, g0, be0, Wl1, Wr1, att1, bg1, g1, be1,
              Wih0, Whh0, bih0, bhh0, Wih1, Whh1, bih1, bhh1, Wh1, bh1, Wh2, bh2, Wh3, bh3):
    return _forward(x, W_in, b_in, Wl0, Wr0, att0, bg0, g0, be0, Wl1, Wr1, att1, bg1, g1, be1,
                    Wih0, Whh0, bih0, bhh0, Wih1, Whh1, bih1, bhh1, Wh1, bh1, Wh2, bh2, Wh3, bh3, edge_index)

if __name__ == "__main__":
    import jax
    _d = setup_inputs()
    print(jax.jit(kernel)(*tuple(_d.values())))

</pallas_src>

<mosaic_0001>
#map = affine_map<(d0, d1) -> (0, 0)>
#map1 = affine_map<(d0, d1) -> (0, 0, 0, 0)>
module attributes {stable_mosaic.version = 14 : i64} {
  func.func @_sc_edges_body(%arg0: i32, %arg1: i32, %arg2: memref<20480x128xi32, #tpu.memory_space<hbm>>, %arg3: memref<20480x128xi32, #tpu.memory_space<hbm>>, %arg4: memref<2x16x176x128xi32, #tpu.memory_space<hbm>>, %arg5: memref<2x16x176x128xi32, #tpu.memory_space<hbm>>, %arg6: memref<16x16xf32, #tpu.memory_space<hbm>>, %arg7: memref<640x384xf32, #tpu.memory_space<hbm>>, %arg8: memref<20480x384xf32, #tpu.memory_space<hbm>>, %arg9: memref<16x16xf32, #tpu.memory_space<vmem>>, %arg10: memref<176x128xi32, #tpu.memory_space<vmem>>, %arg11: memref<176x128xi32, #tpu.memory_space<vmem>>, %arg12: memref<64x128xi32, #tpu.memory_space<vmem>>, %arg13: memref<64x128xi32, #tpu.memory_space<vmem>>, %arg14: memref<64x128xi32, #tpu.memory_space<vmem>>, %arg15: memref<64x128xi32, #tpu.memory_space<vmem>>, %arg16: memref<64x384xf32, #tpu.memory_space<vmem>>, %arg17: memref<!tpu.dma_semaphore, #tpu.memory_space<semaphore_mem>>, %arg18: memref<!tpu.dma_semaphore, #tpu.memory_space<semaphore_mem>>, %arg19: memref<!tpu.dma_semaphore, #tpu.memory_space<semaphore_mem>>) attributes {dimension_semantics = [#tpu.dimension_semantics<core_parallel>, #tpu.dimension_semantics<subcore_parallel>], iteration_bounds = array<i64: 2, 16>, scalar_prefetch = 0 : i64, scratch_operands = 11 : i64, tpu.core_type = #tpu.core_type<sc_vector_subcore>, window_params = [{transform_indices = #map}, {transform_indices = #map}, {transform_indices = #map1}, {transform_indices = #map1}, {transform_indices = #map}, {transform_indices = #map}, {transform_indices = #map}]} {
    "tpu.region"() ({
      %run_scoped3A = tpu.sem_alloc : memref<!tpu.dma_semaphore, #tpu.memory_space<semaphore_mem>>
      tpu.enqueue_dma source(%arg6 : memref<16x16xf32, #tpu.memory_space<hbm>>) target(%arg9 : memref<16x16xf32, #tpu.memory_space<vmem>>) target_semaphore(%run_scoped3A : memref<!tpu.dma_semaphore, #tpu.memory_space<semaphore_mem>>)
      tpu.wait_dma2 semaphore(%run_scoped3A : memref<!tpu.dma_semaphore, #tpu.memory_space<semaphore_mem>>) src(%arg6 : memref<16x16xf32, #tpu.memory_space<hbm>>) dst(%arg9 : memref<16x16xf32, #tpu.memory_space<vmem>>)
      tpu.yield
    }) : () -> ()
    %get3A = arith.constant 0 : i32
    %get3A_0 = arith.index_cast %get3A : i32 to index
    %get3A_1 = arith.constant 0 : index
    %get3A_2 = tpu.vector_load %arg9[%get3A_0, %get3A_1] {strides = array<i32>} : memref<16x16xf32, #tpu.memory_space<vmem>>, vector<16xf32>,
    %get3A_3 = arith.constant 1 : i32
    %get3A_4 = arith.index_cast %get3A_3 : i32 to index
    %get3A_5 = arith.constant 0 : index
    %get3A_6 = tpu.vector_load %arg9[%get3A_4, %get3A_5] {strides = array<i32>} : memref<16x16xf32, #tpu.memory_space<vmem>>, vector<16xf32>,
    %get3A_7 = arith.constant 2 : i32
    %get3A_8 = arith.index_cast %get3A_7 : i32 to index
    %get3A_9 = arith.constant 0 : index
    %get3A_10 = tpu.vector_load %arg9[%get3A_8, %get3A_9] {strides = array<i32>} : memref<16x16xf32, #tpu.memory_space<vmem>>, vector<16xf32>,
    %get3A_11 = arith.constant 3 : i32
    %get3A_12 = arith.index_cast %get3A_11 : i32 to index
    %get3A_13 = arith.constant 0 : index
    %get3A_14 = tpu.vector_load %arg9[%get3A_12, %get3A_13] {strides = array<i32>} : memref<16x16xf32, #tpu.memory_space<vmem>>, vector<16xf32>,
    %get3A_15 = arith.constant 4 : i32
    %get3A_16 = arith.index_cast %get3A_15 : i32 to index
    %get3A_17 = arith.constant 0 : index
    %get3A_18 = tpu.vector_load %arg9[%get3A_16, %get3A_17] {strides = array<i32>} : memref<16x16xf32, #tpu.memory_space<vmem>>, vector<16xf32>,
    %get3A_19 = arith.constant 5 : i32
    %get3A_20 = arith.index_cast %get3A_19 : i32 to index
    %get3A_21 = arith.constant 0 : index
    %get3A_22 = tpu.vector_load %arg9[%get3A_20, %get3A_21] {strides = array<i32>} : memref<16x16xf32, #tpu.memory_space<vmem>>, vector<16xf32>,
    %get3A_23 = arith.constant 6 : i32
    %get3A_24 = arith.index_cast %get3A_23 : i32 to index
    %get3A_25 = arith.constant 0 : index
    %get3A_26 = tpu.vector_load %arg9[%get3A_24, %get3A_25] {strides = array<i32>} : memref<16x16xf32, #tpu.memory_space<vmem>>, vector<16xf32>,
    %get3A_27 = arith.constant 7 : i32
    %get3A_28 = arith.index_cast %get3A_27 : i32 to index
    %get3A_29 = arith.constant 0 : index
    %get3A_30 = tpu.vector_load %arg9[%get3A_28, %get3A_29] {strides = array<i32>} : memref<16x16xf32, #tpu.memory_space<vmem>>, vector<16xf32>,
    %get3A_31 = arith.constant 8 : i32
    %get3A_32 = arith.index_cast %get3A_31 : i32 to index
    %get3A_33 = arith.constant 0 : index
    %get3A_34 = tpu.vector_load %arg9[%get3A_32, %get3A_33] {strides = array<i32>} : memref<16x16xf32, #tpu.memory_space<vmem>>, vector<16xf32>,
    %get3A_35 = arith.constant 9 : i32
    %get3A_36 = arith.index_cast %get3A_35 : i32 to index
    %get3A_37 = arith.constant 0 : index
    %get3A_38 = tpu.vector_load %arg9[%get3A_36, %get3A_37] {strides = array<i32>} : memref<16x16xf32, #tpu.memory_space<vmem>>, vector<16xf32>,
    %get3A_39 = arith.constant 10 : i32
    %get3A_40 = arith.index_cast %get3A_39 : i32 to index
    %get3A_41 = arith.constant 0 : index
    %get3A_42 = tpu.vector_load %arg9[%get3A_40, %get3A_41] {strides = array<i32>} : memref<16x16xf32, #tpu.memory_space<vmem>>, vector<16xf32>,
    %get3A_43 = arith.constant 11 : i32
    %get3A_44 = arith.index_cast %get3A_43 : i32 to index
    %get3A_45 = arith.constant 0 : index
    %get3A_46 = tpu.vector_load %arg9[%get3A_44, %get3A_45] {strides = array<i32>} : memref<16x16xf32, #tpu.memory_space<vmem>>, vector<16xf32>,
    %get3A_47 = arith.constant 12 : i32
    %get3A_48 = arith.index_cast %get3A_47 : i32 to index
    %get3A_49 = arith.constant 0 : index
    %get3A_50 = tpu.vector_load %arg9[%get3A_48, %get3A_49] {strides = array<i32>} : memref<16x16xf32, #tpu.memory_space<vmem>>, vector<16xf32>,
    %get3A_51 = arith.constant 13 : i32
    %get3A_52 = arith.index_cast %get3A_51 : i32 to index
    %get3A_53 = arith.constant 0 : index
    %get3A_54 = tpu.vector_load %arg9[%get3A_52, %get3A_53] {strides = array<i32>} : memref<16x16xf32, #tpu.memory_space<vmem>>, vector<16xf32>,
    %get3A_55 = arith.constant 14 : i32
    %get3A_56 = arith.index_cast %get3A_55 : i32 to index
    %get3A_57 = arith.constant 0 : index
    %get3A_58 = tpu.vector_load %arg9[%get3A_56, %get3A_57] {strides = array<i32>} : memref<16x16xf32, #tpu.memory_space<vmem>>, vector<16xf32>,
    %get3A_59 = arith.constant 15 : i32
    %get3A_60 = arith.index_cast %get3A_59 : i32 to index
    %get3A_61 = arith.constant 0 : index
    %get3A_62 = tpu.vector_load %arg9[%get3A_60, %get3A_61] {strides = array<i32>} : memref<16x16xf32, #tpu.memory_space<vmem>>, vector<16xf32>,
    %iota3A = tpu.iota {dimensions = array<i32: 0>} : vector<16xi32>
    %eq3A = arith.constant 0 : i32
    %eq3A_63 = vector.broadcast %eq3A : i32 to vector<16xi32>
    %eq3A_64 = arith.cmpi eq, %iota3A, %eq3A_63 : vector<16xi32>
    %convert_element_type3A = arith.extui %eq3A_64 : vector<16xi1> to vector<16xi32>
    %convert_element_type3A_65 = arith.sitofp %convert_element_type3A : vector<16xi32> to vector<16xf32>
    %eq3A_66 = arith.constant 1 : i32
    %eq3A_67 = vector.broadcast %eq3A_66 : i32 to vector<16xi32>
    %eq3A_68 = arith.cmpi eq, %iota3A, %eq3A_67 : vector<16xi32>
    %convert_element_type3A_69 = arith.extui %eq3A_68 : vector<16xi1> to vector<16xi32>
    %convert_element_type3A_70 = arith.sitofp %convert_element_type3A_69 : vector<16xi32> to vector<16xf32>
    %eq3A_71 = arith.constant 2 : i32
    %eq3A_72 = vector.broadcast %eq3A_71 : i32 to vector<16xi32>
    %eq3A_73 = arith.cmpi eq, %iota3A, %eq3A_72 : vector<16xi32>
    %convert_element_type3A_74 = arith.extui %eq3A_73 : vector<16xi1> to vector<16xi32>
    %convert_element_type3A_75 = arith.sitofp %convert_element_type3A_74 : vector<16xi32> to vector<16xf32>
    %eq3A_76 = arith.constant 3 : i32
    %eq3A_77 = vector.broadcast %eq3A_76 : i32 to vector<16xi32>
    %eq3A_78 = arith.cmpi eq, %iota3A, %eq3A_77 : vector<16xi32>
    %convert_element_type3A_79 = arith.extui %eq3A_78 : vector<16xi1> to vector<16xi32>
    %convert_element_type3A_80 = arith.sitofp %convert_element_type3A_79 : vector<16xi32> to vector<16xf32>
    %mul3A = arith.constant 4 : i32
    %mul3A_81 = arith.muli %arg0, %mul3A : i32
    %mul3A_82 = arith.constant 2560 : i32
    %mul3A_83 = arith.muli %mul3A_81, %mul3A_82 : i32
    %mul3A_84 = arith.constant 640 : i32
    %mul3A_85 = arith.muli %arg1, %mul3A_84 : i32
    %add3A = arith.addi %mul3A_83, %mul3A_85 : i32
    "tpu.region"() ({
      %run_scoped3A = tpu.sem_alloc : memref<!tpu.dma_semaphore, #tpu.memory_space<semaphore_mem>>
      %dma_start3A_128 = arith.constant 0 : i32
      %dma_start3A_129 = tpu.memref_slice %arg8[%add3A, %dma_start3A_128] : memref<20480x384xf32, #tpu.memory_space<hbm>> -> memref<640x384xf32, #tpu.memory_space<hbm>>
      tpu.enqueue_dma source(%arg7 : memref<640x384xf32, #tpu.memory_space<hbm>>) target(%dma_start3A_129 : memref<640x384xf32, #tpu.memory_space<hbm>>) target_semaphore(%run_scoped3A : memref<!tpu.dma_semaphore, #tpu.memory_space<semaphore_mem>>)
      %dma_wait3A_130 = arith.constant 0 : i32
      %dma_wait3A_131 = tpu.memref_slice %arg8[%add3A, %dma_wait3A_130] : memref<20480x384xf32, #tpu.memory_space<hbm>> -> memref<640x384xf32, #tpu.memory_space<hbm>>
      tpu.wait_dma2 semaphore(%run_scoped3A : memref<!tpu.dma_semaphore, #tpu.memory_space<semaphore_mem>>) src(%arg7 : memref<640x384xf32, #tpu.memory_space<hbm>>) dst(%dma_wait3A_131 : memref<640x384xf32, #tpu.memory_space<hbm>>)
      tpu.yield
    }) : () -> ()
    "tpu.region"() ({
      %run_scoped3A = tpu.sem_alloc : memref<!tpu.dma_semaphore, #tpu.memory_space<semaphore_mem>>
      %dma_start3A_128 = arith.constant 0 : i32
      %dma_start3A_129 = arith.constant 0 : i32
      %dma_start3A_130 = tpu.memref_slice %arg4[%arg0, %arg1, %dma_start3A_128, %dma_start3A_129] : memref<2x16x176x128xi32, #tpu.memory_space<hbm>> -> memref<1x1x176x128xi32, #tpu.memory_space<hbm>>
      %dma_start3A_131 = tpu.memref_squeeze %dma_start3A_130 : memref<1x1x176x128xi32, #tpu.memory_space<hbm>> -> memref<176x128xi32, #tpu.memory_space<hbm>>
      %dma_start3A_132 = arith.constant 0 : i32
      %dma_start3A_133 = arith.constant 0 : i32
      %dma_start3A_134 = tpu.memref_slice %arg4[%arg0, %arg1, %dma_start3A_132, %dma_start3A_133] : memref<2x16x176x128xi32, #tpu.memory_space<hbm>> -> memref<1x1x176x128xi32, #tpu.memory_space<hbm>>
      %dma_start3A_135 = tpu.memref_squeeze %dma_start3A_134 : memref<1x1x176x128xi32, #tpu.memory_space<hbm>> -> memref<176x128xi32, #tpu.memory_space<hbm>>
      tpu.enqueue_dma source(%dma_start3A_135 : memref<176x128xi32, #tpu.memory_space<hbm>>) target(%arg10 : memref<176x128xi32, #tpu.memory_space<vmem>>) target_semaphore(%run_scoped3A : memref<!tpu.dma_semaphore, #tpu.memory_space<semaphore_mem>>)
      %dma_wait3A_136 = arith.constant 0 : i32
      %dma_wait3A_137 = arith.constant 0 : i32
      %dma_wait3A_138 = tpu.memref_slice %arg4[%arg0, %arg1, %dma_wait3A_136, %dma_wait3A_137] : memref<2x16x176x128xi32, #tpu.memory_space<hbm>> -> memref<1x1x176x128xi32, #tpu.memory_space<hbm>>
      %dma_wait3A_139 = tpu.memref_squeeze %dma_wait3A_138 : memref<1x1x176x128xi32, #tpu.memory_space<hbm>> -> memref<176x128xi32, #tpu.memory_space<hbm>>
      %dma_wait3A_140 = arith.constant 0 : i32
      %dma_wait3A_141 = arith.constant 0 : i32
      %dma_wait3A_142 = tpu.memref_slice %arg4[%arg0, %arg1, %dma_wait3A_140, %dma_wait3A_141] : memref<2x16x176x128xi32, #tpu.memory_space<hbm>> -> memref<1x1x176x128xi32, #tpu.memory_space<hbm>>
      %dma_wait3A_143 = tpu.memref_squeeze %dma_wait3A_142 : memref<1x1x176x128xi32, #tpu.memory_space<hbm>> -> memref<176x128xi32, #tpu.memory_space<hbm>>
      tpu.wait_dma2 semaphore(%run_scoped3A : memref<!tpu.dma_semaphore, #tpu.memory_space<semaphore_mem>>) src(%dma_wait3A_143 : memref<176x128xi32, #tpu.memory_space<hbm>>) dst(%arg10 : memref<176x128xi32, #tpu.memory_space<vmem>>)
      tpu.yield
    }) : () -> ()
    "tpu.region"() ({
      %run_scoped3A = tpu.sem_alloc : memref<!tpu.dma_semaphore, #tpu.memory_space<semaphore_mem>>
      %dma_start3A_128 = arith.constant 0 : i32
      %dma_start3A_129 = arith.constant 0 : i32
      %dma_start3A_130 = tpu.memref_slice %arg5[%arg0, %arg1, %dma_start3A_128, %dma_start3A_129] : memref<2x16x176x128xi32, #tpu.memory_space<hbm>> -> memref<1x1x176x128xi32, #tpu.memory_space<hbm>>
      %dma_start3A_131 = tpu.memref_squeeze %dma_start3A_130 : memref<1x1x176x128xi32, #tpu.memory_space<hbm>> -> memref<176x128xi32, #tpu.memory_space<hbm>>
      %dma_start3A_132 = arith.constant 0 : i32
      %dma_start3A_133 = arith.constant 0 : i32
      %dma_start3A_134 = tpu.memref_slice %arg5[%arg0, %arg1, %dma_start3A_132, %dma_start3A_133] : memref<2x16x176x128xi32, #tpu.memory_space<hbm>> -> memref<1x1x176x128xi32, #tpu.memory_space<hbm>>
      %dma_start3A_135 = tpu.memref_squeeze %dma_start3A_134 : memref<1x1x176x128xi32, #tpu.memory_space<hbm>> -> memref<176x128xi32, #tpu.memory_space<hbm>>
      tpu.enqueue_dma source(%dma_start3A_135 : memref<176x128xi32, #tpu.memory_space<hbm>>) target(%arg11 : memref<176x128xi32, #tpu.memory_space<vmem>>) target_semaphore(%run_scoped3A : memref<!tpu.dma_semaphore, #tpu.memory_space<semaphore_mem>>)
      %dma_wait3A_136 = arith.constant 0 : i32
      %dma_wait3A_137 = arith.constant 0 : i32
      %dma_wait3A_138 = tpu.memref_slice %arg5[%arg0, %arg1, %dma_wait3A_136, %dma_wait3A_137] : memref<2x16x176x128xi32, #tpu.memory_space<hbm>> -> memref<1x1x176x128xi32, #tpu.memory_space<hbm>>
      %dma_wait3A_139 = tpu.memref_squeeze %dma_wait3A_138 : memref<1x1x176x128xi32, #tpu.memory_space<hbm>> -> memref<176x128xi32, #tpu.memory_space<hbm>>
      %dma_wait3A_140 = arith.constant 0 : i32
      %dma_wait3A_141 = arith.constant 0 : i32
      %dma_wait3A_142 = tpu.memref_slice %arg5[%arg0, %arg1, %dma_wait3A_140, %dma_wait3A_141] : memref<2x16x176x128xi32, #tpu.memory_space<hbm>> -> memref<1x1x176x128xi32, #tpu.memory_space<hbm>>
      %dma_wait3A_143 = tpu.memref_squeeze %dma_wait3A_142 : memref<1x1x176x128xi32, #tpu.memory_space<hbm>> -> memref<176x128xi32, #tpu.memory_space<hbm>>
      tpu.wait_dma2 semaphore(%run_scoped3A : memref<!tpu.dma_semaphore, #tpu.memory_space<semaphore_mem>>) src(%dma_wait3A_143 : memref<176x128xi32, #tpu.memory_space<hbm>>) dst(%arg11 : memref<176x128xi32, #tpu.memory_space<vmem>>)
      tpu.yield
    }) : () -> ()
    %scan3A = arith.constant 0 : i32
    %scan3A_86 = arith.constant 64 : i32
    %scan3A_87 = arith.addi %scan3A, %scan3A_86 : i32
    %scan3A_88 = arith.constant 1 : i32
    scf.for %scan3A_128 = %scan3A to %scan3A_87 step %scan3A_88  : i32 {
      %mul3A_129 = arith.constant 1 : i32
      %mul3A_130 = arith.muli %scan3A_128, %mul3A_129 : i32
      %add3A_131 = arith.constant 0 : i32
      %add3A_132 = arith.addi %add3A_131, %mul3A_130 : i32
      %broadcast_in_dim3A = arith.constant 0.000000e+00 : f32
      %broadcast_in_dim3A_133 = vector.broadcast %broadcast_in_dim3A : f32 to vector<16xf32>
      %swap3A = arith.index_cast %add3A_132 : i32 to index
      %swap3A_134 = arith.constant 272 : index
      %swap3A_135 = tpu.vector_load %arg16[%swap3A, %swap3A_134] {strides = array<i32>} : memref<64x384xf32, #tpu.memory_space<vmem>>, vector<16xf32>,
      tpu.vector_store %arg16[%swap3A, %swap3A_134], %broadcast_in_dim3A_133 {strides = array<i32>} : memref<64x384xf32, #tpu.memory_space<vmem>>, vector<16xf32>,
      %broadcast_in_dim3A_136 = arith.constant 0.000000e+00 : f32
      %broadcast_in_dim3A_137 = vector.broadcast %broadcast_in_dim3A_136 : f32 to vector<16xf32>
      %swap3A_138 = arith.index_cast %add3A_132 : i32 to index
      %swap3A_139 = arith.constant 288 : index
      %swap3A_140 = tpu.vector_load %arg16[%swap3A_138, %swap3A_139] {strides = array<i32>} : memref<64x384xf32, #tpu.memory_space<vmem>>, vector<16xf32>,
      tpu.vector_store %arg16[%swap3A_138, %swap3A_139], %broadcast_in_dim3A_137 {strides = array<i32>} : memref<64x384xf32, #tpu.memory_space<vmem>>, vector<16xf32>,
      %broadcast_in_dim3A_141 = arith.constant 0.000000e+00 : f32
      %broadcast_in_dim3A_142 = vector.broadcast %broadcast_in_dim3A_141 : f32 to vector<16xf32>
      %swap3A_143 = arith.index_cast %add3A_132 : i32 to index
      %swap3A_144 = arith.constant 304 : index
      %swap3A_145 = tpu.vector_load %arg16[%swap3A_143, %swap3A_144] {strides = array<i32>} : memref<64x384xf32, #tpu.memory_space<vmem>>, vector<16xf32>,
      tpu.vector_store %arg16[%swap3A_143, %swap3A_144], %broadcast_in_dim3A_142 {strides = array<i32>} : memref<64x384xf32, #tpu.memory_space<vmem>>, vector<16xf32>,
      %broadcast_in_dim3A_146 = arith.constant 0.000000e+00 : f32
      %broadcast_in_dim3A_147 = vector.broadcast %broadcast_in_dim3A_146 : f32 to vector<16xf32>
      %swap3A_148 = arith.index_cast %add3A_132 : i32 to index
      %swap3A_149 = arith.constant 320 : index
      %swap3A_150 = tpu.vector_load %arg16[%swap3A_148, %swap3A_149] {strides = array<i32>} : memref<64x384xf32, #tpu.memory_space<vmem>>, vector<16xf32>,
      tpu.vector_store %arg16[%swap3A_148, %swap3A_149], %broadcast_in_dim3A_147 {strides = array<i32>} : memref<64x384xf32, #tpu.memory_space<vmem>>, vector<16xf32>,
      %broadcast_in_dim3A_151 = arith.constant 0.000000e+00 : f32
      %broadcast_in_dim3A_152 = vector.broadcast %broadcast_in_dim3A_151 : f32 to vector<16xf32>
      %swap3A_153 = arith.index_cast %add3A_132 : i32 to index
      %swap3A_154 = arith.constant 336 : index
      %swap3A_155 = tpu.vector_load %arg16[%swap3A_153, %swap3A_154] {strides = array<i32>} : memref<64x384xf32, #tpu.memory_space<vmem>>, vector<16xf32>,
      tpu.vector_store %arg16[%swap3A_153, %swap3A_154], %broadcast_in_dim3A_152 {strides = array<i32>} : memref<64x384xf32, #tpu.memory_space<vmem>>, vector<16xf32>,
      %broadcast_in_dim3A_156 = arith.constant 0.000000e+00 : f32
      %broadcast_in_dim3A_157 = vector.broadcast %broadcast_in_dim3A_156 : f32 to vector<16xf32>
      %swap3A_158 = arith.index_cast %add3A_132 : i32 to index
      %swap3A_159 = arith.constant 352 : index
      %swap3A_160 = tpu.vector_load %arg16[%swap3A_158, %swap3A_159] {strides = array<i32>} : memref<64x384xf32, #tpu.memory_space<vmem>>, vector<16xf32>,
      tpu.vector_store %arg16[%swap3A_158, %swap3A_159], %broadcast_in_dim3A_157 {strides = array<i32>} : memref<64x384xf32, #tpu.memory_space<vmem>>, vector<16xf32>,
      %broadcast_in_dim3A_161 = arith.constant 0.000000e+00 : f32
      %broadcast_in_dim3A_162 = vector.broadcast %broadcast_in_dim3A_161 : f32 to vector<16xf32>
      %swap3A_163 = arith.index_cast %add3A_132 : i32 to index
      %swap3A_164 = arith.constant 368 : index
      %swap3A_165 = tpu.vector_load %arg16[%swap3A_163, %swap3A_164] {strides = array<i32>} : memref<64x384xf32, #tpu.memory_space<vmem>>, vector<16xf32>,
      tpu.vector_store %arg16[%swap3A_163, %swap3A_164], %broadcast_in_dim3A_162 {strides = array<i32>} : memref<64x384xf32, #tpu.memory_space<vmem>>, vector<16xf32>,
    }
    %scan3A_89 = arith.constant 64 : i32
    %barrier3A = arith.constant 0 : index
    tpu.barrier barrier_id(%barrier3A)
    %dma_start3A = arith.constant 0 : i32
    %dma_start3A_90 = arith.constant 0 : i32
    %dma_start3A_91 = tpu.memref_slice %arg10[%dma_start3A, %dma_start3A_90] : memref<176x128xi32, #tpu.memory_space<vmem>> -> memref<1x64xi32, #tpu.memory_space<vmem>>
    %dma_start3A_92 = tpu.memref_squeeze %dma_start3A_91 : memref<1x64xi32, #tpu.memory_space<vmem>> -> memref<64xi32, #tpu.memory_space<vmem>>
    %dma_start3A_93 = arith.constant 0 : i32
    %dma_start3A_94 = arith.constant 0 : i32
    %dma_start3A_95 = tpu.memref_slice %arg2[%dma_start3A_93, %dma_start3A_94] : memref<20480x128xi32, #tpu.memory_space<hbm>> -> memref<20480x128xi32, #tpu.memory_space<hbm>>
    tpu.enqueue_indirect_dma source(%dma_start3A_95 : memref<20480x128xi32, #tpu.memory_space<hbm>>) target(%arg12 : memref<64x128xi32, #tpu.memory_space<vmem>>) offsets(%dma_start3A_92 : memref<64xi32, #tpu.memory_space<vmem>>) semaphore(%arg17 : memref<!tpu.dma_semaphore, #tpu.memory_space<semaphore_mem>>)
    %dma_start3A_96 = arith.constant 0 : i32
    %dma_start3A_97 = arith.constant 0 : i32
    %dma_start3A_98 = tpu.memref_slice %arg11[%dma_start3A_96, %dma_start3A_97] : memref<176x128xi32, #tpu.memory_space<vmem>> -> memref<1x64xi32, #tpu.memory_space<vmem>>
    %dma_start3A_99 = tpu.memref_squeeze %dma_start3A_98 : memref<1x64xi32, #tpu.memory_space<vmem>> -> memref<64xi32, #tpu.memory_space<vmem>>
    %dma_start3A_100 = arith.constant 0 : i32
    %dma_start3A_101 = arith.constant 0 : i32
    %dma_start3A_102 = tpu.memref_slice %arg3[%dma_start3A_100, %dma_start3A_101] : memref<20480x128xi32, #tpu.memory_space<hbm>> -> memref<20480x128xi32, #tpu.memory_space<hbm>>
    tpu.enqueue_indirect_dma source(%dma_start3A_102 : memref<20480x128xi32, #tpu.memory_space<hbm>>) target(%arg13 : memref<64x128xi32, #tpu.memory_space<vmem>>) offsets(%dma_start3A_99 : memref<64xi32, #tpu.memory_space<vmem>>) semaphore(%arg17 : memref<!tpu.dma_semaphore, #tpu.memory_space<semaphore_mem>>)
    %scan3A_103 = arith.constant 0 : i32
    %scan3A_104 = arith.constant 84 : i32
    %scan3A_105 = arith.addi %scan3A_103, %scan3A_104 : i32
    %scan3A_106 = arith.constant 1 : i32
    scf.for %scan3A_128 = %scan3A_103 to %scan3A_105 step %scan3A_106  : i32 {
      %mul3A_129 = arith.constant 2 : i32
      %mul3A_130 = arith.muli %scan3A_128, %mul3A_129 : i32
      %add3A_131 = arith.constant 0 : i32
      %add3A_132 = arith.addi %add3A_131, %mul3A_130 : i32
      %add3A_133 = arith.constant 1 : i32
      %add3A_134 = arith.addi %add3A_132, %add3A_133 : i32
      %dma_start3A_135 = arith.constant 0 : i32
      %dma_start3A_136 = tpu.memref_slice %arg10[%add3A_134, %dma_start3A_135] : memref<176x128xi32, #tpu.memory_space<vmem>> -> memref<1x64xi32, #tpu.memory_space<vmem>>
      %dma_start3A_137 = tpu.memref_squeeze %dma_start3A_136 : memref<1x64xi32, #tpu.memory_space<vmem>> -> memref<64xi32, #tpu.memory_space<vmem>>
      %dma_start3A_138 = arith.constant 0 : i32
      %dma_start3A_139 = arith.constant 0 : i32
      %dma_start3A_140 = tpu.memref_slice %arg2[%dma_start3A_138, %dma_start3A_139] : memref<20480x128xi32, #tpu.memory_space<hbm>> -> memref<20480x128xi32, #tpu.memory_space<hbm>>
      tpu.enqueue_indirect_dma source(%dma_start3A_140 : memref<20480x128xi32, #tpu.memory_space<hbm>>) target(%arg14 : memref<64x128xi32, #tpu.memory_space<vmem>>) offsets(%dma_start3A_137 : memref<64xi32, #tpu.memory_space<vmem>>) semaphore(%arg18 : memref<!tpu.dma_semaphore, #tpu.memory_space<semaphore_mem>>)
      %dma_start3A_141 = arith.constant 0 : i32
      %dma_start3A_142 = tpu.memref_slice %arg11[%add3A_134, %dma_start3A_141] : memref<176x128xi32, #tpu.memory_space<vmem>> -> memref<1x64xi32, #tpu.memory_space<vmem>>
      %dma_start3A_143 = tpu.memref_squeeze %dma_start3A_142 : memref<1x64xi32, #tpu.memory_space<vmem>> -> memref<64xi32, #tpu.memory_space<vmem>>
      %dma_start3A_144 = arith.constant 0 : i32
      %dma_start3A_145 = arith.constant 0 : i32
      %dma_start3A_146 = tpu.memref_slice %arg3[%dma_start3A_144, %dma_start3A_145] : memref<20480x128xi32, #tpu.memory_space<hbm>> -> memref<20480x128xi32, #tpu.memory_space<hbm>>
      tpu.enqueue_indirect_dma source(%dma_start3A_146 : memref<20480x128xi32, #tpu.memory_space<hbm>>) target(%arg15 : memref<64x128xi32, #tpu.memory_space<vmem>>) offsets(%dma_start3A_143 : memref<64xi32, #tpu.memory_space<vmem>>) semaphore(%arg18 : memref<!tpu.dma_semaphore, #tpu.memory_space<semaphore_mem>>)
      %dma_wait3A_147 = arith.constant 0 : i32
      %dma_wait3A_148 = tpu.memref_slice %arg10[%add3A_132, %dma_wait3A_147] : memref<176x128xi32, #tpu.memory_space<vmem>> -> memref<1x64xi32, #tpu.memory_space<vmem>>
      %dma_wait3A_149 = tpu.memref_squeeze %dma_wait3A_148 : memref<1x64xi32, #tpu.memory_space<vmem>> -> memref<64xi32, #tpu.memory_space<vmem>>
      %dma_wait3A_150 = arith.constant 0 : i32
      %dma_wait3A_151 = arith.constant 0 : i32
      %dma_wait3A_152 = tpu.memref_slice %arg2[%dma_wait3A_150, %dma_wait3A_151] : memref<20480x128xi32, #tpu.memory_space<hbm>> -> memref<20480x128xi32, #tpu.memory_space<hbm>>
      tpu.wait_indirect_dma semaphore(%arg17 : memref<!tpu.dma_semaphore, #tpu.memory_space<semaphore_mem>>) src(%dma_wait3A_152 : memref<20480x128xi32, #tpu.memory_space<hbm>>) dst(%arg12 : memref<64x128xi32, #tpu.memory_space<vmem>>)
      %dma_wait3A_153 = arith.constant 0 : i32
      %dma_wait3A_154 = tpu.memref_slice %arg11[%add3A_132, %dma_wait3A_153] : memref<176x128xi32, #tpu.memory_space<vmem>> -> memref<1x64xi32, #tpu.memory_space<vmem>>
      %dma_wait3A_155 = tpu.memref_squeeze %dma_wait3A_154 : memref<1x64xi32, #tpu.memory_space<vmem>> -> memref<64xi32, #tpu.memory_space<vmem>>
      %dma_wait3A_156 = arith.constant 0 : i32
      %dma_wait3A_157 = arith.constant 0 : i32
      %dma_wait3A_158 = tpu.memref_slice %arg3[%dma_wait3A_156, %dma_wait3A_157] : memref<20480x128xi32, #tpu.memory_space<hbm>> -> memref<20480x128xi32, #tpu.memory_space<hbm>>
      tpu.wait_indirect_dma semaphore(%arg17 : memref<!tpu.dma_semaphore, #tpu.memory_space<semaphore_mem>>) src(%dma_wait3A_158 : memref<20480x128xi32, #tpu.memory_space<hbm>>) dst(%arg13 : memref<64x128xi32, #tpu.memory_space<vmem>>)
      %gt3A = arith.constant 0 : i32
      %gt3A_159 = arith.cmpi sgt, %add3A_132, %gt3A : i32
      %convert_element_type3A_160 = arith.extui %gt3A_159 : i1 to i32
      %cond3A = arith.constant 0 : i32
      %cond3A_161 = arith.cmpi ne, %convert_element_type3A_160, %cond3A : i32
      scf.if %cond3A_161 {
        %dma_wait3A_216 = arith.constant 0 : i32
        %dma_wait3A_217 = arith.constant 0 : i32
        %dma_wait3A_218 = tpu.memref_slice %arg11[%dma_wait3A_216, %dma_wait3A_217] : memref<176x128xi32, #tpu.memory_space<vmem>> -> memref<1x64xi32, #tpu.memory_space<vmem>>
        %dma_wait3A_219 = tpu.memref_squeeze %dma_wait3A_218 : memref<1x64xi32, #tpu.memory_space<vmem>> -> memref<64xi32, #tpu.memory_space<vmem>>
        %dma_wait3A_220 = arith.constant 0 : i32
        %dma_wait3A_221 = arith.constant 0 : i32
        %dma_wait3A_222 = tpu.memref_slice %arg8[%dma_wait3A_220, %dma_wait3A_221] : memref<20480x384xf32, #tpu.memory_space<hbm>> -> memref<20480x384xf32, #tpu.memory_space<hbm>>
        tpu.wait_indirect_dma semaphore(%arg19 : memref<!tpu.dma_semaphore, #tpu.memory_space<semaphore_mem>>) src(%arg16 : memref<64x384xf32, #tpu.memory_space<vmem>>) dst(%dma_wait3A_222 : memref<20480x384xf32, #tpu.memory_space<hbm>>)
      } else {
      }
      %parallel_loop3A = arith.constant 0 : i32
      %parallel_loop3A_162 = arith.constant 64 : i32
      %parallel_loop3A_163 = arith.constant 1 : i32
      scf.for %parallel_loop3A_216 = %parallel_loop3A to %parallel_loop3A_162 step %parallel_loop3A_163  : i32 {
        %parallel_loop3A_217 = arith.constant 0.000000e+00 : f32
        %parallel_loop3A_218 = vector.broadcast %parallel_loop3A_217 : f32 to vector<16xf32>
        %parallel_loop3A_219 = arith.index_cast %parallel_loop3A_216 : i32 to index
        %parallel_loop3A_220 = arith.constant 0 : index
        %parallel_loop3A_221 = tpu.vector_load %arg12[%parallel_loop3A_219, %parallel_loop3A_220] {strides = array<i32>} : memref<64x128xi32, #tpu.memory_space<vmem>>, vector<16xi32>,
        %parallel_loop3A_222 = vector.bitcast %parallel_loop3A_221 : vector<16xi32> to vector<32xbf16>
        %parallel_loop3A_223 = arith.index_cast %parallel_loop3A_216 : i32 to index
        %parallel_loop3A_224 = arith.constant 0 : index
        %parallel_loop3A_225 = tpu.vector_load %arg13[%parallel_loop3A_223, %parallel_loop3A_224] {strides = array<i32>} : memref<64x128xi32, #tpu.memory_space<vmem>>, vector<16xi32>,
        %parallel_loop3A_226 = vector.bitcast %parallel_loop3A_225 : vector<16xi32> to vector<32xbf16>
        %parallel_loop3A_227 = tpu.unpack_subelements %parallel_loop3A_222, 0 {pack_format = #tpu.pack_format<interleaved>} : vector<32xbf16> -> vector<16xf32>
        %parallel_loop3A_228 = tpu.unpack_subelements %parallel_loop3A_222, 1 {pack_format = #tpu.pack_format<interleaved>} : vector<32xbf16> -> vector<16xf32>
        %parallel_loop3A_229 = tpu.unpack_subelements %parallel_loop3A_226, 0 {pack_format = #tpu.pack_format<interleaved>} : vector<32xbf16> -> vector<16xf32>
        %parallel_loop3A_230 = tpu.unpack_subelements %parallel_loop3A_226, 1 {pack_format = #tpu.pack_format<interleaved>} : vector<32xbf16> -> vector<16xf32>
        %parallel_loop3A_231 = arith.addf %parallel_loop3A_227, %parallel_loop3A_229 : vector<16xf32>
        %parallel_loop3A_232 = arith.constant 2.000000e-01 : f32
        %parallel_loop3A_233 = vector.broadcast %parallel_loop3A_232 : f32 to vector<16xf32>
        %parallel_loop3A_234 = arith.mulf %parallel_loop3A_233, %parallel_loop3A_231 : vector<16xf32>
        %parallel_loop3A_235 = arith.maximumf %parallel_loop3A_231, %parallel_loop3A_234 : vector<16xf32>
        %parallel_loop3A_236 = arith.mulf %parallel_loop3A_235, %get3A_2 : vector<16xf32>
        %parallel_loop3A_237 = arith.addf %parallel_loop3A_228, %parallel_loop3A_230 : vector<16xf32>
        %parallel_loop3A_238 = arith.constant 2.000000e-01 : f32
        %parallel_loop3A_239 = vector.broadcast %parallel_loop3A_238 : f32 to vector<16xf32>
        %parallel_loop3A_240 = arith.mulf %parallel_loop3A_239, %parallel_loop3A_237 : vector<16xf32>
        %parallel_loop3A_241 = arith.maximumf %parallel_loop3A_237, %parallel_loop3A_240 : vector<16xf32>
        %parallel_loop3A_242 = arith.mulf %parallel_loop3A_241, %get3A_6 : vector<16xf32>
        %parallel_loop3A_243 = arith.addf %parallel_loop3A_236, %parallel_loop3A_242 : vector<16xf32>
        %parallel_loop3A_244 = arith.index_cast %parallel_loop3A_216 : i32 to index
        %parallel_loop3A_245 = arith.constant 16 : index
        %parallel_loop3A_246 = tpu.vector_load %arg12[%parallel_loop3A_244, %parallel_loop3A_245] {strides = array<i32>} : memref<64x128xi32, #tpu.memory_space<vmem>>, vector<16xi32>,
        %parallel_loop3A_247 = vector.bitcast %parallel_loop3A_246 : vector<16xi32> to vector<32xbf16>
        %parallel_loop3A_248 = arith.index_cast %parallel_loop3A_216 : i32 to index
        %parallel_loop3A_249 = arith.constant 16 : index
        %parallel_loop3A_250 = tpu.vector_load %arg13[%parallel_loop3A_248, %parallel_loop3A_249] {strides = array<i32>} : memref<64x128xi32, #tpu.memory_space<vmem>>, vector<16xi32>,
        %parallel_loop3A_251 = vector.bitcast %parallel_loop3A_250 : vector<16xi32> to vector<32xbf16>
        %parallel_loop3A_252 = tpu.unpack_subelements %parallel_loop3A_247, 0 {pack_format = #tpu.pack_format<interleaved>} : vector<32xbf16> -> vector<16xf32>
        %parallel_loop3A_253 = tpu.unpack_subelements %parallel_loop3A_247, 1 {pack_format = #tpu.pack_format<interleaved>} : vector<32xbf16> -> vector<16xf32>
        %parallel_loop3A_254 = tpu.unpack_subelements %parallel_loop3A_251, 0 {pack_format = #tpu.pack_format<interleaved>} : vector<32xbf16> -> vector<16xf32>
        %parallel_loop3A_255 = tpu.unpack_subelements %parallel_loop3A_251, 1 {pack_format = #tpu.pack_format<interleaved>} : vector<32xbf16> -> vector<16xf32>
        %parallel_loop3A_256 = arith.addf %parallel_loop3A_252, %parallel_loop3A_254 : vector<16xf32>
        %parallel_loop3A_257 = arith.constant 2.000000e-01 : f32
        %parallel_loop3A_258 = vector.broadcast %parallel_loop3A_257 : f32 to vector<16xf32>
        %parallel_loop3A_259 = arith.mulf %parallel_loop3A_258, %parallel_loop3A_256 : vector<16xf32>
        %parallel_loop3A_260 = arith.maximumf %parallel_loop3A_256, %parallel_loop3A_259 : vector<16xf32>
        %parallel_loop3A_261 = arith.mulf %parallel_loop3A_260, %get3A_10 : vector<16xf32>
        %parallel_loop3A_262 = arith.addf %parallel_loop3A_243, %parallel_loop3A_261 : vector<16xf32>
        %parallel_loop3A_263 = arith.addf %parallel_loop3A_253, %parallel_loop3A_255 : vector<16xf32>
        %parallel_loop3A_264 = arith.constant 2.000000e-01 : f32
        %parallel_loop3A_265 = vector.broadcast %parallel_loop3A_264 : f32 to vector<16xf32>
        %parallel_loop3A_266 = arith.mulf %parallel_loop3A_265, %parallel_loop3A_263 : vector<16xf32>
        %parallel_loop3A_267 = arith.maximumf %parallel_loop3A_263, %parallel_loop3A_266 : vector<16xf32>
        %parallel_loop3A_268 = arith.mulf %parallel_loop3A_267, %get3A_14 : vector<16xf32>
        %parallel_loop3A_269 = arith.addf %parallel_loop3A_262, %parallel_loop3A_268 : vector<16xf32>
        %parallel_loop3A_270 = arith.constant true
        %parallel_loop3A_271 = vector.broadcast %parallel_loop3A_270 : i1 to vector<16xi1>
        %parallel_loop3A_272 = tpu.scan <sum>, %parallel_loop3A_269 masked %parallel_loop3A_271 : vector<16xf32>, vector<16xi1> -> vector<16xf32>
        %parallel_loop3A_273 = vector.extract %parallel_loop3A_272[15] : f32 from vector<16xf32>
        %parallel_loop3A_274 = vector.broadcast %parallel_loop3A_273 : f32 to vector<16xf32>
        %parallel_loop3A_275 = math.exp %parallel_loop3A_274 : vector<16xf32>
        %parallel_loop3A_276 = arith.mulf %parallel_loop3A_275, %parallel_loop3A_227 : vector<16xf32>
        %parallel_loop3A_277 = arith.index_cast %parallel_loop3A_216 : i32 to index
        %parallel_loop3A_278 = arith.constant 0 : index
        %parallel_loop3A_279 = tpu.vector_load %arg16[%parallel_loop3A_277, %parallel_loop3A_278] {strides = array<i32>} : memref<64x384xf32, #tpu.memory_space<vmem>>, vector<16xf32>,
        tpu.vector_store %arg16[%parallel_loop3A_277, %parallel_loop3A_278], %parallel_loop3A_276 {strides = array<i32>} : memref<64x384xf32, #tpu.memory_space<vmem>>, vector<16xf32>,
        %parallel_loop3A_280 = arith.mulf %parallel_loop3A_275, %parallel_loop3A_228 : vector<16xf32>
        %parallel_loop3A_281 = arith.index_cast %parallel_loop3A_216 : i32 to index
        %parallel_loop3A_282 = arith.constant 16 : index
        %parallel_loop3A_283 = tpu.vector_load %arg16[%parallel_loop3A_281, %parallel_loop3A_282] {strides = array<i32>} : memref<64x384xf32, #tpu.memory_space<vmem>>, vector<16xf32>,
        tpu.vector_store %arg16[%parallel_loop3A_281, %parallel_loop3A_282], %parallel_loop3A_280 {strides = array<i32>} : memref<64x384xf32, #tpu.memory_space<vmem>>, vector<16xf32>,
        %parallel_loop3A_284 = arith.mulf %parallel_loop3A_275, %parallel_loop3A_252 : vector<16xf32>
        %parallel_loop3A_285 = arith.index_cast %parallel_loop3A_216 : i32 to index
        %parallel_loop3A_286 = arith.constant 32 : index
        %parallel_loop3A_287 = tpu.vector_load %arg16[%parallel_loop3A_285, %parallel_loop3A_286] {strides = array<i32>} : memref<64x384xf32, #tpu.memory_space<vmem>>, vector<16xf32>,
        tpu.vector_store %arg16[%parallel_loop3A_285, %parallel_loop3A_286], %parallel_loop3A_284 {strides = array<i32>} : memref<64x384xf32, #tpu.memory_space<vmem>>, vector<16xf32>,
        %parallel_loop3A_288 = arith.mulf %parallel_loop3A_275, %parallel_loop3A_253 : vector<16xf32>
        %parallel_loop3A_289 = arith.index_cast %parallel_loop3A_216 : i32 to index
        %parallel_loop3A_290 = arith.constant 48 : index
        %parallel_loop3A_291 = tpu.vector_load %arg16[%parallel_loop3A_289, %parallel_loop3A_290] {strides = array<i32>} : memref<64x384xf32, #tpu.memory_space<vmem>>, vector<16xf32>,
        tpu.vector_store %arg16[%parallel_loop3A_289, %parallel_loop3A_290], %parallel_loop3A_288 {strides = array<i32>} : memref<64x384xf32, #tpu.memory_space<vmem>>, vector<16xf32>,
        %parallel_loop3A_292 = arith.mulf %parallel_loop3A_275, %convert_element_type3A_65 : vector<16xf32>
        %parallel_loop3A_293 = arith.addf %parallel_loop3A_218, %parallel_loop3A_292 : vector<16xf32>
        %parallel_loop3A_294 = arith.index_cast %parallel_loop3A_216 : i32 to index
        %parallel_loop3A_295 = arith.constant 32 : index
        %parallel_loop3A_296 = tpu.vector_load %arg12[%parallel_loop3A_294, %parallel_loop3A_295] {strides = array<i32>} : memref<64x128xi32, #tpu.memory_space<vmem>>, vector<16xi32>,
        %parallel_loop3A_297 = vector.bitcast %parallel_loop3A_296 : vector<16xi32> to vector<32xbf16>
        %parallel_loop3A_298 = arith.index_cast %parallel_loop3A_216 : i32 to index
        %parallel_loop3A_299 = arith.constant 32 : index
        %parallel_loop3A_300 = tpu.vector_load %arg13[%parallel_loop3A_298, %parallel_loop3A_299] {strides = array<i32>} : memref<64x128xi32, #tpu.memory_space<vmem>>, vector<16xi32>,
        %parallel_loop3A_301 = vector.bitcast %parallel_loop3A_300 : vector<16xi32> to vector<32xbf16>
        %parallel_loop3A_302 = tpu.unpack_subelements %parallel_loop3A_297, 0 {pack_format = #tpu.pack_format<interleaved>} : vector<32xbf16> -> vector<16xf32>
        %parallel_loop3A_303 = tpu.unpack_subelements %parallel_loop3A_297, 1 {pack_format = #tpu.pack_format<interleaved>} : vector<32xbf16> -> vector<16xf32>
        %parallel_loop3A_304 = tpu.unpack_subelements %parallel_loop3A_301, 0 {pack_format = #tpu.pack_format<interleaved>} : vector<32xbf16> -> vector<16xf32>
        %parallel_loop3A_305 = tpu.unpack_subelements %parallel_loop3A_301, 1 {pack_format = #tpu.pack_format<interleaved>} : vector<32xbf16> -> vector<16xf32>
        %parallel_loop3A_306 = arith.addf %parallel_loop3A_302, %parallel_loop3A_304 : vector<16xf32>
        %parallel_loop3A_307 = arith.constant 2.000000e-01 : f32
        %parallel_loop3A_308 = vector.broadcast %parallel_loop3A_307 : f32 to vector<16xf32>
        %parallel_loop3A_309 = arith.mulf %parallel_loop3A_308, %parallel_loop3A_306 : vector<16xf32>
        %parallel_loop3A_310 = arith.maximumf %parallel_loop3A_306, %parallel_loop3A_309 : vector<16xf32>
        %parallel_loop3A_311 = arith.mulf %parallel_loop3A_310, %get3A_18 : vector<16xf32>
        %parallel_loop3A_312 = arith.addf %parallel_loop3A_303, %parallel_loop3A_305 : vector<16xf32>
        %parallel_loop3A_313 = arith.constant 2.000000e-01 : f32
        %parallel_loop3A_314 = vector.broadcast %parallel_loop3A_313 : f32 to vector<16xf32>
        %parallel_loop3A_315 = arith.mulf %parallel_loop3A_314, %parallel_loop3A_312 : vector<16xf32>
        %parallel_loop3A_316 = arith.maximumf %parallel_loop3A_312, %parallel_loop3A_315 : vector<16xf32>
        %parallel_loop3A_317 = arith.mulf %parallel_loop3A_316, %get3A_22 : vector<16xf32>
        %parallel_loop3A_318 = arith.addf %parallel_loop3A_311, %parallel_loop3A_317 : vector<16xf32>
        %parallel_loop3A_319 = arith.index_cast %parallel_loop3A_216 : i32 to index
        %parallel_loop3A_320 = arith.constant 48 : index
        %parallel_loop3A_321 = tpu.vector_load %arg12[%parallel_loop3A_319, %parallel_loop3A_320] {strides = array<i32>} : memref<64x128xi32, #tpu.memory_space<vmem>>, vector<16xi32>,
        %parallel_loop3A_322 = vector.bitcast %parallel_loop3A_321 : vector<16xi32> to vector<32xbf16>
        %parallel_loop3A_323 = arith.index_cast %parallel_loop3A_216 : i32 to index
        %parallel_loop3A_324 = arith.constant 48 : index
        %parallel_loop3A_325 = tpu.vector_load %arg13[%parallel_loop3A_323, %parallel_loop3A_324] {strides = array<i32>} : memref<64x128xi32, #tpu.memory_space<vmem>>, vector<16xi32>,
        %parallel_loop3A_326 = vector.bitcast %parallel_loop3A_325 : vector<16xi32> to vector<32xbf16>
        %parallel_loop3A_327 = tpu.unpack_subelements %parallel_loop3A_322, 0 {pack_format = #tpu.pack_format<interleaved>} : vector<32xbf16> -> vector<16xf32>
        %parallel_loop3A_328 = tpu.unpack_subelements %parallel_loop3A_322, 1 {pack_format = #tpu.pack_format<interleaved>} : vector<32xbf16> -> vector<16xf32>
        %parallel_loop3A_329 = tpu.unpack_subelements %parallel_loop3A_326, 0 {pack_format = #tpu.pack_format<interleaved>} : vector<32xbf16> -> vector<16xf32>
        %parallel_loop3A_330 = tpu.unpack_subelements %parallel_loop3A_326, 1 {pack_format = #tpu.pack_format<interleaved>} : vector<32xbf16> -> vector<16xf32>
        %parallel_loop3A_331 = arith.addf %parallel_loop3A_327, %parallel_loop3A_329 : vector<16xf32>
        %parallel_loop3A_332 = arith.constant 2.000000e-01 : f32
        %parallel_loop3A_333 = vector.broadcast %parallel_loop3A_332 : f32 to vector<16xf32>
        %parallel_loop3A_334 = arith.mulf %parallel_loop3A_333, %parallel_loop3A_331 : vector<16xf32>
        %parallel_loop3A_335 = arith.maximumf %parallel_loop3A_331, %parallel_loop3A_334 : vector<16xf32>
        %parallel_loop3A_336 = arith.mulf %parallel_loop3A_335, %get3A_26 : vector<16xf32>
        %parallel_loop3A_337 = arith.addf %parallel_loop3A_318, %parallel_loop3A_336 : vector<16xf32>
        %parallel_loop3A_338 = arith.addf %parallel_loop3A_328, %parallel_loop3A_330 : vector<16xf32>
        %parallel_loop3A_339 = arith.constant 2.000000e-01 : f32
        %parallel_loop3A_340 = vector.broadcast %parallel_loop3A_339 : f32 to vector<16xf32>
        %parallel_loop3A_341 = arith.mulf %parallel_loop3A_340, %parallel_loop3A_338 : vector<16xf32>
        %parallel_loop3A_342 = arith.maximumf %parallel_loop3A_338, %parallel_loop3A_341 : vector<16xf32>
        %parallel_loop3A_343 = arith.mulf %parallel_loop3A_342, %get3A_30 : vector<16xf32>
        %parallel_loop3A_344 = arith.addf %parallel_loop3A_337, %parallel_loop3A_343 : vector<16xf32>
        %parallel_loop3A_345 = arith.constant true
        %parallel_loop3A_346 = vector.broadcast %parallel_loop3A_345 : i1 to vector<16xi1>
        %parallel_loop3A_347 = tpu.scan <sum>, %parallel_loop3A_344 masked %parallel_loop3A_346 : vector<16xf32>, vector<16xi1> -> vector<16xf32>
        %parallel_loop3A_348 = vector.extract %parallel_loop3A_347[15] : f32 from vector<16xf32>
        %parallel_loop3A_349 = vector.broadcast %parallel_loop3A_348 : f32 to vector<16xf32>
        %parallel_loop3A_350 = math.exp %parallel_loop3A_349 : vector<16xf32>
        %parallel_loop3A_351 = arith.mulf %parallel_loop3A_350, %parallel_loop3A_302 : vector<16xf32>
        %parallel_loop3A_352 = arith.index_cast %parallel_loop3A_216 : i32 to index
        %parallel_loop3A_353 = arith.constant 64 : index
        %parallel_loop3A_354 = tpu.vector_load %arg16[%parallel_loop3A_352, %parallel_loop3A_353] {strides = array<i32>} : memref<64x384xf32, #tpu.memory_space<vmem>>, vector<16xf32>,
        tpu.vector_store %arg16[%parallel_loop3A_352, %parallel_loop3A_353], %parallel_loop3A_351 {strides = array<i32>} : memref<64x384xf32, #tpu.memory_space<vmem>>, vector<16xf32>,
        %parallel_loop3A_355 = arith.mulf %parallel_loop3A_350, %parallel_loop3A_303 : vector<16xf32>
        %parallel_loop3A_356 = arith.index_cast %parallel_loop3A_216 : i32 to index
        %parallel_loop3A_357 = arith.constant 80 : index
        %parallel_loop3A_358 = tpu.vector_load %arg16[%parallel_loop3A_356, %parallel_loop3A_357] {strides = array<i32>} : memref<64x384xf32, #tpu.memory_space<vmem>>, vector<16xf32>,
        tpu.vector_store %arg16[%parallel_loop3A_356, %parallel_loop3A_357], %parallel_loop3A_355 {strides = array<i32>} : memref<64x384xf32, #tpu.memory_space<vmem>>, vector<16xf32>,
        %parallel_loop3A_359 = arith.mulf %parallel_loop3A_350, %parallel_loop3A_327 : vector<16xf32>
        %parallel_loop3A_360 = arith.index_cast %parallel_loop3A_216 : i32 to index
        %parallel_loop3A_361 = arith.constant 96 : index
        %parallel_loop3A_362 = tpu.vector_load %arg16[%parallel_loop3A_360, %parallel_loop3A_361] {strides = array<i32>} : memref<64x384xf32, #tpu.memory_space<vmem>>, vector<16xf32>,
        tpu.vector_store %arg16[%parallel_loop3A_360, %parallel_loop3A_361], %parallel_loop3A_359 {strides = array<i32>} : memref<64x384xf32, #tpu.memory_space<vmem>>, vector<16xf32>,
        %parallel_loop3A_363 = arith.mulf %parallel_loop3A_350, %parallel_loop3A_328 : vector<16xf32>
        %parallel_loop3A_364 = arith.index_cast %parallel_loop3A_216 : i32 to index
        %parallel_loop3A_365 = arith.constant 112 : index
        %parallel_loop3A_366 = tpu.vector_load %arg16[%parallel_loop3A_364, %parallel_loop3A_365] {strides = array<i32>} : memref<64x384xf32, #tpu.memory_space<vmem>>, vector<16xf32>,
        tpu.vector_store %arg16[%parallel_loop3A_364, %parallel_loop3A_365], %parallel_loop3A_363 {strides = array<i32>} : memref<64x384xf32, #tpu.memory_space<vmem>>, vector<16xf32>,
        %parallel_loop3A_367 = arith.mulf %parallel_loop3A_350, %convert_element_type3A_70 : vector<16xf32>
        %parallel_loop3A_368 = arith.addf %parallel_loop3A_293, %parallel_loop3A_367 : vector<16xf32>
        %parallel_loop3A_369 = arith.index_cast %parallel_loop3A_216 : i32 to index
        %parallel_loop3A_370 = arith.constant 64 : index
        %parallel_loop3A_371 = tpu.vector_load %arg12[%parallel_loop3A_369, %parallel_loop3A_370] {strides = array<i32>} : memref<64x128xi32, #tpu.memory_space<vmem>>, vector<16xi32>,
        %parallel_loop3A_372 = vector.bitcast %parallel_loop3A_371 : vector<16xi32> to vector<32xbf16>
        %parallel_loop3A_373 = arith.index_cast %parallel_loop3A_216 : i32 to index
        %parallel_loop3A_374 = arith.constant 64 : index
        %parallel_loop3A_375 = tpu.vector_load %arg13[%parallel_loop3A_373, %parallel_loop3A_374] {strides = array<i32>} : memref<64x128xi32, #tpu.memory_space<vmem>>, vector<16xi32>,
        %parallel_loop3A_376 = vector.bitcast %parallel_loop3A_375 : vector<16xi32> to vector<32xbf16>
        %parallel_loop3A_377 = tpu.unpack_subelements %parallel_loop3A_372, 0 {pack_format = #tpu.pack_format<interleaved>} : vector<32xbf16> -> vector<16xf32>
        %parallel_loop3A_378 = tpu.unpack_subelements %parallel_loop3A_372, 1 {pack_format = #tpu.pack_format<interleaved>} : vector<32xbf16> -> vector<16xf32>
        %parallel_loop3A_379 = tpu.unpack_subelements %parallel_loop3A_376, 0 {pack_format = #tpu.pack_format<interleaved>} : vector<32xbf16> -> vector<16xf32>
        %parallel_loop3A_380 = tpu.unpack_subelements %parallel_loop3A_376, 1 {pack_format = #tpu.pack_format<interleaved>} : vector<32xbf16> -> vector<16xf32>
        %parallel_loop3A_381 = arith.addf %parallel_loop3A_377, %parallel_loop3A_379 : vector<16xf32>
        %parallel_loop3A_382 = arith.constant 2.000000e-01 : f32
        %parallel_loop3A_383 = vector.broadcast %parallel_loop3A_382 : f32 to vector<16xf32>
        %parallel_loop3A_384 = arith.mulf %parallel_loop3A_383, %parallel_loop3A_381 : vector<16xf32>
        %parallel_loop3A_385 = arith.maximumf %parallel_loop3A_381, %parallel_loop3A_384 : vector<16xf32>
        %parallel_loop3A_386 = arith.mulf %parallel_loop3A_385, %get3A_34 : vector<16xf32>
        %parallel_loop3A_387 = arith.addf %parallel_loop3A_378, %parallel_loop3A_380 : vector<16xf32>
        %parallel_loop3A_388 = arith.constant 2.000000e-01 : f32
        %parallel_loop3A_389 = vector.broadcast %parallel_loop3A_388 : f32 to vector<16xf32>
        %parallel_loop3A_390 = arith.mulf %parallel_loop3A_389, %parallel_loop3A_387 : vector<16xf32>
        %parallel_loop3A_391 = arith.maximumf %parallel_loop3A_387, %parallel_loop3A_390 : vector<16xf32>
        %parallel_loop3A_392 = arith.mulf %parallel_loop3A_391, %get3A_38 : vector<16xf32>
        %parallel_loop3A_393 = arith.addf %parallel_loop3A_386, %parallel_loop3A_392 : vector<16xf32>
        %parallel_loop3A_394 = arith.index_cast %parallel_loop3A_216 : i32 to index
        %parallel_loop3A_395 = arith.constant 80 : index
        %parallel_loop3A_396 = tpu.vector_load %arg12[%parallel_loop3A_394, %parallel_loop3A_395] {strides = array<i32>} : memref<64x128xi32, #tpu.memory_space<vmem>>, vector<16xi32>,
        %parallel_loop3A_397 = vector.bitcast %parallel_loop3A_396 : vector<16xi32> to vector<32xbf16>
        %parallel_loop3A_398 = arith.index_cast %parallel_loop3A_216 : i32 to index
        %parallel_loop3A_399 = arith.constant 80 : index
        %parallel_loop3A_400 = tpu.vector_load %arg13[%parallel_loop3A_398, %parallel_loop3A_399] {strides = array<i32>} : memref<64x128xi32, #tpu.memory_space<vmem>>, vector<16xi32>,
        %parallel_loop3A_401 = vector.bitcast %parallel_loop3A_400 : vector<16xi32> to vector<32xbf16>
        %parallel_loop3A_402 = tpu.unpack_subelements %parallel_loop3A_397, 0 {pack_format = #tpu.pack_format<interleaved>} : vector<32xbf16> -> vector<16xf32>
        %parallel_loop3A_403 = tpu.unpack_subelements %parallel_loop3A_397, 1 {pack_format = #tpu.pack_format<interleaved>} : vector<32xbf16> -> vector<16xf32>
        %parallel_loop3A_404 = tpu.unpack_subelements %parallel_loop3A_401, 0 {pack_format = #tpu.pack_format<interleaved>} : vector<32xbf16> -> vector<16xf32>
        %parallel_loop3A_405 = tpu.unpack_subelements %parallel_loop3A_401, 1 {pack_format = #tpu.pack_format<interleaved>} : vector<32xbf16> -> vector<16xf32>
        %parallel_loop3A_406 = arith.addf %parallel_loop3A_402, %parallel_loop3A_404 : vector<16xf32>
        %parallel_loop3A_407 = arith.constant 2.000000e-01 : f32
        %parallel_loop3A_408 = vector.broadcast %parallel_loop3A_407 : f32 to vector<16xf32>
        %parallel_loop3A_409 = arith.mulf %parallel_loop3A_408, %parallel_loop3A_406 : vector<16xf32>
        %parallel_loop3A_410 = arith.maximumf %parallel_loop3A_406, %parallel_loop3A_409 : vector<16xf32>
        %parallel_loop3A_411 = arith.mulf %parallel_loop3A_410, %get3A_42 : vector<16xf32>
        %parallel_loop3A_412 = arith.addf %parallel_loop3A_393, %parallel_loop3A_411 : vector<16xf32>
        %parallel_loop3A_413 = arith.addf %parallel_loop3A_403, %parallel_loop3A_405 : vector<16xf32>
        %parallel_loop3A_414 = arith.constant 2.000000e-01 : f32
        %parallel_loop3A_415 = vector.broadcast %parallel_loop3A_414 : f32 to vector<16xf32>
        %parallel_loop3A_416 = arith.mulf %parallel_loop3A_415, %parallel_loop3A_413 : vector<16xf32>
        %parallel_loop3A_417 = arith.maximumf %parallel_loop3A_413, %parallel_loop3A_416 : vector<16xf32>
        %parallel_loop3A_418 = arith.mulf %parallel_loop3A_417, %get3A_46 : vector<16xf32>
        %parallel_loop3A_419 = arith.addf %parallel_loop3A_412, %parallel_loop3A_418 : vector<16xf32>
        %parallel_loop3A_420 = arith.constant true
        %parallel_loop3A_421 = vector.broadcast %parallel_loop3A_420 : i1 to vector<16xi1>
        %parallel_loop3A_422 = tpu.scan <sum>, %parallel_loop3A_419 masked %parallel_loop3A_421 : vector<16xf32>, vector<16xi1> -> vector<16xf32>
        %parallel_loop3A_423 = vector.extract %parallel_loop3A_422[15] : f32 from vector<16xf32>
        %parallel_loop3A_424 = vector.broadcast %parallel_loop3A_423 : f32 to vector<16xf32>
        %parallel_loop3A_425 = math.exp %parallel_loop3A_424 : vector<16xf32>
        %parallel_loop3A_426 = arith.mulf %parallel_loop3A_425, %parallel_loop3A_377 : vector<16xf32>
        %parallel_loop3A_427 = arith.index_cast %parallel_loop3A_216 : i32 to index
        %parallel_loop3A_428 = arith.constant 128 : index
        %parallel_loop3A_429 = tpu.vector_load %arg16[%parallel_loop3A_427, %parallel_loop3A_428] {strides = array<i32>} : memref<64x384xf32, #tpu.memory_space<vmem>>, vector<16xf32>,
        tpu.vector_store %arg16[%parallel_loop3A_427, %parallel_loop3A_428], %parallel_loop3A_426 {strides = array<i32>} : memref<64x384xf32, #tpu.memory_space<vmem>>, vector<16xf32>,
        %parallel_loop3A_430 = arith.mulf %parallel_loop3A_425, %parallel_loop3A_378 : vector<16xf32>
        %parallel_loop3A_431 = arith.index_cast %parallel_loop3A_216 : i32 to index
        %parallel_loop3A_432 = arith.constant 144 : index
        %parallel_loop3A_433 = tpu.vector_load %arg16[%parallel_loop3A_431, %parallel_loop3A_432] {strides = array<i32>} : memref<64x384xf32, #tpu.memory_space<vmem>>, vector<16xf32>,
        tpu.vector_store %arg16[%parallel_loop3A_431, %parallel_loop3A_432], %parallel_loop3A_430 {strides = array<i32>} : memref<64x384xf32, #tpu.memory_space<vmem>>, vector<16xf32>,
        %parallel_loop3A_434 = arith.mulf %parallel_loop3A_425, %parallel_loop3A_402 : vector<16xf32>
        %parallel_loop3A_435 = arith.index_cast %parallel_loop3A_216 : i32 to index
        %parallel_loop3A_436 = arith.constant 160 : index
        %parallel_loop3A_437 = tpu.vector_load %arg16[%parallel_loop3A_435, %parallel_loop3A_436] {strides = array<i32>} : memref<64x384xf32, #tpu.memory_space<vmem>>, vector<16xf32>,
        tpu.vector_store %arg16[%parallel_loop3A_435, %parallel_loop3A_436], %parallel_loop3A_434 {strides = array<i32>} : memref<64x384xf32, #tpu.memory_space<vmem>>, vector<16xf32>,
        %parallel_loop3A_438 = arith.mulf %parallel_loop3A_425, %parallel_loop3A_403 : vector<16xf32>
        %parallel_loop3A_439 = arith.index_cast %parallel_loop3A_216 : i32 to index
        %parallel_loop3A_440 = arith.constant 176 : index
        %parallel_loop3A_441 = tpu.vector_load %arg16[%parallel_loop3A_439, %parallel_loop3A_440] {strides = array<i32>} : memref<64x384xf32, #tpu.memory_space<vmem>>, vector<16xf32>,
        tpu.vector_store %arg16[%parallel_loop3A_439, %parallel_loop3A_440], %parallel_loop3A_438 {strides = array<i32>} : memref<64x384xf32, #tpu.memory_space<vmem>>, vector<16xf32>,
        %parallel_loop3A_442 = arith.mulf %parallel_loop3A_425, %convert_element_type3A_75 : vector<16xf32>
        %parallel_loop3A_443 = arith.addf %parallel_loop3A_368, %parallel_loop3A_442 : vector<16xf32>
        %parallel_loop3A_444 = arith.index_cast %parallel_loop3A_216 : i32 to index
        %parallel_loop3A_445 = arith.constant 96 : index
        %parallel_loop3A_446 = tpu.vector_load %arg12[%parallel_loop3A_444, %parallel_loop3A_445] {strides = array<i32>} : memref<64x128xi32, #tpu.memory_space<vmem>>, vector<16xi32>,
        %parallel_loop3A_447 = vector.bitcast %parallel_loop3A_446 : vector<16xi32> to vector<32xbf16>
        %parallel_loop3A_448 = arith.index_cast %parallel_loop3A_216 : i32 to index
        %parallel_loop3A_449 = arith.constant 96 : index
        %parallel_loop3A_450 = tpu.vector_load %arg13[%parallel_loop3A_448, %parallel_loop3A_449] {strides = array<i32>} : memref<64x128xi32, #tpu.memory_space<vmem>>, vector<16xi32>,
        %parallel_loop3A_451 = vector.bitcast %parallel_loop3A_450 : vector<16xi32> to vector<32xbf16>
        %parallel_loop3A_452 = tpu.unpack_subelements %parallel_loop3A_447, 0 {pack_format = #tpu.pack_format<interleaved>} : vector<32xbf16> -> vector<16xf32>
        %parallel_loop3A_453 = tpu.unpack_subelements %parallel_loop3A_447, 1 {pack_format = #tpu.pack_format<interleaved>} : vector<32xbf16> -> vector<16xf32>
        %parallel_loop3A_454 = tpu.unpack_subelements %parallel_loop3A_451, 0 {pack_format = #tpu.pack_format<interleaved>} : vector<32xbf16> -> vector<16xf32>
        %parallel_loop3A_455 = tpu.unpack_subelements %parallel_loop3A_451, 1 {pack_format = #tpu.pack_format<interleaved>} : vector<32xbf16> -> vector<16xf32>
        %parallel_loop3A_456 = arith.addf %parallel_loop3A_452, %parallel_loop3A_454 : vector<16xf32>
        %parallel_loop3A_457 = arith.constant 2.000000e-01 : f32
        %parallel_loop3A_458 = vector.broadcast %parallel_loop3A_457 : f32 to vector<16xf32>
        %parallel_loop3A_459 = arith.mulf %parallel_loop3A_458, %parallel_loop3A_456 : vector<16xf32>
        %parallel_loop3A_460 = arith.maximumf %parallel_loop3A_456, %parallel_loop3A_459 : vector<16xf32>
        %parallel_loop3A_461 = arith.mulf %parallel_loop3A_460, %get3A_50 : vector<16xf32>
        %parallel_loop3A_462 = arith.addf %parallel_loop3A_453, %parallel_loop3A_455 : vector<16xf32>
        %parallel_loop3A_463 = arith.constant 2.000000e-01 : f32
        %parallel_loop3A_464 = vector.broadcast %parallel_loop3A_463 : f32 to vector<16xf32>
        %parallel_loop3A_465 = arith.mulf %parallel_loop3A_464, %parallel_loop3A_462 : vector<16xf32>
        %parallel_loop3A_466 = arith.maximumf %parallel_loop3A_462, %parallel_loop3A_465 : vector<16xf32>
        %parallel_loop3A_467 = arith.mulf %parallel_loop3A_466, %get3A_54 : vector<16xf32>
        %parallel_loop3A_468 = arith.addf %parallel_loop3A_461, %parallel_loop3A_467 : vector<16xf32>
        %parallel_loop3A_469 = arith.index_cast %parallel_loop3A_216 : i32 to index
        %parallel_loop3A_470 = arith.constant 112 : index
        %parallel_loop3A_471 = tpu.vector_load %arg12[%parallel_loop3A_469, %parallel_loop3A_470] {strides = array<i32>} : memref<64x128xi32, #tpu.memory_space<vmem>>, vector<16xi32>,
        %parallel_loop3A_472 = vector.bitcast %parallel_loop3A_471 : vector<16xi32> to vector<32xbf16>
        %parallel_loop3A_473 = arith.index_cast %parallel_loop3A_216 : i32 to index
        %parallel_loop3A_474 = arith.constant 112 : index
        %parallel_loop3A_475 = tpu.vector_load %arg13[%parallel_loop3A_473, %parallel_loop3A_474] {strides = array<i32>} : memref<64x128xi32, #tpu.memory_space<vmem>>, vector<16xi32>,
        %parallel_loop3A_476 = vector.bitcast %parallel_loop3A_475 : vector<16xi32> to vector<32xbf16>
        %parallel_loop3A_477 = tpu.unpack_subelements %parallel_loop3A_472, 0 {pack_format = #tpu.pack_format<interleaved>} : vector<32xbf16> -> vector<16xf32>
        %parallel_loop3A_478 = tpu.unpack_subelements %parallel_loop3A_472, 1 {pack_format = #tpu.pack_format<interleaved>} : vector<32xbf16> -> vector<16xf32>
        %parallel_loop3A_479 = tpu.unpack_subelements %parallel_loop3A_476, 0 {pack_format = #tpu.pack_format<interleaved>} : vector<32xbf16> -> vector<16xf32>
        %parallel_loop3A_480 = tpu.unpack_subelements %parallel_loop3A_476, 1 {pack_format = #tpu.pack_format<interleaved>} : vector<32xbf16> -> vector<16xf32>
        %parallel_loop3A_481 = arith.addf %parallel_loop3A_477, %parallel_loop3A_479 : vector<16xf32>
        %parallel_loop3A_482 = arith.constant 2.000000e-01 : f32
        %parallel_loop3A_483 = vector.broadcast %parallel_loop3A_482 : f32 to vector<16xf32>
        %parallel_loop3A_484 = arith.mulf %parallel_loop3A_483, %parallel_loop3A_481 : vector<16xf32>
        %parallel_loop3A_485 = arith.maximumf %parallel_loop3A_481, %parallel_loop3A_484 : vector<16xf32>
        %parallel_loop3A_486 = arith.mulf %parallel_loop3A_485, %get3A_58 : vector<16xf32>
        %parallel_loop3A_487 = arith.addf %parallel_loop3A_468, %parallel_loop3A_486 : vector<16xf32>
        %parallel_loop3A_488 = arith.addf %parallel_loop3A_478, %parallel_loop3A_480 : vector<16xf32>
        %parallel_loop3A_489 = arith.constant 2.000000e-01 : f32
        %parallel_loop3A_490 = vector.broadcast %parallel_loop3A_489 : f32 to vector<16xf32>
        %parallel_loop3A_491 = arith.mulf %parallel_loop3A_490, %parallel_loop3A_488 : vector<16xf32>
        %parallel_loop3A_492 = arith.maximumf %parallel_loop3A_488, %parallel_loop3A_491 : vector<16xf32>
        %parallel_loop3A_493 = arith.mulf %parallel_loop3A_492, %get3A_62 : vector<16xf32>
        %parallel_loop3A_494 = arith.addf %parallel_loop3A_487, %parallel_loop3A_493 : vector<16xf32>
        %parallel_loop3A_495 = arith.constant true
        %parallel_loop3A_496 = vector.broadcast %parallel_loop3A_495 : i1 to vector<16xi1>
        %parallel_loop3A_497 = tpu.scan <sum>, %parallel_loop3A_494 masked %parallel_loop3A_496 : vector<16xf32>, vector<16xi1> -> vector<16xf32>
        %parallel_loop3A_498 = vector.extract %parallel_loop3A_497[15] : f32 from vector<16xf32>
        %parallel_loop3A_499 = vector.broadcast %parallel_loop3A_498 : f32 to vector<16xf32>
        %parallel_loop3A_500 = math.exp %parallel_loop3A_499 : vector<16xf32>
        %parallel_loop3A_501 = arith.mulf %parallel_loop3A_500, %parallel_loop3A_452 : vector<16xf32>
        %parallel_loop3A_502 = arith.index_cast %parallel_loop3A_216 : i32 to index
        %parallel_loop3A_503 = arith.constant 192 : index
        %parallel_loop3A_504 = tpu.vector_load %arg16[%parallel_loop3A_502, %parallel_loop3A_503] {strides = array<i32>} : memref<64x384xf32, #tpu.memory_space<vmem>>, vector<16xf32>,
        tpu.vector_store %arg16[%parallel_loop3A_502, %parallel_loop3A_503], %parallel_loop3A_501 {strides = array<i32>} : memref<64x384xf32, #tpu.memory_space<vmem>>, vector<16xf32>,
        %parallel_loop3A_505 = arith.mulf %parallel_loop3A_500, %parallel_loop3A_453 : vector<16xf32>
        %parallel_loop3A_506 = arith.index_cast %parallel_loop3A_216 : i32 to index
        %parallel_loop3A_507 = arith.constant 208 : index
        %parallel_loop3A_508 = tpu.vector_load %arg16[%parallel_loop3A_506, %parallel_loop3A_507] {strides = array<i32>} : memref<64x384xf32, #tpu.memory_space<vmem>>, vector<16xf32>,
        tpu.vector_store %arg16[%parallel_loop3A_506, %parallel_loop3A_507], %parallel_loop3A_505 {strides = array<i32>} : memref<64x384xf32, #tpu.memory_space<vmem>>, vector<16xf32>,
        %parallel_loop3A_509 = arith.mulf %parallel_loop3A_500, %parallel_loop3A_477 : vector<16xf32>
        %parallel_loop3A_510 = arith.index_cast %parallel_loop3A_216 : i32 to index
        %parallel_loop3A_511 = arith.constant 224 : index
        %parallel_loop3A_512 = tpu.vector_load %arg16[%parallel_loop3A_510, %parallel_loop3A_511] {strides = array<i32>} : memref<64x384xf32, #tpu.memory_space<vmem>>, vector<16xf32>,
        tpu.vector_store %arg16[%parallel_loop3A_510, %parallel_loop3A_511], %parallel_loop3A_509 {strides = array<i32>} : memref<64x384xf32, #tpu.memory_space<vmem>>, vector<16xf32>,
        %parallel_loop3A_513 = arith.mulf %parallel_loop3A_500, %parallel_loop3A_478 : vector<16xf32>
        %parallel_loop3A_514 = arith.index_cast %parallel_loop3A_216 : i32 to index
        %parallel_loop3A_515 = arith.constant 240 : index
        %parallel_loop3A_516 = tpu.vector_load %arg16[%parallel_loop3A_514, %parallel_loop3A_515] {strides = array<i32>} : memref<64x384xf32, #tpu.memory_space<vmem>>, vector<16xf32>,
        tpu.vector_store %arg16[%parallel_loop3A_514, %parallel_loop3A_515], %parallel_loop3A_513 {strides = array<i32>} : memref<64x384xf32, #tpu.memory_space<vmem>>, vector<16xf32>,
        %parallel_loop3A_517 = arith.mulf %parallel_loop3A_500, %convert_element_type3A_80 : vector<16xf32>
        %parallel_loop3A_518 = arith.addf %parallel_loop3A_443, %parallel_loop3A_517 : vector<16xf32>
        %parallel_loop3A_519 = arith.index_cast %parallel_loop3A_216 : i32 to index
        %parallel_loop3A_520 = arith.constant 256 : index
        %parallel_loop3A_521 = tpu.vector_load %arg16[%parallel_loop3A_519, %parallel_loop3A_520] {strides = array<i32>} : memref<64x384xf32, #tpu.memory_space<vmem>>, vector<16xf32>,
        tpu.vector_store %arg16[%parallel_loop3A_519, %parallel_loop3A_520], %parallel_loop3A_518 {strides = array<i32>} : memref<64x384xf32, #tpu.memory_space<vmem>>, vector<16xf32>,
      } {sc.loop_unroll_factor = 4 : i64, sc.parallel_access}
      %dma_start3A_164 = arith.constant 0 : i32
      %dma_start3A_165 = tpu.memref_slice %arg11[%add3A_132, %dma_start3A_164] : memref<176x128xi32, #tpu.memory_space<vmem>> -> memref<1x64xi32, #tpu.memory_space<vmem>>
      %dma_start3A_166 = tpu.memref_squeeze %dma_start3A_165 : memref<1x64xi32, #tpu.memory_space<vmem>> -> memref<64xi32, #tpu.memory_space<vmem>>
      %dma_start3A_167 = arith.constant 0 : i32
      %dma_start3A_168 = arith.constant 0 : i32
      %dma_start3A_169 = tpu.memref_slice %arg8[%dma_start3A_167, %dma_start3A_168] : memref<20480x384xf32, #tpu.memory_space<hbm>> -> memref<20480x384xf32, #tpu.memory_space<hbm>>
      tpu.enqueue_indirect_dma source(%arg16 : memref<64x384xf32, #tpu.memory_space<vmem>>) target(%dma_start3A_169 : memref<20480x384xf32, #tpu.memory_space<hbm>>) offsets(%dma_start3A_166 : memref<64xi32, #tpu.memory_space<vmem>>) semaphore(%arg19 : memref<!tpu.dma_semaphore, #tpu.memory_space<semaphore_mem>>) {add = true}
      %add3A_170 = arith.constant 2 : i32
      %add3A_171 = arith.addi %add3A_132, %add3A_170 : i32
      %dma_start3A_172 = arith.constant 0 : i32
      %dma_start3A_173 = tpu.memref_slice %arg10[%add3A_171, %dma_start3A_172] : memref<176x128xi32, #tpu.memory_space<vmem>> -> memref<1x64xi32, #tpu.memory_space<vmem>>
      %dma_start3A_174 = tpu.memref_squeeze %dma_start3A_173 : memref<1x64xi32, #tpu.memory_space<vmem>> -> memref<64xi32, #tpu.memory_space<vmem>>
      %dma_start3A_175 = arith.constant 0 : i32
      %dma_start3A_176 = arith.constant 0 : i32
      %dma_start3A_177 = tpu.memref_slice %arg2[%dma_start3A_175, %dma_start3A_176] : memref<20480x128xi32, #tpu.memory_space<hbm>> -> memref<20480x128xi32, #tpu.memory_space<hbm>>
      tpu.enqueue_indirect_dma source(%dma_start3A_177 : memref<20480x128xi32, #tpu.memory_space<hbm>>) target(%arg12 : memref<64x128xi32, #tpu.memory_space<vmem>>) offsets(%dma_start3A_174 : memref<64xi32, #tpu.memory_space<vmem>>) semaphore(%arg17 : memref<!tpu.dma_semaphore, #tpu.memory_space<semaphore_mem>>)
      %dma_start3A_178 = arith.constant 0 : i32
      %dma_start3A_179 = tpu.memref_slice %arg11[%add3A_171, %dma_start3A_178] : memref<176x128xi32, #tpu.memory_space<vmem>> -> memref<1x64xi32, #tpu.memory_space<vmem>>
      %dma_start3A_180 = tpu.memref_squeeze %dma_start3A_179 : memref<1x64xi32, #tpu.memory_space<vmem>> -> memref<64xi32, #tpu.memory_space<vmem>>
      %dma_start3A_181 = arith.constant 0 : i32
      %dma_start3A_182 = arith.constant 0 : i32
      %dma_start3A_183 = tpu.memref_slice %arg3[%dma_start3A_181, %dma_start3A_182] : memref<20480x128xi32, #tpu.memory_space<hbm>> -> memref<20480x128xi32, #tpu.memory_space<hbm>>
      tpu.enqueue_indirect_dma source(%dma_start3A_183 : memref<20480x128xi32, #tpu.memory_space<hbm>>) target(%arg13 : memref<64x128xi32, #tpu.memory_space<vmem>>) offsets(%dma_start3A_180 : memref<64xi32, #tpu.memory_space<vmem>>) semaphore(%arg17 : memref<!tpu.dma_semaphore, #tpu.memory_space<semaphore_mem>>)
      %add3A_184 = arith.constant 1 : i32
      %add3A_185 = arith.addi %add3A_132, %add3A_184 : i32
      %dma_wait3A_186 = arith.constant 0 : i32
      %dma_wait3A_187 = tpu.memref_slice %arg10[%add3A_185, %dma_wait3A_186] : memref<176x128xi32, #tpu.memory_space<vmem>> -> memref<1x64xi32, #tpu.memory_space<vmem>>
      %dma_wait3A_188 = tpu.memref_squeeze %dma_wait3A_187 : memref<1x64xi32, #tpu.memory_space<vmem>> -> memref<64xi32, #tpu.memory_space<vmem>>
      %dma_wait3A_189 = arith.constant 0 : i32
      %dma_wait3A_190 = arith.constant 0 : i32
      %dma_wait3A_191 = tpu.memref_slice %arg2[%dma_wait3A_189, %dma_wait3A_190] : memref<20480x128xi32, #tpu.memory_space<hbm>> -> memref<20480x128xi32, #tpu.memory_space<hbm>>
      tpu.wait_indirect_dma semaphore(%arg18 : memref<!tpu.dma_semaphore, #tpu.memory_space<semaphore_mem>>) src(%dma_wait3A_191 : memref<20480x128xi32, #tpu.memory_space<hbm>>) dst(%arg14 : memref<64x128xi32, #tpu.memory_space<vmem>>)
      %dma_wait3A_192 = arith.constant 0 : i32
      %dma_wait3A_193 = tpu.memref_slice %arg11[%add3A_185, %dma_wait3A_192] : memref<176x128xi32, #tpu.memory_space<vmem>> -> memref<1x64xi32, #tpu.memory_space<vmem>>
      %dma_wait3A_194 = tpu.memref_squeeze %dma_wait3A_193 : memref<1x64xi32, #tpu.memory_space<vmem>> -> memref<64xi32, #tpu.memory_space<vmem>>
      %dma_wait3A_195 = arith.constant 0 : i32
      %dma_wait3A_196 = arith.constant 0 : i32
      %dma_wait3A_197 = tpu.memref_slice %arg3[%dma_wait3A_195, %dma_wait3A_196] : memref<20480x128xi32, #tpu.memory_space<hbm>> -> memref<20480x128xi32, #tpu.memory_space<hbm>>
      tpu.wait_indirect_dma semaphore(%arg18 : memref<!tpu.dma_semaphore, #tpu.memory_space<semaphore_mem>>) src(%dma_wait3A_197 : memref<20480x128xi32, #tpu.memory_space<hbm>>) dst(%arg15 : memref<64x128xi32, #tpu.memory_space<vmem>>)
      %dma_wait3A_198 = arith.constant 0 : i32
      %dma_wait3A_199 = arith.constant 0 : i32
      %dma_wait3A_200 = tpu.memref_slice %arg11[%dma_wait3A_198, %dma_wait3A_199] : memref<176x128xi32, #tpu.memory_space<vmem>> -> memref<1x64xi32, #tpu.memory_space<vmem>>
      %dma_wait3A_201 = tpu.memref_squeeze %dma_wait3A_200 : memref<1x64xi32, #tpu.memory_space<vmem>> -> memref<64xi32, #tpu.memory_space<vmem>>
      %dma_wait3A_202 = arith.constant 0 : i32
      %dma_wait3A_203 = arith.constant 0 : i32
      %dma_wait3A_204 = tpu.memref_slice %arg8[%dma_wait3A_202, %dma_wait3A_203] : memref<20480x384xf32, #tpu.memory_space<hbm>> -> memref<20480x384xf32, #tpu.memory_space<hbm>>
      tpu.wait_indirect_dma semaphore(%arg19 : memref<!tpu.dma_semaphore, #tpu.memory_space<semaphore_mem>>) src(%arg16 : memref<64x384xf32, #tpu.memory_space<vmem>>) dst(%dma_wait3A_204 : memref<20480x384xf32, #tpu.memory_space<hbm>>)
      %parallel_loop3A_205 = arith.constant 0 : i32
      %parallel_loop3A_206 = arith.constant 64 : i32
      %parallel_loop3A_207 = arith.constant 1 : i32
      scf.for %parallel_loop3A_216 = %parallel_loop3A_205 to %parallel_loop3A_206 step %parallel_loop3A_207  : i32 {
        %parallel_loop3A_217 = arith.constant 0.000000e+00 : f32
        %parallel_loop3A_218 = vector.broadcast %parallel_loop3A_217 : f32 to vector<16xf32>
        %parallel_loop3A_219 = arith.index_cast %parallel_loop3A_216 : i32 to index
        %parallel_loop3A_220 = arith.constant 0 : index
        %parallel_loop3A_221 = tpu.vector_load %arg14[%parallel_loop3A_219, %parallel_loop3A_220] {strides = array<i32>} : memref<64x128xi32, #tpu.memory_space<vmem>>, vector<16xi32>,
        %parallel_loop3A_222 = vector.bitcast %parallel_loop3A_221 : vector<16xi32> to vector<32xbf16>
        %parallel_loop3A_223 = arith.index_cast %parallel_loop3A_216 : i32 to index
        %parallel_loop3A_224 = arith.constant 0 : index
        %parallel_loop3A_225 = tpu.vector_load %arg15[%parallel_loop3A_223, %parallel_loop3A_224] {strides = array<i32>} : memref<64x128xi32, #tpu.memory_space<vmem>>, vector<16xi32>,
        %parallel_loop3A_226 = vector.bitcast %parallel_loop3A_225 : vector<16xi32> to vector<32xbf16>
        %parallel_loop3A_227 = tpu.unpack_subelements %parallel_loop3A_222, 0 {pack_format = #tpu.pack_format<interleaved>} : vector<32xbf16> -> vector<16xf32>
        %parallel_loop3A_228 = tpu.unpack_subelements %parallel_loop3A_222, 1 {pack_format = #tpu.pack_format<interleaved>} : vector<32xbf16> -> vector<16xf32>
        %parallel_loop3A_229 = tpu.unpack_subelements %parallel_loop3A_226, 0 {pack_format = #tpu.pack_format<interleaved>} : vector<32xbf16> -> vector<16xf32>
        %parallel_loop3A_230 = tpu.unpack_subelements %parallel_loop3A_226, 1 {pack_format = #tpu.pack_format<interleaved>} : vector<32xbf16> -> vector<16xf32>
        %parallel_loop3A_231 = arith.addf %parallel_loop3A_227, %parallel_loop3A_229 : vector<16xf32>
        %parallel_loop3A_232 = arith.constant 2.000000e-01 : f32
        %parallel_loop3A_233 = vector.broadcast %parallel_loop3A_232 : f32 to vector<16xf32>
        %parallel_loop3A_234 = arith.mulf %parallel_loop3A_233, %parallel_loop3A_231 : vector<16xf32>
        %parallel_loop3A_235 = arith.maximumf %parallel_loop3A_231, %parallel_loop3A_234 : vector<16xf32>
        %parallel_loop3A_236 = arith.mulf %parallel_loop3A_235, %get3A_2 : vector<16xf32>
        %parallel_loop3A_237 = arith.addf %parallel_loop3A_228, %parallel_loop3A_230 : vector<16xf32>
        %parallel_loop3A_238 = arith.constant 2.000000e-01 : f32
        %parallel_loop3A_239 = vector.broadcast %parallel_loop3A_238 : f32 to vector<16xf32>
        %parallel_loop3A_240 = arith.mulf %parallel_loop3A_239, %parallel_loop3A_237 : vector<16xf32>
        %parallel_loop3A_241 = arith.maximumf %parallel_loop3A_237, %parallel_loop3A_240 : vector<16xf32>
        %parallel_loop3A_242 = arith.mulf %parallel_loop3A_241, %get3A_6 : vector<16xf32>
        %parallel_loop3A_243 = arith.addf %parallel_loop3A_236, %parallel_loop3A_242 : vector<16xf32>
        %parallel_loop3A_244 = arith.index_cast %parallel_loop3A_216 : i32 to index
        %parallel_loop3A_245 = arith.constant 16 : index
        %parallel_loop3A_246 = tpu.vector_load %arg14[%parallel_loop3A_244, %parallel_loop3A_245] {strides = array<i32>} : memref<64x128xi32, #tpu.memory_space<vmem>>, vector<16xi32>,
        %parallel_loop3A_247 = vector.bitcast %parallel_loop3A_246 : vector<16xi32> to vector<32xbf16>
        %parallel_loop3A_248 = arith.index_cast %parallel_loop3A_216 : i32 to index
        %parallel_loop3A_249 = arith.constant 16 : index
        %parallel_loop3A_250 = tpu.vector_load %arg15[%parallel_loop3A_248, %parallel_loop3A_249] {strides = array<i32>} : memref<64x128xi32, #tpu.memory_space<vmem>>, vector<16xi32>,
        %parallel_loop3A_251 = vector.bitcast %parallel_loop3A_250 : vector<16xi32> to vector<32xbf16>
        %parallel_loop3A_252 = tpu.unpack_subelements %parallel_loop3A_247, 0 {pack_format = #tpu.pack_format<interleaved>} : vector<32xbf16> -> vector<16xf32>
        %parallel_loop3A_253 = tpu.unpack_subelements %parallel_loop3A_247, 1 {pack_format = #tpu.pack_format<interleaved>} : vector<32xbf16> -> vector<16xf32>
        %parallel_loop3A_254 = tpu.unpack_subelements %parallel_loop3A_251, 0 {pack_format = #tpu.pack_format<interleaved>} : vector<32xbf16> -> vector<16xf32>
        %parallel_loop3A_255 = tpu.unpack_subelements %parallel_loop3A_251, 1 {pack_format = #tpu.pack_format<interleaved>} : vector<32xbf16> -> vector<16xf32>
        %parallel_loop3A_256 = arith.addf %parallel_loop3A_252, %parallel_loop3A_254 : vector<16xf32>
        %parallel_loop3A_257 = arith.constant 2.000000e-01 : f32
        %parallel_loop3A_258 = vector.broadcast %parallel_loop3A_257 : f32 to vector<16xf32>
        %parallel_loop3A_259 = arith.mulf %parallel_loop3A_258, %parallel_loop3A_256 : vector<16xf32>
        %parallel_loop3A_260 = arith.maximumf %parallel_loop3A_256, %parallel_loop3A_259 : vector<16xf32>
        %parallel_loop3A_261 = arith.mulf %parallel_loop3A_260, %get3A_10 : vector<16xf32>
        %parallel_loop3A_262 = arith.addf %parallel_loop3A_243, %parallel_loop3A_261 : vector<16xf32>
        %parallel_loop3A_263 = arith.addf %parallel_loop3A_253, %parallel_loop3A_255 : vector<16xf32>
        %parallel_loop3A_264 = arith.constant 2.000000e-01 : f32
        %parallel_loop3A_265 = vector.broadcast %parallel_loop3A_264 : f32 to vector<16xf32>
        %parallel_loop3A_266 = arith.mulf %parallel_loop3A_265, %parallel_loop3A_263 : vector<16xf32>
        %parallel_loop3A_267 = arith.maximumf %parallel_loop3A_263, %parallel_loop3A_266 : vector<16xf32>
        %parallel_loop3A_268 = arith.mulf %parallel_loop3A_267, %get3A_14 : vector<16xf32>
        %parallel_loop3A_269 = arith.addf %parallel_loop3A_262, %parallel_loop3A_268 : vector<16xf32>
        %parallel_loop3A_270 = arith.constant true
        %parallel_loop3A_271 = vector.broadcast %parallel_loop3A_270 : i1 to vector<16xi1>
        %parallel_loop3A_272 = tpu.scan <sum>, %parallel_loop3A_269 masked %parallel_loop3A_271 : vector<16xf32>, vector<16xi1> -> vector<16xf32>
        %parallel_loop3A_273 = vector.extract %parallel_loop3A_272[15] : f32 from vector<16xf32>
        %parallel_loop3A_274 = vector.broadcast %parallel_loop3A_273 : f32 to vector<16xf32>
        %parallel_loop3A_275 = math.exp %parallel_loop3A_274 : vector<16xf32>
        %parallel_loop3A_276 = arith.mulf %parallel_loop3A_275, %parallel_loop3A_227 : vector<16xf32>
        %parallel_loop3A_277 = arith.index_cast %parallel_loop3A_216 : i32 to index
        %parallel_loop3A_278 = arith.constant 0 : index
        %parallel_loop3A_279 = tpu.vector_load %arg16[%parallel_loop3A_277, %parallel_loop3A_278] {strides = array<i32>} : memref<64x384xf32, #tpu.memory_space<vmem>>, vector<16xf32>,
        tpu.vector_store %arg16[%parallel_loop3A_277, %parallel_loop3A_278], %parallel_loop3A_276 {strides = array<i32>} : memref<64x384xf32, #tpu.memory_space<vmem>>, vector<16xf32>,
        %parallel_loop3A_280 = arith.mulf %parallel_loop3A_275, %parallel_loop3A_228 : vector<16xf32>
        %parallel_loop3A_281 = arith.index_cast %parallel_loop3A_216 : i32 to index
        %parallel_loop3A_282 = arith.constant 16 : index
        %parallel_loop3A_283 = tpu.vector_load %arg16[%parallel_loop3A_281, %parallel_loop3A_282] {strides = array<i32>} : memref<64x384xf32, #tpu.memory_space<vmem>>, vector<16xf32>,
        tpu.vector_store %arg16[%parallel_loop3A_281, %parallel_loop3A_282], %parallel_loop3A_280 {strides = array<i32>} : memref<64x384xf32, #tpu.memory_space<vmem>>, vector<16xf32>,
        %parallel_loop3A_284 = arith.mulf %parallel_loop3A_275, %parallel_loop3A_252 : vector<16xf32>
        %parallel_loop3A_285 = arith.index_cast %parallel_loop3A_216 : i32 to index
        %parallel_loop3A_286 = arith.constant 32 : index
        %parallel_loop3A_287 = tpu.vector_load %arg16[%parallel_loop3A_285, %parallel_loop3A_286] {strides = array<i32>} : memref<64x384xf32, #tpu.memory_space<vmem>>, vector<16xf32>,
        tpu.vector_store %arg16[%parallel_loop3A_285, %parallel_loop3A_286], %parallel_loop3A_284 {strides = array<i32>} : memref<64x384xf32, #tpu.memory_space<vmem>>, vector<16xf32>,
        %parallel_loop3A_288 = arith.mulf %parallel_loop3A_275, %parallel_loop3A_253 : vector<16xf32>
        %parallel_loop3A_289 = arith.index_cast %parallel_loop3A_216 : i32 to index
        %parallel_loop3A_290 = arith.constant 48 : index
        %parallel_loop3A_291 = tpu.vector_load %arg16[%parallel_loop3A_289, %parallel_loop3A_290] {strides = array<i32>} : memref<64x384xf32, #tpu.memory_space<vmem>>, vector<16xf32>,
        tpu.vector_store %arg16[%parallel_loop3A_289, %parallel_loop3A_290], %parallel_loop3A_288 {strides = array<i32>} : memref<64x384xf32, #tpu.memory_space<vmem>>, vector<16xf32>,
        %parallel_loop3A_292 = arith.mulf %parallel_loop3A_275, %convert_element_type3A_65 : vector<16xf32>
        %parallel_loop3A_293 = arith.addf %parallel_loop3A_218, %parallel_loop3A_292 : vector<16xf32>
        %parallel_loop3A_294 = arith.index_cast %parallel_loop3A_216 : i32 to index
        %parallel_loop3A_295 = arith.constant 32 : index
        %parallel_loop3A_296 = tpu.vector_load %arg14[%parallel_loop3A_294, %parallel_loop3A_295] {strides = array<i32>} : memref<64x128xi32, #tpu.memory_space<vmem>>, vector<16xi32>,
        %parallel_loop3A_297 = vector.bitcast %parallel_loop3A_296 : vector<16xi32> to vector<32xbf16>
        %parallel_loop3A_298 = arith.index_cast %parallel_loop3A_216 : i32 to index
        %parallel_loop3A_299 = arith.constant 32 : index
        %parallel_loop3A_300 = tpu.vector_load %arg15[%parallel_loop3A_298, %parallel_loop3A_299] {strides = array<i32>} : memref<64x128xi32, #tpu.memory_space<vmem>>, vector<16xi32>,
        %parallel_loop3A_301 = vector.bitcast %parallel_loop3A_300 : vector<16xi32> to vector<32xbf16>
        %parallel_loop3A_302 = tpu.unpack_subelements %parallel_loop3A_297, 0 {pack_format = #tpu.pack_format<interleaved>} : vector<32xbf16> -> vector<16xf32>
        %parallel_loop3A_303 = tpu.unpack_subelements %parallel_loop3A_297, 1 {pack_format = #tpu.pack_format<interleaved>} : vector<32xbf16> -> vector<16xf32>
        %parallel_loop3A_304 = tpu.unpack_subelements %parallel_loop3A_301, 0 {pack_format = #tpu.pack_format<interleaved>} : vector<32xbf16> -> vector<16xf32>
        %parallel_loop3A_305 = tpu.unpack_subelements %parallel_loop3A_301, 1 {pack_format = #tpu.pack_format<interleaved>} : vector<32xbf16> -> vector<16xf32>
        %parallel_loop3A_306 = arith.addf %parallel_loop3A_302, %parallel_loop3A_304 : vector<16xf32>
        %parallel_loop3A_307 = arith.constant 2.000000e-01 : f32
        %parallel_loop3A_308 = vector.broadcast %parallel_loop3A_307 : f32 to vector<16xf32>
        %parallel_loop3A_309 = arith.mulf %parallel_loop3A_308, %parallel_loop3A_306 : vector<16xf32>
        %parallel_loop3A_310 = arith.maximumf %parallel_loop3A_306, %parallel_loop3A_309 : vector<16xf32>
        %parallel_loop3A_311 = arith.mulf %parallel_loop3A_310, %get3A_18 : vector<16xf32>
        %parallel_loop3A_312 = arith.addf %parallel_loop3A_303, %parallel_loop3A_305 : vector<16xf32>
        %parallel_loop3A_313 = arith.constant 2.000000e-01 : f32
        %parallel_loop3A_314 = vector.broadcast %parallel_loop3A_313 : f32 to vector<16xf32>
        %parallel_loop3A_315 = arith.mulf %parallel_loop3A_314, %parallel_loop3A_312 : vector<16xf32>
        %parallel_loop3A_316 = arith.maximumf %parallel_loop3A_312, %parallel_loop3A_315 : vector<16xf32>
        %parallel_loop3A_317 = arith.mulf %parallel_loop3A_316, %get3A_22 : vector<16xf32>
        %parallel_loop3A_318 = arith.addf %parallel_loop3A_311, %parallel_loop3A_317 : vector<16xf32>
        %parallel_loop3A_319 = arith.index_cast %parallel_loop3A_216 : i32 to index
        %parallel_loop3A_320 = arith.constant 48 : index
        %parallel_loop3A_321 = tpu.vector_load %arg14[%parallel_loop3A_319, %parallel_loop3A_320] {strides = array<i32>} : memref<64x128xi32, #tpu.memory_space<vmem>>, vector<16xi32>,
        %parallel_loop3A_322 = vector.bitcast %parallel_loop3A_321 : vector<16xi32> to vector<32xbf16>
        %parallel_loop3A_323 = arith.index_cast %parallel_loop3A_216 : i32 to index
        %parallel_loop3A_324 = arith.constant 48 : index
        %parallel_loop3A_325 = tpu.vector_load %arg15[%parallel_loop3A_323, %parallel_loop3A_324] {strides = array<i32>} : memref<64x128xi32, #tpu.memory_space<vmem>>, vector<16xi32>,
        %parallel_loop3A_326 = vector.bitcast %parallel_loop3A_325 : vector<16xi32> to vector<32xbf16>
        %parallel_loop3A_327 = tpu.unpack_subelements %parallel_loop3A_322, 0 {pack_format = #tpu.pack_format<interleaved>} : vector<32xbf16> -> vector<16xf32>
        %parallel_loop3A_328 = tpu.unpack_subelements %parallel_loop3A_322, 1 {pack_format = #tpu.pack_format<interleaved>} : vector<32xbf16> -> vector<16xf32>
        %parallel_loop3A_329 = tpu.unpack_subelements %parallel_loop3A_326, 0 {pack_format = #tpu.pack_format<interleaved>} : vector<32xbf16> -> vector<16xf32>
        %parallel_loop3A_330 = tpu.unpack_subelements %parallel_loop3A_326, 1 {pack_format = #tpu.pack_format<interleaved>} : vector<32xbf16> -> vector<16xf32>
        %parallel_loop3A_331 = arith.addf %parallel_loop3A_327, %parallel_loop3A_329 : vector<16xf32>
        %parallel_loop3A_332 = arith.constant 2.000000e-01 : f32
        %parallel_loop3A_333 = vector.broadcast %parallel_loop3A_332 : f32 to vector<16xf32>
        %parallel_loop3A_334 = arith.mulf %parallel_loop3A_333, %parallel_loop3A_331 : vector<16xf32>
        %parallel_loop3A_335 = arith.maximumf %parallel_loop3A_331, %parallel_loop3A_334 : vector<16xf32>
        %parallel_loop3A_336 = arith.mulf %parallel_loop3A_335, %get3A_26 : vector<16xf32>
        %parallel_loop3A_337 = arith.addf %parallel_loop3A_318, %parallel_loop3A_336 : vector<16xf32>
        %parallel_loop3A_338 = arith.addf %parallel_loop3A_328, %parallel_loop3A_330 : vector<16xf32>
        %parallel_loop3A_339 = arith.constant 2.000000e-01 : f32
        %parallel_loop3A_340 = vector.broadcast %parallel_loop3A_339 : f32 to vector<16xf32>
        %parallel_loop3A_341 = arith.mulf %parallel_loop3A_340, %parallel_loop3A_338 : vector<16xf32>
        %parallel_loop3A_342 = arith.maximumf %parallel_loop3A_338, %parallel_loop3A_341 : vector<16xf32>
        %parallel_loop3A_343 = arith.mulf %parallel_loop3A_342, %get3A_30 : vector<16xf32>
        %parallel_loop3A_344 = arith.addf %parallel_loop3A_337, %parallel_loop3A_343 : vector<16xf32>
        %parallel_loop3A_345 = arith.constant true
        %parallel_loop3A_346 = vector.broadcast %parallel_loop3A_345 : i1 to vector<16xi1>
        %parallel_loop3A_347 = tpu.scan <sum>, %parallel_loop3A_344 masked %parallel_loop3A_346 : vector<16xf32>, vector<16xi1> -> vector<16xf32>
        %parallel_loop3A_348 = vector.extract %parallel_loop3A_347[15] : f32 from vector<16xf32>
        %parallel_loop3A_349 = vector.broadcast %parallel_loop3A_348 : f32 to vector<16xf32>
        %parallel_loop3A_350 = math.exp %parallel_loop3A_349 : vector<16xf32>
        %parallel_loop3A_351 = arith.mulf %parallel_loop3A_350, %parallel_loop3A_302 : vector<16xf32>
        %parallel_loop3A_352 = arith.index_cast %parallel_loop3A_216 : i32 to index
        %parallel_loop3A_353 = arith.constant 64 : index
        %parallel_loop3A_354 = tpu.vector_load %arg16[%parallel_loop3A_352, %parallel_loop3A_353] {strides = array<i32>} : memref<64x384xf32, #tpu.memory_space<vmem>>, vector<16xf32>,
        tpu.vector_store %arg16[%parallel_loop3A_352, %parallel_loop3A_353], %parallel_loop3A_351 {strides = array<i32>} : memref<64x384xf32, #tpu.memory_space<vmem>>, vector<16xf32>,
        %parallel_loop3A_355 = arith.mulf %parallel_loop3A_350, %parallel_loop3A_303 : vector<16xf32>
        %parallel_loop3A_356 = arith.index_cast %parallel_loop3A_216 : i32 to index
        %parallel_loop3A_357 = arith.constant 80 : index
        %parallel_loop3A_358 = tpu.vector_load %arg16[%parallel_loop3A_356, %parallel_loop3A_357] {strides = array<i32>} : memref<64x384xf32, #tpu.memory_space<vmem>>, vector<16xf32>,
        tpu.vector_store %arg16[%parallel_loop3A_356, %parallel_loop3A_357], %parallel_loop3A_355 {strides = array<i32>} : memref<64x384xf32, #tpu.memory_space<vmem>>, vector<16xf32>,
        %parallel_loop3A_359 = arith.mulf %parallel_loop3A_350, %parallel_loop3A_327 : vector<16xf32>
        %parallel_loop3A_360 = arith.index_cast %parallel_loop3A_216 : i32 to index
        %parallel_loop3A_361 = arith.constant 96 : index
        %parallel_loop3A_362 = tpu.vector_load %arg16[%parallel_loop3A_360, %parallel_loop3A_361] {strides = array<i32>} : memref<64x384xf32, #tpu.memory_space<vmem>>, vector<16xf32>,
        tpu.vector_store %arg16[%parallel_loop3A_360, %parallel_loop3A_361], %parallel_loop3A_359 {strides = array<i32>} : memref<64x384xf32, #tpu.memory_space<vmem>>, vector<16xf32>,
        %parallel_loop3A_363 = arith.mulf %parallel_loop3A_350, %parallel_loop3A_328 : vector<16xf32>
        %parallel_loop3A_364 = arith.index_cast %parallel_loop3A_216 : i32 to index
        %parallel_loop3A_365 = arith.constant 112 : index
        %parallel_loop3A_366 = tpu.vector_load %arg16[%parallel_loop3A_364, %parallel_loop3A_365] {strides = array<i32>} : memref<64x384xf32, #tpu.memory_space<vmem>>, vector<16xf32>,
        tpu.vector_store %arg16[%parallel_loop3A_364, %parallel_loop3A_365], %parallel_loop3A_363 {strides = array<i32>} : memref<64x384xf32, #tpu.memory_space<vmem>>, vector<16xf32>,
        %parallel_loop3A_367 = arith.mulf %parallel_loop3A_350, %convert_element_type3A_70 : vector<16xf32>
        %parallel_loop3A_368 = arith.addf %parallel_loop3A_293, %parallel_loop3A_367 : vector<16xf32>
        %parallel_loop3A_369 = arith.index_cast %parallel_loop3A_216 : i32 to index
        %parallel_loop3A_370 = arith.constant 64 : index
        %parallel_loop3A_371 = tpu.vector_load %arg14[%parallel_loop3A_369, %parallel_loop3A_370] {strides = array<i32>} : memref<64x128xi32, #tpu.memory_space<vmem>>, vector<16xi32>,
        %parallel_loop3A_372 = vector.bitcast %parallel_loop3A_371 : vector<16xi32> to vector<32xbf16>
        %parallel_loop3A_373 = arith.index_cast %parallel_loop3A_216 : i32 to index
        %parallel_loop3A_374 = arith.constant 64 : index
        %parallel_loop3A_375 = tpu.vector_load %arg15[%parallel_loop3A_373, %parallel_loop3A_374] {strides = array<i32>} : memref<64x128xi32, #tpu.memory_space<vmem>>, vector<16xi32>,
        %parallel_loop3A_376 = vector.bitcast %parallel_loop3A_375 : vector<16xi32> to vector<32xbf16>
        %parallel_loop3A_377 = tpu.unpack_subelements %parallel_loop3A_372, 0 {pack_format = #tpu.pack_format<interleaved>} : vector<32xbf16> -> vector<16xf32>
        %parallel_loop3A_378 = tpu.unpack_subelements %parallel_loop3A_372, 1 {pack_format = #tpu.pack_format<interleaved>} : vector<32xbf16> -> vector<16xf32>
        %parallel_loop3A_379 = tpu.unpack_subelements %parallel_loop3A_376, 0 {pack_format = #tpu.pack_format<interleaved>} : vector<32xbf16> -> vector<16xf32>
        %parallel_loop3A_380 = tpu.unpack_subelements %parallel_loop3A_376, 1 {pack_format = #tpu.pack_format<interleaved>} : vector<32xbf16> -> vector<16xf32>
        %parallel_loop3A_381 = arith.addf %parallel_loop3A_377, %parallel_loop3A_379 : vector<16xf32>
        %parallel_loop3A_382 = arith.constant 2.000000e-01 : f32
        %parallel_loop3A_383 = vector.broadcast %parallel_loop3A_382 : f32 to vector<16xf32>
        %parallel_loop3A_384 = arith.mulf %parallel_loop3A_383, %parallel_loop3A_381 : vector<16xf32>
        %parallel_loop3A_385 = arith.maximumf %parallel_loop3A_381, %parallel_loop3A_384 : vector<16xf32>
        %parallel_loop3A_386 = arith.mulf %parallel_loop3A_385, %get3A_34 : vector<16xf32>
        %parallel_loop3A_387 = arith.addf %parallel_loop3A_378, %parallel_loop3A_380 : vector<16xf32>
        %parallel_loop3A_388 = arith.constant 2.000000e-01 : f32
        %parallel_loop3A_389 = vector.broadcast %parallel_loop3A_388 : f32 to vector<16xf32>
        %parallel_loop3A_390 = arith.mulf %parallel_loop3A_389, %parallel_loop3A_387 : vector<16xf32>
        %parallel_loop3A_391 = arith.maximumf %parallel_loop3A_387, %parallel_loop3A_390 : vector<16xf32>
        %parallel_loop3A_392 = arith.mulf %parallel_loop3A_391, %get3A_38 : vector<16xf32>
        %parallel_loop3A_393 = arith.addf %parallel_loop3A_386, %parallel_loop3A_392 : vector<16xf32>
        %parallel_loop3A_394 = arith.index_cast %parallel_loop3A_216 : i32 to index
        %parallel_loop3A_395 = arith.constant 80 : index
        %parallel_loop3A_396 = tpu.vector_load %arg14[%parallel_loop3A_394, %parallel_loop3A_395] {strides = array<i32>} : memref<64x128xi32, #tpu.memory_space<vmem>>, vector<16xi32>,
        %parallel_loop3A_397 = vector.bitcast %parallel_loop3A_396 : vector<16xi32> to vector<32xbf16>
        %parallel_loop3A_398 = arith.index_cast %parallel_loop3A_216 : i32 to index
        %parallel_loop3A_399 = arith.constant 80 : index
        %parallel_loop3A_400 = tpu.vector_load %arg15[%parallel_loop3A_398, %parallel_loop3A_399] {strides = array<i32>} : memref<64x128xi32, #tpu.memory_space<vmem>>, vector<16xi32>,
        %parallel_loop3A_401 = vector.bitcast %parallel_loop3A_400 : vector<16xi32> to vector<32xbf16>
        %parallel_loop3A_402 = tpu.unpack_subelements %parallel_loop3A_397, 0 {pack_format = #tpu.pack_format<interleaved>} : vector<32xbf16> -> vector<16xf32>
        %parallel_loop3A_403 = tpu.unpack_subelements %parallel_loop3A_397, 1 {pack_format = #tpu.pack_format<interleaved>} : vector<32xbf16> -> vector<16xf32>
        %parallel_loop3A_404 = tpu.unpack_subelements %parallel_loop3A_401, 0 {pack_format = #tpu.pack_format<interleaved>} : vector<32xbf16> -> vector<16xf32>
        %parallel_loop3A_405 = tpu.unpack_subelements %parallel_loop3A_401, 1 {pack_format = #tpu.pack_format<interleaved>} : vector<32xbf16> -> vector<16xf32>
        %parallel_loop3A_406 = arith.addf %parallel_loop3A_402, %parallel_loop3A_404 : vector<16xf32>
        %parallel_loop3A_407 = arith.constant 2.000000e-01 : f32
        %parallel_loop3A_408 = vector.broadcast %parallel_loop3A_407 : f32 to vector<16xf32>
        %parallel_loop3A_409 = arith.mulf %parallel_loop3A_408, %parallel_loop3A_406 : vector<16xf32>
        %parallel_loop3A_410 = arith.maximumf %parallel_loop3A_406, %parallel_loop3A_409 : vector<16xf32>
        %parallel_loop3A_411 = arith.mulf %parallel_loop3A_410, %get3A_42 : vector<16xf32>
        %parallel_loop3A_412 = arith.addf %parallel_loop3A_393, %parallel_loop3A_411 : vector<16xf32>
        %parallel_loop3A_413 = arith.addf %parallel_loop3A_403, %parallel_loop3A_405 : vector<16xf32>
        %parallel_loop3A_414 = arith.constant 2.000000e-01 : f32
        %parallel_loop3A_415 = vector.broadcast %parallel_loop3A_414 : f32 to vector<16xf32>
        %parallel_loop3A_416 = arith.mulf %parallel_loop3A_415, %parallel_loop3A_413 : vector<16xf32>
        %parallel_loop3A_417 = arith.maximumf %parallel_loop3A_413, %parallel_loop3A_416 : vector<16xf32>
        %parallel_loop3A_418 = arith.mulf %parallel_loop3A_417, %get3A_46 : vector<16xf32>
        %parallel_loop3A_419 = arith.addf %parallel_loop3A_412, %parallel_loop3A_418 : vector<16xf32>
        %parallel_loop3A_420 = arith.constant true
        %parallel_loop3A_421 = vector.broadcast %parallel_loop3A_420 : i1 to vector<16xi1>
        %parallel_loop3A_422 = tpu.scan <sum>, %parallel_loop3A_419 masked %parallel_loop3A_421 : vector<16xf32>, vector<16xi1> -> vector<16xf32>
        %parallel_loop3A_423 = vector.extract %parallel_loop3A_422[15] : f32 from vector<16xf32>
        %parallel_loop3A_424 = vector.broadcast %parallel_loop3A_423 : f32 to vector<16xf32>
        %parallel_loop3A_425 = math.exp %parallel_loop3A_424 : vector<16xf32>
        %parallel_loop3A_426 = arith.mulf %parallel_loop3A_425, %parallel_loop3A_377 : vector<16xf32>
        %parallel_loop3A_427 = arith.index_cast %parallel_loop3A_216 : i32 to index
        %parallel_loop3A_428 = arith.constant 128 : index
        %parallel_loop3A_429 = tpu.vector_load %arg16[%parallel_loop3A_427, %parallel_loop3A_428] {strides = array<i32>} : memref<64x384xf32, #tpu.memory_space<vmem>>, vector<16xf32>,
        tpu.vector_store %arg16[%parallel_loop3A_427, %parallel_loop3A_428], %parallel_loop3A_426 {strides = array<i32>} : memref<64x384xf32, #tpu.memory_space<vmem>>, vector<16xf32>,
        %parallel_loop3A_430 = arith.mulf %parallel_loop3A_425, %parallel_loop3A_378 : vector<16xf32>
        %parallel_loop3A_431 = arith.index_cast %parallel_loop3A_216 : i32 to index
        %parallel_loop3A_432 = arith.constant 144 : index
        %parallel_loop3A_433 = tpu.vector_load %arg16[%parallel_loop3A_431, %parallel_loop3A_432] {strides = array<i32>} : memref<64x384xf32, #tpu.memory_space<vmem>>, vector<16xf32>,
        tpu.vector_store %arg16[%parallel_loop3A_431, %parallel_loop3A_432], %parallel_loop3A_430 {strides = array<i32>} : memref<64x384xf32, #tpu.memory_space<vmem>>, vector<16xf32>,
        %parallel_loop3A_434 = arith.mulf %parallel_loop3A_425, %parallel_loop3A_402 : vector<16xf32>
        %parallel_loop3A_435 = arith.index_cast %parallel_loop3A_216 : i32 to index
        %parallel_loop3A_436 = arith.constant 160 : index
        %parallel_loop3A_437 = tpu.vector_load %arg16[%parallel_loop3A_435, %parallel_loop3A_436] {strides = array<i32>} : memref<64x384xf32, #tpu.memory_space<vmem>>, vector<16xf32>,
        tpu.vector_store %arg16[%parallel_loop3A_435, %parallel_loop3A_436], %parallel_loop3A_434 {strides = array<i32>} : memref<64x384xf32, #tpu.memory_space<vmem>>, vector<16xf32>,
        %parallel_loop3A_438 = arith.mulf %parallel_loop3A_425, %parallel_loop3A_403 : vector<16xf32>
        %parallel_loop3A_439 = arith.index_cast %parallel_loop3A_216 : i32 to index
        %parallel_loop3A_440 = arith.constant 176 : index
        %parallel_loop3A_441 = tpu.vector_load %arg16[%parallel_loop3A_439, %parallel_loop3A_440] {strides = array<i32>} : memref<64x384xf32, #tpu.memory_space<vmem>>, vector<16xf32>,
        tpu.vector_store %arg16[%parallel_loop3A_439, %parallel_loop3A_440], %parallel_loop3A_438 {strides = array<i32>} : memref<64x384xf32, #tpu.memory_space<vmem>>, vector<16xf32>,
        %parallel_loop3A_442 = arith.mulf %parallel_loop3A_425, %convert_element_type3A_75 : vector<16xf32>
        %parallel_loop3A_443 = arith.addf %parallel_loop3A_368, %parallel_loop3A_442 : vector<16xf32>
        %parallel_loop3A_444 = arith.index_cast %parallel_loop3A_216 : i32 to index
        %parallel_loop3A_445 = arith.constant 96 : index
        %parallel_loop3A_446 = tpu.vector_load %arg14[%parallel_loop3A_444, %parallel_loop3A_445] {strides = array<i32>} : memref<64x128xi32, #tpu.memory_space<vmem>>, vector<16xi32>,
        %parallel_loop3A_447 = vector.bitcast %parallel_loop3A_446 : vector<16xi32> to vector<32xbf16>
        %parallel_loop3A_448 = arith.index_cast %parallel_loop3A_216 : i32 to index
        %parallel_loop3A_449 = arith.constant 96 : index
        %parallel_loop3A_450 = tpu.vector_load %arg15[%parallel_loop3A_448, %parallel_loop3A_449] {strides = array<i32>} : memref<64x128xi32, #tpu.memory_space<vmem>>, vector<16xi32>,
        %parallel_loop3A_451 = vector.bitcast %parallel_loop3A_450 : vector<16xi32> to vector<32xbf16>
        %parallel_loop3A_452 = tpu.unpack_subelements %parallel_loop3A_447, 0 {pack_format = #tpu.pack_format<interleaved>} : vector<32xbf16> -> vector<16xf32>
        %parallel_loop3A_453 = tpu.unpack_subelements %parallel_loop3A_447, 1 {pack_format = #tpu.pack_format<interleaved>} : vector<32xbf16> -> vector<16xf32>
        %parallel_loop3A_454 = tpu.unpack_subelements %parallel_loop3A_451, 0 {pack_format = #tpu.pack_format<interleaved>} : vector<32xbf16> -> vector<16xf32>
        %parallel_loop3A_455 = tpu.unpack_subelements %parallel_loop3A_451, 1 {pack_format = #tpu.pack_format<interleaved>} : vector<32xbf16> -> vector<16xf32>
        %parallel_loop3A_456 = arith.addf %parallel_loop3A_452, %parallel_loop3A_454 : vector<16xf32>
        %parallel_loop3A_457 = arith.constant 2.000000e-01 : f32
        %parallel_loop3A_458 = vector.broadcast %parallel_loop3A_457 : f32 to vector<16xf32>
        %parallel_loop3A_459 = arith.mulf %parallel_loop3A_458, %parallel_loop3A_456 : vector<16xf32>
        %parallel_loop3A_460 = arith.maximumf %parallel_loop3A_456, %parallel_loop3A_459 : vector<16xf32>
        %parallel_loop3A_461 = arith.mulf %parallel_loop3A_460, %get3A_50 : vector<16xf32>
        %parallel_loop3A_462 = arith.addf %parallel_loop3A_453, %parallel_loop3A_455 : vector<16xf32>
        %parallel_loop3A_463 = arith.constant 2.000000e-01 : f32
        %parallel_loop3A_464 = vector.broadcast %parallel_loop3A_463 : f32 to vector<16xf32>
        %parallel_loop3A_465 = arith.mulf %parallel_loop3A_464, %parallel_loop3A_462 : vector<16xf32>
        %parallel_loop3A_466 = arith.maximumf %parallel_loop3A_462, %parallel_loop3A_465 : vector<16xf32>
        %parallel_loop3A_467 = arith.mulf %parallel_loop3A_466, %get3A_54 : vector<16xf32>
        %parallel_loop3A_468 = arith.addf %parallel_loop3A_461, %parallel_loop3A_467 : vector<16xf32>
        %parallel_loop3A_469 = arith.index_cast %parallel_loop3A_216 : i32 to index
        %parallel_loop3A_470 = arith.constant 112 : index
        %parallel_loop3A_471 = tpu.vector_load %arg14[%parallel_loop3A_469, %parallel_loop3A_470] {strides = array<i32>} : memref<64x128xi32, #tpu.memory_space<vmem>>, vector<16xi32>,
        %parallel_loop3A_472 = vector.bitcast %parallel_loop3A_471 : vector<16xi32> to vector<32xbf16>
        %parallel_loop3A_473 = arith.index_cast %parallel_loop3A_216 : i32 to index
        %parallel_loop3A_474 = arith.constant 112 : index
        %parallel_loop3A_475 = tpu.vector_load %arg15[%parallel_loop3A_473, %parallel_loop3A_474] {strides = array<i32>} : memref<64x128xi32, #tpu.memory_space<vmem>>, vector<16xi32>,
        %parallel_loop3A_476 = vector.bitcast %parallel_loop3A_475 : vector<16xi32> to vector<32xbf16>
        %parallel_loop3A_477 = tpu.unpack_subelements %parallel_loop3A_472, 0 {pack_format = #tpu.pack_format<interleaved>} : vector<32xbf16> -> vector<16xf32>
        %parallel_loop3A_478 = tpu.unpack_subelements %parallel_loop3A_472, 1 {pack_format = #tpu.pack_format<interleaved>} : vector<32xbf16> -> vector<16xf32>
        %parallel_loop3A_479 = tpu.unpack_subelements %parallel_loop3A_476, 0 {pack_format = #tpu.pack_format<interleaved>} : vector<32xbf16> -> vector<16xf32>
        %parallel_loop3A_480 = tpu.unpack_subelements %parallel_loop3A_476, 1 {pack_format = #tpu.pack_format<interleaved>} : vector<32xbf16> -> vector<16xf32>
        %parallel_loop3A_481 = arith.addf %parallel_loop3A_477, %parallel_loop3A_479 : vector<16xf32>
        %parallel_loop3A_482 = arith.constant 2.000000e-01 : f32
        %parallel_loop3A_483 = vector.broadcast %parallel_loop3A_482 : f32 to vector<16xf32>
        %parallel_loop3A_484 = arith.mulf %parallel_loop3A_483, %parallel_loop3A_481 : vector<16xf32>
        %parallel_loop3A_485 = arith.maximumf %parallel_loop3A_481, %parallel_loop3A_484 : vector<16xf32>
        %parallel_loop3A_486 = arith.mulf %parallel_loop3A_485, %get3A_58 : vector<16xf32>
        %parallel_loop3A_487 = arith.addf %parallel_loop3A_468, %parallel_loop3A_486 : vector<16xf32>
        %parallel_loop3A_488 = arith.addf %parallel_loop3A_478, %parallel_loop3A_480 : vector<16xf32>
        %parallel_loop3A_489 = arith.constant 2.000000e-01 : f32
        %parallel_loop3A_490 = vector.broadcast %parallel_loop3A_489 : f32 to vector<16xf32>
        %parallel_loop3A_491 = arith.mulf %parallel_loop3A_490, %parallel_loop3A_488 : vector<16xf32>
        %parallel_loop3A_492 = arith.maximumf %parallel_loop3A_488, %parallel_loop3A_491 : vector<16xf32>
        %parallel_loop3A_493 = arith.mulf %parallel_loop3A_492, %get3A_62 : vector<16xf32>
        %parallel_loop3A_494 = arith.addf %parallel_loop3A_487, %parallel_loop3A_493 : vector<16xf32>
        %parallel_loop3A_495 = arith.constant true
        %parallel_loop3A_496 = vector.broadcast %parallel_loop3A_495 : i1 to vector<16xi1>
        %parallel_loop3A_497 = tpu.scan <sum>, %parallel_loop3A_494 masked %parallel_loop3A_496 : vector<16xf32>, vector<16xi1> -> vector<16xf32>
        %parallel_loop3A_498 = vector.extract %parallel_loop3A_497[15] : f32 from vector<16xf32>
        %parallel_loop3A_499 = vector.broadcast %parallel_loop3A_498 : f32 to vector<16xf32>
        %parallel_loop3A_500 = math.exp %parallel_loop3A_499 : vector<16xf32>
        %parallel_loop3A_501 = arith.mulf %parallel_loop3A_500, %parallel_loop3A_452 : vector<16xf32>
        %parallel_loop3A_502 = arith.index_cast %parallel_loop3A_216 : i32 to index
        %parallel_loop3A_503 = arith.constant 192 : index
        %parallel_loop3A_504 = tpu.vector_load %arg16[%parallel_loop3A_502, %parallel_loop3A_503] {strides = array<i32>} : memref<64x384xf32, #tpu.memory_space<vmem>>, vector<16xf32>,
        tpu.vector_store %arg16[%parallel_loop3A_502, %parallel_loop3A_503], %parallel_loop3A_501 {strides = array<i32>} : memref<64x384xf32, #tpu.memory_space<vmem>>, vector<16xf32>,
        %parallel_loop3A_505 = arith.mulf %parallel_loop3A_500, %parallel_loop3A_453 : vector<16xf32>
        %parallel_loop3A_506 = arith.index_cast %parallel_loop3A_216 : i32 to index
        %parallel_loop3A_507 = arith.constant 208 : index
        %parallel_loop3A_508 = tpu.vector_load %arg16[%parallel_loop3A_506, %parallel_loop3A_507] {strides = array<i32>} : memref<64x384xf32, #tpu.memory_space<vmem>>, vector<16xf32>,
        tpu.vector_store %arg16[%parallel_loop3A_506, %parallel_loop3A_507], %parallel_loop3A_505 {strides = array<i32>} : memref<64x384xf32, #tpu.memory_space<vmem>>, vector<16xf32>,
        %parallel_loop3A_509 = arith.mulf %parallel_loop3A_500, %parallel_loop3A_477 : vector<16xf32>
        %parallel_loop3A_510 = arith.index_cast %parallel_loop3A_216 : i32 to index
        %parallel_loop3A_511 = arith.constant 224 : index
        %parallel_loop3A_512 = tpu.vector_load %arg16[%parallel_loop3A_510, %parallel_loop3A_511] {strides = array<i32>} : memref<64x384xf32, #tpu.memory_space<vmem>>, vector<16xf32>,
        tpu.vector_store %arg16[%parallel_loop3A_510, %parallel_loop3A_511], %parallel_loop3A_509 {strides = array<i32>} : memref<64x384xf32, #tpu.memory_space<vmem>>, vector<16xf32>,
        %parallel_loop3A_513 = arith.mulf %parallel_loop3A_500, %parallel_loop3A_478 : vector<16xf32>
        %parallel_loop3A_514 = arith.index_cast %parallel_loop3A_216 : i32 to index
        %parallel_loop3A_515 = arith.constant 240 : index
        %parallel_loop3A_516 = tpu.vector_load %arg16[%parallel_loop3A_514, %parallel_loop3A_515] {strides = array<i32>} : memref<64x384xf32, #tpu.memory_space<vmem>>, vector<16xf32>,
        tpu.vector_store %arg16[%parallel_loop3A_514, %parallel_loop3A_515], %parallel_loop3A_513 {strides = array<i32>} : memref<64x384xf32, #tpu.memory_space<vmem>>, vector<16xf32>,
        %parallel_loop3A_517 = arith.mulf %parallel_loop3A_500, %convert_element_type3A_80 : vector<16xf32>
        %parallel_loop3A_518 = arith.addf %parallel_loop3A_443, %parallel_loop3A_517 : vector<16xf32>
        %parallel_loop3A_519 = arith.index_cast %parallel_loop3A_216 : i32 to index
        %parallel_loop3A_520 = arith.constant 256 : index
        %parallel_loop3A_521 = tpu.vector_load %arg16[%parallel_loop3A_519, %parallel_loop3A_520] {strides = array<i32>} : memref<64x384xf32, #tpu.memory_space<vmem>>, vector<16xf32>,
        tpu.vector_store %arg16[%parallel_loop3A_519, %parallel_loop3A_520], %parallel_loop3A_518 {strides = array<i32>} : memref<64x384xf32, #tpu.memory_space<vmem>>, vector<16xf32>,
      } {sc.loop_unroll_factor = 4 : i64, sc.parallel_access}
      %add3A_208 = arith.constant 1 : i32
      %add3A_209 = arith.addi %add3A_132, %add3A_208 : i32
      %dma_start3A_210 = arith.constant 0 : i32
      %dma_start3A_211 = tpu.memref_slice %arg11[%add3A_209, %dma_start3A_210] : memref<176x128xi32, #tpu.memory_space<vmem>> -> memref<1x64xi32, #tpu.memory_space<vmem>>
      %dma_start3A_212 = tpu.memref_squeeze %dma_start3A_211 : memref<1x64xi32, #tpu.memory_space<vmem>> -> memref<64xi32, #tpu.memory_space<vmem>>
      %dma_start3A_213 = arith.constant 0 : i32
      %dma_start3A_214 = arith.constant 0 : i32
      %dma_start3A_215 = tpu.memref_slice %arg8[%dma_start3A_213, %dma_start3A_214] : memref<20480x384xf32, #tpu.memory_space<hbm>> -> memref<20480x384xf32, #tpu.memory_space<hbm>>
      tpu.enqueue_indirect_dma source(%arg16 : memref<64x384xf32, #tpu.memory_space<vmem>>) target(%dma_start3A_215 : memref<20480x384xf32, #tpu.memory_space<hbm>>) offsets(%dma_start3A_212 : memref<64xi32, #tpu.memory_space<vmem>>) semaphore(%arg19 : memref<!tpu.dma_semaphore, #tpu.memory_space<semaphore_mem>>) {add = true}
    }
    %scan3A_107 = arith.constant 84 : i32
    %dma_wait3A = arith.constant 168 : i32
    %dma_wait3A_108 = arith.constant 0 : i32
    %dma_wait3A_109 = tpu.memref_slice %arg10[%dma_wait3A, %dma_wait3A_108] : memref<176x128xi32, #tpu.memory_space<vmem>> -> memref<1x64xi32, #tpu.memory_space<vmem>>
    %dma_wait3A_110 = tpu.memref_squeeze %dma_wait3A_109 : memref<1x64xi32, #tpu.memory_space<vmem>> -> memref<64xi32, #tpu.memory_space<vmem>>
    %dma_wait3A_111 = arith.constant 0 : i32
    %dma_wait3A_112 = arith.constant 0 : i32
    %dma_wait3A_113 = tpu.memref_slice %arg2[%dma_wait3A_111, %dma_wait3A_112] : memref<20480x128xi32, #tpu.memory_space<hbm>> -> memref<20480x128xi32, #tpu.memory_space<hbm>>
    tpu.wait_indirect_dma semaphore(%arg17 : memref<!tpu.dma_semaphore, #tpu.memory_space<semaphore_mem>>) src(%dma_wait3A_113 : memref<20480x128xi32, #tpu.memory_space<hbm>>) dst(%arg12 : memref<64x128xi32, #tpu.memory_space<vmem>>)
    %dma_wait3A_114 = arith.constant 168 : i32
    %dma_wait3A_115 = arith.constant 0 : i32
    %dma_wait3A_116 = tpu.memref_slice %arg11[%dma_wait3A_114, %dma_wait3A_115] : memref<176x128xi32, #tpu.memory_space<vmem>> -> memref<1x64xi32, #tpu.memory_space<vmem>>
    %dma_wait3A_117 = tpu.memref_squeeze %dma_wait3A_116 : memref<1x64xi32, #tpu.memory_space<vmem>> -> memref<64xi32, #tpu.memory_space<vmem>>
    %dma_wait3A_118 = arith.constant 0 : i32
    %dma_wait3A_119 = arith.constant 0 : i32
    %dma_wait3A_120 = tpu.memref_slice %arg3[%dma_wait3A_118, %dma_wait3A_119] : memref<20480x128xi32, #tpu.memory_space<hbm>> -> memref<20480x128xi32, #tpu.memory_space<hbm>>
    tpu.wait_indirect_dma semaphore(%arg17 : memref<!tpu.dma_semaphore, #tpu.memory_space<semaphore_mem>>) src(%dma_wait3A_120 : memref<20480x128xi32, #tpu.memory_space<hbm>>) dst(%arg13 : memref<64x128xi32, #tpu.memory_space<vmem>>)
    %dma_wait3A_121 = arith.constant 0 : i32
    %dma_wait3A_122 = arith.constant 0 : i32
    %dma_wait3A_123 = tpu.memref_slice %arg11[%dma_wait3A_121, %dma_wait3A_122] : memref<176x128xi32, #tpu.memory_space<vmem>> -> memref<1x64xi32, #tpu.memory_space<vmem>>
    %dma_wait3A_124 = tpu.memref_squeeze %dma_wait3A_123 : memref<1x64xi32, #tpu.memory_space<vmem>> -> memref<64xi32, #tpu.memory_space<vmem>>
    %dma_wait3A_125 = arith.constant 0 : i32
    %dma_wait3A_126 = arith.constant 0 : i32
    %dma_wait3A_127 = tpu.memref_slice %arg8[%dma_wait3A_125, %dma_wait3A_126] : memref<20480x384xf32, #tpu.memory_space<hbm>> -> memref<20480x384xf32, #tpu.memory_space<hbm>>
    tpu.wait_indirect_dma semaphore(%arg19 : memref<!tpu.dma_semaphore, #tpu.memory_space<semaphore_mem>>) src(%arg16 : memref<64x384xf32, #tpu.memory_space<vmem>>) dst(%dma_wait3A_127 : memref<20480x384xf32, #tpu.memory_space<hbm>>)
    return
  }
}

#map = affine_map<(d0, d1) -> (0, 0)>
#map1 = affine_map<(d0, d1) -> (0, 0, 0, 0)>
module attributes {stable_mosaic.version = 14 : i64} {
  func.func @_sc_edges_body(%arg0: i32, %arg1: i32, %arg2: memref<20480x128xi32, #tpu.memory_space<hbm>>, %arg3: memref<20480x128xi32, #tpu.memory_space<hbm>>, %arg4: memref<2x16x176x128xi32, #tpu.memory_space<hbm>>, %arg5: memref<2x16x176x128xi32, #tpu.memory_space<hbm>>, %arg6: memref<16x16xf32, #tpu.memory_space<hbm>>, %arg7: memref<640x384xf32, #tpu.memory_space<hbm>>, %arg8: memref<20480x384xf32, #tpu.memory_space<hbm>>, %arg9: memref<16x16xf32, #tpu.memory_space<vmem>>, %arg10: memref<176x128xi32, #tpu.memory_space<vmem>>, %arg11: memref<176x128xi32, #tpu.memory_space<vmem>>, %arg12: memref<64x128xi32, #tpu.memory_space<vmem>>, %arg13: memref<64x128xi32, #tpu.memory_space<vmem>>, %arg14: memref<64x128xi32, #tpu.memory_space<vmem>>, %arg15: memref<64x128xi32, #tpu.memory_space<vmem>>, %arg16: memref<64x384xf32, #tpu.memory_space<vmem>>, %arg17: memref<!tpu.dma_semaphore, #tpu.memory_space<semaphore_mem>>, %arg18: memref<!tpu.dma_semaphore, #tpu.memory_space<semaphore_mem>>, %arg19: memref<!tpu.dma_semaphore, #tpu.memory_space<semaphore_mem>>) attributes {dimension_semantics = [#tpu.dimension_semantics<core_parallel>, #tpu.dimension_semantics<subcore_parallel>], iteration_bounds = array<i64: 2, 16>, scalar_prefetch = 0 : i64, scratch_operands = 11 : i64, tpu.core_type = #tpu.core_type<sc_vector_subcore>, window_params = [{transform_indices = #map}, {transform_indices = #map}, {transform_indices = #map1}, {transform_indices = #map1}, {transform_indices = #map}, {transform_indices = #map}, {transform_indices = #map}]} {
    "tpu.region"() ({
      %run_scoped3A = tpu.sem_alloc : memref<!tpu.dma_semaphore, #tpu.memory_space<semaphore_mem>>
      tpu.enqueue_dma source(%arg6 : memref<16x16xf32, #tpu.memory_space<hbm>>) target(%arg9 : memref<16x16xf32, #tpu.memory_space<vmem>>) target_semaphore(%run_scoped3A : memref<!tpu.dma_semaphore, #tpu.memory_space<semaphore_mem>>)
      tpu.wait_dma2 semaphore(%run_scoped3A : memref<!tpu.dma_semaphore, #tpu.memory_space<semaphore_mem>>) src(%arg6 : memref<16x16xf32, #tpu.memory_space<hbm>>) dst(%arg9 : memref<16x16xf32, #tpu.memory_space<vmem>>)
      tpu.yield
    }) : () -> ()
    %get3A = arith.constant 0 : i32
    %get3A_0 = arith.index_cast %get3A : i32 to index
    %get3A_1 = arith.constant 0 : index
    %get3A_2 = tpu.vector_load %arg9[%get3A_0, %get3A_1] {strides = array<i32>} : memref<16x16xf32, #tpu.memory_space<vmem>>, vector<16xf32>,
    %get3A_3 = arith.constant 1 : i32
    %get3A_4 = arith.index_cast %get3A_3 : i32 to index
    %get3A_5 = arith.constant 0 : index
    %get3A_6 = tpu.vector_load %arg9[%get3A_4, %get3A_5] {strides = array<i32>} : memref<16x16xf32, #tpu.memory_space<vmem>>, vector<16xf32>,
    %get3A_7 = arith.constant 2 : i32
    %get3A_8 = arith.index_cast %get3A_7 : i32 to index
    %get3A_9 = arith.constant 0 : index
    %get3A_10 = tpu.vector_load %arg9[%get3A_8, %get3A_9] {strides = array<i32>} : memref<16x16xf32, #tpu.memory_space<vmem>>, vector<16xf32>,
    %get3A_11 = arith.constant 3 : i32
    %get3A_12 = arith.index_cast %get3A_11 : i32 to index
    %get3A_13 = arith.constant 0 : index
    %get3A_14 = tpu.vector_load %arg9[%get3A_12, %get3A_13] {strides = array<i32>} : memref<16x16xf32, #tpu.memory_space<vmem>>, vector<16xf32>,
    %get3A_15 = arith.constant 4 : i32
    %get3A_16 = arith.index_cast %get3A_15 : i32 to index
    %get3A_17 = arith.constant 0 : index
    %get3A_18 = tpu.vector_load %arg9[%get3A_16, %get3A_17] {strides = array<i32>} : memref<16x16xf32, #tpu.memory_space<vmem>>, vector<16xf32>,
    %get3A_19 = arith.constant 5 : i32
    %get3A_20 = arith.index_cast %get3A_19 : i32 to index
    %get3A_21 = arith.constant 0 : index
    %get3A_22 = tpu.vector_load %arg9[%get3A_20, %get3A_21] {strides = array<i32>} : memref<16x16xf32, #tpu.memory_space<vmem>>, vector<16xf32>,
    %get3A_23 = arith.constant 6 : i32
    %get3A_24 = arith.index_cast %get3A_23 : i32 to index
    %get3A_25 = arith.constant 0 : index
    %get3A_26 = tpu.vector_load %arg9[%get3A_24, %get3A_25] {strides = array<i32>} : memref<16x16xf32, #tpu.memory_space<vmem>>, vector<16xf32>,
    %get3A_27 = arith.constant 7 : i32
    %get3A_28 = arith.index_cast %get3A_27 : i32 to index
    %get3A_29 = arith.constant 0 : index
    %get3A_30 = tpu.vector_load %arg9[%get3A_28, %get3A_29] {strides = array<i32>} : memref<16x16xf32, #tpu.memory_space<vmem>>, vector<16xf32>,
    %get3A_31 = arith.constant 8 : i32
    %get3A_32 = arith.index_cast %get3A_31 : i32 to index
    %get3A_33 = arith.constant 0 : index
    %get3A_34 = tpu.vector_load %arg9[%get3A_32, %get3A_33] {strides = array<i32>} : memref<16x16xf32, #tpu.memory_space<vmem>>, vector<16xf32>,
    %get3A_35 = arith.constant 9 : i32
    %get3A_36 = arith.index_cast %get3A_35 : i32 to index
    %get3A_37 = arith.constant 0 : index
    %get3A_38 = tpu.vector_load %arg9[%get3A_36, %get3A_37] {strides = array<i32>} : memref<16x16xf32, #tpu.memory_space<vmem>>, vector<16xf32>,
    %get3A_39 = arith.constant 10 : i32
    %get3A_40 = arith.index_cast %get3A_39 : i32 to index
    %get3A_41 = arith.constant 0 : index
    %get3A_42 = tpu.vector_load %arg9[%get3A_40, %get3A_41] {strides = array<i32>} : memref<16x16xf32, #tpu.memory_space<vmem>>, vector<16xf32>,
    %get3A_43 = arith.constant 11 : i32
    %get3A_44 = arith.index_cast %get3A_43 : i32 to index
    %get3A_45 = arith.constant 0 : index
    %get3A_46 = tpu.vector_load %arg9[%get3A_44, %get3A_45] {strides = array<i32>} : memref<16x16xf32, #tpu.memory_space<vmem>>, vector<16xf32>,
    %get3A_47 = arith.constant 12 : i32
    %get3A_48 = arith.index_cast %get3A_47 : i32 to index
    %get3A_49 = arith.constant 0 : index
    %get3A_50 = tpu.vector_load %arg9[%get3A_48, %get3A_49] {strides = array<i32>} : memref<16x16xf32, #tpu.memory_space<vmem>>, vector<16xf32>,
    %get3A_51 = arith.constant 13 : i32
    %get3A_52 = arith.index_cast %get3A_51 : i32 to index
    %get3A_53 = arith.constant 0 : index
    %get3A_54 = tpu.vector_load %arg9[%get3A_52, %get3A_53] {strides = array<i32>} : memref<16x16xf32, #tpu.memory_space<vmem>>, vector<16xf32>,
    %get3A_55 = arith.constant 14 : i32
    %get3A_56 = arith.index_cast %get3A_55 : i32 to index
    %get3A_57 = arith.constant 0 : index
    %get3A_58 = tpu.vector_load %arg9[%get3A_56, %get3A_57] {strides = array<i32>} : memref<16x16xf32, #tpu.memory_space<vmem>>, vector<16xf32>,
    %get3A_59 = arith.constant 15 : i32
    %get3A_60 = arith.index_cast %get3A_59 : i32 to index
    %get3A_61 = arith.constant 0 : index
    %get3A_62 = tpu.vector_load %arg9[%get3A_60, %get3A_61] {strides = array<i32>} : memref<16x16xf32, #tpu.memory_space<vmem>>, vector<16xf32>,
    %iota3A = tpu.iota {dimensions = array<i32: 0>} : vector<16xi32>
    %eq3A = arith.constant 0 : i32
    %eq3A_63 = vector.broadcast %eq3A : i32 to vector<16xi32>
    %eq3A_64 = arith.cmpi eq, %iota3A, %eq3A_63 : vector<16xi32>
    %convert_element_type3A = arith.extui %eq3A_64 : vector<16xi1> to vector<16xi32>
    %convert_element_type3A_65 = arith.sitofp %convert_element_type3A : vector<16xi32> to vector<16xf32>
    %eq3A_66 = arith.constant 1 : i32
    %eq3A_67 = vector.broadcast %eq3A_66 : i32 to vector<16xi32>
    %eq3A_68 = arith.cmpi eq, %iota3A, %eq3A_67 : vector<16xi32>
    %convert_element_type3A_69 = arith.extui %eq3A_68 : vector<16xi1> to vector<16xi32>
    %convert_element_type3A_70 = arith.sitofp %convert_element_type3A_69 : vector<16xi32> to vector<16xf32>
    %eq3A_71 = arith.constant 2 : i32
    %eq3A_72 = vector.broadcast %eq3A_71 : i32 to vector<16xi32>
    %eq3A_73 = arith.cmpi eq, %iota3A, %eq3A_72 : vector<16xi32>
    %convert_element_type3A_74 = arith.extui %eq3A_73 : vector<16xi1> to vector<16xi32>
    %convert_element_type3A_75 = arith.sitofp %convert_element_type3A_74 : vector<16xi32> to vector<16xf32>
    %eq3A_76 = arith.constant 3 : i32
    %eq3A_77 = vector.broadcast %eq3A_76 : i32 to vector<16xi32>
    %eq3A_78 = arith.cmpi eq, %iota3A, %eq3A_77 : vector<16xi32>
    %convert_element_type3A_79 = arith.extui %eq3A_78 : vector<16xi1> to vector<16xi32>
    %convert_element_type3A_80 = arith.sitofp %convert_element_type3A_79 : vector<16xi32> to vector<16xf32>
    %mul3A = arith.constant 4 : i32
    %mul3A_81 = arith.muli %arg0, %mul3A : i32
    %mul3A_82 = arith.constant 2560 : i32
    %mul3A_83 = arith.muli %mul3A_81, %mul3A_82 : i32
    %mul3A_84 = arith.constant 640 : i32
    %mul3A_85 = arith.muli %arg1, %mul3A_84 : i32
    %add3A = arith.addi %mul3A_83, %mul3A_85 : i32
    "tpu.region"() ({
      %run_scoped3A = tpu.sem_alloc : memref<!tpu.dma_semaphore, #tpu.memory_space<semaphore_mem>>
      %dma_start3A_128 = arith.constant 0 : i32
      %dma_start3A_129 = tpu.memref_slice %arg8[%add3A, %dma_start3A_128] : memref<20480x384xf32, #tpu.memory_space<hbm>> -> memref<640x384xf32, #tpu.memory_space<hbm>>
      tpu.enqueue_dma source(%arg7 : memref<640x384xf32, #tpu.memory_space<hbm>>) target(%dma_start3A_129 : memref<640x384xf32, #tpu.memory_space<hbm>>) target_semaphore(%run_scoped3A : memref<!tpu.dma_semaphore, #tpu.memory_space<semaphore_mem>>)
      %dma_wait3A_130 = arith.constant 0 : i32
      %dma_wait3A_131 = tpu.memref_slice %arg8[%add3A, %dma_wait3A_130] : memref<20480x384xf32, #tpu.memory_space<hbm>> -> memref<640x384xf32, #tpu.memory_space<hbm>>
      tpu.wait_dma2 semaphore(%run_scoped3A : memref<!tpu.dma_semaphore, #tpu.memory_space<semaphore_mem>>) src(%arg7 : memref<640x384xf32, #tpu.memory_space<hbm>>) dst(%dma_wait3A_131 : memref<640x384xf32, #tpu.memory_space<hbm>>)
      tpu.yield
    }) : () -> ()
    "tpu.region"() ({
      %run_scoped3A = tpu.sem_alloc : memref<!tpu.dma_semaphore, #tpu.memory_space<semaphore_mem>>
      %dma_start3A_128 = arith.constant 0 : i32
      %dma_start3A_129 = arith.constant 0 : i32
      %dma_start3A_130 = tpu.memref_slice %arg4[%arg0, %arg1, %dma_start3A_128, %dma_start3A_129] : memref<2x16x176x128xi32, #tpu.memory_space<hbm>> -> memref<1x1x176x128xi32, #tpu.memory_space<hbm>>
      %dma_start3A_131 = tpu.memref_squeeze %dma_start3A_130 : memref<1x1x176x128xi32, #tpu.memory_space<hbm>> -> memref<176x128xi32, #tpu.memory_space<hbm>>
      %dma_start3A_132 = arith.constant 0 : i32
      %dma_start3A_133 = arith.constant 0 : i32
      %dma_start3A_134 = tpu.memref_slice %arg4[%arg0, %arg1, %dma_start3A_132, %dma_start3A_133] : memref<2x16x176x128xi32, #tpu.memory_space<hbm>> -> memref<1x1x176x128xi32, #tpu.memory_space<hbm>>
      %dma_start3A_135 = tpu.memref_squeeze %dma_start3A_134 : memref<1x1x176x128xi32, #tpu.memory_space<hbm>> -> memref<176x128xi32, #tpu.memory_space<hbm>>
      tpu.enqueue_dma source(%dma_start3A_135 : memref<176x128xi32, #tpu.memory_space<hbm>>) target(%arg10 : memref<176x128xi32, #tpu.memory_space<vmem>>) target_semaphore(%run_scoped3A : memref<!tpu.dma_semaphore, #tpu.memory_space<semaphore_mem>>)
      %dma_wait3A_136 = arith.constant 0 : i32
      %dma_wait3A_137 = arith.constant 0 : i32
      %dma_wait3A_138 = tpu.memref_slice %arg4[%arg0, %arg1, %dma_wait3A_136, %dma_wait3A_137] : memref<2x16x176x128xi32, #tpu.memory_space<hbm>> -> memref<1x1x176x128xi32, #tpu.memory_space<hbm>>
      %dma_wait3A_139 = tpu.memref_squeeze %dma_wait3A_138 : memref<1x1x176x128xi32, #tpu.memory_space<hbm>> -> memref<176x128xi32, #tpu.memory_space<hbm>>
      %dma_wait3A_140 = arith.constant 0 : i32
      %dma_wait3A_141 = arith.constant 0 : i32
      %dma_wait3A_142 = tpu.memref_slice %arg4[%arg0, %arg1, %dma_wait3A_140, %dma_wait3A_141] : memref<2x16x176x128xi32, #tpu.memory_space<hbm>> -> memref<1x1x176x128xi32, #tpu.memory_space<hbm>>
      %dma_wait3A_143 = tpu.memref_squeeze %dma_wait3A_142 : memref<1x1x176x128xi32, #tpu.memory_space<hbm>> -> memref<176x128xi32, #tpu.memory_space<hbm>>
      tpu.wait_dma2 semaphore(%run_scoped3A : memref<!tpu.dma_semaphore, #tpu.memory_space<semaphore_mem>>) src(%dma_wait3A_143 : memref<176x128xi32, #tpu.memory_space<hbm>>) dst(%arg10 : memref<176x128xi32, #tpu.memory_space<vmem>>)
      tpu.yield
    }) : () -> ()
    "tpu.region"() ({
      %run_scoped3A = tpu.sem_alloc : memref<!tpu.dma_semaphore, #tpu.memory_space<semaphore_mem>>
      %dma_start3A_128 = arith.constant 0 : i32
      %dma_start3A_129 = arith.constant 0 : i32
      %dma_start3A_130 = tpu.memref_slice %arg5[%arg0, %arg1, %dma_start3A_128, %dma_start3A_129] : memref<2x16x176x128xi32, #tpu.memory_space<hbm>> -> memref<1x1x176x128xi32, #tpu.memory_space<hbm>>
      %dma_start3A_131 = tpu.memref_squeeze %dma_start3A_130 : memref<1x1x176x128xi32, #tpu.memory_space<hbm>> -> memref<176x128xi32, #tpu.memory_space<hbm>>
      %dma_start3A_132 = arith.constant 0 : i32
      %dma_start3A_133 = arith.constant 0 : i32
      %dma_start3A_134 = tpu.memref_slice %arg5[%arg0, %arg1, %dma_start3A_132, %dma_start3A_133] : memref<2x16x176x128xi32, #tpu.memory_space<hbm>> -> memref<1x1x176x128xi32, #tpu.memory_space<hbm>>
      %dma_start3A_135 = tpu.memref_squeeze %dma_start3A_134 : memref<1x1x176x128xi32, #tpu.memory_space<hbm>> -> memref<176x128xi32, #tpu.memory_space<hbm>>
      tpu.enqueue_dma source(%dma_start3A_135 : memref<176x128xi32, #tpu.memory_space<hbm>>) target(%arg11 : memref<176x128xi32, #tpu.memory_space<vmem>>) target_semaphore(%run_scoped3A : memref<!tpu.dma_semaphore, #tpu.memory_space<semaphore_mem>>)
      %dma_wait3A_136 = arith.constant 0 : i32
      %dma_wait3A_137 = arith.constant 0 : i32
      %dma_wait3A_138 = tpu.memref_slice %arg5[%arg0, %arg1, %dma_wait3A_136, %dma_wait3A_137] : memref<2x16x176x128xi32, #tpu.memory_space<hbm>> -> memref<1x1x176x128xi32, #tpu.memory_space<hbm>>
      %dma_wait3A_139 = tpu.memref_squeeze %dma_wait3A_138 : memref<1x1x176x128xi32, #tpu.memory_space<hbm>> -> memref<176x128xi32, #tpu.memory_space<hbm>>
      %dma_wait3A_140 = arith.constant 0 : i32
      %dma_wait3A_141 = arith.constant 0 : i32
      %dma_wait3A_142 = tpu.memref_slice %arg5[%arg0, %arg1, %dma_wait3A_140, %dma_wait3A_141] : memref<2x16x176x128xi32, #tpu.memory_space<hbm>> -> memref<1x1x176x128xi32, #tpu.memory_space<hbm>>
      %dma_wait3A_143 = tpu.memref_squeeze %dma_wait3A_142 : memref<1x1x176x128xi32, #tpu.memory_space<hbm>> -> memref<176x128xi32, #tpu.memory_space<hbm>>
      tpu.wait_dma2 semaphore(%run_scoped3A : memref<!tpu.dma_semaphore, #tpu.memory_space<semaphore_mem>>) src(%dma_wait3A_143 : memref<176x128xi32, #tpu.memory_space<hbm>>) dst(%arg11 : memref<176x128xi32, #tpu.memory_space<vmem>>)
      tpu.yield
    }) : () -> ()
    %scan3A = arith.constant 0 : i32
    %scan3A_86 = arith.constant 64 : i32
    %scan3A_87 = arith.addi %scan3A, %scan3A_86 : i32
    %scan3A_88 = arith.constant 1 : i32
    scf.for %scan3A_128 = %scan3A to %scan3A_87 step %scan3A_88  : i32 {
      %mul3A_129 = arith.constant 1 : i32
      %mul3A_130 = arith.muli %scan3A_128, %mul3A_129 : i32
      %add3A_131 = arith.constant 0 : i32
      %add3A_132 = arith.addi %add3A_131, %mul3A_130 : i32
      %broadcast_in_dim3A = arith.constant 0.000000e+00 : f32
      %broadcast_in_dim3A_133 = vector.broadcast %broadcast_in_dim3A : f32 to vector<16xf32>
      %swap3A = arith.index_cast %add3A_132 : i32 to index
      %swap3A_134 = arith.constant 272 : index
      %swap3A_135 = tpu.vector_load %arg16[%swap3A, %swap3A_134] {strides = array<i32>} : memref<64x384xf32, #tpu.memory_space<vmem>>, vector<16xf32>,
      tpu.vector_store %arg16[%swap3A, %swap3A_134], %broadcast_in_dim3A_133 {strides = array<i32>} : memref<64x384xf32, #tpu.memory_space<vmem>>, vector<16xf32>,
      %broadcast_in_dim3A_136 = arith.constant 0.000000e+00 : f32
      %broadcast_in_dim3A_137 = vector.broadcast %broadcast_in_dim3A_136 : f32 to vector<16xf32>
      %swap3A_138 = arith.index_cast %add3A_132 : i32 to index
      %swap3A_139 = arith.constant 288 : index
      %swap3A_140 = tpu.vector_load %arg16[%swap3A_138, %swap3A_139] {strides = array<i32>} : memref<64x384xf32, #tpu.memory_space<vmem>>, vector<16xf32>,
      tpu.vector_store %arg16[%swap3A_138, %swap3A_139], %broadcast_in_dim3A_137 {strides = array<i32>} : memref<64x384xf32, #tpu.memory_space<vmem>>, vector<16xf32>,
      %broadcast_in_dim3A_141 = arith.constant 0.000000e+00 : f32
      %broadcast_in_dim3A_142 = vector.broadcast %broadcast_in_dim3A_141 : f32 to vector<16xf32>
      %swap3A_143 = arith.index_cast %add3A_132 : i32 to index
      %swap3A_144 = arith.constant 304 : index
      %swap3A_145 = tpu.vector_load %arg16[%swap3A_143, %swap3A_144] {strides = array<i32>} : memref<64x384xf32, #tpu.memory_space<vmem>>, vector<16xf32>,
      tpu.vector_store %arg16[%swap3A_143, %swap3A_144], %broadcast_in_dim3A_142 {strides = array<i32>} : memref<64x384xf32, #tpu.memory_space<vmem>>, vector<16xf32>,
      %broadcast_in_dim3A_146 = arith.constant 0.000000e+00 : f32
      %broadcast_in_dim3A_147 = vector.broadcast %broadcast_in_dim3A_146 : f32 to vector<16xf32>
      %swap3A_148 = arith.index_cast %add3A_132 : i32 to index
      %swap3A_149 = arith.constant 320 : index
      %swap3A_150 = tpu.vector_load %arg16[%swap3A_148, %swap3A_149] {strides = array<i32>} : memref<64x384xf32, #tpu.memory_space<vmem>>, vector<16xf32>,
      tpu.vector_store %arg16[%swap3A_148, %swap3A_149], %broadcast_in_dim3A_147 {strides = array<i32>} : memref<64x384xf32, #tpu.memory_space<vmem>>, vector<16xf32>,
      %broadcast_in_dim3A_151 = arith.constant 0.000000e+00 : f32
      %broadcast_in_dim3A_152 = vector.broadcast %broadcast_in_dim3A_151 : f32 to vector<16xf32>
      %swap3A_153 = arith.index_cast %add3A_132 : i32 to index
      %swap3A_154 = arith.constant 336 : index
      %swap3A_155 = tpu.vector_load %arg16[%swap3A_153, %swap3A_154] {strides = array<i32>} : memref<64x384xf32, #tpu.memory_space<vmem>>, vector<16xf32>,
      tpu.vector_store %arg16[%swap3A_153, %swap3A_154], %broadcast_in_dim3A_152 {strides = array<i32>} : memref<64x384xf32, #tpu.memory_space<vmem>>, vector<16xf32>,
      %broadcast_in_dim3A_156 = arith.constant 0.000000e+00 : f32
      %broadcast_in_dim3A_157 = vector.broadcast %broadcast_in_dim3A_156 : f32 to vector<16xf32>
      %swap3A_158 = arith.index_cast %add3A_132 : i32 to index
      %swap3A_159 = arith.constant 352 : index
      %swap3A_160 = tpu.vector_load %arg16[%swap3A_158, %swap3A_159] {strides = array<i32>} : memref<64x384xf32, #tpu.memory_space<vmem>>, vector<16xf32>,
      tpu.vector_store %arg16[%swap3A_158, %swap3A_159], %broadcast_in_dim3A_157 {strides = array<i32>} : memref<64x384xf32, #tpu.memory_space<vmem>>, vector<16xf32>,
      %broadcast_in_dim3A_161 = arith.constant 0.000000e+00 : f32
      %broadcast_in_dim3A_162 = vector.broadcast %broadcast_in_dim3A_161 : f32 to vector<16xf32>
      %swap3A_163 = arith.index_cast %add3A_132 : i32 to index
      %swap3A_164 = arith.constant 368 : index
      %swap3A_165 = tpu.vector_load %arg16[%swap3A_163, %swap3A_164] {strides = array<i32>} : memref<64x384xf32, #tpu.memory_space<vmem>>, vector<16xf32>,
      tpu.vector_store %arg16[%swap3A_163, %swap3A_164], %broadcast_in_dim3A_162 {strides = array<i32>} : memref<64x384xf32, #tpu.memory_space<vmem>>, vector<16xf32>,
    }
    %scan3A_89 = arith.constant 64 : i32
    %barrier3A = arith.constant 0 : index
    tpu.barrier barrier_id(%barrier3A)
    %dma_start3A = arith.constant 0 : i32
    %dma_start3A_90 = arith.constant 0 : i32
    %dma_start3A_91 = tpu.memref_slice %arg10[%dma_start3A, %dma_start3A_90] : memref<176x128xi32, #tpu.memory_space<vmem>> -> memref<1x64xi32, #tpu.memory_space<vmem>>
    %dma_start3A_92 = tpu.memref_squeeze %dma_start3A_91 : memref<1x64xi32, #tpu.memory_space<vmem>> -> memref<64xi32, #tpu.memory_space<vmem>>
    %dma_start3A_93 = arith.constant 0 : i32
    %dma_start3A_94 = arith.constant 0 : i32
    %dma_start3A_95 = tpu.memref_slice %arg2[%dma_start3A_93, %dma_start3A_94] : memref<20480x128xi32, #tpu.memory_space<hbm>> -> memref<20480x128xi32, #tpu.memory_space<hbm>>
    tpu.enqueue_indirect_dma source(%dma_start3A_95 : memref<20480x128xi32, #tpu.memory_space<hbm>>) target(%arg12 : memref<64x128xi32, #tpu.memory_space<vmem>>) offsets(%dma_start3A_92 : memref<64xi32, #tpu.memory_space<vmem>>) semaphore(%arg17 : memref<!tpu.dma_semaphore, #tpu.memory_space<semaphore_mem>>)
    %dma_start3A_96 = arith.constant 0 : i32
    %dma_start3A_97 = arith.constant 0 : i32
    %dma_start3A_98 = tpu.memref_slice %arg11[%dma_start3A_96, %dma_start3A_97] : memref<176x128xi32, #tpu.memory_space<vmem>> -> memref<1x64xi32, #tpu.memory_space<vmem>>
    %dma_start3A_99 = tpu.memref_squeeze %dma_start3A_98 : memref<1x64xi32, #tpu.memory_space<vmem>> -> memref<64xi32, #tpu.memory_space<vmem>>
    %dma_start3A_100 = arith.constant 0 : i32
    %dma_start3A_101 = arith.constant 0 : i32
    %dma_start3A_102 = tpu.memref_slice %arg3[%dma_start3A_100, %dma_start3A_101] : memref<20480x128xi32, #tpu.memory_space<hbm>> -> memref<20480x128xi32, #tpu.memory_space<hbm>>
    tpu.enqueue_indirect_dma source(%dma_start3A_102 : memref<20480x128xi32, #tpu.memory_space<hbm>>) target(%arg13 : memref<64x128xi32, #tpu.memory_space<vmem>>) offsets(%dma_start3A_99 : memref<64xi32, #tpu.memory_space<vmem>>) semaphore(%arg17 : memref<!tpu.dma_semaphore, #tpu.memory_space<semaphore_mem>>)
    %scan3A_103 = arith.constant 0 : i32
    %scan3A_104 = arith.constant 84 : i32
    %scan3A_105 = arith.addi %scan3A_103, %scan3A_104 : i32
    %scan3A_106 = arith.constant 1 : i32
    scf.for %scan3A_128 = %scan3A_103 to %scan3A_105 step %scan3A_106  : i32 {
      %mul3A_129 = arith.constant 2 : i32
      %mul3A_130 = arith.muli %scan3A_128, %mul3A_129 : i32
      %add3A_131 = arith.constant 0 : i32
      %add3A_132 = arith.addi %add3A_131, %mul3A_130 : i32
      %add3A_133 = arith.constant 1 : i32
      %add3A_134 = arith.addi %add3A_132, %add3A_133 : i32
      %dma_start3A_135 = arith.constant 0 : i32
      %dma_start3A_136 = tpu.memref_slice %arg10[%add3A_134, %dma_start3A_135] : memref<176x128xi32, #tpu.memory_space<vmem>> -> memref<1x64xi32, #tpu.memory_space<vmem>>
      %dma_start3A_137 = tpu.memref_squeeze %dma_start3A_136 : memref<1x64xi32, #tpu.memory_space<vmem>> -> memref<64xi32, #tpu.memory_space<vmem>>
      %dma_start3A_138 = arith.constant 0 : i32
      %dma_start3A_139 = arith.constant 0 : i32
      %dma_start3A_140 = tpu.memref_slice %arg2[%dma_start3A_138, %dma_start3A_139] : memref<20480x128xi32, #tpu.memory_space<hbm>> -> memref<20480x128xi32, #tpu.memory_space<hbm>>
      tpu.enqueue_indirect_dma source(%dma_start3A_140 : memref<20480x128xi32, #tpu.memory_space<hbm>>) target(%arg14 : memref<64x128xi32, #tpu.memory_space<vmem>>) offsets(%dma_start3A_137 : memref<64xi32, #tpu.memory_space<vmem>>) semaphore(%arg18 : memref<!tpu.dma_semaphore, #tpu.memory_space<semaphore_mem>>)
      %dma_start3A_141 = arith.constant 0 : i32
      %dma_start3A_142 = tpu.memref_slice %arg11[%add3A_134, %dma_start3A_141] : memref<176x128xi32, #tpu.memory_space<vmem>> -> memref<1x64xi32, #tpu.memory_space<vmem>>
      %dma_start3A_143 = tpu.memref_squeeze %dma_start3A_142 : memref<1x64xi32, #tpu.memory_space<vmem>> -> memref<64xi32, #tpu.memory_space<vmem>>
      %dma_start3A_144 = arith.constant 0 : i32
      %dma_start3A_145 = arith.constant 0 : i32
      %dma_start3A_146 = tpu.memref_slice %arg3[%dma_start3A_144, %dma_start3A_145] : memref<20480x128xi32, #tpu.memory_space<hbm>> -> memref<20480x128xi32, #tpu.memory_space<hbm>>
      tpu.enqueue_indirect_dma source(%dma_start3A_146 : memref<20480x128xi32, #tpu.memory_space<hbm>>) target(%arg15 : memref<64x128xi32, #tpu.memory_space<vmem>>) offsets(%dma_start3A_143 : memref<64xi32, #tpu.memory_space<vmem>>) semaphore(%arg18 : memref<!tpu.dma_semaphore, #tpu.memory_space<semaphore_mem>>)
      %dma_wait3A_147 = arith.constant 0 : i32
      %dma_wait3A_148 = tpu.memref_slice %arg10[%add3A_132, %dma_wait3A_147] : memref<176x128xi32, #tpu.memory_space<vmem>> -> memref<1x64xi32, #tpu.memory_space<vmem>>
      %dma_wait3A_149 = tpu.memref_squeeze %dma_wait3A_148 : memref<1x64xi32, #tpu.memory_space<vmem>> -> memref<64xi32, #tpu.memory_space<vmem>>
      %dma_wait3A_150 = arith.constant 0 : i32
      %dma_wait3A_151 = arith.constant 0 : i32
      %dma_wait3A_152 = tpu.memref_slice %arg2[%dma_wait3A_150, %dma_wait3A_151] : memref<20480x128xi32, #tpu.memory_space<hbm>> -> memref<20480x128xi32, #tpu.memory_space<hbm>>
      tpu.wait_indirect_dma semaphore(%arg17 : memref<!tpu.dma_semaphore, #tpu.memory_space<semaphore_mem>>) src(%dma_wait3A_152 : memref<20480x128xi32, #tpu.memory_space<hbm>>) dst(%arg12 : memref<64x128xi32, #tpu.memory_space<vmem>>)
      %dma_wait3A_153 = arith.constant 0 : i32
      %dma_wait3A_154 = tpu.memref_slice %arg11[%add3A_132, %dma_wait3A_153] : memref<176x128xi32, #tpu.memory_space<vmem>> -> memref<1x64xi32, #tpu.memory_space<vmem>>
      %dma_wait3A_155 = tpu.memref_squeeze %dma_wait3A_154 : memref<1x64xi32, #tpu.memory_space<vmem>> -> memref<64xi32, #tpu.memory_space<vmem>>
      %dma_wait3A_156 = arith.constant 0 : i32
      %dma_wait3A_157 = arith.constant 0 : i32
      %dma_wait3A_158 = tpu.memref_slice %arg3[%dma_wait3A_156, %dma_wait3A_157] : memref<20480x128xi32, #tpu.memory_space<hbm>> -> memref<20480x128xi32, #tpu.memory_space<hbm>>
      tpu.wait_indirect_dma semaphore(%arg17 : memref<!tpu.dma_semaphore, #tpu.memory_space<semaphore_mem>>) src(%dma_wait3A_158 : memref<20480x128xi32, #tpu.memory_space<hbm>>) dst(%arg13 : memref<64x128xi32, #tpu.memory_space<vmem>>)
      %gt3A = arith.constant 0 : i32
      %gt3A_159 = arith.cmpi sgt, %add3A_132, %gt3A : i32
      %convert_element_type3A_160 = arith.extui %gt3A_159 : i1 to i32
      %cond3A = arith.constant 0 : i32
      %cond3A_161 = arith.cmpi ne, %convert_element_type3A_160, %cond3A : i32
      scf.if %cond3A_161 {
        %dma_wait3A_216 = arith.constant 0 : i32
        %dma_wait3A_217 = arith.constant 0 : i32
        %dma_wait3A_218 = tpu.memref_slice %arg11[%dma_wait3A_216, %dma_wait3A_217] : memref<176x128xi32, #tpu.memory_space<vmem>> -> memref<1x64xi32, #tpu.memory_space<vmem>>
        %dma_wait3A_219 = tpu.memref_squeeze %dma_wait3A_218 : memref<1x64xi32, #tpu.memory_space<vmem>> -> memref<64xi32, #tpu.memory_space<vmem>>
        %dma_wait3A_220 = arith.constant 0 : i32
        %dma_wait3A_221 = arith.constant 0 : i32
        %dma_wait3A_222 = tpu.memref_slice %arg8[%dma_wait3A_220, %dma_wait3A_221] : memref<20480x384xf32, #tpu.memory_space<hbm>> -> memref<20480x384xf32, #tpu.memory_space<hbm>>
        tpu.wait_indirect_dma semaphore(%arg19 : memref<!tpu.dma_semaphore, #tpu.memory_space<semaphore_mem>>) src(%arg16 : memref<64x384xf32, #tpu.memory_space<vmem>>) dst(%dma_wait3A_222 : memref<20480x384xf32, #tpu.memory_space<hbm>>)
      } else {
      }
      %parallel_loop3A = arith.constant 0 : i32
      %parallel_loop3A_162 = arith.constant 64 : i32
      %parallel_loop3A_163 = arith.constant 1 : i32
      scf.for %parallel_loop3A_216 = %parallel_loop3A to %parallel_loop3A_162 step %parallel_loop3A_163  : i32 {
        %parallel_loop3A_217 = arith.constant 0.000000e+00 : f32
        %parallel_loop3A_218 = vector.broadcast %parallel_loop3A_217 : f32 to vector<16xf32>
        %parallel_loop3A_219 = arith.index_cast %parallel_loop3A_216 : i32 to index
        %parallel_loop3A_220 = arith.constant 0 : index
        %parallel_loop3A_221 = tpu.vector_load %arg12[%parallel_loop3A_219, %parallel_loop3A_220] {strides = array<i32>} : memref<64x128xi32, #tpu.memory_space<vmem>>, vector<16xi32>,
        %parallel_loop3A_222 = vector.bitcast %parallel_loop3A_221 : vector<16xi32> to vector<32xbf16>
        %parallel_loop3A_223 = arith.index_cast %parallel_loop3A_216 : i32 to index
        %parallel_loop3A_224 = arith.constant 0 : index
        %parallel_loop3A_225 = tpu.vector_load %arg13[%parallel_loop3A_223, %parallel_loop3A_224] {strides = array<i32>} : memref<64x128xi32, #tpu.memory_space<vmem>>, vector<16xi32>,
        %parallel_loop3A_226 = vector.bitcast %parallel_loop3A_225 : vector<16xi32> to vector<32xbf16>
        %parallel_loop3A_227 = tpu.unpack_subelements %parallel_loop3A_222, 0 {pack_format = #tpu.pack_format<interleaved>} : vector<32xbf16> -> vector<16xf32>
        %parallel_loop3A_228 = tpu.unpack_subelements %parallel_loop3A_222, 1 {pack_format = #tpu.pack_format<interleaved>} : vector<32xbf16> -> vector<16xf32>
        %parallel_loop3A_229 = tpu.unpack_subelements %parallel_loop3A_226, 0 {pack_format = #tpu.pack_format<interleaved>} : vector<32xbf16> -> vector<16xf32>
        %parallel_loop3A_230 = tpu.unpack_subelements %parallel_loop3A_226, 1 {pack_format = #tpu.pack_format<interleaved>} : vector<32xbf16> -> vector<16xf32>
        %parallel_loop3A_231 = arith.addf %parallel_loop3A_227, %parallel_loop3A_229 : vector<16xf32>
        %parallel_loop3A_232 = arith.constant 2.000000e-01 : f32
        %parallel_loop3A_233 = vector.broadcast %parallel_loop3A_232 : f32 to vector<16xf32>
        %parallel_loop3A_234 = arith.mulf %parallel_loop3A_233, %parallel_loop3A_231 : vector<16xf32>
        %parallel_loop3A_235 = arith.maximumf %parallel_loop3A_231, %parallel_loop3A_234 : vector<16xf32>
        %parallel_loop3A_236 = arith.mulf %parallel_loop3A_235, %get3A_2 : vector<16xf32>
        %parallel_loop3A_237 = arith.addf %parallel_loop3A_228, %parallel_loop3A_230 : vector<16xf32>
        %parallel_loop3A_238 = arith.constant 2.000000e-01 : f32
        %parallel_loop3A_239 = vector.broadcast %parallel_loop3A_238 : f32 to vector<16xf32>
        %parallel_loop3A_240 = arith.mulf %parallel_loop3A_239, %parallel_loop3A_237 : vector<16xf32>
        %parallel_loop3A_241 = arith.maximumf %parallel_loop3A_237, %parallel_loop3A_240 : vector<16xf32>
        %parallel_loop3A_242 = arith.mulf %parallel_loop3A_241, %get3A_6 : vector<16xf32>
        %parallel_loop3A_243 = arith.addf %parallel_loop3A_236, %parallel_loop3A_242 : vector<16xf32>
        %parallel_loop3A_244 = arith.index_cast %parallel_loop3A_216 : i32 to index
        %parallel_loop3A_245 = arith.constant 16 : index
        %parallel_loop3A_246 = tpu.vector_load %arg12[%parallel_loop3A_244, %parallel_loop3A_245] {strides = array<i32>} : memref<64x128xi32, #tpu.memory_space<vmem>>, vector<16xi32>,
        %parallel_loop3A_247 = vector.bitcast %parallel_loop3A_246 : vector<16xi32> to vector<32xbf16>
        %parallel_loop3A_248 = arith.index_cast %parallel_loop3A_216 : i32 to index
        %parallel_loop3A_249 = arith.constant 16 : index
        %parallel_loop3A_250 = tpu.vector_load %arg13[%parallel_loop3A_248, %parallel_loop3A_249] {strides = array<i32>} : memref<64x128xi32, #tpu.memory_space<vmem>>, vector<16xi32>,
        %parallel_loop3A_251 = vector.bitcast %parallel_loop3A_250 : vector<16xi32> to vector<32xbf16>
        %parallel_loop3A_252 = tpu.unpack_subelements %parallel_loop3A_247, 0 {pack_format = #tpu.pack_format<interleaved>} : vector<32xbf16> -> vector<16xf32>
        %parallel_loop3A_253 = tpu.unpack_subelements %parallel_loop3A_247, 1 {pack_format = #tpu.pack_format<interleaved>} : vector<32xbf16> -> vector<16xf32>
        %parallel_loop3A_254 = tpu.unpack_subelements %parallel_loop3A_251, 0 {pack_format = #tpu.pack_format<interleaved>} : vector<32xbf16> -> vector<16xf32>
        %parallel_loop3A_255 = tpu.unpack_subelements %parallel_loop3A_251, 1 {pack_format = #tpu.pack_format<interleaved>} : vector<32xbf16> -> vector<16xf32>
        %parallel_loop3A_256 = arith.addf %parallel_loop3A_252, %parallel_loop3A_254 : vector<16xf32>
        %parallel_loop3A_257 = arith.constant 2.000000e-01 : f32
        %parallel_loop3A_258 = vector.broadcast %parallel_loop3A_257 : f32 to vector<16xf32>
        %parallel_loop3A_259 = arith.mulf %parallel_loop3A_258, %parallel_loop3A_256 : vector<16xf32>
        %parallel_loop3A_260 = arith.maximumf %parallel_loop3A_256, %parallel_loop3A_259 : vector<16xf32>
        %parallel_loop3A_261 = arith.mulf %parallel_loop3A_260, %get3A_10 : vector<16xf32>
        %parallel_loop3A_262 = arith.addf %parallel_loop3A_243, %parallel_loop3A_261 : vector<16xf32>
        %parallel_loop3A_263 = arith.addf %parallel_loop3A_253, %parallel_loop3A_255 : vector<16xf32>
        %parallel_loop3A_264 = arith.constant 2.000000e-01 : f32
        %parallel_loop3A_265 = vector.broadcast %parallel_loop3A_264 : f32 to vector<16xf32>
        %parallel_loop3A_266 = arith.mulf %parallel_loop3A_265, %parallel_loop3A_263 : vector<16xf32>
        %parallel_loop3A_267 = arith.maximumf %parallel_loop3A_263, %parallel_loop3A_266 : vector<16xf32>
        %parallel_loop3A_268 = arith.mulf %parallel_loop3A_267, %get3A_14 : vector<16xf32>
        %parallel_loop3A_269 = arith.addf %parallel_loop3A_262, %parallel_loop3A_268 : vector<16xf32>
        %parallel_loop3A_270 = arith.constant true
        %parallel_loop3A_271 = vector.broadcast %parallel_loop3A_270 : i1 to vector<16xi1>
        %parallel_loop3A_272 = tpu.scan <sum>, %parallel_loop3A_269 masked %parallel_loop3A_271 : vector<16xf32>, vector<16xi1> -> vector<16xf32>
        %parallel_loop3A_273 = vector.extract %parallel_loop3A_272[15] : f32 from vector<16xf32>
        %parallel_loop3A_274 = vector.broadcast %parallel_loop3A_273 : f32 to vector<16xf32>
        %parallel_loop3A_275 = math.exp %parallel_loop3A_274 : vector<16xf32>
        %parallel_loop3A_276 = arith.mulf %parallel_loop3A_275, %parallel_loop3A_227 : vector<16xf32>
        %parallel_loop3A_277 = arith.index_cast %parallel_loop3A_216 : i32 to index
        %parallel_loop3A_278 = arith.constant 0 : index
        %parallel_loop3A_279 = tpu.vector_load %arg16[%parallel_loop3A_277, %parallel_loop3A_278] {strides = array<i32>} : memref<64x384xf32, #tpu.memory_space<vmem>>, vector<16xf32>,
        tpu.vector_store %arg16[%parallel_loop3A_277, %parallel_loop3A_278], %parallel_loop3A_276 {strides = array<i32>} : memref<64x384xf32, #tpu.memory_space<vmem>>, vector<16xf32>,
        %parallel_loop3A_280 = arith.mulf %parallel_loop3A_275, %parallel_loop3A_228 : vector<16xf32>
        %parallel_loop3A_281 = arith.index_cast %parallel_loop3A_216 : i32 to index
        %parallel_loop3A_282 = arith.constant 16 : index
        %parallel_loop3A_283 = tpu.vector_load %arg16[%parallel_loop3A_281, %parallel_loop3A_282] {strides = array<i32>} : memref<64x384xf32, #tpu.memory_space<vmem>>, vector<16xf32>,
        tpu.vector_store %arg16[%parallel_loop3A_281, %parallel_loop3A_282], %parallel_loop3A_280 {strides = array<i32>} : memref<64x384xf32, #tpu.memory_space<vmem>>, vector<16xf32>,
        %parallel_loop3A_284 = arith.mulf %parallel_loop3A_275, %parallel_loop3A_252 : vector<16xf32>
        %parallel_loop3A_285 = arith.index_cast %parallel_loop3A_216 : i32 to index
        %parallel_loop3A_286 = arith.constant 32 : index
        %parallel_loop3A_287 = tpu.vector_load %arg16[%parallel_loop3A_285, %parallel_loop3A_286] {strides = array<i32>} : memref<64x384xf32, #tpu.memory_space<vmem>>, vector<16xf32>,
        tpu.vector_store %arg16[%parallel_loop3A_285, %parallel_loop3A_286], %parallel_loop3A_284 {strides = array<i32>} : memref<64x384xf32, #tpu.memory_space<vmem>>, vector<16xf32>,
        %parallel_loop3A_288 = arith.mulf %parallel_loop3A_275, %parallel_loop3A_253 : vector<16xf32>
        %parallel_loop3A_289 = arith.index_cast %parallel_loop3A_216 : i32 to index
        %parallel_loop3A_290 = arith.constant 48 : index
        %parallel_loop3A_291 = tpu.vector_load %arg16[%parallel_loop3A_289, %parallel_loop3A_290] {strides = array<i32>} : memref<64x384xf32, #tpu.memory_space<vmem>>, vector<16xf32>,
        tpu.vector_store %arg16[%parallel_loop3A_289, %parallel_loop3A_290], %parallel_loop3A_288 {strides = array<i32>} : memref<64x384xf32, #tpu.memory_space<vmem>>, vector<16xf32>,
        %parallel_loop3A_292 = arith.mulf %parallel_loop3A_275, %convert_element_type3A_65 : vector<16xf32>
        %parallel_loop3A_293 = arith.addf %parallel_loop3A_218, %parallel_loop3A_292 : vector<16xf32>
        %parallel_loop3A_294 = arith.index_cast %parallel_loop3A_216 : i32 to index
        %parallel_loop3A_295 = arith.constant 32 : index
        %parallel_loop3A_296 = tpu.vector_load %arg12[%parallel_loop3A_294, %parallel_loop3A_295] {strides = array<i32>} : memref<64x128xi32, #tpu.memory_space<vmem>>, vector<16xi32>,
        %parallel_loop3A_297 = vector.bitcast %parallel_loop3A_296 : vector<16xi32> to vector<32xbf16>
        %parallel_loop3A_298 = arith.index_cast %parallel_loop3A_216 : i32 to index
        %parallel_loop3A_299 = arith.constant 32 : index
        %parallel_loop3A_300 = tpu.vector_load %arg13[%parallel_loop3A_298, %parallel_loop3A_299] {strides = array<i32>} : memref<64x128xi32, #tpu.memory_space<vmem>>, vector<16xi32>,
        %parallel_loop3A_301 = vector.bitcast %parallel_loop3A_300 : vector<16xi32> to vector<32xbf16>
        %parallel_loop3A_302 = tpu.unpack_subelements %parallel_loop3A_297, 0 {pack_format = #tpu.pack_format<interleaved>} : vector<32xbf16> -> vector<16xf32>
        %parallel_loop3A_303 = tpu.unpack_subelements %parallel_loop3A_297, 1 {pack_format = #tpu.pack_format<interleaved>} : vector<32xbf16> -> vector<16xf32>
        %parallel_loop3A_304 = tpu.unpack_subelements %parallel_loop3A_301, 0 {pack_format = #tpu.pack_format<interleaved>} : vector<32xbf16> -> vector<16xf32>
        %parallel_loop3A_305 = tpu.unpack_subelements %parallel_loop3A_301, 1 {pack_format = #tpu.pack_format<interleaved>} : vector<32xbf16> -> vector<16xf32>
        %parallel_loop3A_306 = arith.addf %parallel_loop3A_302, %parallel_loop3A_304 : vector<16xf32>
        %parallel_loop3A_307 = arith.constant 2.000000e-01 : f32
        %parallel_loop3A_308 = vector.broadcast %parallel_loop3A_307 : f32 to vector<16xf32>
        %parallel_loop3A_309 = arith.mulf %parallel_loop3A_308, %parallel_loop3A_306 : vector<16xf32>
        %parallel_loop3A_310 = arith.maximumf %parallel_loop3A_306, %parallel_loop3A_309 : vector<16xf32>
        %parallel_loop3A_311 = arith.mulf %parallel_loop3A_310, %get3A_18 : vector<16xf32>
        %parallel_loop3A_312 = arith.addf %parallel_loop3A_303, %parallel_loop3A_305 : vector<16xf32>
        %parallel_loop3A_313 = arith.constant 2.000000e-01 : f32
        %parallel_loop3A_314 = vector.broadcast %parallel_loop3A_313 : f32 to vector<16xf32>
        %parallel_loop3A_315 = arith.mulf %parallel_loop3A_314, %parallel_loop3A_312 : vector<16xf32>
        %parallel_loop3A_316 = arith.maximumf %parallel_loop3A_312, %parallel_loop3A_315 : vector<16xf32>
        %parallel_loop3A_317 = arith.mulf %parallel_loop3A_316, %get3A_22 : vector<16xf32>
        %parallel_loop3A_318 = arith.addf %parallel_loop3A_311, %parallel_loop3A_317 : vector<16xf32>
        %parallel_loop3A_319 = arith.index_cast %parallel_loop3A_216 : i32 to index
        %parallel_loop3A_320 = arith.constant 48 : index
        %parallel_loop3A_321 = tpu.vector_load %arg12[%parallel_loop3A_319, %parallel_loop3A_320] {strides = array<i32>} : memref<64x128xi32, #tpu.memory_space<vmem>>, vector<16xi32>,
        %parallel_loop3A_322 = vector.bitcast %parallel_loop3A_321 : vector<16xi32> to vector<32xbf16>
        %parallel_loop3A_323 = arith.index_cast %parallel_loop3A_216 : i32 to index
        %parallel_loop3A_324 = arith.constant 48 : index
        %parallel_loop3A_325 = tpu.vector_load %arg13[%parallel_loop3A_323, %parallel_loop3A_324] {strides = array<i32>} : memref<64x128xi32, #tpu.memory_space<vmem>>, vector<16xi32>,
        %parallel_loop3A_326 = vector.bitcast %parallel_loop3A_325 : vector<16xi32> to vector<32xbf16>
        %parallel_loop3A_327 = tpu.unpack_subelements %parallel_loop3A_322, 0 {pack_format = #tpu.pack_format<interleaved>} : vector<32xbf16> -> vector<16xf32>
        %parallel_loop3A_328 = tpu.unpack_subelements %parallel_loop3A_322, 1 {pack_format = #tpu.pack_format<interleaved>} : vector<32xbf16> -> vector<16xf32>
        %parallel_loop3A_329 = tpu.unpack_subelements %parallel_loop3A_326, 0 {pack_format = #tpu.pack_format<interleaved>} : vector<32xbf16> -> vector<16xf32>
        %parallel_loop3A_330 = tpu.unpack_subelements %parallel_loop3A_326, 1 {pack_format = #tpu.pack_format<interleaved>} : vector<32xbf16> -> vector<16xf32>
        %parallel_loop3A_331 = arith.addf %parallel_loop3A_327, %parallel_loop3A_329 : vector<16xf32>
        %parallel_loop3A_332 = arith.constant 2.000000e-01 : f32
        %parallel_loop3A_333 = vector.broadcast %parallel_loop3A_332 : f32 to vector<16xf32>
        %parallel_loop3A_334 = arith.mulf %parallel_loop3A_333, %parallel_loop3A_331 : vector<16xf32>
        %parallel_loop3A_335 = arith.maximumf %parallel_loop3A_331, %parallel_loop3A_334 : vector<16xf32>
        %parallel_loop3A_336 = arith.mulf %parallel_loop3A_335, %get3A_26 : vector<16xf32>
        %parallel_loop3A_337 = arith.addf %parallel_loop3A_318, %parallel_loop3A_336 : vector<16xf32>
        %parallel_loop3A_338 = arith.addf %parallel_loop3A_328, %parallel_loop3A_330 : vector<16xf32>
        %parallel_loop3A_339 = arith.constant 2.000000e-01 : f32
        %parallel_loop3A_340 = vector.broadcast %parallel_loop3A_339 : f32 to vector<16xf32>
        %parallel_loop3A_341 = arith.mulf %parallel_loop3A_340, %parallel_loop3A_338 : vector<16xf32>
        %parallel_loop3A_342 = arith.maximumf %parallel_loop3A_338, %parallel_loop3A_341 : vector<16xf32>
        %parallel_loop3A_343 = arith.mulf %parallel_loop3A_342, %get3A_30 : vector<16xf32>
        %parallel_loop3A_344 = arith.addf %parallel_loop3A_337, %parallel_loop3A_343 : vector<16xf32>
        %parallel_loop3A_345 = arith.constant true
        %parallel_loop3A_346 = vector.broadcast %parallel_loop3A_345 : i1 to vector<16xi1>
        %parallel_loop3A_347 = tpu.scan <sum>, %parallel_loop3A_344 masked %parallel_loop3A_346 : vector<16xf32>, vector<16xi1> -> vector<16xf32>
        %parallel_loop3A_348 = vector.extract %parallel_loop3A_347[15] : f32 from vector<16xf32>
        %parallel_loop3A_349 = vector.broadcast %parallel_loop3A_348 : f32 to vector<16xf32>
        %parallel_loop3A_350 = math.exp %parallel_loop3A_349 : vector<16xf32>
        %parallel_loop3A_351 = arith.mulf %parallel_loop3A_350, %parallel_loop3A_302 : vector<16xf32>
        %parallel_loop3A_352 = arith.index_cast %parallel_loop3A_216 : i32 to index
        %parallel_loop3A_353 = arith.constant 64 : index
        %parallel_loop3A_354 = tpu.vector_load %arg16[%parallel_loop3A_352, %parallel_loop3A_353] {strides = array<i32>} : memref<64x384xf32, #tpu.memory_space<vmem>>, vector<16xf32>,
        tpu.vector_store %arg16[%parallel_loop3A_352, %parallel_loop3A_353], %parallel_loop3A_351 {strides = array<i32>} : memref<64x384xf32, #tpu.memory_space<vmem>>, vector<16xf32>,
        %parallel_loop3A_355 = arith.mulf %parallel_loop3A_350, %parallel_loop3A_303 : vector<16xf32>
        %parallel_loop3A_356 = arith.index_cast %parallel_loop3A_216 : i32 to index
        %parallel_loop3A_357 = arith.constant 80 : index
        %parallel_loop3A_358 = tpu.vector_load %arg16[%parallel_loop3A_356, %parallel_loop3A_357] {strides = array<i32>} : memref<64x384xf32, #tpu.memory_space<vmem>>, vector<16xf32>,
        tpu.vector_store %arg16[%parallel_loop3A_356, %parallel_loop3A_357], %parallel_loop3A_355 {strides = array<i32>} : memref<64x384xf32, #tpu.memory_space<vmem>>, vector<16xf32>,
        %parallel_loop3A_359 = arith.mulf %parallel_loop3A_350, %parallel_loop3A_327 : vector<16xf32>
        %parallel_loop3A_360 = arith.index_cast %parallel_loop3A_216 : i32 to index
        %parallel_loop3A_361 = arith.constant 96 : index
        %parallel_loop3A_362 = tpu.vector_load %arg16[%parallel_loop3A_360, %parallel_loop3A_361] {strides = array<i32>} : memref<64x384xf32, #tpu.memory_space<vmem>>, vector<16xf32>,
        tpu.vector_store %arg16[%parallel_loop3A_360, %parallel_loop3A_361], %parallel_loop3A_359 {strides = array<i32>} : memref<64x384xf32, #tpu.memory_space<vmem>>, vector<16xf32>,
        %parallel_loop3A_363 = arith.mulf %parallel_loop3A_350, %parallel_loop3A_328 : vector<16xf32>
        %parallel_loop3A_364 = arith.index_cast %parallel_loop3A_216 : i32 to index
        %parallel_loop3A_365 = arith.constant 112 : index
        %parallel_loop3A_366 = tpu.vector_load %arg16[%parallel_loop3A_364, %parallel_loop3A_365] {strides = array<i32>} : memref<64x384xf32, #tpu.memory_space<vmem>>, vector<16xf32>,
        tpu.vector_store %arg16[%parallel_loop3A_364, %parallel_loop3A_365], %parallel_loop3A_363 {strides = array<i32>} : memref<64x384xf32, #tpu.memory_space<vmem>>, vector<16xf32>,
        %parallel_loop3A_367 = arith.mulf %parallel_loop3A_350, %convert_element_type3A_70 : vector<16xf32>
        %parallel_loop3A_368 = arith.addf %parallel_loop3A_293, %parallel_loop3A_367 : vector<16xf32>
        %parallel_loop3A_369 = arith.index_cast %parallel_loop3A_216 : i32 to index
        %parallel_loop3A_370 = arith.constant 64 : index
        %parallel_loop3A_371 = tpu.vector_load %arg12[%parallel_loop3A_369, %parallel_loop3A_370] {strides = array<i32>} : memref<64x128xi32, #tpu.memory_space<vmem>>, vector<16xi32>,
        %parallel_loop3A_372 = vector.bitcast %parallel_loop3A_371 : vector<16xi32> to vector<32xbf16>
        %parallel_loop3A_373 = arith.index_cast %parallel_loop3A_216 : i32 to index
        %parallel_loop3A_374 = arith.constant 64 : index
        %parallel_loop3A_375 = tpu.vector_load %arg13[%parallel_loop3A_373, %parallel_loop3A_374] {strides = array<i32>} : memref<64x128xi32, #tpu.memory_space<vmem>>, vector<16xi32>,
        %parallel_loop3A_376 = vector.bitcast %parallel_loop3A_375 : vector<16xi32> to vector<32xbf16>
        %parallel_loop3A_377 = tpu.unpack_subelements %parallel_loop3A_372, 0 {pack_format = #tpu.pack_format<interleaved>} : vector<32xbf16> -> vector<16xf32>
        %parallel_loop3A_378 = tpu.unpack_subelements %parallel_loop3A_372, 1 {pack_format = #tpu.pack_format<interleaved>} : vector<32xbf16> -> vector<16xf32>
        %parallel_loop3A_379 = tpu.unpack_subelements %parallel_loop3A_376, 0 {pack_format = #tpu.pack_format<interleaved>} : vector<32xbf16> -> vector<16xf32>
        %parallel_loop3A_380 = tpu.unpack_subelements %parallel_loop3A_376, 1 {pack_format = #tpu.pack_format<interleaved>} : vector<32xbf16> -> vector<16xf32>
        %parallel_loop3A_381 = arith.addf %parallel_loop3A_377, %parallel_loop3A_379 : vector<16xf32>
        %parallel_loop3A_382 = arith.constant 2.000000e-01 : f32
        %parallel_loop3A_383 = vector.broadcast %parallel_loop3A_382 : f32 to vector<16xf32>
        %parallel_loop3A_384 = arith.mulf %parallel_loop3A_383, %parallel_loop3A_381 : vector<16xf32>
        %parallel_loop3A_385 = arith.maximumf %parallel_loop3A_381, %parallel_loop3A_384 : vector<16xf32>
        %parallel_loop3A_386 = arith.mulf %parallel_loop3A_385, %get3A_34 : vector<16xf32>
        %parallel_loop3A_387 = arith.addf %parallel_loop3A_378, %parallel_loop3A_380 : vector<16xf32>
        %parallel_loop3A_388 = arith.constant 2.000000e-01 : f32
        %parallel_loop3A_389 = vector.broadcast %parallel_loop3A_388 : f32 to vector<16xf32>
        %parallel_loop3A_390 = arith.mulf %parallel_loop3A_389, %parallel_loop3A_387 : vector<16xf32>
        %parallel_loop3A_391 = arith.maximumf %parallel_loop3A_387, %parallel_loop3A_390 : vector<16xf32>
        %parallel_loop3A_392 = arith.mulf %parallel_loop3A_391, %get3A_38 : vector<16xf32>
        %parallel_loop3A_393 = arith.addf %parallel_loop3A_386, %parallel_loop3A_392 : vector<16xf32>
        %parallel_loop3A_394 = arith.index_cast %parallel_loop3A_216 : i32 to index
        %parallel_loop3A_395 = arith.constant 80 : index
        %parallel_loop3A_396 = tpu.vector_load %arg12[%parallel_loop3A_394, %parallel_loop3A_395] {strides = array<i32>} : memref<64x128xi32, #tpu.memory_space<vmem>>, vector<16xi32>,
        %parallel_loop3A_397 = vector.bitcast %parallel_loop3A_396 : vector<16xi32> to vector<32xbf16>
        %parallel_loop3A_398 = arith.index_cast %parallel_loop3A_216 : i32 to index
        %parallel_loop3A_399 = arith.constant 80 : index
        %parallel_loop3A_400 = tpu.vector_load %arg13[%parallel_loop3A_398, %parallel_loop3A_399] {strides = array<i32>} : memref<64x128xi32, #tpu.memory_space<vmem>>, vector<16xi32>,
        %parallel_loop3A_401 = vector.bitcast %parallel_loop3A_400 : vector<16xi32> to vector<32xbf16>
        %parallel_loop3A_402 = tpu.unpack_subelements %parallel_loop3A_397, 0 {pack_format = #tpu.pack_format<interleaved>} : vector<32xbf16> -> vector<16xf32>
        %parallel_loop3A_403 = tpu.unpack_subelements %parallel_loop3A_397, 1 {pack_format = #tpu.pack_format<interleaved>} : vector<32xbf16> -> vector<16xf32>
        %parallel_loop3A_404 = tpu.unpack_subelements %parallel_loop3A_401, 0 {pack_format = #tpu.pack_format<interleaved>} : vector<32xbf16> -> vector<16xf32>
        %parallel_loop3A_405 = tpu.unpack_subelements %parallel_loop3A_401, 1 {pack_format = #tpu.pack_format<interleaved>} : vector<32xbf16> -> vector<16xf32>
        %parallel_loop3A_406 = arith.addf %parallel_loop3A_402, %parallel_loop3A_404 : vector<16xf32>
        %parallel_loop3A_407 = arith.constant 2.000000e-01 : f32
        %parallel_loop3A_408 = vector.broadcast %parallel_loop3A_407 : f32 to vector<16xf32>
        %parallel_loop3A_409 = arith.mulf %parallel_loop3A_408, %parallel_loop3A_406 : vector<16xf32>
        %parallel_loop3A_410 = arith.maximumf %parallel_loop3A_406, %parallel_loop3A_409 : vector<16xf32>
        %parallel_loop3A_411 = arith.mulf %parallel_loop3A_410, %get3A_42 : vector<16xf32>
        %parallel_loop3A_412 = arith.addf %parallel_loop3A_393, %parallel_loop3A_411 : vector<16xf32>
        %parallel_loop3A_413 = arith.addf %parallel_loop3A_403, %parallel_loop3A_405 : vector<16xf32>
        %parallel_loop3A_414 = arith.constant 2.000000e-01 : f32
        %parallel_loop3A_415 = vector.broadcast %parallel_loop3A_414 : f32 to vector<16xf32>
        %parallel_loop3A_416 = arith.mulf %parallel_loop3A_415, %parallel_loop3A_413 : vector<16xf32>
        %parallel_loop3A_417 = arith.maximumf %parallel_loop3A_413, %parallel_loop3A_416 : vector<16xf32>
        %parallel_loop3A_418 = arith.mulf %parallel_loop3A_417, %get3A_46 : vector<16xf32>
        %parallel_loop3A_419 = arith.addf %parallel_loop3A_412, %parallel_loop3A_418 : vector<16xf32>
        %parallel_loop3A_420 = arith.constant true
        %parallel_loop3A_421 = vector.broadcast %parallel_loop3A_420 : i1 to vector<16xi1>
        %parallel_loop3A_422 = tpu.scan <sum>, %parallel_loop3A_419 masked %parallel_loop3A_421 : vector<16xf32>, vector<16xi1> -> vector<16xf32>
        %parallel_loop3A_423 = vector.extract %parallel_loop3A_422[15] : f32 from vector<16xf32>
        %parallel_loop3A_424 = vector.broadcast %parallel_loop3A_423 : f32 to vector<16xf32>
        %parallel_loop3A_425 = math.exp %parallel_loop3A_424 : vector<16xf32>
        %parallel_loop3A_426 = arith.mulf %parallel_loop3A_425, %parallel_loop3A_377 : vector<16xf32>
        %parallel_loop3A_427 = arith.index_cast %parallel_loop3A_216 : i32 to index
        %parallel_loop3A_428 = arith.constant 128 : index
        %parallel_loop3A_429 = tpu.vector_load %arg16[%parallel_loop3A_427, %parallel_loop3A_428] {strides = array<i32>} : memref<64x384xf32, #tpu.memory_space<vmem>>, vector<16xf32>,
        tpu.vector_store %arg16[%parallel_loop3A_427, %parallel_loop3A_428], %parallel_loop3A_426 {strides = array<i32>} : memref<64x384xf32, #tpu.memory_space<vmem>>, vector<16xf32>,
        %parallel_loop3A_430 = arith.mulf %parallel_loop3A_425, %parallel_loop3A_378 : vector<16xf32>
        %parallel_loop3A_431 = arith.index_cast %parallel_loop3A_216 : i32 to index
        %parallel_loop3A_432 = arith.constant 144 : index
        %parallel_loop3A_433 = tpu.vector_load %arg16[%parallel_loop3A_431, %parallel_loop3A_432] {strides = array<i32>} : memref<64x384xf32, #tpu.memory_space<vmem>>, vector<16xf32>,
        tpu.vector_store %arg16[%parallel_loop3A_431, %parallel_loop3A_432], %parallel_loop3A_430 {strides = array<i32>} : memref<64x384xf32, #tpu.memory_space<vmem>>, vector<16xf32>,
        %parallel_loop3A_434 = arith.mulf %parallel_loop3A_425, %parallel_loop3A_402 : vector<16xf32>
        %parallel_loop3A_435 = arith.index_cast %parallel_loop3A_216 : i32 to index
        %parallel_loop3A_436 = arith.constant 160 : index
        %parallel_loop3A_437 = tpu.vector_load %arg16[%parallel_loop3A_435, %parallel_loop3A_436] {strides = array<i32>} : memref<64x384xf32, #tpu.memory_space<vmem>>, vector<16xf32>,
        tpu.vector_store %arg16[%parallel_loop3A_435, %parallel_loop3A_436], %parallel_loop3A_434 {strides = array<i32>} : memref<64x384xf32, #tpu.memory_space<vmem>>, vector<16xf32>,
        %parallel_loop3A_438 = arith.mulf %parallel_loop3A_425, %parallel_loop3A_403 : vector<16xf32>
        %parallel_loop3A_439 = arith.index_cast %parallel_loop3A_216 : i32 to index
        %parallel_loop3A_440 = arith.constant 176 : index
        %parallel_loop3A_441 = tpu.vector_load %arg16[%parallel_loop3A_439, %parallel_loop3A_440] {strides = array<i32>} : memref<64x384xf32, #tpu.memory_space<vmem>>, vector<16xf32>,
        tpu.vector_store %arg16[%parallel_loop3A_439, %parallel_loop3A_440], %parallel_loop3A_438 {strides = array<i32>} : memref<64x384xf32, #tpu.memory_space<vmem>>, vector<16xf32>,
        %parallel_loop3A_442 = arith.mulf %parallel_loop3A_425, %convert_element_type3A_75 : vector<16xf32>
        %parallel_loop3A_443 = arith.addf %parallel_loop3A_368, %parallel_loop3A_442 : vector<16xf32>
        %parallel_loop3A_444 = arith.index_cast %parallel_loop3A_216 : i32 to index
        %parallel_loop3A_445 = arith.constant 96 : index
        %parallel_loop3A_446 = tpu.vector_load %arg12[%parallel_loop3A_444, %parallel_loop3A_445] {strides = array<i32>} : memref<64x128xi32, #tpu.memory_space<vmem>>, vector<16xi32>,
        %parallel_loop3A_447 = vector.bitcast %parallel_loop3A_446 : vector<16xi32> to vector<32xbf16>
        %parallel_loop3A_448 = arith.index_cast %parallel_loop3A_216 : i32 to index
        %parallel_loop3A_449 = arith.constant 96 : index
        %parallel_loop3A_450 = tpu.vector_load %arg13[%parallel_loop3A_448, %parallel_loop3A_449] {strides = array<i32>} : memref<64x128xi32, #tpu.memory_space<vmem>>, vector<16xi32>,
        %parallel_loop3A_451 = vector.bitcast %parallel_loop3A_450 : vector<16xi32> to vector<32xbf16>
        %parallel_loop3A_452 = tpu.unpack_subelements %parallel_loop3A_447, 0 {pack_format = #tpu.pack_format<interleaved>} : vector<32xbf16> -> vector<16xf32>
        %parallel_loop3A_453 = tpu.unpack_subelements %parallel_loop3A_447, 1 {pack_format = #tpu.pack_format<interleaved>} : vector<32xbf16> -> vector<16xf32>
        %parallel_loop3A_454 = tpu.unpack_subelements %parallel_loop3A_451, 0 {pack_format = #tpu.pack_format<interleaved>} : vector<32xbf16> -> vector<16xf32>
        %parallel_loop3A_455 = tpu.unpack_subelements %parallel_loop3A_451, 1 {pack_format = #tpu.pack_format<interleaved>} : vector<32xbf16> -> vector<16xf32>
        %parallel_loop3A_456 = arith.addf %parallel_loop3A_452, %parallel_loop3A_454 : vector<16xf32>
        %parallel_loop3A_457 = arith.constant 2.000000e-01 : f32
        %parallel_loop3A_458 = vector.broadcast %parallel_loop3A_457 : f32 to vector<16xf32>
        %parallel_loop3A_459 = arith.mulf %parallel_loop3A_458, %parallel_loop3A_456 : vector<16xf32>
        %parallel_loop3A_460 = arith.maximumf %parallel_loop3A_456, %parallel_loop3A_459 : vector<16xf32>
        %parallel_loop3A_461 = arith.mulf %parallel_loop3A_460, %get3A_50 : vector<16xf32>
        %parallel_loop3A_462 = arith.addf %parallel_loop3A_453, %parallel_loop3A_455 : vector<16xf32>
        %parallel_loop3A_463 = arith.constant 2.000000e-01 : f32
        %parallel_loop3A_464 = vector.broadcast %parallel_loop3A_463 : f32 to vector<16xf32>
        %parallel_loop3A_465 = arith.mulf %parallel_loop3A_464, %parallel_loop3A_462 : vector<16xf32>
        %parallel_loop3A_466 = arith.maximumf %parallel_loop3A_462, %parallel_loop3A_465 : vector<16xf32>
        %parallel_loop3A_467 = arith.mulf %parallel_loop3A_466, %get3A_54 : vector<16xf32>
        %parallel_loop3A_468 = arith.addf %parallel_loop3A_461, %parallel_loop3A_467 : vector<16xf32>
        %parallel_loop3A_469 = arith.index_cast %parallel_loop3A_216 : i32 to index
        %parallel_loop3A_470 = arith.constant 112 : index
        %parallel_loop3A_471 = tpu.vector_load %arg12[%parallel_loop3A_469, %parallel_loop3A_470] {strides = array<i32>} : memref<64x128xi32, #tpu.memory_space<vmem>>, vector<16xi32>,
        %parallel_loop3A_472 = vector.bitcast %parallel_loop3A_471 : vector<16xi32> to vector<32xbf16>
        %parallel_loop3A_473 = arith.index_cast %parallel_loop3A_216 : i32 to index
        %parallel_loop3A_474 = arith.constant 112 : index
        %parallel_loop3A_475 = tpu.vector_load %arg13[%parallel_loop3A_473, %parallel_loop3A_474] {strides = array<i32>} : memref<64x128xi32, #tpu.memory_space<vmem>>, vector<16xi32>,
        %parallel_loop3A_476 = vector.bitcast %parallel_loop3A_475 : vector<16xi32> to vector<32xbf16>
        %parallel_loop3A_477 = tpu.unpack_subelements %parallel_loop3A_472, 0 {pack_format = #tpu.pack_format<interleaved>} : vector<32xbf16> -> vector<16xf32>
        %parallel_loop3A_478 = tpu.unpack_subelements %parallel_loop3A_472, 1 {pack_format = #tpu.pack_format<interleaved>} : vector<32xbf16> -> vector<16xf32>
        %parallel_loop3A_479 = tpu.unpack_subelements %parallel_loop3A_476, 0 {pack_format = #tpu.pack_format<interleaved>} : vector<32xbf16> -> vector<16xf32>
        %parallel_loop3A_480 = tpu.unpack_subelements %parallel_loop3A_476, 1 {pack_format = #tpu.pack_format<interleaved>} : vector<32xbf16> -> vector<16xf32>
        %parallel_loop3A_481 = arith.addf %parallel_loop3A_477, %parallel_loop3A_479 : vector<16xf32>
        %parallel_loop3A_482 = arith.constant 2.000000e-01 : f32
        %parallel_loop3A_483 = vector.broadcast %parallel_loop3A_482 : f32 to vector<16xf32>
        %parallel_loop3A_484 = arith.mulf %parallel_loop3A_483, %parallel_loop3A_481 : vector<16xf32>
        %parallel_loop3A_485 = arith.maximumf %parallel_loop3A_481, %parallel_loop3A_484 : vector<16xf32>
        %parallel_loop3A_486 = arith.mulf %parallel_loop3A_485, %get3A_58 : vector<16xf32>
        %parallel_loop3A_487 = arith.addf %parallel_loop3A_468, %parallel_loop3A_486 : vector<16xf32>
        %parallel_loop3A_488 = arith.addf %parallel_loop3A_478, %parallel_loop3A_480 : vector<16xf32>
        %parallel_loop3A_489 = arith.constant 2.000000e-01 : f32
        %parallel_loop3A_490 = vector.broadcast %parallel_loop3A_489 : f32 to vector<16xf32>
        %parallel_loop3A_491 = arith.mulf %parallel_loop3A_490, %parallel_loop3A_488 : vector<16xf32>
        %parallel_loop3A_492 = arith.maximumf %parallel_loop3A_488, %parallel_loop3A_491 : vector<16xf32>
        %parallel_loop3A_493 = arith.mulf %parallel_loop3A_492, %get3A_62 : vector<16xf32>
        %parallel_loop3A_494 = arith.addf %parallel_loop3A_487, %parallel_loop3A_493 : vector<16xf32>
        %parallel_loop3A_495 = arith.constant true
        %parallel_loop3A_496 = vector.broadcast %parallel_loop3A_495 : i1 to vector<16xi1>
        %parallel_loop3A_497 = tpu.scan <sum>, %parallel_loop3A_494 masked %parallel_loop3A_496 : vector<16xf32>, vector<16xi1> -> vector<16xf32>
        %parallel_loop3A_498 = vector.extract %parallel_loop3A_497[15] : f32 from vector<16xf32>
        %parallel_loop3A_499 = vector.broadcast %parallel_loop3A_498 : f32 to vector<16xf32>
        %parallel_loop3A_500 = math.exp %parallel_loop3A_499 : vector<16xf32>
        %parallel_loop3A_501 = arith.mulf %parallel_loop3A_500, %parallel_loop3A_452 : vector<16xf32>
        %parallel_loop3A_502 = arith.index_cast %parallel_loop3A_216 : i32 to index
        %parallel_loop3A_503 = arith.constant 192 : index
        %parallel_loop3A_504 = tpu.vector_load %arg16[%parallel_loop3A_502, %parallel_loop3A_503] {strides = array<i32>} : memref<64x384xf32, #tpu.memory_space<vmem>>, vector<16xf32>,
        tpu.vector_store %arg16[%parallel_loop3A_502, %parallel_loop3A_503], %parallel_loop3A_501 {strides = array<i32>} : memref<64x384xf32, #tpu.memory_space<vmem>>, vector<16xf32>,
        %parallel_loop3A_505 = arith.mulf %parallel_loop3A_500, %parallel_loop3A_453 : vector<16xf32>
        %parallel_loop3A_506 = arith.index_cast %parallel_loop3A_216 : i32 to index
        %parallel_loop3A_507 = arith.constant 208 : index
        %parallel_loop3A_508 = tpu.vector_load %arg16[%parallel_loop3A_506, %parallel_loop3A_507] {strides = array<i32>} : memref<64x384xf32, #tpu.memory_space<vmem>>, vector<16xf32>,
        tpu.vector_store %arg16[%parallel_loop3A_506, %parallel_loop3A_507], %parallel_loop3A_505 {strides = array<i32>} : memref<64x384xf32, #tpu.memory_space<vmem>>, vector<16xf32>,
        %parallel_loop3A_509 = arith.mulf %parallel_loop3A_500, %parallel_loop3A_477 : vector<16xf32>
        %parallel_loop3A_510 = arith.index_cast %parallel_loop3A_216 : i32 to index
        %parallel_loop3A_511 = arith.constant 224 : index
        %parallel_loop3A_512 = tpu.vector_load %arg16[%parallel_loop3A_510, %parallel_loop3A_511] {strides = array<i32>} : memref<64x384xf32, #tpu.memory_space<vmem>>, vector<16xf32>,
        tpu.vector_store %arg16[%parallel_loop3A_510, %parallel_loop3A_511], %parallel_loop3A_509 {strides = array<i32>} : memref<64x384xf32, #tpu.memory_space<vmem>>, vector<16xf32>,
        %parallel_loop3A_513 = arith.mulf %parallel_loop3A_500, %parallel_loop3A_478 : vector<16xf32>
        %parallel_loop3A_514 = arith.index_cast %parallel_loop3A_216 : i32 to index
        %parallel_loop3A_515 = arith.constant 240 : index
        %parallel_loop3A_516 = tpu.vector_load %arg16[%parallel_loop3A_514, %parallel_loop3A_515] {strides = array<i32>} : memref<64x384xf32, #tpu.memory_space<vmem>>, vector<16xf32>,
        tpu.vector_store %arg16[%parallel_loop3A_514, %parallel_loop3A_515], %parallel_loop3A_513 {strides = array<i32>} : memref<64x384xf32, #tpu.memory_space<vmem>>, vector<16xf32>,
        %parallel_loop3A_517 = arith.mulf %parallel_loop3A_500, %convert_element_type3A_80 : vector<16xf32>
        %parallel_loop3A_518 = arith.addf %parallel_loop3A_443, %parallel_loop3A_517 : vector<16xf32>
        %parallel_loop3A_519 = arith.index_cast %parallel_loop3A_216 : i32 to index
        %parallel_loop3A_520 = arith.constant 256 : index
        %parallel_loop3A_521 = tpu.vector_load %arg16[%parallel_loop3A_519, %parallel_loop3A_520] {strides = array<i32>} : memref<64x384xf32, #tpu.memory_space<vmem>>, vector<16xf32>,
        tpu.vector_store %arg16[%parallel_loop3A_519, %parallel_loop3A_520], %parallel_loop3A_518 {strides = array<i32>} : memref<64x384xf32, #tpu.memory_space<vmem>>, vector<16xf32>,
      } {sc.loop_unroll_factor = 4 : i64, sc.parallel_access}
      %dma_start3A_164 = arith.constant 0 : i32
      %dma_start3A_165 = tpu.memref_slice %arg11[%add3A_132, %dma_start3A_164] : memref<176x128xi32, #tpu.memory_space<vmem>> -> memref<1x64xi32, #tpu.memory_space<vmem>>
      %dma_start3A_166 = tpu.memref_squeeze %dma_start3A_165 : memref<1x64xi32, #tpu.memory_space<vmem>> -> memref<64xi32, #tpu.memory_space<vmem>>
      %dma_start3A_167 = arith.constant 0 : i32
      %dma_start3A_168 = arith.constant 0 : i32
      %dma_start3A_169 = tpu.memref_slice %arg8[%dma_start3A_167, %dma_start3A_168] : memref<20480x384xf32, #tpu.memory_space<hbm>> -> memref<20480x384xf32, #tpu.memory_space<hbm>>
      tpu.enqueue_indirect_dma source(%arg16 : memref<64x384xf32, #tpu.memory_space<vmem>>) target(%dma_start3A_169 : memref<20480x384xf32, #tpu.memory_space<hbm>>) offsets(%dma_start3A_166 : memref<64xi32, #tpu.memory_space<vmem>>) semaphore(%arg19 : memref<!tpu.dma_semaphore, #tpu.memory_space<semaphore_mem>>) {add = true}
      %add3A_170 = arith.constant 2 : i32
      %add3A_171 = arith.addi %add3A_132, %add3A_170 : i32
      %dma_start3A_172 = arith.constant 0 : i32
      %dma_start3A_173 = tpu.memref_slice %arg10[%add3A_171, %dma_start3A_172] : memref<176x128xi32, #tpu.memory_space<vmem>> -> memref<1x64xi32, #tpu.memory_space<vmem>>
      %dma_start3A_174 = tpu.memref_squeeze %dma_start3A_173 : memref<1x64xi32, #tpu.memory_space<vmem>> -> memref<64xi32, #tpu.memory_space<vmem>>
      %dma_start3A_175 = arith.constant 0 : i32
      %dma_start3A_176 = arith.constant 0 : i32
      %dma_start3A_177 = tpu.memref_slice %arg2[%dma_start3A_175, %dma_start3A_176] : memref<20480x128xi32, #tpu.memory_space<hbm>> -> memref<20480x128xi32, #tpu.memory_space<hbm>>
      tpu.enqueue_indirect_dma source(%dma_start3A_177 : memref<20480x128xi32, #tpu.memory_space<hbm>>) target(%arg12 : memref<64x128xi32, #tpu.memory_space<vmem>>) offsets(%dma_start3A_174 : memref<64xi32, #tpu.memory_space<vmem>>) semaphore(%arg17 : memref<!tpu.dma_semaphore, #tpu.memory_space<semaphore_mem>>)
      %dma_start3A_178 = arith.constant 0 : i32
      %dma_start3A_179 = tpu.memref_slice %arg11[%add3A_171, %dma_start3A_178] : memref<176x128xi32, #tpu.memory_space<vmem>> -> memref<1x64xi32, #tpu.memory_space<vmem>>
      %dma_start3A_180 = tpu.memref_squeeze %dma_start3A_179 : memref<1x64xi32, #tpu.memory_space<vmem>> -> memref<64xi32, #tpu.memory_space<vmem>>
      %dma_start3A_181 = arith.constant 0 : i32
      %dma_start3A_182 = arith.constant 0 : i32
      %dma_start3A_183 = tpu.memref_slice %arg3[%dma_start3A_181, %dma_start3A_182] : memref<20480x128xi32, #tpu.memory_space<hbm>> -> memref<20480x128xi32, #tpu.memory_space<hbm>>
      tpu.enqueue_indirect_dma source(%dma_start3A_183 : memref<20480x128xi32, #tpu.memory_space<hbm>>) target(%arg13 : memref<64x128xi32, #tpu.memory_space<vmem>>) offsets(%dma_start3A_180 : memref<64xi32, #tpu.memory_space<vmem>>) semaphore(%arg17 : memref<!tpu.dma_semaphore, #tpu.memory_space<semaphore_mem>>)
      %add3A_184 = arith.constant 1 : i32
      %add3A_185 = arith.addi %add3A_132, %add3A_184 : i32
      %dma_wait3A_186 = arith.constant 0 : i32
      %dma_wait3A_187 = tpu.memref_slice %arg10[%add3A_185, %dma_wait3A_186] : memref<176x128xi32, #tpu.memory_space<vmem>> -> memref<1x64xi32, #tpu.memory_space<vmem>>
      %dma_wait3A_188 = tpu.memref_squeeze %dma_wait3A_187 : memref<1x64xi32, #tpu.memory_space<vmem>> -> memref<64xi32, #tpu.memory_space<vmem>>
      %dma_wait3A_189 = arith.constant 0 : i32
      %dma_wait3A_190 = arith.constant 0 : i32
      %dma_wait3A_191 = tpu.memref_slice %arg2[%dma_wait3A_189, %dma_wait3A_190] : memref<20480x128xi32, #tpu.memory_space<hbm>> -> memref<20480x128xi32, #tpu.memory_space<hbm>>
      tpu.wait_indirect_dma semaphore(%arg18 : memref<!tpu.dma_semaphore, #tpu.memory_space<semaphore_mem>>) src(%dma_wait3A_191 : memref<20480x128xi32, #tpu.memory_space<hbm>>) dst(%arg14 : memref<64x128xi32, #tpu.memory_space<vmem>>)
      %dma_wait3A_192 = arith.constant 0 : i32
      %dma_wait3A_193 = tpu.memref_slice %arg11[%add3A_185, %dma_wait3A_192] : memref<176x128xi32, #tpu.memory_space<vmem>> -> memref<1x64xi32, #tpu.memory_space<vmem>>
      %dma_wait3A_194 = tpu.memref_squeeze %dma_wait3A_193 : memref<1x64xi32, #tpu.memory_space<vmem>> -> memref<64xi32, #tpu.memory_space<vmem>>
      %dma_wait3A_195 = arith.constant 0 : i32
      %dma_wait3A_196 = arith.constant 0 : i32
      %dma_wait3A_197 = tpu.memref_slice %arg3[%dma_wait3A_195, %dma_wait3A_196] : memref<20480x128xi32, #tpu.memory_space<hbm>> -> memref<20480x128xi32, #tpu.memory_space<hbm>>
      tpu.wait_indirect_dma semaphore(%arg18 : memref<!tpu.dma_semaphore, #tpu.memory_space<semaphore_mem>>) src(%dma_wait3A_197 : memref<20480x128xi32, #tpu.memory_space<hbm>>) dst(%arg15 : memref<64x128xi32, #tpu.memory_space<vmem>>)
      %dma_wait3A_198 = arith.constant 0 : i32
      %dma_wait3A_199 = arith.constant 0 : i32
      %dma_wait3A_200 = tpu.memref_slice %arg11[%dma_wait3A_198, %dma_wait3A_199] : memref<176x128xi32, #tpu.memory_space<vmem>> -> memref<1x64xi32, #tpu.memory_space<vmem>>
      %dma_wait3A_201 = tpu.memref_squeeze %dma_wait3A_200 : memref<1x64xi32, #tpu.memory_space<vmem>> -> memref<64xi32, #tpu.memory_space<vmem>>
      %dma_wait3A_202 = arith.constant 0 : i32
      %dma_wait3A_203 = arith.constant 0 : i32
      %dma_wait3A_204 = tpu.memref_slice %arg8[%dma_wait3A_202, %dma_wait3A_203] : memref<20480x384xf32, #tpu.memory_space<hbm>> -> memref<20480x384xf32, #tpu.memory_space<hbm>>
      tpu.wait_indirect_dma semaphore(%arg19 : memref<!tpu.dma_semaphore, #tpu.memory_space<semaphore_mem>>) src(%arg16 : memref<64x384xf32, #tpu.memory_space<vmem>>) dst(%dma_wait3A_204 : memref<20480x384xf32, #tpu.memory_space<hbm>>)
      %parallel_loop3A_205 = arith.constant 0 : i32
      %parallel_loop3A_206 = arith.constant 64 : i32
      %parallel_loop3A_207 = arith.constant 1 : i32
      scf.for %parallel_loop3A_216 = %parallel_loop3A_205 to %parallel_loop3A_206 step %parallel_loop3A_207  : i32 {
        %parallel_loop3A_217 = arith.constant 0.000000e+00 : f32
        %parallel_loop3A_218 = vector.broadcast %parallel_loop3A_217 : f32 to vector<16xf32>
        %parallel_loop3A_219 = arith.index_cast %parallel_loop3A_216 : i32 to index
        %parallel_loop3A_220 = arith.constant 0 : index
        %parallel_loop3A_221 = tpu.vector_load %arg14[%parallel_loop3A_219, %parallel_loop3A_220] {strides = array<i32>} : memref<64x128xi32, #tpu.memory_space<vmem>>, vector<16xi32>,
        %parallel_loop3A_222 = vector.bitcast %parallel_loop3A_221 : vector<16xi32> to vector<32xbf16>
        %parallel_loop3A_223 = arith.index_cast %parallel_loop3A_216 : i32 to index
        %parallel_loop3A_224 = arith.constant 0 : index
        %parallel_loop3A_225 = tpu.vector_load %arg15[%parallel_loop3A_223, %parallel_loop3A_224] {strides = array<i32>} : memref<64x128xi32, #tpu.memory_space<vmem>>, vector<16xi32>,
        %parallel_loop3A_226 = vector.bitcast %parallel_loop3A_225 : vector<16xi32> to vector<32xbf16>
        %parallel_loop3A_227 = tpu.unpack_subelements %parallel_loop3A_222, 0 {pack_format = #tpu.pack_format<interleaved>} : vector<32xbf16> -> vector<16xf32>
        %parallel_loop3A_228 = tpu.unpack_subelements %parallel_loop3A_222, 1 {pack_format = #tpu.pack_format<interleaved>} : vector<32xbf16> -> vector<16xf32>
        %parallel_loop3A_229 = tpu.unpack_subelements %parallel_loop3A_226, 0 {pack_format = #tpu.pack_format<interleaved>} : vector<32xbf16> -> vector<16xf32>
        %parallel_loop3A_230 = tpu.unpack_subelements %parallel_loop3A_226, 1 {pack_format = #tpu.pack_format<interleaved>} : vector<32xbf16> -> vector<16xf32>
        %parallel_loop3A_231 = arith.addf %parallel_loop3A_227, %parallel_loop3A_229 : vector<16xf32>
        %parallel_loop3A_232 = arith.constant 2.000000e-01 : f32
        %parallel_loop3A_233 = vector.broadcast %parallel_loop3A_232 : f32 to vector<16xf32>
        %parallel_loop3A_234 = arith.mulf %parallel_loop3A_233, %parallel_loop3A_231 : vector<16xf32>
        %parallel_loop3A_235 = arith.maximumf %parallel_loop3A_231, %parallel_loop3A_234 : vector<16xf32>
        %parallel_loop3A_236 = arith.mulf %parallel_loop3A_235, %get3A_2 : vector<16xf32>
        %parallel_loop3A_237 = arith.addf %parallel_loop3A_228, %parallel_loop3A_230 : vector<16xf32>
        %parallel_loop3A_238 = arith.constant 2.000000e-01 : f32
        %parallel_loop3A_239 = vector.broadcast %parallel_loop3A_238 : f32 to vector<16xf32>
        %parallel_loop3A_240 = arith.mulf %parallel_loop3A_239, %parallel_loop3A_237 : vector<16xf32>
        %parallel_loop3A_241 = arith.maximumf %parallel_loop3A_237, %parallel_loop3A_240 : vector<16xf32>
        %parallel_loop3A_242 = arith.mulf %parallel_loop3A_241, %get3A_6 : vector<16xf32>
        %parallel_loop3A_243 = arith.addf %parallel_loop3A_236, %parallel_loop3A_242 : vector<16xf32>
        %parallel_loop3A_244 = arith.index_cast %parallel_loop3A_216 : i32 to index
        %parallel_loop3A_245 = arith.constant 16 : index
        %parallel_loop3A_246 = tpu.vector_load %arg14[%parallel_loop3A_244, %parallel_loop3A_245] {strides = array<i32>} : memref<64x128xi32, #tpu.memory_space<vmem>>, vector<16xi32>,
        %parallel_loop3A_247 = vector.bitcast %parallel_loop3A_246 : vector<16xi32> to vector<32xbf16>
        %parallel_loop3A_248 = arith.index_cast %parallel_loop3A_216 : i32 to index
        %parallel_loop3A_249 = arith.constant 16 : index
        %parallel_loop3A_250 = tpu.vector_load %arg15[%parallel_loop3A_248, %parallel_loop3A_249] {strides = array<i32>} : memref<64x128xi32, #tpu.memory_space<vmem>>, vector<16xi32>,
        %parallel_loop3A_251 = vector.bitcast %parallel_loop3A_250 : vector<16xi32> to vector<32xbf16>
        %parallel_loop3A_252 = tpu.unpack_subelements %parallel_loop3A_247, 0 {pack_format = #tpu.pack_format<interleaved>} : vector<32xbf16> -> vector<16xf32>
        %parallel_loop3A_253 = tpu.unpack_subelements %parallel_loop3A_247, 1 {pack_format = #tpu.pack_format<interleaved>} : vector<32xbf16> -> vector<16xf32>
        %parallel_loop3A_254 = tpu.unpack_subelements %parallel_loop3A_251, 0 {pack_format = #tpu.pack_format<interleaved>} : vector<32xbf16> -> vector<16xf32>
        %parallel_loop3A_255 = tpu.unpack_subelements %parallel_loop3A_251, 1 {pack_format = #tpu.pack_format<interleaved>} : vector<32xbf16> -> vector<16xf32>
        %parallel_loop3A_256 = arith.addf %parallel_loop3A_252, %parallel_loop3A_254 : vector<16xf32>
        %parallel_loop3A_257 = arith.constant 2.000000e-01 : f32
        %parallel_loop3A_258 = vector.broadcast %parallel_loop3A_257 : f32 to vector<16xf32>
        %parallel_loop3A_259 = arith.mulf %parallel_loop3A_258, %parallel_loop3A_256 : vector<16xf32>
        %parallel_loop3A_260 = arith.maximumf %parallel_loop3A_256, %parallel_loop3A_259 : vector<16xf32>
        %parallel_loop3A_261 = arith.mulf %parallel_loop3A_260, %get3A_10 : vector<16xf32>
        %parallel_loop3A_262 = arith.addf %parallel_loop3A_243, %parallel_loop3A_261 : vector<16xf32>
        %parallel_loop3A_263 = arith.addf %parallel_loop3A_253, %parallel_loop3A_255 : vector<16xf32>
        %parallel_loop3A_264 = arith.constant 2.000000e-01 : f32
        %parallel_loop3A_265 = vector.broadcast %parallel_loop3A_264 : f32 to vector<16xf32>
        %parallel_loop3A_266 = arith.mulf %parallel_loop3A_265, %parallel_loop3A_263 : vector<16xf32>
        %parallel_loop3A_267 = arith.maximumf %parallel_loop3A_263, %parallel_loop3A_266 : vector<16xf32>
        %parallel_loop3A_268 = arith.mulf %parallel_loop3A_267, %get3A_14 : vector<16xf32>
        %parallel_loop3A_269 = arith.addf %parallel_loop3A_262, %parallel_loop3A_268 : vector<16xf32>
        %parallel_loop3A_270 = arith.constant true
        %parallel_loop3A_271 = vector.broadcast %parallel_loop3A_270 : i1 to vector<16xi1>
        %parallel_loop3A_272 = tpu.scan <sum>, %parallel_loop3A_269 masked %parallel_loop3A_271 : vector<16xf32>, vector<16xi1> -> vector<16xf32>
        %parallel_loop3A_273 = vector.extract %parallel_loop3A_272[15] : f32 from vector<16xf32>
        %parallel_loop3A_274 = vector.broadcast %parallel_loop3A_273 : f32 to vector<16xf32>
        %parallel_loop3A_275 = math.exp %parallel_loop3A_274 : vector<16xf32>
        %parallel_loop3A_276 = arith.mulf %parallel_loop3A_275, %parallel_loop3A_227 : vector<16xf32>
        %parallel_loop3A_277 = arith.index_cast %parallel_loop3A_216 : i32 to index
        %parallel_loop3A_278 = arith.constant 0 : index
        %parallel_loop3A_279 = tpu.vector_load %arg16[%parallel_loop3A_277, %parallel_loop3A_278] {strides = array<i32>} : memref<64x384xf32, #tpu.memory_space<vmem>>, vector<16xf32>,
        tpu.vector_store %arg16[%parallel_loop3A_277, %parallel_loop3A_278], %parallel_loop3A_276 {strides = array<i32>} : memref<64x384xf32, #tpu.memory_space<vmem>>, vector<16xf32>,
        %parallel_loop3A_280 = arith.mulf %parallel_loop3A_275, %parallel_loop3A_228 : vector<16xf32>
        %parallel_loop3A_281 = arith.index_cast %parallel_loop3A_216 : i32 to index
        %parallel_loop3A_282 = arith.constant 16 : index
        %parallel_loop3A_283 = tpu.vector_load %arg16[%parallel_loop3A_281, %parallel_loop3A_282] {strides = array<i32>} : memref<64x384xf32, #tpu.memory_space<vmem>>, vector<16xf32>,
        tpu.vector_store %arg16[%parallel_loop3A_281, %parallel_loop3A_282], %parallel_loop3A_280 {strides = array<i32>} : memref<64x384xf32, #tpu.memory_space<vmem>>, vector<16xf32>,
        %parallel_loop3A_284 = arith.mulf %parallel_loop3A_275, %parallel_loop3A_252 : vector<16xf32>
        %parallel_loop3A_285 = arith.index_cast %parallel_loop3A_216 : i32 to index
        %parallel_loop3A_286 = arith.constant 32 : index
        %parallel_loop3A_287 = tpu.vector_load %arg16[%parallel_loop3A_285, %parallel_loop3A_286] {strides = array<i32>} : memref<64x384xf32, #tpu.memory_space<vmem>>, vector<16xf32>,
        tpu.vector_store %arg16[%parallel_loop3A_285, %parallel_loop3A_286], %parallel_loop3A_284 {strides = array<i32>} : memref<64x384xf32, #tpu.memory_space<vmem>>, vector<16xf32>,
        %parallel_loop3A_288 = arith.mulf %parallel_loop3A_275, %parallel_loop3A_253 : vector<16xf32>
        %parallel_loop3A_289 = arith.index_cast %parallel_loop3A_216 : i32 to index
        %parallel_loop3A_290 = arith.constant 48 : index
        %parallel_loop3A_291 = tpu.vector_load %arg16[%parallel_loop3A_289, %parallel_loop3A_290] {strides = array<i32>} : memref<64x384xf32, #tpu.memory_space<vmem>>, vector<16xf32>,
        tpu.vector_store %arg16[%parallel_loop3A_289, %parallel_loop3A_290], %parallel_loop3A_288 {strides = array<i32>} : memref<64x384xf32, #tpu.memory_space<vmem>>, vector<16xf32>,
        %parallel_loop3A_292 = arith.mulf %parallel_loop3A_275, %convert_element_type3A_65 : vector<16xf32>
        %parallel_loop3A_293 = arith.addf %parallel_loop3A_218, %parallel_loop3A_292 : vector<16xf32>
        %parallel_loop3A_294 = arith.index_cast %parallel_loop3A_216 : i32 to index
        %parallel_loop3A_295 = arith.constant 32 : index
        %parallel_loop3A_296 = tpu.vector_load %arg14[%parallel_loop3A_294, %parallel_loop3A_295] {strides = array<i32>} : memref<64x128xi32, #tpu.memory_space<vmem>>, vector<16xi32>,
        %parallel_loop3A_297 = vector.bitcast %parallel_loop3A_296 : vector<16xi32> to vector<32xbf16>
        %parallel_loop3A_298 = arith.index_cast %parallel_loop3A_216 : i32 to index
        %parallel_loop3A_299 = arith.constant 32 : index
        %parallel_loop3A_300 = tpu.vector_load %arg15[%parallel_loop3A_298, %parallel_loop3A_299] {strides = array<i32>} : memref<64x128xi32, #tpu.memory_space<vmem>>, vector<16xi32>,
        %parallel_loop3A_301 = vector.bitcast %parallel_loop3A_300 : vector<16xi32> to vector<32xbf16>
        %parallel_loop3A_302 = tpu.unpack_subelements %parallel_loop3A_297, 0 {pack_format = #tpu.pack_format<interleaved>} : vector<32xbf16> -> vector<16xf32>
        %parallel_loop3A_303 = tpu.unpack_subelements %parallel_loop3A_297, 1 {pack_format = #tpu.pack_format<interleaved>} : vector<32xbf16> -> vector<16xf32>
        %parallel_loop3A_304 = tpu.unpack_subelements %parallel_loop3A_301, 0 {pack_format = #tpu.pack_format<interleaved>} : vector<32xbf16> -> vector<16xf32>
        %parallel_loop3A_305 = tpu.unpack_subelements %parallel_loop3A_301, 1 {pack_format = #tpu.pack_format<interleaved>} : vector<32xbf16> -> vector<16xf32>
        %parallel_loop3A_306 = arith.addf %parallel_loop3A_302, %parallel_loop3A_304 : vector<16xf32>
        %parallel_loop3A_307 = arith.constant 2.000000e-01 : f32
        %parallel_loop3A_308 = vector.broadcast %parallel_loop3A_307 : f32 to vector<16xf32>
        %parallel_loop3A_309 = arith.mulf %parallel_loop3A_308, %parallel_loop3A_306 : vector<16xf32>
        %parallel_loop3A_310 = arith.maximumf %parallel_loop3A_306, %parallel_loop3A_309 : vector<16xf32>
        %parallel_loop3A_311 = arith.mulf %parallel_loop3A_310, %get3A_18 : vector<16xf32>
        %parallel_loop3A_312 = arith.addf %parallel_loop3A_303, %parallel_loop3A_305 : vector<16xf32>
        %parallel_loop3A_313 = arith.constant 2.000000e-01 : f32
        %parallel_loop3A_314 = vector.broadcast %parallel_loop3A_313 : f32 to vector<16xf32>
        %parallel_loop3A_315 = arith.mulf %parallel_loop3A_314, %parallel_loop3A_312 : vector<16xf32>
        %parallel_loop3A_316 = arith.maximumf %parallel_loop3A_312, %parallel_loop3A_315 : vector<16xf32>
        %parallel_loop3A_317 = arith.mulf %parallel_loop3A_316, %get3A_22 : vector<16xf32>
        %parallel_loop3A_318 = arith.addf %parallel_loop3A_311, %parallel_loop3A_317 : vector<16xf32>
        %parallel_loop3A_319 = arith.index_cast %parallel_loop3A_216 : i32 to index
        %parallel_loop3A_320 = arith.constant 48 : index
        %parallel_loop3A_321 = tpu.vector_load %arg14[%parallel_loop3A_319, %parallel_loop3A_320] {strides = array<i32>} : memref<64x128xi32, #tpu.memory_space<vmem>>, vector<16xi32>,
        %parallel_loop3A_322 = vector.bitcast %parallel_loop3A_321 : vector<16xi32> to vector<32xbf16>
        %parallel_loop3A_323 = arith.index_cast %parallel_loop3A_216 : i32 to index
        %parallel_loop3A_324 = arith.constant 48 : index
        %parallel_loop3A_325 = tpu.vector_load %arg15[%parallel_loop3A_323, %parallel_loop3A_324] {strides = array<i32>} : memref<64x128xi32, #tpu.memory_space<vmem>>, vector<16xi32>,
        %parallel_loop3A_326 = vector.bitcast %parallel_loop3A_325 : vector<16xi32> to vector<32xbf16>
        %parallel_loop3A_327 = tpu.unpack_subelements %parallel_loop3A_322, 0 {pack_format = #tpu.pack_format<interleaved>} : vector<32xbf16> -> vector<16xf32>
        %parallel_loop3A_328 = tpu.unpack_subelements %parallel_loop3A_322, 1 {pack_format = #tpu.pack_format<interleaved>} : vector<32xbf16> -> vector<16xf32>
        %parallel_loop3A_329 = tpu.unpack_subelements %parallel_loop3A_326, 0 {pack_format = #tpu.pack_format<interleaved>} : vector<32xbf16> -> vector<16xf32>
        %parallel_loop3A_330 = tpu.unpack_subelements %parallel_loop3A_326, 1 {pack_format = #tpu.pack_format<interleaved>} : vector<32xbf16> -> vector<16xf32>
        %parallel_loop3A_331 = arith.addf %parallel_loop3A_327, %parallel_loop3A_329 : vector<16xf32>
        %parallel_loop3A_332 = arith.constant 2.000000e-01 : f32
        %parallel_loop3A_333 = vector.broadcast %parallel_loop3A_332 : f32 to vector<16xf32>
        %parallel_loop3A_334 = arith.mulf %parallel_loop3A_333, %parallel_loop3A_331 : vector<16xf32>
        %parallel_loop3A_335 = arith.maximumf %parallel_loop3A_331, %parallel_loop3A_334 : vector<16xf32>
        %parallel_loop3A_336 = arith.mulf %parallel_loop3A_335, %get3A_26 : vector<16xf32>
        %parallel_loop3A_337 = arith.addf %parallel_loop3A_318, %parallel_loop3A_336 : vector<16xf32>
        %parallel_loop3A_338 = arith.addf %parallel_loop3A_328, %parallel_loop3A_330 : vector<16xf32>
        %parallel_loop3A_339 = arith.constant 2.000000e-01 : f32
        %parallel_loop3A_340 = vector.broadcast %parallel_loop3A_339 : f32 to vector<16xf32>
        %parallel_loop3A_341 = arith.mulf %parallel_loop3A_340, %parallel_loop3A_338 : vector<16xf32>
        %parallel_loop3A_342 = arith.maximumf %parallel_loop3A_338, %parallel_loop3A_341 : vector<16xf32>
        %parallel_loop3A_343 = arith.mulf %parallel_loop3A_342, %get3A_30 : vector<16xf32>
        %parallel_loop3A_344 = arith.addf %parallel_loop3A_337, %parallel_loop3A_343 : vector<16xf32>
        %parallel_loop3A_345 = arith.constant true
        %parallel_loop3A_346 = vector.broadcast %parallel_loop3A_345 : i1 to vector<16xi1>
        %parallel_loop3A_347 = tpu.scan <sum>, %parallel_loop3A_344 masked %parallel_loop3A_346 : vector<16xf32>, vector<16xi1> -> vector<16xf32>
        %parallel_loop3A_348 = vector.extract %parallel_loop3A_347[15] : f32 from vector<16xf32>
        %parallel_loop3A_349 = vector.broadcast %parallel_loop3A_348 : f32 to vector<16xf32>
        %parallel_loop3A_350 = math.exp %parallel_loop3A_349 : vector<16xf32>
        %parallel_loop3A_351 = arith.mulf %parallel_loop3A_350, %parallel_loop3A_302 : vector<16xf32>
        %parallel_loop3A_352 = arith.index_cast %parallel_loop3A_216 : i32 to index
        %parallel_loop3A_353 = arith.constant 64 : index
        %parallel_loop3A_354 = tpu.vector_load %arg16[%parallel_loop3A_352, %parallel_loop3A_353] {strides = array<i32>} : memref<64x384xf32, #tpu.memory_space<vmem>>, vector<16xf32>,
        tpu.vector_store %arg16[%parallel_loop3A_352, %parallel_loop3A_353], %parallel_loop3A_351 {strides = array<i32>} : memref<64x384xf32, #tpu.memory_space<vmem>>, vector<16xf32>,
        %parallel_loop3A_355 = arith.mulf %parallel_loop3A_350, %parallel_loop3A_303 : vector<16xf32>
        %parallel_loop3A_356 = arith.index_cast %parallel_loop3A_216 : i32 to index
        %parallel_loop3A_357 = arith.constant 80 : index
        %parallel_loop3A_358 = tpu.vector_load %arg16[%parallel_loop3A_356, %parallel_loop3A_357] {strides = array<i32>} : memref<64x384xf32, #tpu.memory_space<vmem>>, vector<16xf32>,
        tpu.vector_store %arg16[%parallel_loop3A_356, %parallel_loop3A_357], %parallel_loop3A_355 {strides = array<i32>} : memref<64x384xf32, #tpu.memory_space<vmem>>, vector<16xf32>,
        %parallel_loop3A_359 = arith.mulf %parallel_loop3A_350, %parallel_loop3A_327 : vector<16xf32>
        %parallel_loop3A_360 = arith.index_cast %parallel_loop3A_216 : i32 to index
        %parallel_loop3A_361 = arith.constant 96 : index
        %parallel_loop3A_362 = tpu.vector_load %arg16[%parallel_loop3A_360, %parallel_loop3A_361] {strides = array<i32>} : memref<64x384xf32, #tpu.memory_space<vmem>>, vector<16xf32>,
        tpu.vector_store %arg16[%parallel_loop3A_360, %parallel_loop3A_361], %parallel_loop3A_359 {strides = array<i32>} : memref<64x384xf32, #tpu.memory_space<vmem>>, vector<16xf32>,
        %parallel_loop3A_363 = arith.mulf %parallel_loop3A_350, %parallel_loop3A_328 : vector<16xf32>
        %parallel_loop3A_364 = arith.index_cast %parallel_loop3A_216 : i32 to index
        %parallel_loop3A_365 = arith.constant 112 : index
        %parallel_loop3A_366 = tpu.vector_load %arg16[%parallel_loop3A_364, %parallel_loop3A_365] {strides = array<i32>} : memref<64x384xf32, #tpu.memory_space<vmem>>, vector<16xf32>,
        tpu.vector_store %arg16[%parallel_loop3A_364, %parallel_loop3A_365], %parallel_loop3A_363 {strides = array<i32>} : memref<64x384xf32, #tpu.memory_space<vmem>>, vector<16xf32>,
        %parallel_loop3A_367 = arith.mulf %parallel_loop3A_350, %convert_element_type3A_70 : vector<16xf32>
        %parallel_loop3A_368 = arith.addf %parallel_loop3A_293, %parallel_loop3A_367 : vector<16xf32>
        %parallel_loop3A_369 = arith.index_cast %parallel_loop3A_216 : i32 to index
        %parallel_loop3A_370 = arith.constant 64 : index
        %parallel_loop3A_371 = tpu.vector_load %arg14[%parallel_loop3A_369, %parallel_loop3A_370] {strides = array<i32>} : memref<64x128xi32, #tpu.memory_space<vmem>>, vector<16xi32>,
        %parallel_loop3A_372 = vector.bitcast %parallel_loop3A_371 : vector<16xi32> to vector<32xbf16>
        %parallel_loop3A_373 = arith.index_cast %parallel_loop3A_216 : i32 to index
        %parallel_loop3A_374 = arith.constant 64 : index
        %parallel_loop3A_375 = tpu.vector_load %arg15[%parallel_loop3A_373, %parallel_loop3A_374] {strides = array<i32>} : memref<64x128xi32, #tpu.memory_space<vmem>>, vector<16xi32>,
        %parallel_loop3A_376 = vector.bitcast %parallel_loop3A_375 : vector<16xi32> to vector<32xbf16>
        %parallel_loop3A_377 = tpu.unpack_subelements %parallel_loop3A_372, 0 {pack_format = #tpu.pack_format<interleaved>} : vector<32xbf16> -> vector<16xf32>
        %parallel_loop3A_378 = tpu.unpack_subelements %parallel_loop3A_372, 1 {pack_format = #tpu.pack_format<interleaved>} : vector<32xbf16> -> vector<16xf32>
        %parallel_loop3A_379 = tpu.unpack_subelements %parallel_loop3A_376, 0 {pack_format = #tpu.pack_format<interleaved>} : vector<32xbf16> -> vector<16xf32>
        %parallel_loop3A_380 = tpu.unpack_subelements %parallel_loop3A_376, 1 {pack_format = #tpu.pack_format<interleaved>} : vector<32xbf16> -> vector<16xf32>
        %parallel_loop3A_381 = arith.addf %parallel_loop3A_377, %parallel_loop3A_379 : vector<16xf32>
        %parallel_loop3A_382 = arith.constant 2.000000e-01 : f32
        %parallel_loop3A_383 = vector.broadcast %parallel_loop3A_382 : f32 to vector<16xf32>
        %parallel_loop3A_384 = arith.mulf %parallel_loop3A_383, %parallel_loop3A_381 : vector<16xf32>
        %parallel_loop3A_385 = arith.maximumf %parallel_loop3A_381, %parallel_loop3A_384 : vector<16xf32>
        %parallel_loop3A_386 = arith.mulf %parallel_loop3A_385, %get3A_34 : vector<16xf32>
        %parallel_loop3A_387 = arith.addf %parallel_loop3A_378, %parallel_loop3A_380 : vector<16xf32>
        %parallel_loop3A_388 = arith.constant 2.000000e-01 : f32
        %parallel_loop3A_389 = vector.broadcast %parallel_loop3A_388 : f32 to vector<16xf32>
        %parallel_loop3A_390 = arith.mulf %parallel_loop3A_389, %parallel_loop3A_387 : vector<16xf32>
        %parallel_loop3A_391 = arith.maximumf %parallel_loop3A_387, %parallel_loop3A_390 : vector<16xf32>
        %parallel_loop3A_392 = arith.mulf %parallel_loop3A_391, %get3A_38 : vector<16xf32>
        %parallel_loop3A_393 = arith.addf %parallel_loop3A_386, %parallel_loop3A_392 : vector<16xf32>
        %parallel_loop3A_394 = arith.index_cast %parallel_loop3A_216 : i32 to index
        %parallel_loop3A_395 = arith.constant 80 : index
        %parallel_loop3A_396 = tpu.vector_load %arg14[%parallel_loop3A_394, %parallel_loop3A_395] {strides = array<i32>} : memref<64x128xi32, #tpu.memory_space<vmem>>, vector<16xi32>,
        %parallel_loop3A_397 = vector.bitcast %parallel_loop3A_396 : vector<16xi32> to vector<32xbf16>
        %parallel_loop3A_398 = arith.index_cast %parallel_loop3A_216 : i32 to index
        %parallel_loop3A_399 = arith.constant 80 : index
        %parallel_loop3A_400 = tpu.vector_load %arg15[%parallel_loop3A_398, %parallel_loop3A_399] {strides = array<i32>} : memref<64x128xi32, #tpu.memory_space<vmem>>, vector<16xi32>,
        %parallel_loop3A_401 = vector.bitcast %parallel_loop3A_400 : vector<16xi32> to vector<32xbf16>
        %parallel_loop3A_402 = tpu.unpack_subelements %parallel_loop3A_397, 0 {pack_format = #tpu.pack_format<interleaved>} : vector<32xbf16> -> vector<16xf32>
        %parallel_loop3A_403 = tpu.unpack_subelements %parallel_loop3A_397, 1 {pack_format = #tpu.pack_format<interleaved>} : vector<32xbf16> -> vector<16xf32>
        %parallel_loop3A_404 = tpu.unpack_subelements %parallel_loop3A_401, 0 {pack_format = #tpu.pack_format<interleaved>} : vector<32xbf16> -> vector<16xf32>
        %parallel_loop3A_405 = tpu.unpack_subelements %parallel_loop3A_401, 1 {pack_format = #tpu.pack_format<interleaved>} : vector<32xbf16> -> vector<16xf32>
        %parallel_loop3A_406 = arith.addf %parallel_loop3A_402, %parallel_loop3A_404 : vector<16xf32>
        %parallel_loop3A_407 = arith.constant 2.000000e-01 : f32
        %parallel_loop3A_408 = vector.broadcast %parallel_loop3A_407 : f32 to vector<16xf32>
        %parallel_loop3A_409 = arith.mulf %parallel_loop3A_408, %parallel_loop3A_406 : vector<16xf32>
        %parallel_loop3A_410 = arith.maximumf %parallel_loop3A_406, %parallel_loop3A_409 : vector<16xf32>
        %parallel_loop3A_411 = arith.mulf %parallel_loop3A_410, %get3A_42 : vector<16xf32>
        %parallel_loop3A_412 = arith.addf %parallel_loop3A_393, %parallel_loop3A_411 : vector<16xf32>
        %parallel_loop3A_413 = arith.addf %parallel_loop3A_403, %parallel_loop3A_405 : vector<16xf32>
        %parallel_loop3A_414 = arith.constant 2.000000e-01 : f32
        %parallel_loop3A_415 = vector.broadcast %parallel_loop3A_414 : f32 to vector<16xf32>
        %parallel_loop3A_416 = arith.mulf %parallel_loop3A_415, %parallel_loop3A_413 : vector<16xf32>
        %parallel_loop3A_417 = arith.maximumf %parallel_loop3A_413, %parallel_loop3A_416 : vector<16xf32>
        %parallel_loop3A_418 = arith.mulf %parallel_loop3A_417, %get3A_46 : vector<16xf32>
        %parallel_loop3A_419 = arith.addf %parallel_loop3A_412, %parallel_loop3A_418 : vector<16xf32>
        %parallel_loop3A_420 = arith.constant true
        %parallel_loop3A_421 = vector.broadcast %parallel_loop3A_420 : i1 to vector<16xi1>
        %parallel_loop3A_422 = tpu.scan <sum>, %parallel_loop3A_419 masked %parallel_loop3A_421 : vector<16xf32>, vector<16xi1> -> vector<16xf32>
        %parallel_loop3A_423 = vector.extract %parallel_loop3A_422[15] : f32 from vector<16xf32>
        %parallel_loop3A_424 = vector.broadcast %parallel_loop3A_423 : f32 to vector<16xf32>
        %parallel_loop3A_425 = math.exp %parallel_loop3A_424 : vector<16xf32>
        %parallel_loop3A_426 = arith.mulf %parallel_loop3A_425, %parallel_loop3A_377 : vector<16xf32>
        %parallel_loop3A_427 = arith.index_cast %parallel_loop3A_216 : i32 to index
        %parallel_loop3A_428 = arith.constant 128 : index
        %parallel_loop3A_429 = tpu.vector_load %arg16[%parallel_loop3A_427, %parallel_loop3A_428] {strides = array<i32>} : memref<64x384xf32, #tpu.memory_space<vmem>>, vector<16xf32>,
        tpu.vector_store %arg16[%parallel_loop3A_427, %parallel_loop3A_428], %parallel_loop3A_426 {strides = array<i32>} : memref<64x384xf32, #tpu.memory_space<vmem>>, vector<16xf32>,
        %parallel_loop3A_430 = arith.mulf %parallel_loop3A_425, %parallel_loop3A_378 : vector<16xf32>
        %parallel_loop3A_431 = arith.index_cast %parallel_loop3A_216 : i32 to index
        %parallel_loop3A_432 = arith.constant 144 : index
        %parallel_loop3A_433 = tpu.vector_load %arg16[%parallel_loop3A_431, %parallel_loop3A_432] {strides = array<i32>} : memref<64x384xf32, #tpu.memory_space<vmem>>, vector<16xf32>,
        tpu.vector_store %arg16[%parallel_loop3A_431, %parallel_loop3A_432], %parallel_loop3A_430 {strides = array<i32>} : memref<64x384xf32, #tpu.memory_space<vmem>>, vector<16xf32>,
        %parallel_loop3A_434 = arith.mulf %parallel_loop3A_425, %parallel_loop3A_402 : vector<16xf32>
        %parallel_loop3A_435 = arith.index_cast %parallel_loop3A_216 : i32 to index
        %parallel_loop3A_436 = arith.constant 160 : index
        %parallel_loop3A_437 = tpu.vector_load %arg16[%parallel_loop3A_435, %parallel_loop3A_436] {strides = array<i32>} : memref<64x384xf32, #tpu.memory_space<vmem>>, vector<16xf32>,
        tpu.vector_store %arg16[%parallel_loop3A_435, %parallel_loop3A_436], %parallel_loop3A_434 {strides = array<i32>} : memref<64x384xf32, #tpu.memory_space<vmem>>, vector<16xf32>,
        %parallel_loop3A_438 = arith.mulf %parallel_loop3A_425, %parallel_loop3A_403 : vector<16xf32>
        %parallel_loop3A_439 = arith.index_cast %parallel_loop3A_216 : i32 to index
        %parallel_loop3A_440 = arith.constant 176 : index
        %parallel_loop3A_441 = tpu.vector_load %arg16[%parallel_loop3A_439, %parallel_loop3A_440] {strides = array<i32>} : memref<64x384xf32, #tpu.memory_space<vmem>>, vector<16xf32>,
        tpu.vector_store %arg16[%parallel_loop3A_439, %parallel_loop3A_440], %parallel_loop3A_438 {strides = array<i32>} : memref<64x384xf32, #tpu.memory_space<vmem>>, vector<16xf32>,
        %parallel_loop3A_442 = arith.mulf %parallel_loop3A_425, %convert_element_type3A_75 : vector<16xf32>
        %parallel_loop3A_443 = arith.addf %parallel_loop3A_368, %parallel_loop3A_442 : vector<16xf32>
        %parallel_loop3A_444 = arith.index_cast %parallel_loop3A_216 : i32 to index
        %parallel_loop3A_445 = arith.constant 96 : index
        %parallel_loop3A_446 = tpu.vector_load %arg14[%parallel_loop3A_444, %parallel_loop3A_445] {strides = array<i32>} : memref<64x128xi32, #tpu.memory_space<vmem>>, vector<16xi32>,
        %parallel_loop3A_447 = vector.bitcast %parallel_loop3A_446 : vector<16xi32> to vector<32xbf16>
        %parallel_loop3A_448 = arith.index_cast %parallel_loop3A_216 : i32 to index
        %parallel_loop3A_449 = arith.constant 96 : index
        %parallel_loop3A_450 = tpu.vector_load %arg15[%parallel_loop3A_448, %parallel_loop3A_449] {strides = array<i32>} : memref<64x128xi32, #tpu.memory_space<vmem>>, vector<16xi32>,
        %parallel_loop3A_451 = vector.bitcast %parallel_loop3A_450 : vector<16xi32> to vector<32xbf16>
        %parallel_loop3A_452 = tpu.unpack_subelements %parallel_loop3A_447, 0 {pack_format = #tpu.pack_format<interleaved>} : vector<32xbf16> -> vector<16xf32>
        %parallel_loop3A_453 = tpu.unpack_subelements %parallel_loop3A_447, 1 {pack_format = #tpu.pack_format<interleaved>} : vector<32xbf16> -> vector<16xf32>
        %parallel_loop3A_454 = tpu.unpack_subelements %parallel_loop3A_451, 0 {pack_format = #tpu.pack_format<interleaved>} : vector<32xbf16> -> vector<16xf32>
        %parallel_loop3A_455 = tpu.unpack_subelements %parallel_loop3A_451, 1 {pack_format = #tpu.pack_format<interleaved>} : vector<32xbf16> -> vector<16xf32>
        %parallel_loop3A_456 = arith.addf %parallel_loop3A_452, %parallel_loop3A_454 : vector<16xf32>
        %parallel_loop3A_457 = arith.constant 2.000000e-01 : f32
        %parallel_loop3A_458 = vector.broadcast %parallel_loop3A_457 : f32 to vector<16xf32>
        %parallel_loop3A_459 = arith.mulf %parallel_loop3A_458, %parallel_loop3A_456 : vector<16xf32>
        %parallel_loop3A_460 = arith.maximumf %parallel_loop3A_456, %parallel_loop3A_459 : vector<16xf32>
        %parallel_loop3A_461 = arith.mulf %parallel_loop3A_460, %get3A_50 : vector<16xf32>
        %parallel_loop3A_462 = arith.addf %parallel_loop3A_453, %parallel_loop3A_455 : vector<16xf32>
        %parallel_loop3A_463 = arith.constant 2.000000e-01 : f32
        %parallel_loop3A_464 = vector.broadcast %parallel_loop3A_463 : f32 to vector<16xf32>
        %parallel_loop3A_465 = arith.mulf %parallel_loop3A_464, %parallel_loop3A_462 : vector<16xf32>
        %parallel_loop3A_466 = arith.maximumf %parallel_loop3A_462, %parallel_loop3A_465 : vector<16xf32>
        %parallel_loop3A_467 = arith.mulf %parallel_loop3A_466, %get3A_54 : vector<16xf32>
        %parallel_loop3A_468 = arith.addf %parallel_loop3A_461, %parallel_loop3A_467 : vector<16xf32>
        %parallel_loop3A_469 = arith.index_cast %parallel_loop3A_216 : i32 to index
        %parallel_loop3A_470 = arith.constant 112 : index
        %parallel_loop3A_471 = tpu.vector_load %arg14[%parallel_loop3A_469, %parallel_loop3A_470] {strides = array<i32>} : memref<64x128xi32, #tpu.memory_space<vmem>>, vector<16xi32>,
        %parallel_loop3A_472 = vector.bitcast %parallel_loop3A_471 : vector<16xi32> to vector<32xbf16>
        %parallel_loop3A_473 = arith.index_cast %parallel_loop3A_216 : i32 to index
        %parallel_loop3A_474 = arith.constant 112 : index
        %parallel_loop3A_475 = tpu.vector_load %arg15[%parallel_loop3A_473, %parallel_loop3A_474] {strides = array<i32>} : memref<64x128xi32, #tpu.memory_space<vmem>>, vector<16xi32>,
        %parallel_loop3A_476 = vector.bitcast %parallel_loop3A_475 : vector<16xi32> to vector<32xbf16>
        %parallel_loop3A_477 = tpu.unpack_subelements %parallel_loop3A_472, 0 {pack_format = #tpu.pack_format<interleaved>} : vector<32xbf16> -> vector<16xf32>
        %parallel_loop3A_478 = tpu.unpack_subelements %parallel_loop3A_472, 1 {pack_format = #tpu.pack_format<interleaved>} : vector<32xbf16> -> vector<16xf32>
        %parallel_loop3A_479 = tpu.unpack_subelements %parallel_loop3A_476, 0 {pack_format = #tpu.pack_format<interleaved>} : vector<32xbf16> -> vector<16xf32>
        %parallel_loop3A_480 = tpu.unpack_subelements %parallel_loop3A_476, 1 {pack_format = #tpu.pack_format<interleaved>} : vector<32xbf16> -> vector<16xf32>
        %parallel_loop3A_481 = arith.addf %parallel_loop3A_477, %parallel_loop3A_479 : vector<16xf32>
        %parallel_loop3A_482 = arith.constant 2.000000e-01 : f32
        %parallel_loop3A_483 = vector.broadcast %parallel_loop3A_482 : f32 to vector<16xf32>
        %parallel_loop3A_484 = arith.mulf %parallel_loop3A_483, %parallel_loop3A_481 : vector<16xf32>
        %parallel_loop3A_485 = arith.maximumf %parallel_loop3A_481, %parallel_loop3A_484 : vector<16xf32>
        %parallel_loop3A_486 = arith.mulf %parallel_loop3A_485, %get3A_58 : vector<16xf32>
        %parallel_loop3A_487 = arith.addf %parallel_loop3A_468, %parallel_loop3A_486 : vector<16xf32>
        %parallel_loop3A_488 = arith.addf %parallel_loop3A_478, %parallel_loop3A_480 : vector<16xf32>
        %parallel_loop3A_489 = arith.constant 2.000000e-01 : f32
        %parallel_loop3A_490 = vector.broadcast %parallel_loop3A_489 : f32 to vector<16xf32>
        %parallel_loop3A_491 = arith.mulf %parallel_loop3A_490, %parallel_loop3A_488 : vector<16xf32>
        %parallel_loop3A_492 = arith.maximumf %parallel_loop3A_488, %parallel_loop3A_491 : vector<16xf32>
        %parallel_loop3A_493 = arith.mulf %parallel_loop3A_492, %get3A_62 : vector<16xf32>
        %parallel_loop3A_494 = arith.addf %parallel_loop3A_487, %parallel_loop3A_493 : vector<16xf32>
        %parallel_loop3A_495 = arith.constant true
        %parallel_loop3A_496 = vector.broadcast %parallel_loop3A_495 : i1 to vector<16xi1>
        %parallel_loop3A_497 = tpu.scan <sum>, %parallel_loop3A_494 masked %parallel_loop3A_496 : vector<16xf32>, vector<16xi1> -> vector<16xf32>
        %parallel_loop3A_498 = vector.extract %parallel_loop3A_497[15] : f32 from vector<16xf32>
        %parallel_loop3A_499 = vector.broadcast %parallel_loop3A_498 : f32 to vector<16xf32>
        %parallel_loop3A_500 = math.exp %parallel_loop3A_499 : vector<16xf32>
        %parallel_loop3A_501 = arith.mulf %parallel_loop3A_500, %parallel_loop3A_452 : vector<16xf32>
        %parallel_loop3A_502 = arith.index_cast %parallel_loop3A_216 : i32 to index
        %parallel_loop3A_503 = arith.constant 192 : index
        %parallel_loop3A_504 = tpu.vector_load %arg16[%parallel_loop3A_502, %parallel_loop3A_503] {strides = array<i32>} : memref<64x384xf32, #tpu.memory_space<vmem>>, vector<16xf32>,
        tpu.vector_store %arg16[%parallel_loop3A_502, %parallel_loop3A_503], %parallel_loop3A_501 {strides = array<i32>} : memref<64x384xf32, #tpu.memory_space<vmem>>, vector<16xf32>,
        %parallel_loop3A_505 = arith.mulf %parallel_loop3A_500, %parallel_loop3A_453 : vector<16xf32>
        %parallel_loop3A_506 = arith.index_cast %parallel_loop3A_216 : i32 to index
        %parallel_loop3A_507 = arith.constant 208 : index
        %parallel_loop3A_508 = tpu.vector_load %arg16[%parallel_loop3A_506, %parallel_loop3A_507] {strides = array<i32>} : memref<64x384xf32, #tpu.memory_space<vmem>>, vector<16xf32>,
        tpu.vector_store %arg16[%parallel_loop3A_506, %parallel_loop3A_507], %parallel_loop3A_505 {strides = array<i32>} : memref<64x384xf32, #tpu.memory_space<vmem>>, vector<16xf32>,
        %parallel_loop3A_509 = arith.mulf %parallel_loop3A_500, %parallel_loop3A_477 : vector<16xf32>
        %parallel_loop3A_510 = arith.index_cast %parallel_loop3A_216 : i32 to index
        %parallel_loop3A_511 = arith.constant 224 : index
        %parallel_loop3A_512 = tpu.vector_load %arg16[%parallel_loop3A_510, %parallel_loop3A_511] {strides = array<i32>} : memref<64x384xf32, #tpu.memory_space<vmem>>, vector<16xf32>,
        tpu.vector_store %arg16[%parallel_loop3A_510, %parallel_loop3A_511], %parallel_loop3A_509 {strides = array<i32>} : memref<64x384xf32, #tpu.memory_space<vmem>>, vector<16xf32>,
        %parallel_loop3A_513 = arith.mulf %parallel_loop3A_500, %parallel_loop3A_478 : vector<16xf32>
        %parallel_loop3A_514 = arith.index_cast %parallel_loop3A_216 : i32 to index
        %parallel_loop3A_515 = arith.constant 240 : index
        %parallel_loop3A_516 = tpu.vector_load %arg16[%parallel_loop3A_514, %parallel_loop3A_515] {strides = array<i32>} : memref<64x384xf32, #tpu.memory_space<vmem>>, vector<16xf32>,
        tpu.vector_store %arg16[%parallel_loop3A_514, %parallel_loop3A_515], %parallel_loop3A_513 {strides = array<i32>} : memref<64x384xf32, #tpu.memory_space<vmem>>, vector<16xf32>,
        %parallel_loop3A_517 = arith.mulf %parallel_loop3A_500, %convert_element_type3A_80 : vector<16xf32>
        %parallel_loop3A_518 = arith.addf %parallel_loop3A_443, %parallel_loop3A_517 : vector<16xf32>
        %parallel_loop3A_519 = arith.index_cast %parallel_loop3A_216 : i32 to index
        %parallel_loop3A_520 = arith.constant 256 : index
        %parallel_loop3A_521 = tpu.vector_load %arg16[%parallel_loop3A_519, %parallel_loop3A_520] {strides = array<i32>} : memref<64x384xf32, #tpu.memory_space<vmem>>, vector<16xf32>,
        tpu.vector_store %arg16[%parallel_loop3A_519, %parallel_loop3A_520], %parallel_loop3A_518 {strides = array<i32>} : memref<64x384xf32, #tpu.memory_space<vmem>>, vector<16xf32>,
      } {sc.loop_unroll_factor = 4 : i64, sc.parallel_access}
      %add3A_208 = arith.constant 1 : i32
      %add3A_209 = arith.addi %add3A_132, %add3A_208 : i32
      %dma_start3A_210 = arith.constant 0 : i32
      %dma_start3A_211 = tpu.memref_slice %arg11[%add3A_209, %dma_start3A_210] : memref<176x128xi32, #tpu.memory_space<vmem>> -> memref<1x64xi32, #tpu.memory_space<vmem>>
      %dma_start3A_212 = tpu.memref_squeeze %dma_start3A_211 : memref<1x64xi32, #tpu.memory_space<vmem>> -> memref<64xi32, #tpu.memory_space<vmem>>
      %dma_start3A_213 = arith.constant 0 : i32
      %dma_start3A_214 = arith.constant 0 : i32
      %dma_start3A_215 = tpu.memref_slice %arg8[%dma_start3A_213, %dma_start3A_214] : memref<20480x384xf32, #tpu.memory_space<hbm>> -> memref<20480x384xf32, #tpu.memory_space<hbm>>
      tpu.enqueue_indirect_dma source(%arg16 : memref<64x384xf32, #tpu.memory_space<vmem>>) target(%dma_start3A_215 : memref<20480x384xf32, #tpu.memory_space<hbm>>) offsets(%dma_start3A_212 : memref<64xi32, #tpu.memory_space<vmem>>) semaphore(%arg19 : memref<!tpu.dma_semaphore, #tpu.memory_space<semaphore_mem>>) {add = true}
    }
    %scan3A_107 = arith.constant 84 : i32
    %dma_wait3A = arith.constant 168 : i32
    %dma_wait3A_108 = arith.constant 0 : i32
    %dma_wait3A_109 = tpu.memref_slice %arg10[%dma_wait3A, %dma_wait3A_108] : memref<176x128xi32, #tpu.memory_space<vmem>> -> memref<1x64xi32, #tpu.memory_space<vmem>>
    %dma_wait3A_110 = tpu.memref_squeeze %dma_wait3A_109 : memref<1x64xi32, #tpu.memory_space<vmem>> -> memref<64xi32, #tpu.memory_space<vmem>>
    %dma_wait3A_111 = arith.constant 0 : i32
    %dma_wait3A_112 = arith.constant 0 : i32
    %dma_wait3A_113 = tpu.memref_slice %arg2[%dma_wait3A_111, %dma_wait3A_112] : memref<20480x128xi32, #tpu.memory_space<hbm>> -> memref<20480x128xi32, #tpu.memory_space<hbm>>
    tpu.wait_indirect_dma semaphore(%arg17 : memref<!tpu.dma_semaphore, #tpu.memory_space<semaphore_mem>>) src(%dma_wait3A_113 : memref<20480x128xi32, #tpu.memory_space<hbm>>) dst(%arg12 : memref<64x128xi32, #tpu.memory_space<vmem>>)
    %dma_wait3A_114 = arith.constant 168 : i32
    %dma_wait3A_115 = arith.constant 0 : i32
    %dma_wait3A_116 = tpu.memref_slice %arg11[%dma_wait3A_114, %dma_wait3A_115] : memref<176x128xi32, #tpu.memory_space<vmem>> -> memref<1x64xi32, #tpu.memory_space<vmem>>
    %dma_wait3A_117 = tpu.memref_squeeze %dma_wait3A_116 : memref<1x64xi32, #tpu.memory_space<vmem>> -> memref<64xi32, #tpu.memory_space<vmem>>
    %dma_wait3A_118 = arith.constant 0 : i32
    %dma_wait3A_119 = arith.constant 0 : i32
    %dma_wait3A_120 = tpu.memref_slice %arg3[%dma_wait3A_118, %dma_wait3A_119] : memref<20480x128xi32, #tpu.memory_space<hbm>> -> memref<20480x128xi32, #tpu.memory_space<hbm>>
    tpu.wait_indirect_dma semaphore(%arg17 : memref<!tpu.dma_semaphore, #tpu.memory_space<semaphore_mem>>) src(%dma_wait3A_120 : memref<20480x128xi32, #tpu.memory_space<hbm>>) dst(%arg13 : memref<64x128xi32, #tpu.memory_space<vmem>>)
    %dma_wait3A_121 = arith.constant 0 : i32
    %dma_wait3A_122 = arith.constant 0 : i32
    %dma_wait3A_123 = tpu.memref_slice %arg11[%dma_wait3A_121, %dma_wait3A_122] : memref<176x128xi32, #tpu.memory_space<vmem>> -> memref<1x64xi32, #tpu.memory_space<vmem>>
    %dma_wait3A_124 = tpu.memref_squeeze %dma_wait3A_123 : memref<1x64xi32, #tpu.memory_space<vmem>> -> memref<64xi32, #tpu.memory_space<vmem>>
    %dma_wait3A_125 = arith.constant 0 : i32
    %dma_wait3A_126 = arith.constant 0 : i32
    %dma_wait3A_127 = tpu.memref_slice %arg8[%dma_wait3A_125, %dma_wait3A_126] : memref<20480x384xf32, #tpu.memory_space<hbm>> -> memref<20480x384xf32, #tpu.memory_space<hbm>>
    tpu.wait_indirect_dma semaphore(%arg19 : memref<!tpu.dma_semaphore, #tpu.memory_space<semaphore_mem>>) src(%arg16 : memref<64x384xf32, #tpu.memory_space<vmem>>) dst(%dma_wait3A_127 : memref<20480x384xf32, #tpu.memory_space<hbm>>)
    return
  }
}

module attributes {stable_mosaic.version = 14 : i64} {
  func.func @_prep_body(%arg0: i32, %arg1: memref<1x2560x2xf32, #tpu.memory_space<vmem>>, %arg2: memref<2x64xf32, #tpu.memory_space<vmem>>, %arg3: memref<1x64xf32, #tpu.memory_space<vmem>>, %arg4: memref<64x256xf32, #tpu.memory_space<vmem>>, %arg5: memref<64x256xf32, #tpu.memory_space<vmem>>, %arg6: memref<1x2560x256xbf16, #tpu.memory_space<vmem>>, %arg7: memref<1x2560x256xbf16, #tpu.memory_space<vmem>>) attributes {dimension_semantics = [#tpu.dimension_semantics<arbitrary>], iteration_bounds = array<i64: 8>, scalar_prefetch = 0 : i64, scratch_operands = 0 : i64, tpu.core_type = #tpu.core_type<tc>, window_params = [{transform_indices = @transform_0, window_bounds = array<i64: 1, 2560, 2>}, {pipeline_mode = #tpu.pipeline_mode<synchronous>, transform_indices = @transform_1, window_bounds = array<i64: 2, 64>}, {pipeline_mode = #tpu.pipeline_mode<synchronous>, transform_indices = @transform_2, window_bounds = array<i64: 1, 64>}, {pipeline_mode = #tpu.pipeline_mode<synchronous>, transform_indices = @transform_3, window_bounds = array<i64: 64, 256>}, {pipeline_mode = #tpu.pipeline_mode<synchronous>, transform_indices = @transform_4, window_bounds = array<i64: 64, 256>}, {transform_indices = @transform_5, window_bounds = array<i64: 1, 2560, 256>}, {transform_indices = @transform_6, window_bounds = array<i64: 1, 2560, 256>}]} {
    %get3A = arith.constant 0 : index
    %get3A_0 = arith.constant 0 : index
    %get3A_1 = arith.constant 0 : index
    %get3A_2 = vector.load %arg1[%get3A, %get3A_0, %get3A_1] : memref<1x2560x2xf32, #tpu.memory_space<vmem>>, vector<1x2560x2xf32>
    %get3A_3 = vector.shape_cast %get3A_2 : vector<1x2560x2xf32> to vector<2560x2xf32>
    %get3A_4 = arith.constant 0 : index
    %get3A_5 = arith.constant 0 : index
    %get3A_6 = vector.load %arg2[%get3A_4, %get3A_5] : memref<2x64xf32, #tpu.memory_space<vmem>>, vector<2x64xf32>
    %dot_general3A = arith.constant dense<0.000000e+00> : vector<2560x64xf32>
    %dot_general3A_7 = tpu.matmul %get3A_3, %get3A_6, %dot_general3A {dimension_numbers = #tpu.dot_dimension_numbers<[1], [0], [0], [1], [0, 0, 1, 1], [], []>, transpose_lhs_hint = false} : vector<2560x2xf32>, vector<2x64xf32>, vector<2560x64xf32> -> vector<2560x64xf32>
    %get3A_8 = arith.constant 0 : index
    %get3A_9 = arith.constant 0 : index
    %get3A_10 = vector.load %arg3[%get3A_8, %get3A_9] : memref<1x64xf32, #tpu.memory_space<vmem>>, vector<1x64xf32>
    %add3A = vector.broadcast %get3A_10 : vector<1x64xf32> to vector<2560x64xf32>
    %add3A_11 = arith.addf %dot_general3A_7, %add3A : vector<2560x64xf32>
    %max3A = arith.constant 0.000000e+00 : f32
    %max3A_12 = vector.broadcast %max3A : f32 to vector<2560x64xf32>
    %max3A_13 = arith.maximumf %add3A_11, %max3A_12 : vector<2560x64xf32>
    %get3A_14 = arith.constant 0 : index
    %get3A_15 = arith.constant 0 : index
    %get3A_16 = vector.load %arg4[%get3A_14, %get3A_15] : memref<64x256xf32, #tpu.memory_space<vmem>>, vector<64x256xf32>
    %dot_general3A_17 = arith.constant dense<0.000000e+00> : vector<2560x256xf32>
    %dot_general3A_18 = tpu.matmul %max3A_13, %get3A_16, %dot_general3A_17 {dimension_numbers = #tpu.dot_dimension_numbers<[1], [0], [0], [1], [0, 0, 1, 1], [], []>, transpose_lhs_hint = false} : vector<2560x64xf32>, vector<64x256xf32>, vector<2560x256xf32> -> vector<2560x256xf32>
    %convert_element_type3A = arith.truncf %dot_general3A_18 : vector<2560x256xf32> to vector<2560x256xbf16>
    %swap3A = arith.constant 0 : index
    %swap3A_19 = arith.constant 0 : index
    %swap3A_20 = arith.constant 0 : index
    %swap3A_21 = vector.load %arg6[%swap3A, %swap3A_19, %swap3A_20] : memref<1x2560x256xbf16, #tpu.memory_space<vmem>>, vector<1x2560x256xbf16>
    %swap3A_22 = vector.shape_cast %swap3A_21 : vector<1x2560x256xbf16> to vector<2560x256xbf16>
    %swap3A_23 = vector.shape_cast %convert_element_type3A : vector<2560x256xbf16> to vector<1x2560x256xbf16>
    tpu.vector_store %arg6[%swap3A, %swap3A_19, %swap3A_20], %swap3A_23 {strides = array<i32>} : memref<1x2560x256xbf16, #tpu.memory_space<vmem>>, vector<1x2560x256xbf16>,
    %get3A_24 = arith.constant 0 : index
    %get3A_25 = arith.constant 0 : index
    %get3A_26 = vector.load %arg5[%get3A_24, %get3A_25] : memref<64x256xf32, #tpu.memory_space<vmem>>, vector<64x256xf32>
    %dot_general3A_27 = arith.constant dense<0.000000e+00> : vector<2560x256xf32>
    %dot_general3A_28 = tpu.matmul %max3A_13, %get3A_26, %dot_general3A_27 {dimension_numbers = #tpu.dot_dimension_numbers<[1], [0], [0], [1], [0, 0, 1, 1], [], []>, transpose_lhs_hint = false} : vector<2560x64xf32>, vector<64x256xf32>, vector<2560x256xf32> -> vector<2560x256xf32>
    %convert_element_type3A_29 = arith.truncf %dot_general3A_28 : vector<2560x256xf32> to vector<2560x256xbf16>
    %swap3A_30 = arith.constant 0 : index
    %swap3A_31 = arith.constant 0 : index
    %swap3A_32 = arith.constant 0 : index
    %swap3A_33 = vector.load %arg7[%swap3A_30, %swap3A_31, %swap3A_32] : memref<1x2560x256xbf16, #tpu.memory_space<vmem>>, vector<1x2560x256xbf16>
    %swap3A_34 = vector.shape_cast %swap3A_33 : vector<1x2560x256xbf16> to vector<2560x256xbf16>
    %swap3A_35 = vector.shape_cast %convert_element_type3A_29 : vector<2560x256xbf16> to vector<1x2560x256xbf16>
    tpu.vector_store %arg7[%swap3A_30, %swap3A_31, %swap3A_32], %swap3A_35 {strides = array<i32>} : memref<1x2560x256xbf16, #tpu.memory_space<vmem>>, vector<1x2560x256xbf16>,
    return
  }
  func.func @transform_0(%arg0: i32) -> (i32, i32, i32) {
    %c0_i32 = arith.constant 0 : i32
    %c0_i32_0 = arith.constant 0 : i32
    %c0_i32_1 = arith.constant 0 : i32
    return %arg0, %c0_i32, %c0_i32_0 : i32, i32, i32
  }
  func.func @transform_1(%arg0: i32) -> (i32, i32) {
    %c0_i32 = arith.constant 0 : i32
    %c0_i32_0 = arith.constant 0 : i32
    %c0_i32_1 = arith.constant 0 : i32
    return %c0_i32, %c0_i32_0 : i32, i32
  }
  func.func @transform_2(%arg0: i32) -> (i32, i32) {
    %c0_i32 = arith.constant 0 : i32
    %c0_i32_0 = arith.constant 0 : i32
    %c0_i32_1 = arith.constant 0 : i32
    return %c0_i32, %c0_i32_0 : i32, i32
  }
  func.func @transform_3(%arg0: i32) -> (i32, i32) {
    %c0_i32 = arith.constant 0 : i32
    %c0_i32_0 = arith.constant 0 : i32
    %c0_i32_1 = arith.constant 0 : i32
    return %c0_i32, %c0_i32_0 : i32, i32
  }
  func.func @transform_4(%arg0: i32) -> (i32, i32) {
    %c0_i32 = arith.constant 0 : i32
    %c0_i32_0 = arith.constant 0 : i32
    %c0_i32_1 = arith.constant 0 : i32
    return %c0_i32, %c0_i32_0 : i32, i32
  }
  func.func @transform_5(%arg0: i32) -> (i32, i32, i32) {
    %c0_i32 = arith.constant 0 : i32
    %c0_i32_0 = arith.constant 0 : i32
    %c0_i32_1 = arith.constant 0 : i32
    return %arg0, %c0_i32, %c0_i32_0 : i32, i32, i32
  }
  func.func @transform_6(%arg0: i32) -> (i32, i32, i32) {
    %c0_i32 = arith.constant 0 : i32
    %c0_i32_0 = arith.constant 0 : i32
    %c0_i32_1 = arith.constant 0 : i32
    return %arg0, %c0_i32, %c0_i32_0 : i32, i32, i32
  }
}

module attributes {stable_mosaic.version = 14 : i64} {
  func.func @_normproj_body(%arg0: i32, %arg1: memref<1x2560x384xf32, #tpu.memory_space<vmem>>, %arg2: memref<1x64xf32, #tpu.memory_space<vmem>>, %arg3: memref<1x64xf32, #tpu.memory_space<vmem>>, %arg4: memref<1x64xf32, #tpu.memory_space<vmem>>, %arg5: memref<16x256xf32, #tpu.memory_space<vmem>>, %arg6: memref<256x64xf32, #tpu.memory_space<vmem>>, %arg7: memref<64x256xf32, #tpu.memory_space<vmem>>, %arg8: memref<64x256xf32, #tpu.memory_space<vmem>>, %arg9: memref<1x2560x256xbf16, #tpu.memory_space<vmem>>, %arg10: memref<1x2560x256xbf16, #tpu.memory_space<vmem>>) attributes {dimension_semantics = [#tpu.dimension_semantics<arbitrary>], iteration_bounds = array<i64: 8>, scalar_prefetch = 0 : i64, scratch_operands = 0 : i64, tpu.core_type = #tpu.core_type<tc>, window_params = [{transform_indices = @transform_0, window_bounds = array<i64: 1, 2560, 384>}, {pipeline_mode = #tpu.pipeline_mode<synchronous>, transform_indices = @transform_1, window_bounds = array<i64: 1, 64>}, {pipeline_mode = #tpu.pipeline_mode<synchronous>, transform_indices = @transform_2, window_bounds = array<i64: 1, 64>}, {pipeline_mode = #tpu.pipeline_mode<synchronous>, transform_indices = @transform_3, window_bounds = array<i64: 1, 64>}, {pipeline_mode = #tpu.pipeline_mode<synchronous>, transform_indices = @transform_4, window_bounds = array<i64: 16, 256>}, {pipeline_mode = #tpu.pipeline_mode<synchronous>, transform_indices = @transform_5, window_bounds = array<i64: 256, 64>}, {pipeline_mode = #tpu.pipeline_mode<synchronous>, transform_indices = @transform_6, window_bounds = array<i64: 64, 256>}, {pipeline_mode = #tpu.pipeline_mode<synchronous>, transform_indices = @transform_7, window_bounds = array<i64: 64, 256>}, {transform_indices = @transform_8, window_bounds = array<i64: 1, 2560, 256>}, {transform_indices = @transform_9, window_bounds = array<i64: 1, 2560, 256>}]} {
    %get3A = arith.constant 0 : index
    %get3A_0 = arith.constant 0 : index
    %get3A_1 = arith.constant 0 : index
    %get3A_2 = vector.load %arg1[%get3A, %get3A_0, %get3A_1] : memref<1x2560x384xf32, #tpu.memory_space<vmem>>, vector<1x2560x384xf32>
    %get3A_3 = vector.shape_cast %get3A_2 : vector<1x2560x384xf32> to vector<2560x384xf32>
    %get3A_4 = arith.constant 0 : index
    %get3A_5 = arith.constant 0 : index
    %get3A_6 = vector.load %arg2[%get3A_4, %get3A_5] : memref<1x64xf32, #tpu.memory_space<vmem>>, vector<1x64xf32>
    %get3A_7 = arith.constant 0 : index
    %get3A_8 = arith.constant 0 : index
    %get3A_9 = vector.load %arg3[%get3A_7, %get3A_8] : memref<1x64xf32, #tpu.memory_space<vmem>>, vector<1x64xf32>
    %get3A_10 = arith.constant 0 : index
    %get3A_11 = arith.constant 0 : index
    %get3A_12 = vector.load %arg4[%get3A_10, %get3A_11] : memref<1x64xf32, #tpu.memory_space<vmem>>, vector<1x64xf32>
    %get3A_13 = arith.constant 0 : index
    %get3A_14 = arith.constant 0 : index
    %get3A_15 = vector.load %arg5[%get3A_13, %get3A_14] : memref<16x256xf32, #tpu.memory_space<vmem>>, vector<16x256xf32>
    %get3A_16 = arith.constant 0 : index
    %get3A_17 = arith.constant 0 : index
    %get3A_18 = vector.load %arg6[%get3A_16, %get3A_17] : memref<256x64xf32, #tpu.memory_space<vmem>>, vector<256x64xf32>
    %slice3A = vector.extract_strided_slice %get3A_3 {offsets = [0, 0], sizes = [2560, 256], strides = [1, 1]} : vector<2560x384xf32> to vector<2560x256xf32>
    %slice3A_19 = vector.extract_strided_slice %get3A_3 {offsets = [0, 256], sizes = [2560, 16], strides = [1, 1]} : vector<2560x384xf32> to vector<2560x16xf32>
    %add3A = arith.constant 1.000000e-16 : f32
    %add3A_20 = vector.broadcast %add3A : f32 to vector<2560x16xf32>
    %add3A_21 = arith.addf %slice3A_19, %add3A_20 : vector<2560x16xf32>
    %div3A = arith.constant 1.000000e+00 : f32
    %div3A_22 = vector.broadcast %div3A : f32 to vector<2560x16xf32>
    %div3A_23 = arith.divf %div3A_22, %add3A_21 : vector<2560x16xf32>
    %dot_general3A = arith.constant dense<0.000000e+00> : vector<2560x256xf32>
    %dot_general3A_24 = tpu.matmul %div3A_23, %get3A_15, %dot_general3A {dimension_numbers = #tpu.dot_dimension_numbers<[1], [0], [0], [1], [0, 0, 1, 1], [], []>, transpose_lhs_hint = false} : vector<2560x16xf32>, vector<16x256xf32>, vector<2560x256xf32> -> vector<2560x256xf32>
    %mul3A = arith.mulf %slice3A, %dot_general3A_24 : vector<2560x256xf32>
    %dot_general3A_25 = arith.constant dense<0.000000e+00> : vector<2560x64xf32>
    %dot_general3A_26 = tpu.matmul %mul3A, %get3A_18, %dot_general3A_25 {dimension_numbers = #tpu.dot_dimension_numbers<[1], [0], [0], [1], [0, 0, 1, 1], [], []>, transpose_lhs_hint = false} : vector<2560x256xf32>, vector<256x64xf32>, vector<2560x64xf32> -> vector<2560x64xf32>
    %add3A_27 = vector.broadcast %get3A_6 : vector<1x64xf32> to vector<2560x64xf32>
    %add3A_28 = arith.addf %dot_general3A_26, %add3A_27 : vector<2560x64xf32>
    %reduce_sum3A = arith.constant dense<0.000000e+00> : vector<2560xf32>
    %reduce_sum3A_29 = vector.multi_reduction <add>, %add3A_28, %reduce_sum3A [1] : vector<2560x64xf32> to vector<2560xf32>
    %broadcast_in_dim3A = vector.shape_cast %reduce_sum3A_29 : vector<2560xf32> to vector<2560x1xf32>
    %div3A_30 = arith.constant 6.400000e+01 : f32
    %div3A_31 = vector.broadcast %div3A_30 : f32 to vector<2560x1xf32>
    %div3A_32 = arith.divf %broadcast_in_dim3A, %div3A_31 : vector<2560x1xf32>
    %sub3A = vector.broadcast %div3A_32 : vector<2560x1xf32> to vector<2560x64xf32>
    %sub3A_33 = arith.subf %add3A_28, %sub3A : vector<2560x64xf32>
    %integer_pow3A = arith.mulf %sub3A_33, %sub3A_33 : vector<2560x64xf32>
    %reduce_sum3A_34 = arith.constant dense<0.000000e+00> : vector<2560xf32>
    %reduce_sum3A_35 = vector.multi_reduction <add>, %integer_pow3A, %reduce_sum3A_34 [1] : vector<2560x64xf32> to vector<2560xf32>
    %broadcast_in_dim3A_36 = vector.shape_cast %reduce_sum3A_35 : vector<2560xf32> to vector<2560x1xf32>
    %div3A_37 = arith.constant 6.400000e+01 : f32
    %div3A_38 = vector.broadcast %div3A_37 : f32 to vector<2560x1xf32>
    %div3A_39 = arith.divf %broadcast_in_dim3A_36, %div3A_38 : vector<2560x1xf32>
    %sub3A_40 = vector.broadcast %div3A_32 : vector<2560x1xf32> to vector<2560x64xf32>
    %sub3A_41 = arith.subf %add3A_28, %sub3A_40 : vector<2560x64xf32>
    %add3A_42 = arith.constant 9.99999974E-6 : f32
    %add3A_43 = vector.broadcast %add3A_42 : f32 to vector<2560x1xf32>
    %add3A_44 = arith.addf %div3A_39, %add3A_43 : vector<2560x1xf32>
    %rsqrt3A = math.rsqrt %add3A_44 : vector<2560x1xf32>
    %mul3A_45 = vector.broadcast %rsqrt3A : vector<2560x1xf32> to vector<2560x64xf32>
    %mul3A_46 = arith.mulf %sub3A_41, %mul3A_45 : vector<2560x64xf32>
    %mul3A_47 = vector.broadcast %get3A_9 : vector<1x64xf32> to vector<2560x64xf32>
    %mul3A_48 = arith.mulf %mul3A_46, %mul3A_47 : vector<2560x64xf32>
    %add3A_49 = vector.broadcast %get3A_12 : vector<1x64xf32> to vector<2560x64xf32>
    %add3A_50 = arith.addf %mul3A_48, %add3A_49 : vector<2560x64xf32>
    %max3A = arith.constant 0.000000e+00 : f32
    %max3A_51 = vector.broadcast %max3A : f32 to vector<2560x64xf32>
    %max3A_52 = arith.maximumf %add3A_50, %max3A_51 : vector<2560x64xf32>
    %get3A_53 = arith.constant 0 : index
    %get3A_54 = arith.constant 0 : index
    %get3A_55 = vector.load %arg7[%get3A_53, %get3A_54] : memref<64x256xf32, #tpu.memory_space<vmem>>, vector<64x256xf32>
    %dot_general3A_56 = arith.constant dense<0.000000e+00> : vector<2560x256xf32>
    %dot_general3A_57 = tpu.matmul %max3A_52, %get3A_55, %dot_general3A_56 {dimension_numbers = #tpu.dot_dimension_numbers<[1], [0], [0], [1], [0, 0, 1, 1], [], []>, transpose_lhs_hint = false} : vector<2560x64xf32>, vector<64x256xf32>, vector<2560x256xf32> -> vector<2560x256xf32>
    %convert_element_type3A = arith.truncf %dot_general3A_57 : vector<2560x256xf32> to vector<2560x256xbf16>
    %swap3A = arith.constant 0 : index
    %swap3A_58 = arith.constant 0 : index
    %swap3A_59 = arith.constant 0 : index
    %swap3A_60 = vector.load %arg9[%swap3A, %swap3A_58, %swap3A_59] : memref<1x2560x256xbf16, #tpu.memory_space<vmem>>, vector<1x2560x256xbf16>
    %swap3A_61 = vector.shape_cast %swap3A_60 : vector<1x2560x256xbf16> to vector<2560x256xbf16>
    %swap3A_62 = vector.shape_cast %convert_element_type3A : vector<2560x256xbf16> to vector<1x2560x256xbf16>
    tpu.vector_store %arg9[%swap3A, %swap3A_58, %swap3A_59], %swap3A_62 {strides = array<i32>} : memref<1x2560x256xbf16, #tpu.memory_space<vmem>>, vector<1x2560x256xbf16>,
    %get3A_63 = arith.constant 0 : index
    %get3A_64 = arith.constant 0 : index
    %get3A_65 = vector.load %arg8[%get3A_63, %get3A_64] : memref<64x256xf32, #tpu.memory_space<vmem>>, vector<64x256xf32>
    %dot_general3A_66 = arith.constant dense<0.000000e+00> : vector<2560x256xf32>
    %dot_general3A_67 = tpu.matmul %max3A_52, %get3A_65, %dot_general3A_66 {dimension_numbers = #tpu.dot_dimension_numbers<[1], [0], [0], [1], [0, 0, 1, 1], [], []>, transpose_lhs_hint = false} : vector<2560x64xf32>, vector<64x256xf32>, vector<2560x256xf32> -> vector<2560x256xf32>
    %convert_element_type3A_68 = arith.truncf %dot_general3A_67 : vector<2560x256xf32> to vector<2560x256xbf16>
    %swap3A_69 = arith.constant 0 : index
    %swap3A_70 = arith.constant 0 : index
    %swap3A_71 = arith.constant 0 : index
    %swap3A_72 = vector.load %arg10[%swap3A_69, %swap3A_70, %swap3A_71] : memref<1x2560x256xbf16, #tpu.memory_space<vmem>>, vector<1x2560x256xbf16>
    %swap3A_73 = vector.shape_cast %swap3A_72 : vector<1x2560x256xbf16> to vector<2560x256xbf16>
    %swap3A_74 = vector.shape_cast %convert_element_type3A_68 : vector<2560x256xbf16> to vector<1x2560x256xbf16>
    tpu.vector_store %arg10[%swap3A_69, %swap3A_70, %swap3A_71], %swap3A_74 {strides = array<i32>} : memref<1x2560x256xbf16, #tpu.memory_space<vmem>>, vector<1x2560x256xbf16>,
    return
  }
  func.func @transform_0(%arg0: i32) -> (i32, i32, i32) {
    %c0_i32 = arith.constant 0 : i32
    %c0_i32_0 = arith.constant 0 : i32
    %c0_i32_1 = arith.constant 0 : i32
    return %arg0, %c0_i32, %c0_i32_0 : i32, i32, i32
  }
  func.func @transform_1(%arg0: i32) -> (i32, i32) {
    %c0_i32 = arith.constant 0 : i32
    %c0_i32_0 = arith.constant 0 : i32
    %c0_i32_1 = arith.constant 0 : i32
    return %c0_i32, %c0_i32_0 : i32, i32
  }
  func.func @transform_2(%arg0: i32) -> (i32, i32) {
    %c0_i32 = arith.constant 0 : i32
    %c0_i32_0 = arith.constant 0 : i32
    %c0_i32_1 = arith.constant 0 : i32
    return %c0_i32, %c0_i32_0 : i32, i32
  }
  func.func @transform_3(%arg0: i32) -> (i32, i32) {
    %c0_i32 = arith.constant 0 : i32
    %c0_i32_0 = arith.constant 0 : i32
    %c0_i32_1 = arith.constant 0 : i32
    return %c0_i32, %c0_i32_0 : i32, i32
  }
  func.func @transform_4(%arg0: i32) -> (i32, i32) {
    %c0_i32 = arith.constant 0 : i32
    %c0_i32_0 = arith.constant 0 : i32
    %c0_i32_1 = arith.constant 0 : i32
    return %c0_i32, %c0_i32_0 : i32, i32
  }
  func.func @transform_5(%arg0: i32) -> (i32, i32) {
    %c0_i32 = arith.constant 0 : i32
    %c0_i32_0 = arith.constant 0 : i32
    %c0_i32_1 = arith.constant 0 : i32
    return %c0_i32, %c0_i32_0 : i32, i32
  }
  func.func @transform_6(%arg0: i32) -> (i32, i32) {
    %c0_i32 = arith.constant 0 : i32
    %c0_i32_0 = arith.constant 0 : i32
    %c0_i32_1 = arith.constant 0 : i32
    return %c0_i32, %c0_i32_0 : i32, i32
  }
  func.func @transform_7(%arg0: i32) -> (i32, i32) {
    %c0_i32 = arith.constant 0 : i32
    %c0_i32_0 = arith.constant 0 : i32
    %c0_i32_1 = arith.constant 0 : i32
    return %c0_i32, %c0_i32_0 : i32, i32
  }
  func.func @transform_8(%arg0: i32) -> (i32, i32, i32) {
    %c0_i32 = arith.constant 0 : i32
    %c0_i32_0 = arith.constant 0 : i32
    %c0_i32_1 = arith.constant 0 : i32
    return %arg0, %c0_i32, %c0_i32_0 : i32, i32, i32
  }
  func.func @transform_9(%arg0: i32) -> (i32, i32, i32) {
    %c0_i32 = arith.constant 0 : i32
    %c0_i32_0 = arith.constant 0 : i32
    %c0_i32_1 = arith.constant 0 : i32
    return %arg0, %c0_i32, %c0_i32_0 : i32, i32, i32
  }
}

module attributes {stable_mosaic.version = 14 : i64} {
  func.func @_normpool_body(%arg0: i32, %arg1: memref<1x2560x384xf32, #tpu.memory_space<vmem>>, %arg2: memref<1x64xf32, #tpu.memory_space<vmem>>, %arg3: memref<1x64xf32, #tpu.memory_space<vmem>>, %arg4: memref<1x64xf32, #tpu.memory_space<vmem>>, %arg5: memref<16x256xf32, #tpu.memory_space<vmem>>, %arg6: memref<256x64xf32, #tpu.memory_space<vmem>>, %arg7: memref<1x1x64xf32, #tpu.memory_space<vmem>>) attributes {dimension_semantics = [#tpu.dimension_semantics<arbitrary>], iteration_bounds = array<i64: 8>, scalar_prefetch = 0 : i64, scratch_operands = 0 : i64, tpu.core_type = #tpu.core_type<tc>, window_params = [{transform_indices = @transform_0, window_bounds = array<i64: 1, 2560, 384>}, {pipeline_mode = #tpu.pipeline_mode<synchronous>, transform_indices = @transform_1, window_bounds = array<i64: 1, 64>}, {pipeline_mode = #tpu.pipeline_mode<synchronous>, transform_indices = @transform_2, window_bounds = array<i64: 1, 64>}, {pipeline_mode = #tpu.pipeline_mode<synchronous>, transform_indices = @transform_3, window_bounds = array<i64: 1, 64>}, {pipeline_mode = #tpu.pipeline_mode<synchronous>, transform_indices = @transform_4, window_bounds = array<i64: 16, 256>}, {pipeline_mode = #tpu.pipeline_mode<synchronous>, transform_indices = @transform_5, window_bounds = array<i64: 256, 64>}, {transform_indices = @transform_6, window_bounds = array<i64: 1, 1, 64>}]} {
    %get3A = arith.constant 0 : index
    %get3A_0 = arith.constant 0 : index
    %get3A_1 = arith.constant 0 : index
    %get3A_2 = vector.load %arg1[%get3A, %get3A_0, %get3A_1] : memref<1x2560x384xf32, #tpu.memory_space<vmem>>, vector<1x2560x384xf32>
    %get3A_3 = vector.shape_cast %get3A_2 : vector<1x2560x384xf32> to vector<2560x384xf32>
    %get3A_4 = arith.constant 0 : index
    %get3A_5 = arith.constant 0 : index
    %get3A_6 = vector.load %arg2[%get3A_4, %get3A_5] : memref<1x64xf32, #tpu.memory_space<vmem>>, vector<1x64xf32>
    %get3A_7 = arith.constant 0 : index
    %get3A_8 = arith.constant 0 : index
    %get3A_9 = vector.load %arg3[%get3A_7, %get3A_8] : memref<1x64xf32, #tpu.memory_space<vmem>>, vector<1x64xf32>
    %get3A_10 = arith.constant 0 : index
    %get3A_11 = arith.constant 0 : index
    %get3A_12 = vector.load %arg4[%get3A_10, %get3A_11] : memref<1x64xf32, #tpu.memory_space<vmem>>, vector<1x64xf32>
    %get3A_13 = arith.constant 0 : index
    %get3A_14 = arith.constant 0 : index
    %get3A_15 = vector.load %arg5[%get3A_13, %get3A_14] : memref<16x256xf32, #tpu.memory_space<vmem>>, vector<16x256xf32>
    %get3A_16 = arith.constant 0 : index
    %get3A_17 = arith.constant 0 : index
    %get3A_18 = vector.load %arg6[%get3A_16, %get3A_17] : memref<256x64xf32, #tpu.memory_space<vmem>>, vector<256x64xf32>
    %slice3A = vector.extract_strided_slice %get3A_3 {offsets = [0, 0], sizes = [2560, 256], strides = [1, 1]} : vector<2560x384xf32> to vector<2560x256xf32>
    %slice3A_19 = vector.extract_strided_slice %get3A_3 {offsets = [0, 256], sizes = [2560, 16], strides = [1, 1]} : vector<2560x384xf32> to vector<2560x16xf32>
    %add3A = arith.constant 1.000000e-16 : f32
    %add3A_20 = vector.broadcast %add3A : f32 to vector<2560x16xf32>
    %add3A_21 = arith.addf %slice3A_19, %add3A_20 : vector<2560x16xf32>
    %div3A = arith.constant 1.000000e+00 : f32
    %div3A_22 = vector.broadcast %div3A : f32 to vector<2560x16xf32>
    %div3A_23 = arith.divf %div3A_22, %add3A_21 : vector<2560x16xf32>
    %dot_general3A = arith.constant dense<0.000000e+00> : vector<2560x256xf32>
    %dot_general3A_24 = tpu.matmul %div3A_23, %get3A_15, %dot_general3A {dimension_numbers = #tpu.dot_dimension_numbers<[1], [0], [0], [1], [0, 0, 1, 1], [], []>, transpose_lhs_hint = false} : vector<2560x16xf32>, vector<16x256xf32>, vector<2560x256xf32> -> vector<2560x256xf32>
    %mul3A = arith.mulf %slice3A, %dot_general3A_24 : vector<2560x256xf32>
    %dot_general3A_25 = arith.constant dense<0.000000e+00> : vector<2560x64xf32>
    %dot_general3A_26 = tpu.matmul %mul3A, %get3A_18, %dot_general3A_25 {dimension_numbers = #tpu.dot_dimension_numbers<[1], [0], [0], [1], [0, 0, 1, 1], [], []>, transpose_lhs_hint = false} : vector<2560x256xf32>, vector<256x64xf32>, vector<2560x64xf32> -> vector<2560x64xf32>
    %add3A_27 = vector.broadcast %get3A_6 : vector<1x64xf32> to vector<2560x64xf32>
    %add3A_28 = arith.addf %dot_general3A_26, %add3A_27 : vector<2560x64xf32>
    %reduce_sum3A = arith.constant dense<0.000000e+00> : vector<2560xf32>
    %reduce_sum3A_29 = vector.multi_reduction <add>, %add3A_28, %reduce_sum3A [1] : vector<2560x64xf32> to vector<2560xf32>
    %broadcast_in_dim3A = vector.shape_cast %reduce_sum3A_29 : vector<2560xf32> to vector<2560x1xf32>
    %div3A_30 = arith.constant 6.400000e+01 : f32
    %div3A_31 = vector.broadcast %div3A_30 : f32 to vector<2560x1xf32>
    %div3A_32 = arith.divf %broadcast_in_dim3A, %div3A_31 : vector<2560x1xf32>
    %sub3A = vector.broadcast %div3A_32 : vector<2560x1xf32> to vector<2560x64xf32>
    %sub3A_33 = arith.subf %add3A_28, %sub3A : vector<2560x64xf32>
    %integer_pow3A = arith.mulf %sub3A_33, %sub3A_33 : vector<2560x64xf32>
    %reduce_sum3A_34 = arith.constant dense<0.000000e+00> : vector<2560xf32>
    %reduce_sum3A_35 = vector.multi_reduction <add>, %integer_pow3A, %reduce_sum3A_34 [1] : vector<2560x64xf32> to vector<2560xf32>
    %broadcast_in_dim3A_36 = vector.shape_cast %reduce_sum3A_35 : vector<2560xf32> to vector<2560x1xf32>
    %div3A_37 = arith.constant 6.400000e+01 : f32
    %div3A_38 = vector.broadcast %div3A_37 : f32 to vector<2560x1xf32>
    %div3A_39 = arith.divf %broadcast_in_dim3A_36, %div3A_38 : vector<2560x1xf32>
    %sub3A_40 = vector.broadcast %div3A_32 : vector<2560x1xf32> to vector<2560x64xf32>
    %sub3A_41 = arith.subf %add3A_28, %sub3A_40 : vector<2560x64xf32>
    %add3A_42 = arith.constant 9.99999974E-6 : f32
    %add3A_43 = vector.broadcast %add3A_42 : f32 to vector<2560x1xf32>
    %add3A_44 = arith.addf %div3A_39, %add3A_43 : vector<2560x1xf32>
    %rsqrt3A = math.rsqrt %add3A_44 : vector<2560x1xf32>
    %mul3A_45 = vector.broadcast %rsqrt3A : vector<2560x1xf32> to vector<2560x64xf32>
    %mul3A_46 = arith.mulf %sub3A_41, %mul3A_45 : vector<2560x64xf32>
    %mul3A_47 = vector.broadcast %get3A_9 : vector<1x64xf32> to vector<2560x64xf32>
    %mul3A_48 = arith.mulf %mul3A_46, %mul3A_47 : vector<2560x64xf32>
    %add3A_49 = vector.broadcast %get3A_12 : vector<1x64xf32> to vector<2560x64xf32>
    %add3A_50 = arith.addf %mul3A_48, %add3A_49 : vector<2560x64xf32>
    %max3A = arith.constant 0.000000e+00 : f32
    %max3A_51 = vector.broadcast %max3A : f32 to vector<2560x64xf32>
    %max3A_52 = arith.maximumf %add3A_50, %max3A_51 : vector<2560x64xf32>
    %slice3A_53 = vector.extract_strided_slice %max3A_52 {offsets = [0, 0], sizes = [2500, 64], strides = [1, 1]} : vector<2560x64xf32> to vector<2500x64xf32>
    %reduce_sum3A_54 = arith.constant dense<0.000000e+00> : vector<64xf32>
    %reduce_sum3A_55 = vector.multi_reduction <add>, %slice3A_53, %reduce_sum3A_54 [0] : vector<2500x64xf32> to vector<64xf32>
    %div3A_56 = arith.constant 2.500000e+03 : f32
    %div3A_57 = vector.broadcast %div3A_56 : f32 to vector<64xf32>
    %div3A_58 = arith.divf %reduce_sum3A_55, %div3A_57 : vector<64xf32>
    %swap3A = arith.constant 0 : index
    %swap3A_59 = arith.constant 0 : index
    %swap3A_60 = arith.constant 0 : index
    %swap3A_61 = vector.load %arg7[%swap3A, %swap3A_59, %swap3A_60] : memref<1x1x64xf32, #tpu.memory_space<vmem>>, vector<1x1x64xf32>
    %swap3A_62 = vector.shape_cast %swap3A_61 : vector<1x1x64xf32> to vector<64xf32>
    %swap3A_63 = vector.shape_cast %div3A_58 : vector<64xf32> to vector<1x1x64xf32>
    tpu.vector_store %arg7[%swap3A, %swap3A_59, %swap3A_60], %swap3A_63 {strides = array<i32>} : memref<1x1x64xf32, #tpu.memory_space<vmem>>, vector<1x1x64xf32>,
    return
  }
  func.func @transform_0(%arg0: i32) -> (i32, i32, i32) {
    %c0_i32 = arith.constant 0 : i32
    %c0_i32_0 = arith.constant 0 : i32
    %c0_i32_1 = arith.constant 0 : i32
    return %arg0, %c0_i32, %c0_i32_0 : i32, i32, i32
  }
  func.func @transform_1(%arg0: i32) -> (i32, i32) {
    %c0_i32 = arith.constant 0 : i32
    %c0_i32_0 = arith.constant 0 : i32
    %c0_i32_1 = arith.constant 0 : i32
    return %c0_i32, %c0_i32_0 : i32, i32
  }
  func.func @transform_2(%arg0: i32) -> (i32, i32) {
    %c0_i32 = arith.constant 0 : i32
    %c0_i32_0 = arith.constant 0 : i32
    %c0_i32_1 = arith.constant 0 : i32
    return %c0_i32, %c0_i32_0 : i32, i32
  }
  func.func @transform_3(%arg0: i32) -> (i32, i32) {
    %c0_i32 = arith.constant 0 : i32
    %c0_i32_0 = arith.constant 0 : i32
    %c0_i32_1 = arith.constant 0 : i32
    return %c0_i32, %c0_i32_0 : i32, i32
  }
  func.func @transform_4(%arg0: i32) -> (i32, i32) {
    %c0_i32 = arith.constant 0 : i32
    %c0_i32_0 = arith.constant 0 : i32
    %c0_i32_1 = arith.constant 0 : i32
    return %c0_i32, %c0_i32_0 : i32, i32
  }
  func.func @transform_5(%arg0: i32) -> (i32, i32) {
    %c0_i32 = arith.constant 0 : i32
    %c0_i32_0 = arith.constant 0 : i32
    %c0_i32_1 = arith.constant 0 : i32
    return %c0_i32, %c0_i32_0 : i32, i32
  }
  func.func @transform_6(%arg0: i32) -> (i32, i32, i32) {
    %c0_i32 = arith.constant 0 : i32
    %c0_i32_0 = arith.constant 0 : i32
    %c0_i32_1 = arith.constant 0 : i32
    return %arg0, %c0_i32, %c0_i32_0 : i32, i32, i32
  }
}

module attributes {stable_mosaic.version = 14 : i64} {
  func.func @_head_body(%arg0: memref<8x64xf32, #tpu.memory_space<vmem>>, %arg1: memref<64x512xf32, #tpu.memory_space<vmem>>, %arg2: memref<128x512xf32, #tpu.memory_space<vmem>>, %arg3: memref<1x512xf32, #tpu.memory_space<vmem>>, %arg4: memref<128x512xf32, #tpu.memory_space<vmem>>, %arg5: memref<128x512xf32, #tpu.memory_space<vmem>>, %arg6: memref<1x512xf32, #tpu.memory_space<vmem>>, %arg7: memref<128x64xf32, #tpu.memory_space<vmem>>, %arg8: memref<1x64xf32, #tpu.memory_space<vmem>>, %arg9: memref<64x32xf32, #tpu.memory_space<vmem>>, %arg10: memref<1x32xf32, #tpu.memory_space<vmem>>, %arg11: memref<32x1xf32, #tpu.memory_space<vmem>>, %arg12: memref<1x1xf32, #tpu.memory_space<vmem>>, %arg13: memref<2x1xf32, #tpu.memory_space<vmem>>) attributes {dimension_semantics = [], scalar_prefetch = 0 : i64, scratch_operands = 0 : i64, tpu.core_type = #tpu.core_type<tc>} {
    %get3A = arith.constant 0 : index
    %get3A_0 = arith.constant 0 : index
    %get3A_1 = vector.load %arg0[%get3A, %get3A_0] : memref<8x64xf32, #tpu.memory_space<vmem>>, vector<8x64xf32>
    %broadcast_in_dim3A = arith.constant 0.000000e+00 : f32
    %broadcast_in_dim3A_2 = vector.broadcast %broadcast_in_dim3A : f32 to vector<2x128xf32>
    %broadcast_in_dim3A_3 = arith.constant 0.000000e+00 : f32
    %broadcast_in_dim3A_4 = vector.broadcast %broadcast_in_dim3A_3 : f32 to vector<2x128xf32>
    %broadcast_in_dim3A_5 = arith.constant 0.000000e+00 : f32
    %broadcast_in_dim3A_6 = vector.broadcast %broadcast_in_dim3A_5 : f32 to vector<2x128xf32>
    %broadcast_in_dim3A_7 = arith.constant 0.000000e+00 : f32
    %broadcast_in_dim3A_8 = vector.broadcast %broadcast_in_dim3A_7 : f32 to vector<2x128xf32>
    %slice3A = vector.extract_strided_slice %get3A_1 {offsets = [0, 0], sizes = [2, 64], strides = [1, 1]} : vector<8x64xf32> to vector<2x64xf32>
    %get3A_9 = arith.constant 0 : index
    %get3A_10 = arith.constant 0 : index
    %get3A_11 = vector.load %arg1[%get3A_9, %get3A_10] : memref<64x512xf32, #tpu.memory_space<vmem>>, vector<64x512xf32>
    %get3A_12 = arith.constant 0 : index
    %get3A_13 = arith.constant 0 : index
    %get3A_14 = vector.load %arg2[%get3A_12, %get3A_13] : memref<128x512xf32, #tpu.memory_space<vmem>>, vector<128x512xf32>
    %get3A_15 = arith.constant 0 : index
    %get3A_16 = arith.constant 0 : index
    %get3A_17 = vector.load %arg3[%get3A_15, %get3A_16] : memref<1x512xf32, #tpu.memory_space<vmem>>, vector<1x512xf32>
    %dot_general3A = arith.constant dense<0.000000e+00> : vector<2x512xf32>
    %dot_general3A_18 = tpu.matmul %slice3A, %get3A_11, %dot_general3A {dimension_numbers = #tpu.dot_dimension_numbers<[1], [0], [0], [1], [0, 0, 1, 1], [], []>, transpose_lhs_hint = false} : vector<2x64xf32>, vector<64x512xf32>, vector<2x512xf32> -> vector<2x512xf32>
    %dot_general3A_19 = arith.constant dense<0.000000e+00> : vector<2x512xf32>
    %dot_general3A_20 = tpu.matmul %broadcast_in_dim3A_2, %get3A_14, %dot_general3A_19 {dimension_numbers = #tpu.dot_dimension_numbers<[1], [0], [0], [1], [0, 0, 1, 1], [], []>, transpose_lhs_hint = false} : vector<2x128xf32>, vector<128x512xf32>, vector<2x512xf32> -> vector<2x512xf32>
    %add3A = arith.addf %dot_general3A_18, %dot_general3A_20 : vector<2x512xf32>
    %add3A_21 = vector.broadcast %get3A_17 : vector<1x512xf32> to vector<2x512xf32>
    %add3A_22 = arith.addf %add3A, %add3A_21 : vector<2x512xf32>
    %slice3A_23 = vector.extract_strided_slice %add3A_22 {offsets = [0, 0], sizes = [2, 128], strides = [1, 1]} : vector<2x512xf32> to vector<2x128xf32>
    %logistic3A = arith.negf %slice3A_23 : vector<2x128xf32>
    %logistic3A_24 = math.exp %logistic3A : vector<2x128xf32>
    %logistic3A_25 = arith.constant 1.000000e+00 : f32
    %logistic3A_26 = vector.broadcast %logistic3A_25 : f32 to vector<2x128xf32>
    %logistic3A_27 = arith.addf %logistic3A_26, %logistic3A_24 : vector<2x128xf32>
    %logistic3A_28 = arith.divf %logistic3A_26, %logistic3A_27 : vector<2x128xf32>
    %slice3A_29 = vector.extract_strided_slice %add3A_22 {offsets = [0, 128], sizes = [2, 128], strides = [1, 1]} : vector<2x512xf32> to vector<2x128xf32>
    %logistic3A_30 = arith.negf %slice3A_29 : vector<2x128xf32>
    %logistic3A_31 = math.exp %logistic3A_30 : vector<2x128xf32>
    %logistic3A_32 = arith.constant 1.000000e+00 : f32
    %logistic3A_33 = vector.broadcast %logistic3A_32 : f32 to vector<2x128xf32>
    %logistic3A_34 = arith.addf %logistic3A_33, %logistic3A_31 : vector<2x128xf32>
    %logistic3A_35 = arith.divf %logistic3A_33, %logistic3A_34 : vector<2x128xf32>
    %slice3A_36 = vector.extract_strided_slice %add3A_22 {offsets = [0, 256], sizes = [2, 128], strides = [1, 1]} : vector<2x512xf32> to vector<2x128xf32>
    %tanh3A = math.tanh %slice3A_36 : vector<2x128xf32>
    %slice3A_37 = vector.extract_strided_slice %add3A_22 {offsets = [0, 384], sizes = [2, 128], strides = [1, 1]} : vector<2x512xf32> to vector<2x128xf32>
    %logistic3A_38 = arith.negf %slice3A_37 : vector<2x128xf32>
    %logistic3A_39 = math.exp %logistic3A_38 : vector<2x128xf32>
    %logistic3A_40 = arith.constant 1.000000e+00 : f32
    %logistic3A_41 = vector.broadcast %logistic3A_40 : f32 to vector<2x128xf32>
    %logistic3A_42 = arith.addf %logistic3A_41, %logistic3A_39 : vector<2x128xf32>
    %logistic3A_43 = arith.divf %logistic3A_41, %logistic3A_42 : vector<2x128xf32>
    %mul3A = arith.mulf %logistic3A_35, %broadcast_in_dim3A_4 : vector<2x128xf32>
    %mul3A_44 = arith.mulf %logistic3A_28, %tanh3A : vector<2x128xf32>
    %add3A_45 = arith.addf %mul3A, %mul3A_44 : vector<2x128xf32>
    %tanh3A_46 = math.tanh %add3A_45 : vector<2x128xf32>
    %mul3A_47 = arith.mulf %logistic3A_43, %tanh3A_46 : vector<2x128xf32>
    %get3A_48 = arith.constant 0 : index
    %get3A_49 = arith.constant 0 : index
    %get3A_50 = vector.load %arg4[%get3A_48, %get3A_49] : memref<128x512xf32, #tpu.memory_space<vmem>>, vector<128x512xf32>
    %get3A_51 = arith.constant 0 : index
    %get3A_52 = arith.constant 0 : index
    %get3A_53 = vector.load %arg5[%get3A_51, %get3A_52] : memref<128x512xf32, #tpu.memory_space<vmem>>, vector<128x512xf32>
    %get3A_54 = arith.constant 0 : index
    %get3A_55 = arith.constant 0 : index
    %get3A_56 = vector.load %arg6[%get3A_54, %get3A_55] : memref<1x512xf32, #tpu.memory_space<vmem>>, vector<1x512xf32>
    %dot_general3A_57 = arith.constant dense<0.000000e+00> : vector<2x512xf32>
    %dot_general3A_58 = tpu.matmul %mul3A_47, %get3A_50, %dot_general3A_57 {dimension_numbers = #tpu.dot_dimension_numbers<[1], [0], [0], [1], [0, 0, 1, 1], [], []>, transpose_lhs_hint = false} : vector<2x128xf32>, vector<128x512xf32>, vector<2x512xf32> -> vector<2x512xf32>
    %dot_general3A_59 = arith.constant dense<0.000000e+00> : vector<2x512xf32>
    %dot_general3A_60 = tpu.matmul %broadcast_in_dim3A_6, %get3A_53, %dot_general3A_59 {dimension_numbers = #tpu.dot_dimension_numbers<[1], [0], [0], [1], [0, 0, 1, 1], [], []>, transpose_lhs_hint = false} : vector<2x128xf32>, vector<128x512xf32>, vector<2x512xf32> -> vector<2x512xf32>
    %add3A_61 = arith.addf %dot_general3A_58, %dot_general3A_60 : vector<2x512xf32>
    %add3A_62 = vector.broadcast %get3A_56 : vector<1x512xf32> to vector<2x512xf32>
    %add3A_63 = arith.addf %add3A_61, %add3A_62 : vector<2x512xf32>
    %slice3A_64 = vector.extract_strided_slice %add3A_63 {offsets = [0, 0], sizes = [2, 128], strides = [1, 1]} : vector<2x512xf32> to vector<2x128xf32>
    %logistic3A_65 = arith.negf %slice3A_64 : vector<2x128xf32>
    %logistic3A_66 = math.exp %logistic3A_65 : vector<2x128xf32>
    %logistic3A_67 = arith.constant 1.000000e+00 : f32
    %logistic3A_68 = vector.broadcast %logistic3A_67 : f32 to vector<2x128xf32>
    %logistic3A_69 = arith.addf %logistic3A_68, %logistic3A_66 : vector<2x128xf32>
    %logistic3A_70 = arith.divf %logistic3A_68, %logistic3A_69 : vector<2x128xf32>
    %slice3A_71 = vector.extract_strided_slice %add3A_63 {offsets = [0, 128], sizes = [2, 128], strides = [1, 1]} : vector<2x512xf32> to vector<2x128xf32>
    %logistic3A_72 = arith.negf %slice3A_71 : vector<2x128xf32>
    %logistic3A_73 = math.exp %logistic3A_72 : vector<2x128xf32>
    %logistic3A_74 = arith.constant 1.000000e+00 : f32
    %logistic3A_75 = vector.broadcast %logistic3A_74 : f32 to vector<2x128xf32>
    %logistic3A_76 = arith.addf %logistic3A_75, %logistic3A_73 : vector<2x128xf32>
    %logistic3A_77 = arith.divf %logistic3A_75, %logistic3A_76 : vector<2x128xf32>
    %slice3A_78 = vector.extract_strided_slice %add3A_63 {offsets = [0, 256], sizes = [2, 128], strides = [1, 1]} : vector<2x512xf32> to vector<2x128xf32>
    %tanh3A_79 = math.tanh %slice3A_78 : vector<2x128xf32>
    %slice3A_80 = vector.extract_strided_slice %add3A_63 {offsets = [0, 384], sizes = [2, 128], strides = [1, 1]} : vector<2x512xf32> to vector<2x128xf32>
    %logistic3A_81 = arith.negf %slice3A_80 : vector<2x128xf32>
    %logistic3A_82 = math.exp %logistic3A_81 : vector<2x128xf32>
    %logistic3A_83 = arith.constant 1.000000e+00 : f32
    %logistic3A_84 = vector.broadcast %logistic3A_83 : f32 to vector<2x128xf32>
    %logistic3A_85 = arith.addf %logistic3A_84, %logistic3A_82 : vector<2x128xf32>
    %logistic3A_86 = arith.divf %logistic3A_84, %logistic3A_85 : vector<2x128xf32>
    %mul3A_87 = arith.mulf %logistic3A_77, %broadcast_in_dim3A_8 : vector<2x128xf32>
    %mul3A_88 = arith.mulf %logistic3A_70, %tanh3A_79 : vector<2x128xf32>
    %add3A_89 = arith.addf %mul3A_87, %mul3A_88 : vector<2x128xf32>
    %tanh3A_90 = math.tanh %add3A_89 : vector<2x128xf32>
    %mul3A_91 = arith.mulf %logistic3A_86, %tanh3A_90 : vector<2x128xf32>
    %slice3A_92 = vector.extract_strided_slice %get3A_1 {offsets = [2, 0], sizes = [2, 64], strides = [1, 1]} : vector<8x64xf32> to vector<2x64xf32>
    %get3A_93 = arith.constant 0 : index
    %get3A_94 = arith.constant 0 : index
    %get3A_95 = vector.load %arg1[%get3A_93, %get3A_94] : memref<64x512xf32, #tpu.memory_space<vmem>>, vector<64x512xf32>
    %get3A_96 = arith.constant 0 : index
    %get3A_97 = arith.constant 0 : index
    %get3A_98 = vector.load %arg2[%get3A_96, %get3A_97] : memref<128x512xf32, #tpu.memory_space<vmem>>, vector<128x512xf32>
    %get3A_99 = arith.constant 0 : index
    %get3A_100 = arith.constant 0 : index
    %get3A_101 = vector.load %arg3[%get3A_99, %get3A_100] : memref<1x512xf32, #tpu.memory_space<vmem>>, vector<1x512xf32>
    %dot_general3A_102 = arith.constant dense<0.000000e+00> : vector<2x512xf32>
    %dot_general3A_103 = tpu.matmul %slice3A_92, %get3A_95, %dot_general3A_102 {dimension_numbers = #tpu.dot_dimension_numbers<[1], [0], [0], [1], [0, 0, 1, 1], [], []>, transpose_lhs_hint = false} : vector<2x64xf32>, vector<64x512xf32>, vector<2x512xf32> -> vector<2x512xf32>
    %dot_general3A_104 = arith.constant dense<0.000000e+00> : vector<2x512xf32>
    %dot_general3A_105 = tpu.matmul %mul3A_47, %get3A_98, %dot_general3A_104 {dimension_numbers = #tpu.dot_dimension_numbers<[1], [0], [0], [1], [0, 0, 1, 1], [], []>, transpose_lhs_hint = false} : vector<2x128xf32>, vector<128x512xf32>, vector<2x512xf32> -> vector<2x512xf32>
    %add3A_106 = arith.addf %dot_general3A_103, %dot_general3A_105 : vector<2x512xf32>
    %add3A_107 = vector.broadcast %get3A_101 : vector<1x512xf32> to vector<2x512xf32>
    %add3A_108 = arith.addf %add3A_106, %add3A_107 : vector<2x512xf32>
    %slice3A_109 = vector.extract_strided_slice %add3A_108 {offsets = [0, 0], sizes = [2, 128], strides = [1, 1]} : vector<2x512xf32> to vector<2x128xf32>
    %logistic3A_110 = arith.negf %slice3A_109 : vector<2x128xf32>
    %logistic3A_111 = math.exp %logistic3A_110 : vector<2x128xf32>
    %logistic3A_112 = arith.constant 1.000000e+00 : f32
    %logistic3A_113 = vector.broadcast %logistic3A_112 : f32 to vector<2x128xf32>
    %logistic3A_114 = arith.addf %logistic3A_113, %logistic3A_111 : vector<2x128xf32>
    %logistic3A_115 = arith.divf %logistic3A_113, %logistic3A_114 : vector<2x128xf32>
    %slice3A_116 = vector.extract_strided_slice %add3A_108 {offsets = [0, 128], sizes = [2, 128], strides = [1, 1]} : vector<2x512xf32> to vector<2x128xf32>
    %logistic3A_117 = arith.negf %slice3A_116 : vector<2x128xf32>
    %logistic3A_118 = math.exp %logistic3A_117 : vector<2x128xf32>
    %logistic3A_119 = arith.constant 1.000000e+00 : f32
    %logistic3A_120 = vector.broadcast %logistic3A_119 : f32 to vector<2x128xf32>
    %logistic3A_121 = arith.addf %logistic3A_120, %logistic3A_118 : vector<2x128xf32>
    %logistic3A_122 = arith.divf %logistic3A_120, %logistic3A_121 : vector<2x128xf32>
    %slice3A_123 = vector.extract_strided_slice %add3A_108 {offsets = [0, 256], sizes = [2, 128], strides = [1, 1]} : vector<2x512xf32> to vector<2x128xf32>
    %tanh3A_124 = math.tanh %slice3A_123 : vector<2x128xf32>
    %slice3A_125 = vector.extract_strided_slice %add3A_108 {offsets = [0, 384], sizes = [2, 128], strides = [1, 1]} : vector<2x512xf32> to vector<2x128xf32>
    %logistic3A_126 = arith.negf %slice3A_125 : vector<2x128xf32>
    %logistic3A_127 = math.exp %logistic3A_126 : vector<2x128xf32>
    %logistic3A_128 = arith.constant 1.000000e+00 : f32
    %logistic3A_129 = vector.broadcast %logistic3A_128 : f32 to vector<2x128xf32>
    %logistic3A_130 = arith.addf %logistic3A_129, %logistic3A_127 : vector<2x128xf32>
    %logistic3A_131 = arith.divf %logistic3A_129, %logistic3A_130 : vector<2x128xf32>
    %mul3A_132 = arith.mulf %logistic3A_122, %add3A_45 : vector<2x128xf32>
    %mul3A_133 = arith.mulf %logistic3A_115, %tanh3A_124 : vector<2x128xf32>
    %add3A_134 = arith.addf %mul3A_132, %mul3A_133 : vector<2x128xf32>
    %tanh3A_135 = math.tanh %add3A_134 : vector<2x128xf32>
    %mul3A_136 = arith.mulf %logistic3A_131, %tanh3A_135 : vector<2x128xf32>
    %get3A_137 = arith.constant 0 : index
    %get3A_138 = arith.constant 0 : index
    %get3A_139 = vector.load %arg4[%get3A_137, %get3A_138] : memref<128x512xf32, #tpu.memory_space<vmem>>, vector<128x512xf32>
    %get3A_140 = arith.constant 0 : index
    %get3A_141 = arith.constant 0 : index
    %get3A_142 = vector.load %arg5[%get3A_140, %get3A_141] : memref<128x512xf32, #tpu.memory_space<vmem>>, vector<128x512xf32>
    %get3A_143 = arith.constant 0 : index
    %get3A_144 = arith.constant 0 : index
    %get3A_145 = vector.load %arg6[%get3A_143, %get3A_144] : memref<1x512xf32, #tpu.memory_space<vmem>>, vector<1x512xf32>
    %dot_general3A_146 = arith.constant dense<0.000000e+00> : vector<2x512xf32>
    %dot_general3A_147 = tpu.matmul %mul3A_136, %get3A_139, %dot_general3A_146 {dimension_numbers = #tpu.dot_dimension_numbers<[1], [0], [0], [1], [0, 0, 1, 1], [], []>, transpose_lhs_hint = false} : vector<2x128xf32>, vector<128x512xf32>, vector<2x512xf32> -> vector<2x512xf32>
    %dot_general3A_148 = arith.constant dense<0.000000e+00> : vector<2x512xf32>
    %dot_general3A_149 = tpu.matmul %mul3A_91, %get3A_142, %dot_general3A_148 {dimension_numbers = #tpu.dot_dimension_numbers<[1], [0], [0], [1], [0, 0, 1, 1], [], []>, transpose_lhs_hint = false} : vector<2x128xf32>, vector<128x512xf32>, vector<2x512xf32> -> vector<2x512xf32>
    %add3A_150 = arith.addf %dot_general3A_147, %dot_general3A_149 : vector<2x512xf32>
    %add3A_151 = vector.broadcast %get3A_145 : vector<1x512xf32> to vector<2x512xf32>
    %add3A_152 = arith.addf %add3A_150, %add3A_151 : vector<2x512xf32>
    %slice3A_153 = vector.extract_strided_slice %add3A_152 {offsets = [0, 0], sizes = [2, 128], strides = [1, 1]} : vector<2x512xf32> to vector<2x128xf32>
    %logistic3A_154 = arith.negf %slice3A_153 : vector<2x128xf32>
    %logistic3A_155 = math.exp %logistic3A_154 : vector<2x128xf32>
    %logistic3A_156 = arith.constant 1.000000e+00 : f32
    %logistic3A_157 = vector.broadcast %logistic3A_156 : f32 to vector<2x128xf32>
    %logistic3A_158 = arith.addf %logistic3A_157, %logistic3A_155 : vector<2x128xf32>
    %logistic3A_159 = arith.divf %logistic3A_157, %logistic3A_158 : vector<2x128xf32>
    %slice3A_160 = vector.extract_strided_slice %add3A_152 {offsets = [0, 128], sizes = [2, 128], strides = [1, 1]} : vector<2x512xf32> to vector<2x128xf32>
    %logistic3A_161 = arith.negf %slice3A_160 : vector<2x128xf32>
    %logistic3A_162 = math.exp %logistic3A_161 : vector<2x128xf32>
    %logistic3A_163 = arith.constant 1.000000e+00 : f32
    %logistic3A_164 = vector.broadcast %logistic3A_163 : f32 to vector<2x128xf32>
    %logistic3A_165 = arith.addf %logistic3A_164, %logistic3A_162 : vector<2x128xf32>
    %logistic3A_166 = arith.divf %logistic3A_164, %logistic3A_165 : vector<2x128xf32>
    %slice3A_167 = vector.extract_strided_slice %add3A_152 {offsets = [0, 256], sizes = [2, 128], strides = [1, 1]} : vector<2x512xf32> to vector<2x128xf32>
    %tanh3A_168 = math.tanh %slice3A_167 : vector<2x128xf32>
    %slice3A_169 = vector.extract_strided_slice %add3A_152 {offsets = [0, 384], sizes = [2, 128], strides = [1, 1]} : vector<2x512xf32> to vector<2x128xf32>
    %logistic3A_170 = arith.negf %slice3A_169 : vector<2x128xf32>
    %logistic3A_171 = math.exp %logistic3A_170 : vector<2x128xf32>
    %logistic3A_172 = arith.constant 1.000000e+00 : f32
    %logistic3A_173 = vector.broadcast %logistic3A_172 : f32 to vector<2x128xf32>
    %logistic3A_174 = arith.addf %logistic3A_173, %logistic3A_171 : vector<2x128xf32>
    %logistic3A_175 = arith.divf %logistic3A_173, %logistic3A_174 : vector<2x128xf32>
    %mul3A_176 = arith.mulf %logistic3A_166, %add3A_89 : vector<2x128xf32>
    %mul3A_177 = arith.mulf %logistic3A_159, %tanh3A_168 : vector<2x128xf32>
    %add3A_178 = arith.addf %mul3A_176, %mul3A_177 : vector<2x128xf32>
    %tanh3A_179 = math.tanh %add3A_178 : vector<2x128xf32>
    %mul3A_180 = arith.mulf %logistic3A_175, %tanh3A_179 : vector<2x128xf32>
    %slice3A_181 = vector.extract_strided_slice %get3A_1 {offsets = [4, 0], sizes = [2, 64], strides = [1, 1]} : vector<8x64xf32> to vector<2x64xf32>
    %get3A_182 = arith.constant 0 : index
    %get3A_183 = arith.constant 0 : index
    %get3A_184 = vector.load %arg1[%get3A_182, %get3A_183] : memref<64x512xf32, #tpu.memory_space<vmem>>, vector<64x512xf32>
    %get3A_185 = arith.constant 0 : index
    %get3A_186 = arith.constant 0 : index
    %get3A_187 = vector.load %arg2[%get3A_185, %get3A_186] : memref<128x512xf32, #tpu.memory_space<vmem>>, vector<128x512xf32>
    %get3A_188 = arith.constant 0 : index
    %get3A_189 = arith.constant 0 : index
    %get3A_190 = vector.load %arg3[%get3A_188, %get3A_189] : memref<1x512xf32, #tpu.memory_space<vmem>>, vector<1x512xf32>
    %dot_general3A_191 = arith.constant dense<0.000000e+00> : vector<2x512xf32>
    %dot_general3A_192 = tpu.matmul %slice3A_181, %get3A_184, %dot_general3A_191 {dimension_numbers = #tpu.dot_dimension_numbers<[1], [0], [0], [1], [0, 0, 1, 1], [], []>, transpose_lhs_hint = false} : vector<2x64xf32>, vector<64x512xf32>, vector<2x512xf32> -> vector<2x512xf32>
    %dot_general3A_193 = arith.constant dense<0.000000e+00> : vector<2x512xf32>
    %dot_general3A_194 = tpu.matmul %mul3A_136, %get3A_187, %dot_general3A_193 {dimension_numbers = #tpu.dot_dimension_numbers<[1], [0], [0], [1], [0, 0, 1, 1], [], []>, transpose_lhs_hint = false} : vector<2x128xf32>, vector<128x512xf32>, vector<2x512xf32> -> vector<2x512xf32>
    %add3A_195 = arith.addf %dot_general3A_192, %dot_general3A_194 : vector<2x512xf32>
    %add3A_196 = vector.broadcast %get3A_190 : vector<1x512xf32> to vector<2x512xf32>
    %add3A_197 = arith.addf %add3A_195, %add3A_196 : vector<2x512xf32>
    %slice3A_198 = vector.extract_strided_slice %add3A_197 {offsets = [0, 0], sizes = [2, 128], strides = [1, 1]} : vector<2x512xf32> to vector<2x128xf32>
    %logistic3A_199 = arith.negf %slice3A_198 : vector<2x128xf32>
    %logistic3A_200 = math.exp %logistic3A_199 : vector<2x128xf32>
    %logistic3A_201 = arith.constant 1.000000e+00 : f32
    %logistic3A_202 = vector.broadcast %logistic3A_201 : f32 to vector<2x128xf32>
    %logistic3A_203 = arith.addf %logistic3A_202, %logistic3A_200 : vector<2x128xf32>
    %logistic3A_204 = arith.divf %logistic3A_202, %logistic3A_203 : vector<2x128xf32>
    %slice3A_205 = vector.extract_strided_slice %add3A_197 {offsets = [0, 128], sizes = [2, 128], strides = [1, 1]} : vector<2x512xf32> to vector<2x128xf32>
    %logistic3A_206 = arith.negf %slice3A_205 : vector<2x128xf32>
    %logistic3A_207 = math.exp %logistic3A_206 : vector<2x128xf32>
    %logistic3A_208 = arith.constant 1.000000e+00 : f32
    %logistic3A_209 = vector.broadcast %logistic3A_208 : f32 to vector<2x128xf32>
    %logistic3A_210 = arith.addf %logistic3A_209, %logistic3A_207 : vector<2x128xf32>
    %logistic3A_211 = arith.divf %logistic3A_209, %logistic3A_210 : vector<2x128xf32>
    %slice3A_212 = vector.extract_strided_slice %add3A_197 {offsets = [0, 256], sizes = [2, 128], strides = [1, 1]} : vector<2x512xf32> to vector<2x128xf32>
    %tanh3A_213 = math.tanh %slice3A_212 : vector<2x128xf32>
    %slice3A_214 = vector.extract_strided_slice %add3A_197 {offsets = [0, 384], sizes = [2, 128], strides = [1, 1]} : vector<2x512xf32> to vector<2x128xf32>
    %logistic3A_215 = arith.negf %slice3A_214 : vector<2x128xf32>
    %logistic3A_216 = math.exp %logistic3A_215 : vector<2x128xf32>
    %logistic3A_217 = arith.constant 1.000000e+00 : f32
    %logistic3A_218 = vector.broadcast %logistic3A_217 : f32 to vector<2x128xf32>
    %logistic3A_219 = arith.addf %logistic3A_218, %logistic3A_216 : vector<2x128xf32>
    %logistic3A_220 = arith.divf %logistic3A_218, %logistic3A_219 : vector<2x128xf32>
    %mul3A_221 = arith.mulf %logistic3A_211, %add3A_134 : vector<2x128xf32>
    %mul3A_222 = arith.mulf %logistic3A_204, %tanh3A_213 : vector<2x128xf32>
    %add3A_223 = arith.addf %mul3A_221, %mul3A_222 : vector<2x128xf32>
    %tanh3A_224 = math.tanh %add3A_223 : vector<2x128xf32>
    %mul3A_225 = arith.mulf %logistic3A_220, %tanh3A_224 : vector<2x128xf32>
    %get3A_226 = arith.constant 0 : index
    %get3A_227 = arith.constant 0 : index
    %get3A_228 = vector.load %arg4[%get3A_226, %get3A_227] : memref<128x512xf32, #tpu.memory_space<vmem>>, vector<128x512xf32>
    %get3A_229 = arith.constant 0 : index
    %get3A_230 = arith.constant 0 : index
    %get3A_231 = vector.load %arg5[%get3A_229, %get3A_230] : memref<128x512xf32, #tpu.memory_space<vmem>>, vector<128x512xf32>
    %get3A_232 = arith.constant 0 : index
    %get3A_233 = arith.constant 0 : index
    %get3A_234 = vector.load %arg6[%get3A_232, %get3A_233] : memref<1x512xf32, #tpu.memory_space<vmem>>, vector<1x512xf32>
    %dot_general3A_235 = arith.constant dense<0.000000e+00> : vector<2x512xf32>
    %dot_general3A_236 = tpu.matmul %mul3A_225, %get3A_228, %dot_general3A_235 {dimension_numbers = #tpu.dot_dimension_numbers<[1], [0], [0], [1], [0, 0, 1, 1], [], []>, transpose_lhs_hint = false} : vector<2x128xf32>, vector<128x512xf32>, vector<2x512xf32> -> vector<2x512xf32>
    %dot_general3A_237 = arith.constant dense<0.000000e+00> : vector<2x512xf32>
    %dot_general3A_238 = tpu.matmul %mul3A_180, %get3A_231, %dot_general3A_237 {dimension_numbers = #tpu.dot_dimension_numbers<[1], [0], [0], [1], [0, 0, 1, 1], [], []>, transpose_lhs_hint = false} : vector<2x128xf32>, vector<128x512xf32>, vector<2x512xf32> -> vector<2x512xf32>
    %add3A_239 = arith.addf %dot_general3A_236, %dot_general3A_238 : vector<2x512xf32>
    %add3A_240 = vector.broadcast %get3A_234 : vector<1x512xf32> to vector<2x512xf32>
    %add3A_241 = arith.addf %add3A_239, %add3A_240 : vector<2x512xf32>
    %slice3A_242 = vector.extract_strided_slice %add3A_241 {offsets = [0, 0], sizes = [2, 128], strides = [1, 1]} : vector<2x512xf32> to vector<2x128xf32>
    %logistic3A_243 = arith.negf %slice3A_242 : vector<2x128xf32>
    %logistic3A_244 = math.exp %logistic3A_243 : vector<2x128xf32>
    %logistic3A_245 = arith.constant 1.000000e+00 : f32
    %logistic3A_246 = vector.broadcast %logistic3A_245 : f32 to vector<2x128xf32>
    %logistic3A_247 = arith.addf %logistic3A_246, %logistic3A_244 : vector<2x128xf32>
    %logistic3A_248 = arith.divf %logistic3A_246, %logistic3A_247 : vector<2x128xf32>
    %slice3A_249 = vector.extract_strided_slice %add3A_241 {offsets = [0, 128], sizes = [2, 128], strides = [1, 1]} : vector<2x512xf32> to vector<2x128xf32>
    %logistic3A_250 = arith.negf %slice3A_249 : vector<2x128xf32>
    %logistic3A_251 = math.exp %logistic3A_250 : vector<2x128xf32>
    %logistic3A_252 = arith.constant 1.000000e+00 : f32
    %logistic3A_253 = vector.broadcast %logistic3A_252 : f32 to vector<2x128xf32>
    %logistic3A_254 = arith.addf %logistic3A_253, %logistic3A_251 : vector<2x128xf32>
    %logistic3A_255 = arith.divf %logistic3A_253, %logistic3A_254 : vector<2x128xf32>
    %slice3A_256 = vector.extract_strided_slice %add3A_241 {offsets = [0, 256], sizes = [2, 128], strides = [1, 1]} : vector<2x512xf32> to vector<2x128xf32>
    %tanh3A_257 = math.tanh %slice3A_256 : vector<2x128xf32>
    %slice3A_258 = vector.extract_strided_slice %add3A_241 {offsets = [0, 384], sizes = [2, 128], strides = [1, 1]} : vector<2x512xf32> to vector<2x128xf32>
    %logistic3A_259 = arith.negf %slice3A_258 : vector<2x128xf32>
    %logistic3A_260 = math.exp %logistic3A_259 : vector<2x128xf32>
    %logistic3A_261 = arith.constant 1.000000e+00 : f32
    %logistic3A_262 = vector.broadcast %logistic3A_261 : f32 to vector<2x128xf32>
    %logistic3A_263 = arith.addf %logistic3A_262, %logistic3A_260 : vector<2x128xf32>
    %logistic3A_264 = arith.divf %logistic3A_262, %logistic3A_263 : vector<2x128xf32>
    %mul3A_265 = arith.mulf %logistic3A_255, %add3A_178 : vector<2x128xf32>
    %mul3A_266 = arith.mulf %logistic3A_248, %tanh3A_257 : vector<2x128xf32>
    %add3A_267 = arith.addf %mul3A_265, %mul3A_266 : vector<2x128xf32>
    %tanh3A_268 = math.tanh %add3A_267 : vector<2x128xf32>
    %mul3A_269 = arith.mulf %logistic3A_264, %tanh3A_268 : vector<2x128xf32>
    %slice3A_270 = vector.extract_strided_slice %get3A_1 {offsets = [6, 0], sizes = [2, 64], strides = [1, 1]} : vector<8x64xf32> to vector<2x64xf32>
    %get3A_271 = arith.constant 0 : index
    %get3A_272 = arith.constant 0 : index
    %get3A_273 = vector.load %arg1[%get3A_271, %get3A_272] : memref<64x512xf32, #tpu.memory_space<vmem>>, vector<64x512xf32>
    %get3A_274 = arith.constant 0 : index
    %get3A_275 = arith.constant 0 : index
    %get3A_276 = vector.load %arg2[%get3A_274, %get3A_275] : memref<128x512xf32, #tpu.memory_space<vmem>>, vector<128x512xf32>
    %get3A_277 = arith.constant 0 : index
    %get3A_278 = arith.constant 0 : index
    %get3A_279 = vector.load %arg3[%get3A_277, %get3A_278] : memref<1x512xf32, #tpu.memory_space<vmem>>, vector<1x512xf32>
    %dot_general3A_280 = arith.constant dense<0.000000e+00> : vector<2x512xf32>
    %dot_general3A_281 = tpu.matmul %slice3A_270, %get3A_273, %dot_general3A_280 {dimension_numbers = #tpu.dot_dimension_numbers<[1], [0], [0], [1], [0, 0, 1, 1], [], []>, transpose_lhs_hint = false} : vector<2x64xf32>, vector<64x512xf32>, vector<2x512xf32> -> vector<2x512xf32>
    %dot_general3A_282 = arith.constant dense<0.000000e+00> : vector<2x512xf32>
    %dot_general3A_283 = tpu.matmul %mul3A_225, %get3A_276, %dot_general3A_282 {dimension_numbers = #tpu.dot_dimension_numbers<[1], [0], [0], [1], [0, 0, 1, 1], [], []>, transpose_lhs_hint = false} : vector<2x128xf32>, vector<128x512xf32>, vector<2x512xf32> -> vector<2x512xf32>
    %add3A_284 = arith.addf %dot_general3A_281, %dot_general3A_283 : vector<2x512xf32>
    %add3A_285 = vector.broadcast %get3A_279 : vector<1x512xf32> to vector<2x512xf32>
    %add3A_286 = arith.addf %add3A_284, %add3A_285 : vector<2x512xf32>
    %slice3A_287 = vector.extract_strided_slice %add3A_286 {offsets = [0, 0], sizes = [2, 128], strides = [1, 1]} : vector<2x512xf32> to vector<2x128xf32>
    %logistic3A_288 = arith.negf %slice3A_287 : vector<2x128xf32>
    %logistic3A_289 = math.exp %logistic3A_288 : vector<2x128xf32>
    %logistic3A_290 = arith.constant 1.000000e+00 : f32
    %logistic3A_291 = vector.broadcast %logistic3A_290 : f32 to vector<2x128xf32>
    %logistic3A_292 = arith.addf %logistic3A_291, %logistic3A_289 : vector<2x128xf32>
    %logistic3A_293 = arith.divf %logistic3A_291, %logistic3A_292 : vector<2x128xf32>
    %slice3A_294 = vector.extract_strided_slice %add3A_286 {offsets = [0, 128], sizes = [2, 128], strides = [1, 1]} : vector<2x512xf32> to vector<2x128xf32>
    %logistic3A_295 = arith.negf %slice3A_294 : vector<2x128xf32>
    %logistic3A_296 = math.exp %logistic3A_295 : vector<2x128xf32>
    %logistic3A_297 = arith.constant 1.000000e+00 : f32
    %logistic3A_298 = vector.broadcast %logistic3A_297 : f32 to vector<2x128xf32>
    %logistic3A_299 = arith.addf %logistic3A_298, %logistic3A_296 : vector<2x128xf32>
    %logistic3A_300 = arith.divf %logistic3A_298, %logistic3A_299 : vector<2x128xf32>
    %slice3A_301 = vector.extract_strided_slice %add3A_286 {offsets = [0, 256], sizes = [2, 128], strides = [1, 1]} : vector<2x512xf32> to vector<2x128xf32>
    %tanh3A_302 = math.tanh %slice3A_301 : vector<2x128xf32>
    %slice3A_303 = vector.extract_strided_slice %add3A_286 {offsets = [0, 384], sizes = [2, 128], strides = [1, 1]} : vector<2x512xf32> to vector<2x128xf32>
    %logistic3A_304 = arith.negf %slice3A_303 : vector<2x128xf32>
    %logistic3A_305 = math.exp %logistic3A_304 : vector<2x128xf32>
    %logistic3A_306 = arith.constant 1.000000e+00 : f32
    %logistic3A_307 = vector.broadcast %logistic3A_306 : f32 to vector<2x128xf32>
    %logistic3A_308 = arith.addf %logistic3A_307, %logistic3A_305 : vector<2x128xf32>
    %logistic3A_309 = arith.divf %logistic3A_307, %logistic3A_308 : vector<2x128xf32>
    %mul3A_310 = arith.mulf %logistic3A_300, %add3A_223 : vector<2x128xf32>
    %mul3A_311 = arith.mulf %logistic3A_293, %tanh3A_302 : vector<2x128xf32>
    %add3A_312 = arith.addf %mul3A_310, %mul3A_311 : vector<2x128xf32>
    %tanh3A_313 = math.tanh %add3A_312 : vector<2x128xf32>
    %mul3A_314 = arith.mulf %logistic3A_309, %tanh3A_313 : vector<2x128xf32>
    %get3A_315 = arith.constant 0 : index
    %get3A_316 = arith.constant 0 : index
    %get3A_317 = vector.load %arg4[%get3A_315, %get3A_316] : memref<128x512xf32, #tpu.memory_space<vmem>>, vector<128x512xf32>
    %get3A_318 = arith.constant 0 : index
    %get3A_319 = arith.constant 0 : index
    %get3A_320 = vector.load %arg5[%get3A_318, %get3A_319] : memref<128x512xf32, #tpu.memory_space<vmem>>, vector<128x512xf32>
    %get3A_321 = arith.constant 0 : index
    %get3A_322 = arith.constant 0 : index
    %get3A_323 = vector.load %arg6[%get3A_321, %get3A_322] : memref<1x512xf32, #tpu.memory_space<vmem>>, vector<1x512xf32>
    %dot_general3A_324 = arith.constant dense<0.000000e+00> : vector<2x512xf32>
    %dot_general3A_325 = tpu.matmul %mul3A_314, %get3A_317, %dot_general3A_324 {dimension_numbers = #tpu.dot_dimension_numbers<[1], [0], [0], [1], [0, 0, 1, 1], [], []>, transpose_lhs_hint = false} : vector<2x128xf32>, vector<128x512xf32>, vector<2x512xf32> -> vector<2x512xf32>
    %dot_general3A_326 = arith.constant dense<0.000000e+00> : vector<2x512xf32>
    %dot_general3A_327 = tpu.matmul %mul3A_269, %get3A_320, %dot_general3A_326 {dimension_numbers = #tpu.dot_dimension_numbers<[1], [0], [0], [1], [0, 0, 1, 1], [], []>, transpose_lhs_hint = false} : vector<2x128xf32>, vector<128x512xf32>, vector<2x512xf32> -> vector<2x512xf32>
    %add3A_328 = arith.addf %dot_general3A_325, %dot_general3A_327 : vector<2x512xf32>
    %add3A_329 = vector.broadcast %get3A_323 : vector<1x512xf32> to vector<2x512xf32>
    %add3A_330 = arith.addf %add3A_328, %add3A_329 : vector<2x512xf32>
    %slice3A_331 = vector.extract_strided_slice %add3A_330 {offsets = [0, 0], sizes = [2, 128], strides = [1, 1]} : vector<2x512xf32> to vector<2x128xf32>
    %logistic3A_332 = arith.negf %slice3A_331 : vector<2x128xf32>
    %logistic3A_333 = math.exp %logistic3A_332 : vector<2x128xf32>
    %logistic3A_334 = arith.constant 1.000000e+00 : f32
    %logistic3A_335 = vector.broadcast %logistic3A_334 : f32 to vector<2x128xf32>
    %logistic3A_336 = arith.addf %logistic3A_335, %logistic3A_333 : vector<2x128xf32>
    %logistic3A_337 = arith.divf %logistic3A_335, %logistic3A_336 : vector<2x128xf32>
    %slice3A_338 = vector.extract_strided_slice %add3A_330 {offsets = [0, 128], sizes = [2, 128], strides = [1, 1]} : vector<2x512xf32> to vector<2x128xf32>
    %logistic3A_339 = arith.negf %slice3A_338 : vector<2x128xf32>
    %logistic3A_340 = math.exp %logistic3A_339 : vector<2x128xf32>
    %logistic3A_341 = arith.constant 1.000000e+00 : f32
    %logistic3A_342 = vector.broadcast %logistic3A_341 : f32 to vector<2x128xf32>
    %logistic3A_343 = arith.addf %logistic3A_342, %logistic3A_340 : vector<2x128xf32>
    %logistic3A_344 = arith.divf %logistic3A_342, %logistic3A_343 : vector<2x128xf32>
    %slice3A_345 = vector.extract_strided_slice %add3A_330 {offsets = [0, 256], sizes = [2, 128], strides = [1, 1]} : vector<2x512xf32> to vector<2x128xf32>
    %tanh3A_346 = math.tanh %slice3A_345 : vector<2x128xf32>
    %slice3A_347 = vector.extract_strided_slice %add3A_330 {offsets = [0, 384], sizes = [2, 128], strides = [1, 1]} : vector<2x512xf32> to vector<2x128xf32>
    %logistic3A_348 = arith.negf %slice3A_347 : vector<2x128xf32>
    %logistic3A_349 = math.exp %logistic3A_348 : vector<2x128xf32>
    %logistic3A_350 = arith.constant 1.000000e+00 : f32
    %logistic3A_351 = vector.broadcast %logistic3A_350 : f32 to vector<2x128xf32>
    %logistic3A_352 = arith.addf %logistic3A_351, %logistic3A_349 : vector<2x128xf32>
    %logistic3A_353 = arith.divf %logistic3A_351, %logistic3A_352 : vector<2x128xf32>
    %mul3A_354 = arith.mulf %logistic3A_344, %add3A_267 : vector<2x128xf32>
    %mul3A_355 = arith.mulf %logistic3A_337, %tanh3A_346 : vector<2x128xf32>
    %add3A_356 = arith.addf %mul3A_354, %mul3A_355 : vector<2x128xf32>
    %tanh3A_357 = math.tanh %add3A_356 : vector<2x128xf32>
    %mul3A_358 = arith.mulf %logistic3A_353, %tanh3A_357 : vector<2x128xf32>
    %get3A_359 = arith.constant 0 : index
    %get3A_360 = arith.constant 0 : index
    %get3A_361 = vector.load %arg7[%get3A_359, %get3A_360] : memref<128x64xf32, #tpu.memory_space<vmem>>, vector<128x64xf32>
    %dot_general3A_362 = arith.constant dense<0.000000e+00> : vector<2x64xf32>
    %dot_general3A_363 = tpu.matmul %mul3A_358, %get3A_361, %dot_general3A_362 {dimension_numbers = #tpu.dot_dimension_numbers<[1], [0], [0], [1], [0, 0, 1, 1], [], []>, transpose_lhs_hint = false} : vector<2x128xf32>, vector<128x64xf32>, vector<2x64xf32> -> vector<2x64xf32>
    %get3A_364 = arith.constant 0 : index
    %get3A_365 = arith.constant 0 : index
    %get3A_366 = vector.load %arg8[%get3A_364, %get3A_365] : memref<1x64xf32, #tpu.memory_space<vmem>>, vector<1x64xf32>
    %add3A_367 = vector.broadcast %get3A_366 : vector<1x64xf32> to vector<2x64xf32>
    %add3A_368 = arith.addf %dot_general3A_363, %add3A_367 : vector<2x64xf32>
    %max3A = arith.constant 0.000000e+00 : f32
    %max3A_369 = vector.broadcast %max3A : f32 to vector<2x64xf32>
    %max3A_370 = arith.maximumf %add3A_368, %max3A_369 : vector<2x64xf32>
    %get3A_371 = arith.constant 0 : index
    %get3A_372 = arith.constant 0 : index
    %get3A_373 = vector.load %arg9[%get3A_371, %get3A_372] : memref<64x32xf32, #tpu.memory_space<vmem>>, vector<64x32xf32>
    %dot_general3A_374 = arith.constant dense<0.000000e+00> : vector<2x32xf32>
    %dot_general3A_375 = tpu.matmul %max3A_370, %get3A_373, %dot_general3A_374 {dimension_numbers = #tpu.dot_dimension_numbers<[1], [0], [0], [1], [0, 0, 1, 1], [], []>, transpose_lhs_hint = false} : vector<2x64xf32>, vector<64x32xf32>, vector<2x32xf32> -> vector<2x32xf32>
    %get3A_376 = arith.constant 0 : index
    %get3A_377 = arith.constant 0 : index
    %get3A_378 = vector.load %arg10[%get3A_376, %get3A_377] : memref<1x32xf32, #tpu.memory_space<vmem>>, vector<1x32xf32>
    %add3A_379 = vector.broadcast %get3A_378 : vector<1x32xf32> to vector<2x32xf32>
    %add3A_380 = arith.addf %dot_general3A_375, %add3A_379 : vector<2x32xf32>
    %max3A_381 = arith.constant 0.000000e+00 : f32
    %max3A_382 = vector.broadcast %max3A_381 : f32 to vector<2x32xf32>
    %max3A_383 = arith.maximumf %add3A_380, %max3A_382 : vector<2x32xf32>
    %get3A_384 = arith.constant 0 : index
    %get3A_385 = arith.constant 0 : index
    %get3A_386 = vector.load %arg11[%get3A_384, %get3A_385] : memref<32x1xf32, #tpu.memory_space<vmem>>, vector<32x1xf32>
    %dot_general3A_387 = arith.constant dense<0.000000e+00> : vector<2x1xf32>
    %dot_general3A_388 = tpu.matmul %max3A_383, %get3A_386, %dot_general3A_387 {dimension_numbers = #tpu.dot_dimension_numbers<[1], [0], [0], [1], [0, 0, 1, 1], [], []>, transpose_lhs_hint = false} : vector<2x32xf32>, vector<32x1xf32>, vector<2x1xf32> -> vector<2x1xf32>
    %get3A_389 = arith.constant 0 : index
    %get3A_390 = arith.constant 0 : index
    %get3A_391 = vector.load %arg12[%get3A_389, %get3A_390] : memref<1x1xf32, #tpu.memory_space<vmem>>, vector<1x1xf32>
    %add3A_392 = vector.broadcast %get3A_391 : vector<1x1xf32> to vector<2x1xf32>
    %add3A_393 = arith.addf %dot_general3A_388, %add3A_392 : vector<2x1xf32>
    %logistic3A_394 = arith.negf %add3A_393 : vector<2x1xf32>
    %logistic3A_395 = math.exp %logistic3A_394 : vector<2x1xf32>
    %logistic3A_396 = arith.constant 1.000000e+00 : f32
    %logistic3A_397 = vector.broadcast %logistic3A_396 : f32 to vector<2x1xf32>
    %logistic3A_398 = arith.addf %logistic3A_397, %logistic3A_395 : vector<2x1xf32>
    %logistic3A_399 = arith.divf %logistic3A_397, %logistic3A_398 : vector<2x1xf32>
    %swap3A = arith.constant 0 : index
    %swap3A_400 = arith.constant 0 : index
    %swap3A_401 = vector.load %arg13[%swap3A, %swap3A_400] : memref<2x1xf32, #tpu.memory_space<vmem>>, vector<2x1xf32>
    tpu.vector_store %arg13[%swap3A, %swap3A_400], %logistic3A_399 {strides = array<i32>} : memref<2x1xf32, #tpu.memory_space<vmem>>, vector<2x1xf32>,
    return
  }
}

</mosaic_0001>

<sc_bundles>
// kernel: kernel.11.cloned.1.call-start
scs
__scs_entry_jumppad:
0x0: {  	(pc) =	sbr.rel $0x88, $3  }
0x1: {  	(tag) =	ssettag $0x0;
	lr =	simm.s32 $0x1  }
0x2: {  	[smem:$0x3F83] =	sst lr;
	_ =	strace $0xD0000000  }
0x3: {  	_ = 	snop  }
0x4: {  	_ = 	snop  }
0x5: {  	_ = 	snop  }
0x6: {  	_ = 	snop  }
0x7: {  	_ = 	snop  }
__scs_overlays_trampoline_lowered:
0x8: {  	[smem:$0x3F92] =	sst s0  }
0x9: {  	[smem:$0x3F93] =	sst s1  }
0xa: {  	[smem:$0x3F94] =	sst s2  }
0xb: {  	[smem:$0x3F95] =	sst s3  }
0xc: {  	[smem:$0x3F96] =	sst s4  }
0xd: {  	[smem:$0x3F97] =	sst s5  }
0xe: {  	[smem:$0x3F98] =	sst s6  }
0xf: {  	[smem:$0x3F99] =	sst s7  }
0x10: {  	[smem:$0x3F9A] =	sst s8  }
0x11: {  	[smem:$0x3F9B] =	sst s9;
	s0 =	simm.s32 @!p0 $0x0  }
0x12: {  	s1 =	sld [smem:$0x3F81];
	s0 =	simm.s32 @p0 $0x1  }
0x13: {  	[smem:$0x3F9C] =	sst s0;
	s0 =	simm.s32 @!p1 $0x0  }
0x14: {  	s2 =	sld [smem:$0x3F80];
	s0 =	simm.s32 @p1 $0x1  }
0x15: {  	[smem:$0x3F9D] =	sst s0;
	s0 =	simm.s32 @!p2 $0x0  }
0x16: {  	s3 =	sld [smem:$0x3FDB];
	s0 =	simm.s32 @p2 $0x1  }
0x17: {  	s4 =	simm.s32 $0x1BF5;
	[smem:$0x3F9F] =	sst s0  }
0x18: {  	s0 =	sld [smem:$0x3F82];
	_ =	swait.ge [sflag:s4], $0x0  }
0x19: {  	s7 =	sld [smem:$0x3F83]  }
0x1a: {  	s8 =	sadd.s32 $0xFFFFE003, lr  }
0x1b: {  	s9 =	sadd.s32 $0xFFFFFEF7, lr;
	s5 =	simm.s32 $0xFFFFFFFF;
	p2 =	slt.u32 s8, $0xFFFFF086  }
0x1c: {  	p1 =	slt.u32 s9, $0xF7A;
	s5 =	simm.s32 @!p2 $0x0  }
0x1d: {  	s5 =	simm.s32 @p1 $0x1;
	p0 =	seq.s32 s7, s2  }
0x1e: {  	s7 =	smul.u32 @!p0 $0xF7A, s2;
	p2 =	seq.s32 @!p0 s5, $0x0  }
0x1f: {  	s9 =	smul.u32 $0xF7A, s1;
	s8 =	simm.s32 @!p0 $0x1BF5;
	p2 =	por !p2, p0  }
0x20: {  	[sflag:s8] =	ssyncset.s32 @!p0 $0xFFFFF086;
	s6 =	sadd.s32 @!p0 s3, s7;
	s7 =	simm.s32 @!p0 $0x108  }
0x21: {  	s3 =	sadd.s32 s3, s9;
	s6 =	sadd.s32 @!p0 $0x88, s6;
	s7 =	simm.s32 @p2 $0x1082  }
0x22: {  	[simem:s7], [sflag:s8] =	dma.local @!p0 [hbm:s6], $0xF7A  }
0x23: {  	s9 =	sor.u32 $0xD0000000, s2;
	s6 =	simm.s32 $0x108;
	_ =	swait.ge @!p0 [sflag:s8], $0x0  }
0x24: {  	s3 =	sadd.s32 $0x88, s3;
	s6 =	simm.s32 @!p1 $0x1082;
	[sflag:s4] =	ssyncset.s32 $0xFFFFF086  }
0x25: {  	[simem:s6], [sflag:s4] =	dma.local [hbm:s3], $0xF7A  }
0x26: {  	[smem:$0x3F83] =	sst s1;
	(tag) =	ssettag s2;
	_ =	strace s9  }
0x27: {  	s1 =	sld [smem:$0x3F93]  }
0x28: {  	s2 =	sld [smem:$0x3F94]  }
0x29: {  	s4 =	sld [smem:$0x3F96]  }
0x2a: {  	p0 =	seq.s32 s5, $0x0;
	s5 =	sld [smem:$0x3F97]  }
0x2b: {  	s6 =	sld [smem:$0x3F98]  }
0x2c: {  	s7 =	sld [smem:$0x3F99]  }
0x2d: {  	s3 =	simm.s32 $0x108;
	s8 =	sld [smem:$0x3F9A]  }
0x2e: {  	s3 =	simm.s32 @!p0 $0x1082;
	s9 =	sld [smem:$0x3F9B]  }
0x2f: {  	lr =	sadd.s32 s0, s3;
	s0 =	sld [smem:$0x3F92]  }
0x30: {  	s3 =	sld [smem:$0x3F95]  }
0x31: {  	[smem:$0x3F9E] =	sst s10  }
0x32: {  	s10 =	sld [smem:$0x3F9C];
	_ =	sdelay $0x3  }
0x33: {  	p0 =	seq.s32 s10, $0x1;
	s10 =	sld [smem:$0x3F9E];
	_ =	sdelay $0x3  }
0x34: {  	[smem:$0x3F9E] =	sst s10  }
0x35: {  	s10 =	sld [smem:$0x3F9D];
	_ =	sdelay $0x3  }
0x36: {  	p1 =	seq.s32 s10, $0x1;
	s10 =	sld [smem:$0x3F9E];
	_ =	sdelay $0x3  }
0x37: {  	[smem:$0x3F9E] =	sst s10  }
0x38: {  	s10 =	sld [smem:$0x3F9F]  }
0x39: {  	_ = 	snop;
	(pc) =	sbr.ind lr, $3  }
0x3a: {  	_ = 	snop  }
0x3b: {  	_ = 	snop  }
0x3c: {  	p2 =	seq.s32 s10, $0x1;
	s10 =	sld [smem:$0x3F9E]  }
0x3d: {  	_ =	shalt  }
0x3e: {  	_ =	shalt  }
0x3f: {  	_ =	shalt  }
0x40: {  	_ =	shalt  }
0x41: {  	_ =	shalt  }
0x42: {  	_ =	shalt  }
0x43: {  	_ =	shalt  }
0x44: {  	_ =	shalt  }
0x45: {  	_ =	shalt  }
0x46: {  	_ =	shalt  }
0x47: {  	_ =	shalt  }
0x48: {  	_ =	shalt  }
0x49: {  	_ =	shalt  }
0x4a: {  	_ =	shalt  }
0x4b: {  	_ =	shalt  }
0x4c: {  	_ =	shalt  }
0x4d: {  	_ =	shalt  }
0x4e: {  	_ =	shalt  }
0x4f: {  	_ =	shalt  }
0x50: {  	_ =	shalt  }
0x51: {  	_ =	shalt  }
0x52: {  	_ =	shalt  }
0x53: {  	_ =	shalt  }
0x54: {  	_ =	shalt  }
0x55: {  	_ =	shalt  }
0x56: {  	_ =	shalt  }
0x57: {  	_ =	shalt  }
0x58: {  	_ =	shalt  }
0x59: {  	_ =	shalt  }
0x5a: {  	_ =	shalt  }
0x5b: {  	_ =	shalt  }
0x5c: {  	_ =	shalt  }
0x5d: {  	_ =	shalt  }
0x5e: {  	_ =	shalt  }
0x5f: {  	_ =	shalt  }
0x60: {  	_ =	shalt  }
0x61: {  	_ =	shalt  }
0x62: {  	_ =	shalt  }
0x63: {  	_ =	shalt  }
0x64: {  	_ =	shalt  }
0x65: {  	_ =	shalt  }
0x66: {  	_ =	shalt  }
0x67: {  	_ =	shalt  }
0x68: {  	_ =	shalt  }
0x69: {  	_ =	shalt  }
0x6a: {  	_ =	shalt  }
0x6b: {  	_ =	shalt  }
0x6c: {  	_ =	shalt  }
0x6d: {  	_ =	shalt  }
0x6e: {  	_ =	shalt  }
0x6f: {  	_ =	shalt  }
0x70: {  	_ =	shalt  }
0x71: {  	_ =	shalt  }
0x72: {  	_ =	shalt  }
0x73: {  	_ =	shalt  }
0x74: {  	_ =	shalt  }
0x75: {  	_ =	shalt  }
0x76: {  	_ =	shalt  }
0x77: {  	_ =	shalt  }
0x78: {  	_ =	shalt  }
0x79: {  	_ =	shalt  }
0x7a: {  	_ =	shalt  }
0x7b: {  	_ =	shalt  }
0x7c: {  	_ =	shalt  }
0x7d: {  	_ =	shalt  }
0x7e: {  	_ =	shalt  }
0x7f: {  	_ =	shalt  }
0x80: {  	_ =	shalt  }
0x81: {  	_ =	shalt  }
0x82: {  	_ =	shalt  }
0x83: {  	_ =	shalt  }
0x84: {  	_ =	shalt  }
0x85: {  	_ =	shalt  }
0x86: {  	_ =	shalt  }
0x87: {  	_ =	shalt  }
.Lfunc_end0:
.L_simem_size_0:
called_computation.1_lowered:
.L_overlay_start_0:
0x88: {  	s2 =	sld [smem:$0x3FD9]  }
0x89: {  	s3 =	sld [smem:$0x3FFE];
	_ =	sdelay $0x1  }
0x8a: {  	s1 =	srdreg.scid  }
0x8b: {  	s0 =	sand.u32 $0x1, s1  }
0x8c: {  	s16 =	sshll.u32 s0, $0xA;
	s2 =	sadd.s32 s3, s2  }
0x8d: {  	s2 =	sadd.s32 s2, s16  }
0x8e: {  	[smem:$0x3FAA] =	sst s2  }
0x8f: {  	_ = 	snop  }
0x90: {  	(tm) =	ssettm $0x1  }
0x91: {  	s17 =	sld [smem:$0x3FFB];
	_ =	sdelay $0x3  }
0x92: {  	_ =	strace s17  }
0x93: {  	s2 =	sld [smem:$0x3FFC];
	_ =	sdelay $0x3  }
0x94: {  	_ =	strace s2  }
0x95: {  	s2 =	sld [smem:$0x3FFD];
	_ =	sdelay $0x3  }
0x96: {  	_ =	strace s2  }
0x97: {  	_ =	strace $0x8FFFFFFF  }
0x98: {  	s18 =	sld [smem:$0x3FDB];
	_ =	sdelay $0x1  }
0x99: {  	s19 =	simm.s32 $_scs_section_size  }
0x9a: {  	s4 =	simm.s32 $_size__tile_overlayer_lowered;
	s5 =	simm.s32 $_tile_overlayer_lowered  }
0x9b: {  	s22 =	simm.s32 $0x1BFF;
	s21 =	sshll.u32 s5, $0x1;
	s2 =	sadd.s32 s19, s18  }
0x9c: {  	s6 =	simm.s32 $0x0;
	s20 =	sshll.u32 s4, $0x1;
	s4 =	sadd.s32 s21, s2  }
0x9d: {  	[timem:s6], [sflag:s22] =	dma.local [hbm:s4], s20  }
0x9e: {  	_ =	swait.ge [sflag:s22], s20  }
0x9f: {  	s3 =	ssub.s32 $0x0, s20;
	[sflag:s22] =	ssyncset.done $0x0  }
0xa0: {  	[sflag:s22] =	ssyncadd.s32 s3;
	_ =	sdelay $0x1  }
0xa1: {  	s23 =	simm.s32 $0x1B8B  }
0xa2: {  	_ =	swait.ge [sflag:s23], $0x1  }
0xa3: {  	[sflag:s23] =	ssyncset.done $0x0  }
0xa4: {  	s25 =	simm.s32 $0x1B8E;
	s24 =	sld [smem:$0x3FFE];
	[sflag:s23] =	ssyncadd.s32 $0xFFFFFFFF  }
0xa5: {  	s26 =	simm.s32 $execute0_lowered;
	[smem:$0x3FD2] =	sst s25  }
0xa6: {  	s4 =	sshll.u32 s26, $0x1;
	_ =	strace $0x80000049;
	[dreg:$0x1] =	wrdreg $0xFFFFFFFF  }
0xa7: {  	s28 =	simm.s32 $_size_execute0_lowered;
	s2 =	sadd.s32 s2, s4;
	[dreg:$0x0] =	wrdreg $0x0  }
0xa8: {  	s4 =	sshll.u32 s28, $0x1;
	[dreg:$0x2] =	wrdreg s2  }
0xa9: {  	[dreg:$0x3] =	wrdreg s4  }
0xaa: {  	[dreg:$0x4] =	wrdreg $0xC0  }
0xab: {  	_ =	task [dreg:s6], $0x5FFFF  }
0xac: {  	[dreg:$0x1] =	wrdreg $0xFFFFFFFF  }
0xad: {  	[dreg:$0x0] =	wrdreg $0x60  }
0xae: {  	[dreg:$0x2] =	wrdreg s24  }
0xaf: {  	[dreg:$0x3] =	wrdreg $0x9  }
0xb0: {  	_ =	task.clear_ibuf [dreg:s6], $0x4FFFF;
	_ =	strace $0x90000049  }
0xb1: {  	s29 =	simm.s32 $0x9;
	_ =	strace $0x8000004B  }
0xb2: {  	_ =	swait.ge [sflag:s29], $0x1  }
0xb3: {  	[sflag:s29] =	ssyncadd.s32 $0xFFFFFFFF  }
0xb4: {  	_ =	strace $0x9000004B  }
0xb5: {  	_ =	sfence  }
0xb6: {  	s30 =	sld [smem:$0x0];
	_ =	sdelay $0x2  }
0xb7: {  	s31 =	sshll.u32 s1, $0xD;
	s1 =	sshrl.u32 s1, $0x2  }
0xb8: {  	s3 =	sand.u32 $0x4000, s31;
	s1 =	sadd.s32 s1, s30  }
0xb9: {  	s0 =	sor.u32 s3, s0;
	s1 =	sshll.u32 s1, $0x11  }
0xba: {  	s0 =	sor.u32 s1, s0  }
0xbb: {  	s0 =	sadd.s32 $0x8F2B, s0  }
0xbc: {  	[sflag:s0] =	ssyncadd.remote.s32 $0x1  }
0xbd: {  	_ =	sfence.sel $0xFFFF  }
0xbe: {  	[dreg:$0x0] =	wrdreg $0xFFFFFFFF;
	(pc) =	sbr.abs _section_cstart, $3  }
0xbf: {  	[dreg:$0x1] =	wrdreg $0xFFFFFFFF  }
0xc0: {  	_ =	task.clear_ibuf [dreg:s6], $0x2FFFF;
	_ =	strace $0x9FFFFFFF  }
0xc1: {  	(tm) =	ssettm $0x7FFFFFFF  }
tec
execute0_lowered:
.L_overlay_start_1:
0x0: {  	(tag) =	ssettag $0x1  }
0x1: {  	s0 =	srdreg.scid  }
0x2: {  	s9 =	stileid.u32;
	s5 =	rddreg [dreg:$0x0]  }
0x3: {  	s2 =	simm.s32 $0x0;
	s18 =	simm.s32 $0x800;
	s19 =	simm.s32 $0x6000  }
0x4: {  	s17 =	simm.s32 $0x40;
	s22 =	simm.s32 $0x1;
	s16 =	simm.s32 $0x17C00  }
0x5: {  	s10 =	simm.s32 $0x2;
	s12 =	simm.s32 $0x3;
	s3 =	smul.u32 $0x5800, s9  }
0x6: {  	s0 =	sand.u32 $0x1, s0;
	[smem:$0x7FF] =	sst s2;
	s6 =	smul.u32 $0x280, s9  }
0x7: {  	s7 =	sadd.s32 $0x1C8600, s5;
	s28 =	sadd.s32 $0xCFE00, s5;
	s11 =	sadd.s32 $0xD7700, s5  }
0x8: {  	s30 =	sshll.u32 s9, $0x6;
	s9 =	simm.s32 $0x19400;
	s1 =	smul.u32 $0x58000, s0  }
0x9: {  	s4 =	smul.u32 $0x2800, s0;
	_ =	strace $0x8000004A;
	[dreg:$0x2] =	wrdreg s7  }
0xa: {  	s0 =	ssub.s32 $0x2, s0;
	[dreg:$0x3] =	wrdreg s28;
	s31 =	sor.u32 $0x1C04, s30  }
0xb: {  	s7 =	sadd.s32 $0xD7600, s5;
	s8 =	sshrl.u32 s0, $0x1;
	[dreg:$0x8] =	wrdreg s31  }
0xc: {  	s1 =	sadd.s32 s3, s1;
	s3 =	sadd.s32 $0x3C00, s5;
	s6 =	sadd.s32 s6, s4  }
0xd: {  	s4 =	sadd.s32 $0x53C00, s5;
	s0 =	ssub.s32 s0, s8;
	s1 =	sshrl.u32 s1, $0x3  }
0xe: {  	s6 =	sshrl.u32 s6, $0x3;
	s0 =	smax.u32 s0, $0x1;
	s1 =	sadd.s32 s1, s5  }
0xf: {  	v0 =	vimm.f32 $0.0e+00;
	vm0 =	vcmask $0x300;
	vm1 =	vcmask $0xF0C;
	s6 =	smul.u32 $0x180, s6;
	[dreg:$0x7] =	wrdreg s0;
	s29 =	sadd.s32 $0xB9C00, s1  }
0x10: {  	v5 =	vlaneseq.u32;
	v1 =	vsel vm0, $0x3F800000, v0;
	vm0 =	vcmask $0x704;
	s8 =	simm.s32 $0x18C00;
	s1 =	sadd.s32 $0xA3C00, s1;
	[dreg:$0x5] =	wrdreg s29  }
0x11: {  	v4 =	vsel vm1, $0x3F800000, v0;
	v2 =	vsel vm0, $0x3F800000, v0;
	vm0 =	vcmask $0xB08;
	s5 =	simm.s32 $0x18000;
	s6 =	sadd.s32 s7, s6;
	[dreg:$0x6] =	wrdreg s1  }
0x12: {  	vm1 =	vmmov $0xff;
	v3 =	vsel vm0, $0x3F800000, v0;
	vm0 =	vmmov $0xffff;
	s1 =	simm.s32 $0x0;
	[dreg:$0x4] =	wrdreg s6;
	s6 =	simm.s32 $0x18800  }
.LBB2_1:
0x13: {  	[dreg:$0x9] =	wrdreg s1  }
0x14: {  	s0 =	rddreg [dreg:$0x2];
	s13 =	simm.s32 $0x4  }
0x15: {  	[tilespmem:s2], [sflag:$0x4] =	stream.linear.gather [hbm4b:s0+s2], $0x800, $0x38;
	[tilespmem:$0x19800] =	vst v63  }
0x16: {  	_ =	swait.ge [sflag:s13], $0x800  }
0x17: {  	[sflag:s13] =	ssyncset.done $0x0  }
0x18: {  	[sflag:s13] =	ssyncadd.s32 $0xFFFFF800  }
0x19: {  	v6 =	vld [tilespmem:$0x0]  }
0x1a: {  	v7 =	vld [tilespmem:$0x80]  }
0x1b: {  	v8 =	vld [tilespmem:$0x100]  }
0x1c: {  	v9 =	vld [tilespmem:$0x180]  }
0x1d: {  	v10 =	vld [tilespmem:$0x200]  }
0x1e: {  	v11 =	vld [tilespmem:$0x280]  }
0x1f: {  	v12 =	vld [tilespmem:$0x300]  }
0x20: {  	v13 =	vld [tilespmem:$0x380]  }
0x21: {  	v14 =	vld [tilespmem:$0x400]  }
0x22: {  	v15 =	vld [tilespmem:$0x480]  }
0x23: {  	v16 =	vld [tilespmem:$0x500]  }
0x24: {  	v17 =	vld [tilespmem:$0x580]  }
0x25: {  	s25 =	rddreg [dreg:$0x3];
	v18 =	vld [tilespmem:$0x600]  }
0x26: {  	s26 =	rddreg [dreg:$0x4];
	v19 =	vld [tilespmem:$0x680]  }
0x27: {  	s14 =	rddreg [dreg:$0x8];
	v20 =	vld [tilespmem:$0x700]  }
0x28: {  	v21 =	vld [tilespmem:$0x780];
	[hbm:s26], [sflag:s14] =	dma.local [hbm:s25], $0x7800  }
0x29: {  	_ =	swait.ge [sflag:s13], $0x7800  }
0x2a: {  	[sflag:s13] =	ssyncset.done $0x0  }
0x2b: {  	s28 =	rddreg [dreg:$0x5];
	[sflag:s13] =	ssyncadd.s32 $0xFFFF8800  }
0x2c: {  	[tilespmem:s18], [sflag:$0x4] =	stream.linear.gather [hbm4b:s28+s2], $0x5800, $0x38;
	[tilespmem:$0x19800] =	vst v63  }
0x2d: {  	_ =	swait.ge [sflag:s13], $0x5800  }
0x2e: {  	s29 =	simm.s32 $0x0;
	[sflag:s13] =	ssyncset.done $0x0  }
0x2f: {  	s0 =	smul.u32 $0x3000, s29;
	s30 =	rddreg [dreg:$0x6];
	[sflag:s13] =	ssyncadd.s32 $0xFFFFA800  }
0x30: {  	[tilespmem:s19], [sflag:$0x4] =	stream.linear.gather [hbm4b:s30+s2], $0x5800, $0x38;
	[tilespmem:$0x19800] =	vst v63  }
0x31: {  	s31 =	sand.u32 $0x380, s2;
	s0 =	sshra.s32 s0, $0x2;
	_ =	swait.ge [sflag:s13], $0x5800  }
0x32: {  	s0 =	sor.u32 s31, s0;
	[sflag:s13] =	ssyncset.done $0x0  }
0x33: {  	s0 =	sadd.s32 $0x14000, s0;
	[sflag:s13] =	ssyncadd.s32 $0xFFFFA800  }
0x34: {  	[tilespmem:s0+$0x70] =	vst v0  }
0x35: {  	s1 =	simm.s32 $0x0;
	s14 =	simm.s32 $0x0;
	s13 =	simm.s32 $0x2;
	[tilespmem:s0+$0x10] =	vst v0  }
.LBB2_2:
0x36: {  	p0 =	sne.s32 s13, $0x3F;
	s14 =	smul.u32 $0x3000, s14;
	[tilespmem:s0+$0x20] =	vst v0  }
0x37: {  	s1 =	sadd.s32 $0x80, s1;
	[tilespmem:s0+$0x30] =	vst v0  }
.Ltmp0:
0x38: {  	s15 =	sand.u32 $0x380, s1;
	s14 =	sshra.s32 s14, $0x2;
	[tilespmem:s0+$0x40] =	vst v0;
	(pc) =	sbr.rel @p0 .LBB2_2-.Ltmp0, $4  }
0x39: {  	s14 =	sor.u32 s15, s14;
	[tilespmem:s0+$0x50] =	vst v0  }
0x3a: {  	[tilespmem:s0+$0x60] =	vst v0;
	s0 =	sadd.s32 $0x14000, s14  }
0x3b: {  	[tilespmem:s0+$0x70] =	vst v0  }
0x3c: {  	s14 =	sshrl.u32 s13, $0x3;
	s13 =	sadd.s32 $0x1, s13;
	[tilespmem:s0+$0x10] =	vst v0  }
0x3d: {  	s13 =	smul.u32 $0x3000, s14;
	[tilespmem:s0+$0x20] =	vst v0  }
0x3e: {  	[tilespmem:s0+$0x30] =	vst v0;
	s1 =	sadd.s32 $0x80, s1  }
0x3f: {  	[tilespmem:s0+$0x40] =	vst v0;
	s1 =	sand.u32 $0x380, s1;
	s13 =	sshra.s32 s13, $0x2  }
0x40: {  	[tilespmem:s0+$0x50] =	vst v0;
	s1 =	sor.u32 s1, s13  }
0x41: {  	[tilespmem:s0+$0x60] =	vst v0;
	s1 =	sadd.s32 $0x14000, s1  }
0x42: {  	[tilespmem:s1+$0x70] =	vst v0  }
0x43: {  	[tilespmem:s1+$0x10] =	vst v0  }
0x44: {  	[tilespmem:s1+$0x20] =	vst v0  }
0x45: {  	[tilespmem:s1+$0x30] =	vst v0  }
0x46: {  	[tilespmem:s1+$0x40] =	vst v0  }
0x47: {  	[tilespmem:s1+$0x50] =	vst v0  }
0x48: {  	[tilespmem:s1+$0x60] =	vst v0  }
0x49: {  	s30 =	simm.s32 $0xB800;
	[bflag:$0x0] =	sbarrier.arrive $0xFFFF  }
0x4a: {  	[tilespmem:s30], [sflag:$0x1] =	stream.indirect.gather [hbm4b:s3+s17], $0x80, s18, s17, $0xb8;
	[tilespmem:$0x19800] =	vst v63  }
0x4b: {  	s31 =	simm.s32 $0xD800;
	s13 =	simm.s32 $0x0  }
0x4c: {  	[tilespmem:s31], [sflag:$0x1] =	stream.indirect.gather [hbm4b:s4+s17], $0x80, s19, s17, $0xb8;
	[tilespmem:$0x19800] =	vst v63  }
.LBB2_4:
0x4d: {  	s20 =	sshll.u32 s13, $0x8  }
0x4e: {  	s1 =	simm.s32 $0xF800;
	s0 =	sadd.s32 $0x880, s20  }
0x4f: {  	[tilespmem:s1], [sflag:$0x2] =	stream.indirect.gather [hbm4b:s3+s17], $0x80, s0, s17, $0xb8;
	[tilespmem:$0x19800] =	vst v63  }
0x50: {  	s31 =	simm.s32 $0x11800;
	s30 =	sadd.s32 $0x6080, s20  }
0x51: {  	[tilespmem:s31], [sflag:$0x2] =	stream.indirect.gather [hbm4b:s4+s17], $0x80, s30, s17, $0xb8;
	[tilespmem:$0x19800] =	vst v63  }
0x52: {  	_ =	swait.ge [sflag:s22], $0x2000  }
0x53: {  	[sflag:s22] =	ssyncset.done $0x0  }
0x54: {  	[sflag:s22] =	ssyncadd.s32 $0xFFFFE000  }
0x55: {  	_ =	swait.ge [sflag:s22], $0x2000  }
0x56: {  	p0 =	seq.s32 s13, $0x0;
	[sflag:s22] =	ssyncset.done $0x0  }
0x57: {  	s0 =	simm.s32 @!p0 $0x3;
	[sflag:s22] =	ssyncadd.s32 $0xFFFFE000  }
0x58: {  	s21 =	simm.s32 $0xFFFFFFFC;
	_ =	swait.ge @!p0 [sflag:s0], $0x6000  }
0x59: {  	s18 =	simm.s32 $0xD900;
	s19 =	simm.s32 $0xB900;
	[sflag:s0] =	ssyncset.done @!p0 $0x0  }
0x5a: {  	s23 =	simm.s32 $0x0;
	s14 =	sor.u32 $0x80, s20;
	[sflag:s0] =	ssyncadd.s32 @!p0 $0xFFFFA000  }
.LBB2_5:
0x5b: {  	v22 =	vld [tilespmem:s19+$0xFFFFFF00]  }
0x5c: {  	v23 =	vld [tilespmem:s18+$0xFFFFFF00]  }
0x5d: {  	v24 =	vld [tilespmem:s19+$0xFFFFFF10]  }
0x5e: {  	v25 =	vld [tilespmem:s18+$0xFFFFFF10];
	_ =	sdelay $0x1  }
0x5f: {  	v26 =	vunpack.i.l.bf16.f32 v22  }
0x60: {  	v27 =	vunpack.i.l.bf16.f32 v23;
	v28 =	vunpack.i.u.bf16.f32 v22;
	v22 =	vunpack.i.u.bf16.f32 v23  }
0x61: {  	v29 =	vunpack.i.l.bf16.f32 v24;
	v23 =	vadd.f32 v27, v26;
	v22 =	vadd.f32 v22, v28  }
0x62: {  	v30 =	vunpack.i.l.bf16.f32 v25;
	v24 =	vunpack.i.u.bf16.f32 v24;
	v25 =	vunpack.i.u.bf16.f32 v25  }
0x63: {  	v30 =	vadd.f32 v30, v29;
	v27 =	vmul.f32 $2.000000030e-01, v23;
	v31 =	vmul.f32 $2.000000030e-01, v22  }
0x64: {  	v25 =	vadd.f32 v25, v24  }
0x65: {  	v40 =	vmul.f32 $2.000000030e-01, v30;
	v23 =	vmax.f32 v23, v27;
	v22 =	vmax.f32 v22, v31  }
0x66: {  	v23 =	vmul.f32 v23, v6;
	v22 =	vmul.f32 v22, v7  }
0x67: {  	v41 =	vmul.f32 $2.000000030e-01, v25;
	v27 =	vmax.f32 v30, v40  }
0x68: {  	v22 =	vadd.f32 v23, v22;
	v23 =	vmul.f32 v27, v8  }
0x69: {  	v25 =	vmax.f32 v25, v41  }
0x6a: {  	v22 =	vadd.f32 v23, v22;
	v23 =	vmul.f32 v25, v9;
	_ =	sdelay $0x1  }
0x6b: {  	v22 =	vadd.f32 v22, v23;
	_ =	sdelay $0x1  }
0x6c: {  	(xrf2) =	vadd.scan.msk.f32 $0xffff, v22;
	_ =	sdelay $0x9  }
0x6d: {  	v22, _, _ =	vpop (xrf2)  }
0x6e: {  	v22 =	vmul.f32 $1.442695020e+00, v22;
	_ =	sdelay $0x1  }
0x6f: {  	v22 =	vbroadcast v22, $0xF;
	_ =	sdelay $0x1  }
0x70: {  	(erf) = vpow2.f32 v22;
	_ =	sdelay $0x4  }
0x71: {  	s21 =	sadd.s32 $0x4, s21  }
0x72: {  	s0 =	sshrl.u32 s21, $0x3  }
0x73: {  	s0 =	smul.u32 $0x3000, s0;
	_ =	sdelay $0x1  }
0x74: {  	s25 =	sshra.s32 s0, $0x2;
	v22 =	vpop (erf)  }
0x75: {  	s24 =	sand.u32 $0x200, s23;
	s28 =	sadd.s32 $0x13800, s25;
	v23 =	vmul.f32 v22, v26  }
0x76: {  	s31 =	sor.u32 s24, s28;
	v42 =	vmul.f32 v22, v28  }
0x77: {  	v24 =	vmul.f32 v22, v24;
	[tilespmem:s31+$0x0] =	vst v23  }
0x78: {  	v23 =	vmul.f32 v22, v29;
	[tilespmem:s31+$0x10] =	vst v42  }
0x79: {  	[tilespmem:s31+$0x30] =	vst v24  }
0x7a: {  	[tilespmem:s31+$0x20] =	vst v23  }
0x7b: {  	v23 =	vld [tilespmem:s19+$0xFFFFFF20]  }
0x7c: {  	v24 =	vld [tilespmem:s18+$0xFFFFFF20]  }
0x7d: {  	v25 =	vld [tilespmem:s19+$0xFFFFFF30]  }
0x7e: {  	v43 =	vld [tilespmem:s18+$0xFFFFFF30];
	_ =	sdelay $0x1  }
0x7f: {  	v44 =	vunpack.i.l.bf16.f32 v23  }
0x80: {  	v45 =	vunpack.i.l.bf16.f32 v24;
	v46 =	vunpack.i.u.bf16.f32 v23;
	v23 =	vunpack.i.u.bf16.f32 v24  }
0x81: {  	v48 =	vunpack.i.l.bf16.f32 v25;
	v47 =	vadd.f32 v45, v44;
	v23 =	vadd.f32 v23, v46  }
0x82: {  	v49 =	vunpack.i.l.bf16.f32 v43;
	v25 =	vunpack.i.u.bf16.f32 v25;
	v26 =	vunpack.i.u.bf16.f32 v43  }
0x83: {  	v31 =	vadd.f32 v49, v48;
	v28 =	vmul.f32 $2.000000030e-01, v47;
	v32 =	vmul.f32 $2.000000030e-01, v23  }
0x84: {  	v26 =	vadd.f32 v26, v25  }
0x85: {  	v50 =	vmul.f32 $2.000000030e-01, v31;
	v24 =	vmax.f32 v47, v28;
	v23 =	vmax.f32 v23, v32  }
0x86: {  	v24 =	vmul.f32 v24, v10;
	v23 =	vmul.f32 v23, v11  }
0x87: {  	v51 =	vmul.f32 $2.000000030e-01, v26;
	v28 =	vmax.f32 v31, v50  }
0x88: {  	v52 =	vmul.f32 v28, v12;
	v23 =	vadd.f32 v24, v23  }
0x89: {  	v26 =	vmax.f32 v26, v51  }
0x8a: {  	v53 =	vmul.f32 v26, v13;
	v23 =	vadd.f32 v52, v23;
	_ =	sdelay $0x1  }
0x8b: {  	v23 =	vadd.f32 v23, v53;
	_ =	sdelay $0x1  }
0x8c: {  	(xrf2) =	vadd.scan.msk.f32 $0xffff, v23;
	_ =	sdelay $0x9  }
0x8d: {  	v23, _, _ =	vpop (xrf2)  }
0x8e: {  	v23 =	vmul.f32 $1.442695020e+00, v23;
	_ =	sdelay $0x1  }
0x8f: {  	v23 =	vbroadcast v23, $0xF;
	_ =	sdelay $0x1  }
0x90: {  	(erf) = vpow2.f32 v23;
	_ =	sdelay $0x8  }
0x91: {  	v23 =	vpop (erf)  }
0x92: {  	v54 =	vmul.f32 v23, v44  }
0x93: {  	v55 =	vmul.f32 v23, v46  }
0x94: {  	v56 =	vmul.f32 v23, v48;
	[tilespmem:s31+$0x40] =	vst v54  }
0x95: {  	v25 =	vmul.f32 v23, v25;
	[tilespmem:s31+$0x50] =	vst v55  }
0x96: {  	[tilespmem:s31+$0x60] =	vst v56  }
0x97: {  	[tilespmem:s31+$0x70] =	vst v25  }
0x98: {  	v24 =	vld [tilespmem:s19+$0xFFFFFF40]  }
0x99: {  	v25 =	vld [tilespmem:s18+$0xFFFFFF40]  }
0x9a: {  	v26 =	vld [tilespmem:s19+$0xFFFFFF50]  }
0x9b: {  	v57 =	vld [tilespmem:s18+$0xFFFFFF50];
	_ =	sdelay $0x1  }
0x9c: {  	v58 =	vunpack.i.l.bf16.f32 v24  }
0x9d: {  	v59 =	vunpack.i.l.bf16.f32 v25;
	v60 =	vunpack.i.u.bf16.f32 v24;
	v61 =	vunpack.i.u.bf16.f32 v25  }
0x9e: {  	v63 =	vunpack.i.l.bf16.f32 v26;
	v62 =	vadd.f32 v59, v58;
	v24 =	vadd.f32 v61, v60  }
0x9f: {  	v36 =	vunpack.i.l.bf16.f32 v57;
	v26 =	vunpack.i.u.bf16.f32 v26;
	v27 =	vunpack.i.u.bf16.f32 v57  }
0xa0: {  	v32 =	vadd.f32 v36, v63;
	v29 =	vmul.f32 $2.000000030e-01, v62;
	v33 =	vmul.f32 $2.000000030e-01, v24  }
0xa1: {  	v27 =	vadd.f32 v27, v26  }
0xa2: {  	v37 =	vmul.f32 $2.000000030e-01, v32;
	v25 =	vmax.f32 v62, v29;
	v24 =	vmax.f32 v24, v33  }
0xa3: {  	v25 =	vmul.f32 v25, v14;
	v24 =	vmul.f32 v24, v15  }
0xa4: {  	v38 =	vmul.f32 $2.000000030e-01, v27;
	v29 =	vmax.f32 v32, v37  }
0xa5: {  	v39 =	vmul.f32 v29, v16;
	v24 =	vadd.f32 v25, v24  }
0xa6: {  	v27 =	vmax.f32 v27, v38  }
0xa7: {  	v40 =	vmul.f32 v27, v17;
	v24 =	vadd.f32 v39, v24;
	_ =	sdelay $0x1  }
0xa8: {  	v24 =	vadd.f32 v24, v40;
	_ =	sdelay $0x1  }
0xa9: {  	(xrf2) =	vadd.scan.msk.f32 $0xffff, v24;
	_ =	sdelay $0x9  }
0xaa: {  	v24, _, _ =	vpop (xrf2)  }
0xab: {  	v24 =	vmul.f32 $1.442695020e+00, v24;
	_ =	sdelay $0x1  }
0xac: {  	v24 =	vbroadcast v24, $0xF;
	_ =	sdelay $0x1  }
0xad: {  	(erf) = vpow2.f32 v24;
	_ =	sdelay $0x8  }
0xae: {  	v24 =	vpop (erf)  }
0xaf: {  	s29 =	sadd.s32 $0x13C00, s25;
	v41 =	vmul.f32 v24, v58  }
0xb0: {  	s26 =	sor.u32 s24, s29;
	v42 =	vmul.f32 v24, v60  }
0xb1: {  	v43 =	vmul.f32 v24, v63;
	[tilespmem:s26+$0x0] =	vst v41  }
0xb2: {  	v26 =	vmul.f32 v24, v26;
	[tilespmem:s26+$0x10] =	vst v42  }
0xb3: {  	[tilespmem:s26+$0x20] =	vst v43  }
0xb4: {  	v49 =	vld [tilespmem:s19+$0xFFFFFF80];
	[tilespmem:s26+$0x30] =	vst v26  }
0xb5: {  	v26 =	vld [tilespmem:s19+$0xFFFFFF60]  }
0xb6: {  	v27 =	vld [tilespmem:s18+$0xFFFFFF60]  }
0xb7: {  	v50 =	vld [tilespmem:s18+$0xFFFFFF80];
	_ =	sdelay $0x2  }
0xb8: {  	v51 =	vld [tilespmem:s19+$0xFFFFFF90];
	v36 =	vunpack.i.l.bf16.f32 v49;
	v25 =	vunpack.i.u.bf16.f32 v26  }
0xb9: {  	v26 =	vunpack.i.l.bf16.f32 v26;
	v44 =	vunpack.i.u.bf16.f32 v27;
	v27 =	vunpack.i.l.bf16.f32 v27  }
0xba: {  	v37 =	vunpack.i.l.bf16.f32 v50;
	v27 =	vadd.f32 v27, v26;
	v28 =	vadd.f32 v44, v25  }
0xbb: {  	v37 =	vadd.f32 v37, v36;
	v45 =	vld [tilespmem:s19+$0xFFFFFF70]  }
0xbc: {  	v48 =	vld [tilespmem:s18+$0xFFFFFF70];
	v46 =	vmul.f32 $2.000000030e-01, v27;
	v47 =	vmul.f32 $2.000000030e-01, v28  }
0xbd: {  	v35 =	vld [tilespmem:s18+$0xFFFFFF90];
	v30 =	vunpack.i.u.bf16.f32 v50;
	v31 =	vunpack.i.u.bf16.f32 v51;
	v39 =	vmul.f32 $2.000000030e-01, v37  }
0xbe: {  	v33 =	vunpack.i.u.bf16.f32 v49;
	v27 =	vmax.f32 v27, v46;
	v28 =	vmax.f32 v28, v47  }
0xbf: {  	v37 =	vmax.f32 v37, v39;
	v27 =	vmul.f32 v27, v18;
	v28 =	vmul.f32 v28, v19  }
0xc0: {  	v30 =	vadd.f32 v30, v33;
	v40 =	vunpack.i.l.bf16.f32 v51;
	v37 =	vmul.f32 v37, v6  }
0xc1: {  	v32 =	vunpack.i.l.bf16.f32 v48;
	v34 =	vadd.f32 v27, v28;
	v28 =	vunpack.i.l.bf16.f32 v45  }
0xc2: {  	v41 =	vunpack.i.l.bf16.f32 v35;
	v43 =	vmul.f32 $2.000000030e-01, v30;
	v32 =	vadd.f32 v32, v28  }
0xc3: {  	v41 =	vadd.f32 v41, v40;
	v52 =	vunpack.i.u.bf16.f32 v48;
	v27 =	vunpack.i.u.bf16.f32 v45  }
0xc4: {  	v35 =	vunpack.i.u.bf16.f32 v35;
	v29 =	vadd.f32 v52, v27;
	v38 =	vmul.f32 $2.000000030e-01, v32  }
0xc5: {  	v35 =	vadd.f32 v35, v31;
	v30 =	vmax.f32 v30, v43;
	v53 =	vmul.f32 $2.000000030e-01, v41  }
0xc6: {  	v30 =	vmul.f32 v30, v7;
	v42 =	vmul.f32 $2.000000030e-01, v29;
	v32 =	vmax.f32 v32, v38  }
0xc7: {  	v55 =	vmul.f32 $2.000000030e-01, v35;
	v54 =	vmax.f32 v41, v53;
	v32 =	vmul.f32 v32, v20  }
0xc8: {  	v30 =	vadd.f32 v37, v30;
	v56 =	vmul.f32 v54, v8;
	v29 =	vmax.f32 v29, v42  }
0xc9: {  	v57 =	vmax.f32 v35, v55;
	v29 =	vmul.f32 v29, v21;
	v32 =	vadd.f32 v32, v34  }
0xca: {  	v30 =	vadd.f32 v56, v30;
	v34 =	vmul.f32 v57, v9  }
0xcb: {  	v29 =	vadd.f32 v32, v29  }
0xcc: {  	v30 =	vadd.f32 v30, v34  }
0xcd: {  	(xrf2) =	vadd.scan.msk.f32 $0xffff, v29  }
0xce: {  	(xrf2) =	vadd.scan.msk.f32 $0xffff, v30;
	_ =	sdelay $0x8  }
0xcf: {  	v29, _, _ =	vpop (xrf2)  }
0xd0: {  	v29 =	vmul.f32 $1.442695020e+00, v29;
	v30, _, _ =	vpop (xrf2)  }
0xd1: {  	v30 =	vmul.f32 $1.442695020e+00, v30  }
0xd2: {  	v29 =	vbroadcast v29, $0xF  }
0xd3: {  	v30 =	vbroadcast v30, $0xF  }
0xd4: {  	(erf) = vpow2.f32 v29  }
0xd5: {  	(erf) = vpow2.f32 v30;
	_ =	sdelay $0x7  }
0xd6: {  	v29 =	vpop (erf)  }
0xd7: {  	s1 =	sadd.s32 $0x80, s23;
	v30 =	vpop (erf)  }
0xd8: {  	s30 =	sand.u32 $0x280, s1;
	v58 =	vmul.f32 v30, v36  }
0xd9: {  	s0 =	sor.u32 s30, s28;
	v33 =	vmul.f32 v30, v33  }
0xda: {  	v59 =	vmul.f32 v30, v40;
	[tilespmem:s0+$0x0] =	vst v58  }
0xdb: {  	v31 =	vmul.f32 v30, v31;
	[tilespmem:s0+$0x10] =	vst v33  }
0xdc: {  	[tilespmem:s0+$0x20] =	vst v59  }
0xdd: {  	[tilespmem:s0+$0x30] =	vst v31  }
0xde: {  	v31 =	vld [tilespmem:s19+$0xFFFFFFA0]  }
0xdf: {  	v32 =	vld [tilespmem:s18+$0xFFFFFFA0]  }
0xe0: {  	v33 =	vld [tilespmem:s19+$0xFFFFFFB0]  }
0xe1: {  	v60 =	vld [tilespmem:s18+$0xFFFFFFB0];
	_ =	sdelay $0x1  }
0xe2: {  	v61 =	vunpack.i.l.bf16.f32 v31  }
0xe3: {  	v62 =	vunpack.i.l.bf16.f32 v32;
	v63 =	vunpack.i.u.bf16.f32 v31;
	v43 =	vunpack.i.u.bf16.f32 v32  }
0xe4: {  	v45 =	vunpack.i.l.bf16.f32 v33;
	v44 =	vadd.f32 v62, v61;
	v31 =	vadd.f32 v43, v63  }
0xe5: {  	v46 =	vunpack.i.l.bf16.f32 v60;
	v33 =	vunpack.i.u.bf16.f32 v33;
	v34 =	vunpack.i.u.bf16.f32 v60  }
0xe6: {  	v39 =	vadd.f32 v46, v45;
	v36 =	vmul.f32 $2.000000030e-01, v44;
	v47 =	vmul.f32 $2.000000030e-01, v31  }
0xe7: {  	v34 =	vadd.f32 v34, v33  }
0xe8: {  	v48 =	vmul.f32 $2.000000030e-01, v39;
	v32 =	vmax.f32 v44, v36;
	v31 =	vmax.f32 v31, v47  }
0xe9: {  	v32 =	vmul.f32 v32, v10;
	v31 =	vmul.f32 v31, v11  }
0xea: {  	v49 =	vmul.f32 $2.000000030e-01, v34;
	v36 =	vmax.f32 v39, v48  }
0xeb: {  	v50 =	vmul.f32 v36, v12;
	v31 =	vadd.f32 v32, v31  }
0xec: {  	v34 =	vmax.f32 v34, v49  }
0xed: {  	v51 =	vmul.f32 v34, v13;
	v31 =	vadd.f32 v50, v31;
	_ =	sdelay $0x1  }
0xee: {  	v31 =	vadd.f32 v31, v51;
	_ =	sdelay $0x1  }
0xef: {  	(xrf2) =	vadd.scan.msk.f32 $0xffff, v31;
	_ =	sdelay $0x9  }
0xf0: {  	v31, _, _ =	vpop (xrf2)  }
0xf1: {  	v31 =	vmul.f32 $1.442695020e+00, v31;
	_ =	sdelay $0x1  }
0xf2: {  	v31 =	vbroadcast v31, $0xF;
	_ =	sdelay $0x1  }
0xf3: {  	(erf) = vpow2.f32 v31;
	_ =	sdelay $0x8  }
0xf4: {  	v31 =	vpop (erf)  }
0xf5: {  	v52 =	vmul.f32 v31, v61  }
0xf6: {  	v53 =	vmul.f32 v31, v63  }
0xf7: {  	v54 =	vmul.f32 v31, v45;
	[tilespmem:s0+$0x40] =	vst v52  }
0xf8: {  	v33 =	vmul.f32 v31, v33;
	[tilespmem:s0+$0x50] =	vst v53  }
0xf9: {  	[tilespmem:s0+$0x60] =	vst v54  }
0xfa: {  	[tilespmem:s0+$0x70] =	vst v33  }
0xfb: {  	v32 =	vld [tilespmem:s19+$0xFFFFFFC0]  }
0xfc: {  	v33 =	vld [tilespmem:s18+$0xFFFFFFC0]  }
0xfd: {  	v34 =	vld [tilespmem:s19+$0xFFFFFFD0]  }
0xfe: {  	v55 =	vld [tilespmem:s18+$0xFFFFFFD0];
	_ =	sdelay $0x1  }
0xff: {  	v56 =	vunpack.i.l.bf16.f32 v32  }
0x100: {  	v57 =	vunpack.i.l.bf16.f32 v33;
	v58 =	vunpack.i.u.bf16.f32 v32;
	v59 =	vunpack.i.u.bf16.f32 v33  }
0x101: {  	v61 =	vunpack.i.l.bf16.f32 v34;
	v60 =	vadd.f32 v57, v56;
	v32 =	vadd.f32 v59, v58  }
0x102: {  	v62 =	vunpack.i.l.bf16.f32 v55;
	v34 =	vunpack.i.u.bf16.f32 v34;
	v35 =	vunpack.i.u.bf16.f32 v55  }
0x103: {  	v40 =	vadd.f32 v62, v61;
	v37 =	vmul.f32 $2.000000030e-01, v60;
	v63 =	vmul.f32 $2.000000030e-01, v32  }
0x104: {  	v35 =	vadd.f32 v35, v34  }
0x105: {  	v44 =	vmul.f32 $2.000000030e-01, v40;
	v33 =	vmax.f32 v60, v37;
	v32 =	vmax.f32 v32, v63  }
0x106: {  	v33 =	vmul.f32 v33, v14;
	v32 =	vmul.f32 v32, v15  }
0x107: {  	v45 =	vmul.f32 $2.000000030e-01, v35;
	v37 =	vmax.f32 v40, v44  }
0x108: {  	v46 =	vmul.f32 v37, v16;
	v32 =	vadd.f32 v33, v32  }
0x109: {  	v35 =	vmax.f32 v35, v45  }
0x10a: {  	v47 =	vmul.f32 v35, v17;
	v32 =	vadd.f32 v46, v32;
	_ =	sdelay $0x1  }
0x10b: {  	v32 =	vadd.f32 v32, v47;
	_ =	sdelay $0x1  }
0x10c: {  	(xrf2) =	vadd.scan.msk.f32 $0xffff, v32;
	_ =	sdelay $0x9  }
0x10d: {  	v32, _, _ =	vpop (xrf2)  }
0x10e: {  	v32 =	vmul.f32 $1.442695020e+00, v32;
	_ =	sdelay $0x1  }
0x10f: {  	v32 =	vbroadcast v32, $0xF;
	_ =	sdelay $0x1  }
0x110: {  	(erf) = vpow2.f32 v32;
	_ =	sdelay $0x8  }
0x111: {  	v32 =	vpop (erf)  }
0x112: {  	v48 =	vmul.f32 v32, v56  }
0x113: {  	s31 =	sor.u32 s30, s29;
	v49 =	vmul.f32 v32, v58  }
0x114: {  	v50 =	vmul.f32 v32, v61;
	[tilespmem:s31+$0x0] =	vst v48  }
0x115: {  	v34 =	vmul.f32 v32, v34;
	[tilespmem:s31+$0x10] =	vst v49  }
0x116: {  	[tilespmem:s31+$0x20] =	vst v50  }
0x117: {  	[tilespmem:s31+$0x30] =	vst v34  }
0x118: {  	v34 =	vld [tilespmem:s19+$0xFFFFFFE0]  }
0x119: {  	v35 =	vld [tilespmem:s18+$0xFFFFFFE0];
	_ =	sdelay $0x1  }
0x11a: {  	v57 =	vld [tilespmem:s18+$0x0]  }
0x11b: {  	v60 =	vld [tilespmem:s18+$0x10]  }
0x11c: {  	v56 =	vld [tilespmem:s19+$0x0];
	v33 =	vunpack.i.u.bf16.f32 v34  }
0x11d: {  	v58 =	vld [tilespmem:s19+$0x10];
	v34 =	vunpack.i.l.bf16.f32 v34;
	v51 =	vunpack.i.u.bf16.f32 v35;
	v35 =	vunpack.i.l.bf16.f32 v35  }
0x11e: {  	v35 =	vadd.f32 v35, v34;
	v36 =	vadd.f32 v51, v33  }
0x11f: {  	v45 =	vunpack.i.l.bf16.f32 v57;
	v38 =	vunpack.i.u.bf16.f32 v57;
	v52 =	vld [tilespmem:s19+$0xFFFFFFF0]  }
0x120: {  	v43 =	vunpack.i.u.bf16.f32 v60;
	v55 =	vld [tilespmem:s18+$0xFFFFFFF0];
	v53 =	vmul.f32 $2.000000030e-01, v35;
	v54 =	vmul.f32 $2.000000030e-01, v36  }
0x121: {  	v49 =	vunpack.i.l.bf16.f32 v60;
	v44 =	vunpack.i.l.bf16.f32 v56;
	v41 =	vunpack.i.u.bf16.f32 v56  }
0x122: {  	v48 =	vunpack.i.l.bf16.f32 v58;
	v35 =	vmax.f32 v35, v53;
	v36 =	vmax.f32 v36, v54  }
0x123: {  	v45 =	vadd.f32 v45, v44;
	v35 =	vmul.f32 v35, v18;
	v36 =	vmul.f32 v36, v19  }
0x124: {  	v39 =	vunpack.i.u.bf16.f32 v58;
	v38 =	vadd.f32 v38, v41;
	v49 =	vadd.f32 v49, v48  }
0x125: {  	v40 =	vunpack.i.l.bf16.f32 v55;
	v59 =	vadd.f32 v35, v36;
	v36 =	vunpack.i.l.bf16.f32 v52  }
0x126: {  	v43 =	vadd.f32 v43, v39;
	v47 =	vmul.f32 $2.000000030e-01, v45;
	v40 =	vadd.f32 v40, v36  }
0x127: {  	v61 =	vunpack.i.u.bf16.f32 v55;
	v51 =	vmul.f32 $2.000000030e-01, v38;
	v35 =	vunpack.i.u.bf16.f32 v52  }
0x128: {  	v45 =	vmax.f32 v45, v47;
	v37 =	vadd.f32 v61, v35;
	v46 =	vmul.f32 $2.000000030e-01, v40  }
0x129: {  	v62 =	vmul.f32 $2.000000030e-01, v49;
	v38 =	vmax.f32 v38, v51;
	v45 =	vmul.f32 v45, v6  }
0x12a: {  	v38 =	vmul.f32 v38, v7;
	v50 =	vmul.f32 $2.000000030e-01, v37;
	v40 =	vmax.f32 v40, v46  }
0x12b: {  	v63 =	vmax.f32 v49, v62;
	v49 =	vmul.f32 $2.000000030e-01, v43;
	v40 =	vmul.f32 v40, v20  }
0x12c: {  	v51 =	vmul.f32 v63, v8;
	v38 =	vadd.f32 v45, v38;
	v37 =	vmax.f32 v37, v50  }
0x12d: {  	v52 =	vmax.f32 v43, v49;
	v37 =	vmul.f32 v37, v21;
	v40 =	vadd.f32 v40, v59  }
0x12e: {  	v38 =	vadd.f32 v51, v38;
	v42 =	vmul.f32 v52, v9  }
0x12f: {  	v37 =	vadd.f32 v40, v37  }
0x130: {  	v38 =	vadd.f32 v38, v42  }
0x131: {  	(xrf2) =	vadd.scan.msk.f32 $0xffff, v37  }
0x132: {  	(xrf2) =	vadd.scan.msk.f32 $0xffff, v38;
	_ =	sdelay $0x8  }
0x133: {  	v37, _, _ =	vpop (xrf2)  }
0x134: {  	v37 =	vmul.f32 $1.442695020e+00, v37;
	v38, _, _ =	vpop (xrf2)  }
0x135: {  	v38 =	vmul.f32 $1.442695020e+00, v38  }
0x136: {  	v37 =	vbroadcast v37, $0xF  }
0x137: {  	v38 =	vbroadcast v38, $0xF  }
0x138: {  	(erf) = vpow2.f32 v37  }
0x139: {  	(erf) = vpow2.f32 v38;
	_ =	sdelay $0x7  }
0x13a: {  	v37 =	vpop (erf)  }
0x13b: {  	s15 =	sadd.s32 $0x100, s23;
	v38 =	vpop (erf)  }
0x13c: {  	s1 =	sand.u32 $0x300, s15;
	v53 =	vmul.f32 v38, v44  }
0x13d: {  	s0 =	sor.u32 s1, s28;
	v41 =	vmul.f32 v38, v41  }
0x13e: {  	v54 =	vmul.f32 v38, v48;
	[tilespmem:s0+$0x0] =	vst v53  }
0x13f: {  	v39 =	vmul.f32 v38, v39;
	[tilespmem:s0+$0x10] =	vst v41  }
0x140: {  	[tilespmem:s0+$0x20] =	vst v54  }
0x141: {  	[tilespmem:s0+$0x30] =	vst v39  }
0x142: {  	v39 =	vld [tilespmem:s19+$0x20]  }
0x143: {  	v40 =	vld [tilespmem:s18+$0x20]  }
0x144: {  	v41 =	vld [tilespmem:s19+$0x30]  }
0x145: {  	v55 =	vld [tilespmem:s18+$0x30];
	_ =	sdelay $0x1  }
0x146: {  	v56 =	vunpack.i.l.bf16.f32 v39  }
0x147: {  	v57 =	vunpack.i.l.bf16.f32 v40;
	v58 =	vunpack.i.u.bf16.f32 v39;
	v59 =	vunpack.i.u.bf16.f32 v40  }
0x148: {  	v61 =	vunpack.i.l.bf16.f32 v41;
	v60 =	vadd.f32 v57, v56;
	v39 =	vadd.f32 v59, v58  }
0x149: {  	v62 =	vunpack.i.l.bf16.f32 v55;
	v41 =	vunpack.i.u.bf16.f32 v41;
	v42 =	vunpack.i.u.bf16.f32 v55  }
0x14a: {  	v47 =	vadd.f32 v62, v61;
	v44 =	vmul.f32 $2.000000030e-01, v60;
	v63 =	vmul.f32 $2.000000030e-01, v39  }
0x14b: {  	v42 =	vadd.f32 v42, v41  }
0x14c: {  	v50 =	vmul.f32 $2.000000030e-01, v47;
	v40 =	vmax.f32 v60, v44;
	v39 =	vmax.f32 v39, v63  }
0x14d: {  	v40 =	vmul.f32 v40, v10;
	v39 =	vmul.f32 v39, v11  }
0x14e: {  	v51 =	vmul.f32 $2.000000030e-01, v42;
	v44 =	vmax.f32 v47, v50  }
0x14f: {  	v52 =	vmul.f32 v44, v12;
	v39 =	vadd.f32 v40, v39  }
0x150: {  	v42 =	vmax.f32 v42, v51  }
0x151: {  	v53 =	vmul.f32 v42, v13;
	v39 =	vadd.f32 v52, v39;
	_ =	sdelay $0x1  }
0x152: {  	v39 =	vadd.f32 v39, v53;
	_ =	sdelay $0x1  }
0x153: {  	(xrf2) =	vadd.scan.msk.f32 $0xffff, v39;
	_ =	sdelay $0x9  }
0x154: {  	v39, _, _ =	vpop (xrf2)  }
0x155: {  	v39 =	vmul.f32 $1.442695020e+00, v39;
	_ =	sdelay $0x1  }
0x156: {  	v39 =	vbroadcast v39, $0xF;
	_ =	sdelay $0x1  }
0x157: {  	(erf) = vpow2.f32 v39;
	_ =	sdelay $0x8  }
0x158: {  	v39 =	vpop (erf)  }
0x159: {  	v54 =	vmul.f32 v39, v56  }
0x15a: {  	v55 =	vmul.f32 v39, v58  }
0x15b: {  	v56 =	vmul.f32 v39, v61;
	[tilespmem:s0+$0x40] =	vst v54  }
0x15c: {  	v41 =	vmul.f32 v39, v41;
	[tilespmem:s0+$0x50] =	vst v55  }
0x15d: {  	[tilespmem:s0+$0x60] =	vst v56  }
0x15e: {  	[tilespmem:s0+$0x70] =	vst v41  }
0x15f: {  	v40 =	vld [tilespmem:s19+$0x40]  }
0x160: {  	v41 =	vld [tilespmem:s18+$0x40]  }
0x161: {  	v42 =	vld [tilespmem:s19+$0x50]  }
0x162: {  	v57 =	vld [tilespmem:s18+$0x50];
	_ =	sdelay $0x1  }
0x163: {  	v58 =	vunpack.i.l.bf16.f32 v40  }
0x164: {  	v59 =	vunpack.i.l.bf16.f32 v41;
	v60 =	vunpack.i.u.bf16.f32 v40;
	v61 =	vunpack.i.u.bf16.f32 v41  }
0x165: {  	v63 =	vunpack.i.l.bf16.f32 v42;
	v62 =	vadd.f32 v59, v58;
	v40 =	vadd.f32 v61, v60  }
0x166: {  	v52 =	vunpack.i.l.bf16.f32 v57;
	v42 =	vunpack.i.u.bf16.f32 v42;
	v43 =	vunpack.i.u.bf16.f32 v57  }
0x167: {  	v48 =	vadd.f32 v52, v63;
	v45 =	vmul.f32 $2.000000030e-01, v62;
	v53 =	vmul.f32 $2.000000030e-01, v40  }
0x168: {  	v43 =	vadd.f32 v43, v42  }
0x169: {  	v54 =	vmul.f32 $2.000000030e-01, v48;
	v41 =	vmax.f32 v62, v45;
	v40 =	vmax.f32 v40, v53  }
0x16a: {  	v41 =	vmul.f32 v41, v14;
	v40 =	vmul.f32 v40, v15  }
0x16b: {  	v55 =	vmul.f32 $2.000000030e-01, v43;
	v45 =	vmax.f32 v48, v54  }
0x16c: {  	v56 =	vmul.f32 v45, v16;
	v40 =	vadd.f32 v41, v40  }
0x16d: {  	v43 =	vmax.f32 v43, v55  }
0x16e: {  	v57 =	vmul.f32 v43, v17;
	v40 =	vadd.f32 v56, v40;
	_ =	sdelay $0x1  }
0x16f: {  	v40 =	vadd.f32 v40, v57;
	_ =	sdelay $0x1  }
0x170: {  	(xrf2) =	vadd.scan.msk.f32 $0xffff, v40;
	_ =	sdelay $0x9  }
0x171: {  	v40, _, _ =	vpop (xrf2)  }
0x172: {  	v40 =	vmul.f32 $1.442695020e+00, v40;
	_ =	sdelay $0x1  }
0x173: {  	v40 =	vbroadcast v40, $0xF;
	_ =	sdelay $0x1  }
0x174: {  	(erf) = vpow2.f32 v40;
	_ =	sdelay $0x8  }
0x175: {  	v40 =	vpop (erf)  }
0x176: {  	v58 =	vmul.f32 v40, v58  }
0x177: {  	s0 =	sor.u32 s1, s29;
	v59 =	vmul.f32 v40, v60  }
0x178: {  	v60 =	vmul.f32 v40, v63;
	[tilespmem:s0+$0x0] =	vst v58  }
0x179: {  	v42 =	vmul.f32 v40, v42;
	[tilespmem:s0+$0x10] =	vst v59  }
0x17a: {  	[tilespmem:s0+$0x20] =	vst v60  }
0x17b: {  	[tilespmem:s0+$0x30] =	vst v42  }
0x17c: {  	v42 =	vld [tilespmem:s19+$0x60]  }
0x17d: {  	v43 =	vld [tilespmem:s18+$0x60]  }
0x17e: {  	v58 =	vld [tilespmem:s19+$0x80]  }
0x17f: {  	v59 =	vld [tilespmem:s18+$0x80];
	_ =	sdelay $0x1  }
0x180: {  	v63 =	vld [tilespmem:s18+$0x70];
	v41 =	vunpack.i.u.bf16.f32 v42  }
0x181: {  	v42 =	vunpack.i.l.bf16.f32 v42;
	v61 =	vunpack.i.u.bf16.f32 v43;
	v43 =	vunpack.i.l.bf16.f32 v43  }
0x182: {  	v53 =	vunpack.i.l.bf16.f32 v58;
	v43 =	vadd.f32 v43, v42;
	v44 =	vadd.f32 v61, v41  }
0x183: {  	v60 =	vld [tilespmem:s18+$0x90];
	v54 =	vunpack.i.l.bf16.f32 v59;
	v49 =	vunpack.i.u.bf16.f32 v58;
	v50 =	vunpack.i.u.bf16.f32 v59  }
0x184: {  	v62 =	vld [tilespmem:s19+$0x70];
	v50 =	vadd.f32 v50, v49;
	v56 =	vmul.f32 $2.000000030e-01, v43;
	v57 =	vmul.f32 $2.000000030e-01, v44  }
0x185: {  	v47 =	vld [tilespmem:s19+$0x90];
	v52 =	vunpack.i.l.bf16.f32 v63;
	v46 =	vunpack.i.u.bf16.f32 v63;
	v61 =	vadd.f32 v54, v53  }
0x186: {  	v63 =	vmul.f32 $2.000000030e-01, v50;
	v43 =	vmax.f32 v43, v56;
	v44 =	vmax.f32 v44, v57  }
0x187: {  	v43 =	vmul.f32 v43, v18;
	v44 =	vmul.f32 v44, v19  }
0x188: {  	v51 =	vunpack.i.u.bf16.f32 v60;
	v55 =	vmul.f32 $2.000000030e-01, v61  }
0x189: {  	v50 =	vmax.f32 v50, v63;
	v48 =	vadd.f32 v43, v44;
	v43 =	vunpack.i.l.bf16.f32 v62  }
0x18a: {  	v56 =	vunpack.i.l.bf16.f32 v47;
	v57 =	vunpack.i.l.bf16.f32 v60;
	v45 =	vadd.f32 v52, v43  }
0x18b: {  	v47 =	vunpack.i.u.bf16.f32 v47;
	v57 =	vadd.f32 v57, v56;
	v44 =	vunpack.i.u.bf16.f32 v62  }
0x18c: {  	v50 =	vmul.f32 v50, v7;
	v46 =	vadd.f32 v46, v44;
	v62 =	vmul.f32 $2.000000030e-01, v45  }
0x18d: {  	v51 =	vadd.f32 v51, v47;
	v60 =	vmul.f32 $2.000000030e-01, v57;
	v52 =	vmax.f32 v61, v55  }
0x18e: {  	v52 =	vmul.f32 v52, v6;
	v58 =	vmul.f32 $2.000000030e-01, v46;
	v45 =	vmax.f32 v45, v62  }
0x18f: {  	v61 =	vmax.f32 v57, v60;
	v62 =	vmul.f32 $2.000000030e-01, v51;
	v45 =	vmul.f32 v45, v20  }
0x190: {  	v63 =	vmul.f32 v61, v8;
	v50 =	vadd.f32 v52, v50;
	v46 =	vmax.f32 v46, v58  }
0x191: {  	v46 =	vmul.f32 v46, v21;
	v57 =	vmax.f32 v51, v62;
	v45 =	vadd.f32 v45, v48  }
0x192: {  	v50 =	vadd.f32 v63, v50;
	v48 =	vmul.f32 v57, v9  }
0x193: {  	v45 =	vadd.f32 v45, v46  }
0x194: {  	v58 =	vadd.f32 v50, v48  }
0x195: {  	(xrf2) =	vadd.scan.msk.f32 $0xffff, v45  }
0x196: {  	(xrf2) =	vadd.scan.msk.f32 $0xffff, v58;
	_ =	sdelay $0x8  }
0x197: {  	v45, _, _ =	vpop (xrf2)  }
0x198: {  	v45 =	vmul.f32 $1.442695020e+00, v45;
	v46, _, _ =	vpop (xrf2)  }
0x199: {  	v46 =	vmul.f32 $1.442695020e+00, v46  }
0x19a: {  	v45 =	vbroadcast v45, $0xF  }
0x19b: {  	v46 =	vbroadcast v46, $0xF  }
0x19c: {  	(erf) = vpow2.f32 v45  }
0x19d: {  	(erf) = vpow2.f32 v46;
	_ =	sdelay $0x7  }
0x19e: {  	v45 =	vpop (erf)  }
0x19f: {  	s15 =	sadd.s32 $0x180, s23;
	v46 =	vpop (erf)  }
0x1a0: {  	s15 =	sand.u32 $0x380, s15;
	v59 =	vmul.f32 v46, v53  }
0x1a1: {  	s28 =	sor.u32 s15, s28;
	v49 =	vmul.f32 v46, v49  }
0x1a2: {  	v60 =	vmul.f32 v46, v56;
	[tilespmem:s28+$0x0] =	vst v59  }
0x1a3: {  	v47 =	vmul.f32 v46, v47;
	[tilespmem:s28+$0x10] =	vst v49  }
0x1a4: {  	[tilespmem:s28+$0x20] =	vst v60  }
0x1a5: {  	[tilespmem:s28+$0x30] =	vst v47  }
0x1a6: {  	v47 =	vld [tilespmem:s19+$0xA0]  }
0x1a7: {  	v48 =	vld [tilespmem:s18+$0xA0]  }
0x1a8: {  	v49 =	vld [tilespmem:s19+$0xB0]  }
0x1a9: {  	v50 =	vld [tilespmem:s18+$0xB0];
	_ =	sdelay $0x1  }
0x1aa: {  	v51 =	vunpack.i.l.bf16.f32 v47  }
0x1ab: {  	v61 =	vunpack.i.l.bf16.f32 v48;
	v53 =	vunpack.i.u.bf16.f32 v47;
	v62 =	vunpack.i.u.bf16.f32 v48  }
0x1ac: {  	v54 =	vunpack.i.l.bf16.f32 v49;
	v63 =	vadd.f32 v61, v51;
	v47 =	vadd.f32 v62, v53  }
0x1ad: {  	v60 =	vunpack.i.l.bf16.f32 v50;
	v49 =	vunpack.i.u.bf16.f32 v49;
	v50 =	vunpack.i.u.bf16.f32 v50  }
0x1ae: {  	v55 =	vadd.f32 v60, v54;
	v52 =	vmul.f32 $2.000000030e-01, v63;
	v61 =	vmul.f32 $2.000000030e-01, v47  }
0x1af: {  	v50 =	vadd.f32 v50, v49  }
0x1b0: {  	v62 =	vmul.f32 $2.000000030e-01, v55;
	v48 =	vmax.f32 v63, v52;
	v47 =	vmax.f32 v47, v61  }
0x1b1: {  	v48 =	vmul.f32 v48, v10;
	v47 =	vmul.f32 v47, v11  }
0x1b2: {  	v52 =	vmax.f32 v55, v62;
	v63 =	vmul.f32 $2.000000030e-01, v50  }
0x1b3: {  	v57 =	vmul.f32 v52, v12;
	v47 =	vadd.f32 v48, v47  }
0x1b4: {  	v50 =	vmax.f32 v50, v63  }
0x1b5: {  	v58 =	vmul.f32 v50, v13;
	v47 =	vadd.f32 v57, v47;
	_ =	sdelay $0x1  }
0x1b6: {  	v47 =	vadd.f32 v47, v58;
	_ =	sdelay $0x1  }
0x1b7: {  	(xrf2) =	vadd.scan.msk.f32 $0xffff, v47;
	_ =	sdelay $0x9  }
0x1b8: {  	v47, _, _ =	vpop (xrf2)  }
0x1b9: {  	v47 =	vmul.f32 $1.442695020e+00, v47;
	_ =	sdelay $0x1  }
0x1ba: {  	v47 =	vbroadcast v47, $0xF;
	_ =	sdelay $0x1  }
0x1bb: {  	(erf) = vpow2.f32 v47;
	_ =	sdelay $0x8  }
0x1bc: {  	v47 =	vpop (erf)  }
0x1bd: {  	v59 =	vmul.f32 v47, v51  }
0x1be: {  	v60 =	vmul.f32 v47, v53  }
0x1bf: {  	v61 =	vmul.f32 v47, v54;
	[tilespmem:s28+$0x40] =	vst v59  }
0x1c0: {  	v49 =	vmul.f32 v47, v49;
	[tilespmem:s28+$0x50] =	vst v60  }
0x1c1: {  	[tilespmem:s28+$0x60] =	vst v61  }
0x1c2: {  	[tilespmem:s28+$0x70] =	vst v49  }
0x1c3: {  	v48 =	vld [tilespmem:s19+$0xC0]  }
0x1c4: {  	v49 =	vld [tilespmem:s18+$0xC0]  }
0x1c5: {  	v50 =	vld [tilespmem:s19+$0xD0]  }
0x1c6: {  	v51 =	vld [tilespmem:s18+$0xD0];
	_ =	sdelay $0x1  }
0x1c7: {  	v52 =	vunpack.i.l.bf16.f32 v48  }
0x1c8: {  	v62 =	vunpack.i.l.bf16.f32 v49;
	v48 =	vunpack.i.u.bf16.f32 v48;
	v49 =	vunpack.i.u.bf16.f32 v49  }
0x1c9: {  	v55 =	vunpack.i.l.bf16.f32 v50;
	v53 =	vadd.f32 v62, v52;
	v49 =	vadd.f32 v49, v48  }
0x1ca: {  	v60 =	vunpack.i.l.bf16.f32 v51;
	v50 =	vunpack.i.u.bf16.f32 v50;
	v51 =	vunpack.i.u.bf16.f32 v51  }
0x1cb: {  	v56 =	vadd.f32 v60, v55;
	v63 =	vmul.f32 $2.000000030e-01, v53;
	v61 =	vmul.f32 $2.000000030e-01, v49  }
0x1cc: {  	v51 =	vadd.f32 v51, v50  }
0x1cd: {  	v62 =	vmul.f32 $2.000000030e-01, v56;
	v53 =	vmax.f32 v53, v63;
	v49 =	vmax.f32 v49, v61  }
0x1ce: {  	v53 =	vmul.f32 v53, v14;
	v49 =	vmul.f32 v49, v15  }
0x1cf: {  	v54 =	vmax.f32 v56, v62;
	v63 =	vmul.f32 $2.000000030e-01, v51  }
0x1d0: {  	v57 =	vmul.f32 v54, v16;
	v49 =	vadd.f32 v53, v49  }
0x1d1: {  	v51 =	vmax.f32 v51, v63  }
0x1d2: {  	v51 =	vmul.f32 v51, v17;
	v49 =	vadd.f32 v57, v49;
	_ =	sdelay $0x1  }
0x1d3: {  	v49 =	vadd.f32 v49, v51;
	_ =	sdelay $0x1  }
0x1d4: {  	(xrf2) =	vadd.scan.msk.f32 $0xffff, v49;
	_ =	sdelay $0x9  }
0x1d5: {  	v49, _, _ =	vpop (xrf2)  }
0x1d6: {  	v49 =	vmul.f32 $1.442695020e+00, v49;
	_ =	sdelay $0x1  }
0x1d7: {  	v49 =	vbroadcast v49, $0xF;
	_ =	sdelay $0x1  }
0x1d8: {  	(erf) = vpow2.f32 v49;
	_ =	sdelay $0x8  }
0x1d9: {  	v49 =	vpop (erf)  }
0x1da: {  	v58 =	vmul.f32 v49, v52  }
0x1db: {  	s28 =	sor.u32 s15, s29;
	v48 =	vmul.f32 v49, v48  }
0x1dc: {  	v59 =	vmul.f32 v49, v55;
	[tilespmem:s28+$0x0] =	vst v58  }
0x1dd: {  	v60 =	vmul.f32 v49, v50;
	[tilespmem:s28+$0x10] =	vst v48  }
0x1de: {  	[tilespmem:s28+$0x20] =	vst v59  }
0x1df: {  	[tilespmem:s28+$0x30] =	vst v60  }
0x1e0: {  	v48 =	vld [tilespmem:s19+$0xE0]  }
0x1e1: {  	v61 =	vld [tilespmem:s18+$0xE0]  }
0x1e2: {  	v51 =	vld [tilespmem:s19+$0xF0]  }
0x1e3: {  	v52 =	vld [tilespmem:s18+$0xF0];
	_ =	sdelay $0x1  }
0x1e4: {  	v53 =	vunpack.i.l.bf16.f32 v48  }
0x1e5: {  	v62 =	vunpack.i.l.bf16.f32 v61;
	v48 =	vunpack.i.u.bf16.f32 v48;
	v50 =	vunpack.i.u.bf16.f32 v61  }
0x1e6: {  	v56 =	vunpack.i.l.bf16.f32 v51;
	v54 =	vadd.f32 v62, v53;
	v50 =	vadd.f32 v50, v48  }
0x1e7: {  	v60 =	vunpack.i.l.bf16.f32 v52;
	v51 =	vunpack.i.u.bf16.f32 v51;
	v52 =	vunpack.i.u.bf16.f32 v52  }
0x1e8: {  	v57 =	vadd.f32 v60, v56;
	v63 =	vmul.f32 $2.000000030e-01, v54;
	v61 =	vmul.f32 $2.000000030e-01, v50  }
0x1e9: {  	v52 =	vadd.f32 v52, v51  }
0x1ea: {  	v62 =	vmul.f32 $2.000000030e-01, v57;
	v54 =	vmax.f32 v54, v63;
	v50 =	vmax.f32 v50, v61  }
0x1eb: {  	v54 =	vmul.f32 v54, v18;
	v50 =	vmul.f32 v50, v19  }
0x1ec: {  	v55 =	vmax.f32 v57, v62;
	v63 =	vmul.f32 $2.000000030e-01, v52  }
0x1ed: {  	v60 =	vmul.f32 v55, v20;
	v50 =	vadd.f32 v54, v50  }
0x1ee: {  	v52 =	vmax.f32 v52, v63  }
0x1ef: {  	v52 =	vmul.f32 v52, v21;
	v50 =	vadd.f32 v60, v50;
	_ =	sdelay $0x1  }
0x1f0: {  	v50 =	vadd.f32 v50, v52;
	_ =	sdelay $0x1  }
0x1f1: {  	(xrf2) =	vadd.scan.msk.f32 $0xffff, v50;
	_ =	sdelay $0x5  }
0x1f2: {  	v22 =	vmul.f32 v1, v22;
	_ =	sdelay $0x1  }
0x1f3: {  	v22 =	vadd.f32 $0.0e+00, v22;
	v23 =	vmul.f32 v2, v23  }
0x1f4: {  	v24 =	vmul.f32 v3, v24;
	v26 =	vmul.f32 v29, v26  }
0x1f5: {  	v22 =	vadd.f32 v23, v22;
	v23 =	vmul.f32 v29, v25;
	v28 =	vmul.f32 v29, v28;
	v50, _, _ =	vpop (xrf2)  }
0x1f6: {  	v30 =	vmul.f32 v1, v30;
	v61 =	vmul.f32 $1.442695020e+00, v50  }
0x1f7: {  	v22 =	vadd.f32 v24, v22;
	[tilespmem:s26+$0x50] =	vst v23;
	v23 =	vmul.f32 v29, v27;
	v62 =	vmul.f32 v4, v29  }
0x1f8: {  	[tilespmem:s26+$0x40] =	vst v26;
	v63 =	vadd.f32 $0.0e+00, v30;
	v30 =	vmul.f32 v2, v31;
	v25 =	vbroadcast v61, $0xF  }
0x1f9: {  	s25 =	sadd.s32 $0x14000, s25;
	[tilespmem:s26+$0x60] =	vst v28;
	v36 =	vmul.f32 v37, v36;
	v22 =	vadd.f32 v62, v22;
	v31 =	vmul.f32 v3, v32  }
0x1fa: {  	s24 =	sor.u32 s24, s25;
	[tilespmem:s26+$0x70] =	vst v23;
	v32 =	vmul.f32 v37, v34;
	v23 =	vadd.f32 v30, v63;
	(erf) = vpow2.f32 v25  }
0x1fb: {  	v34 =	vmul.f32 v1, v38;
	[tilespmem:s24+$0x0] =	vst v22;
	v22 =	vmul.f32 v37, v33  }
0x1fc: {  	[tilespmem:s31+$0x60] =	vst v36;
	v38 =	vmul.f32 v4, v37;
	v23 =	vadd.f32 v31, v23  }
0x1fd: {  	v39 =	vmul.f32 v2, v39;
	v26 =	vadd.f32 $0.0e+00, v34;
	[tilespmem:s31+$0x50] =	vst v22;
	v22 =	vmul.f32 v37, v35  }
0x1fe: {  	[tilespmem:s31+$0x40] =	vst v32;
	v23 =	vadd.f32 v38, v23  }
0x1ff: {  	s29 =	sor.u32 s30, s25;
	v55 =	vmul.f32 v45, v43;
	[tilespmem:s31+$0x70] =	vst v22;
	v22 =	vadd.f32 v39, v26;
	v50 =	vmul.f32 v3, v40  }
0x200: {  	v54 =	vmul.f32 v1, v46;
	[tilespmem:s29+$0x0] =	vst v23;
	v23 =	vmul.f32 v45, v41  }
0x201: {  	v57 =	vmul.f32 v4, v45;
	[tilespmem:s0+$0x60] =	vst v55;
	v52 =	vmul.f32 v45, v42;
	v22 =	vadd.f32 v50, v22  }
0x202: {  	v58 =	vmul.f32 v2, v47;
	v26 =	vadd.f32 $0.0e+00, v54;
	[tilespmem:s0+$0x50] =	vst v23;
	v23 =	vmul.f32 v45, v44  }
0x203: {  	[tilespmem:s0+$0x40] =	vst v52;
	v22 =	vadd.f32 v57, v22;
	v59 =	vpop (erf)  }
0x204: {  	s30 =	sor.u32 s1, s25;
	v60 =	vmul.f32 v3, v49;
	[tilespmem:s0+$0x70] =	vst v23;
	v23 =	vadd.f32 v58, v26;
	v61 =	vmul.f32 v59, v53  }
0x205: {  	p0 =	slt.u32 s21, $0x3C;
	[tilespmem:s30+$0x0] =	vst v22;
	v22 =	vmul.f32 v59, v48  }
.Ltmp1:
0x206: {  	v23 =	vadd.f32 v60, v23;
	v62 =	vmul.f32 v59, v56;
	v63 =	vmul.f32 v4, v59;
	[tilespmem:s28+$0x40] =	vst v61;
	(pc) =	sbr.rel @p0 .LBB2_5-.Ltmp1, $4  }
0x207: {  	[tilespmem:s28+$0x50] =	vst v22;
	v22 =	vmul.f32 v59, v51  }
0x208: {  	[tilespmem:s28+$0x60] =	vst v62;
	v23 =	vadd.f32 v63, v23  }
0x209: {  	s31 =	sor.u32 s15, s25;
	[tilespmem:s28+$0x70] =	vst v22  }
0x20a: {  	s23 =	sadd.s32 $0x200, s23;
	s18 =	sadd.s32 $0x200, s18;
	s19 =	sadd.s32 $0x200, s19;
	[tilespmem:s31+$0x0] =	vst v23  }
0x20b: {  	s0 =	sand.u32 $0x3FFFFF00, s20  }
0x20c: {  	v22 =	vld [tilespmem:s0+$0x6000];
	_ =	sdelay $0x4  }
0x20d: {  	v23 =	vshrl.u32 v22, $0x3  }
0x20e: {  	v23 =	vmul.u32 $0x18, v23  }
0x20f: {  	v22 =	vand.u32 $0x7, v22  }
0x210: {  	v25 =	vor.u32 v22, v23;
	v22 =	vand.u32 $0x7, v5;
	v23 =	vshrl.u32 v5, $0x3  }
0x211: {  	v24 =	vperm.xlane v25, v22;
	v23 =	vmul.u32 $0x8, v23;
	_ =	sdelay $0x1  }
0x212: {  	v26 =	vadd.s32 v23, v24  }
0x213: {  	v24 =	vor.u32 $0x8, v5  }
0x214: {  	v25 =	vperm.xlane v25, v24;
	_ =	sdelay $0x1  }
0x215: {  	s21 =	simm.s32 $0x0;
	s31 =	simm.s32 $0x13800;
	v25 =	vadd.s32 v23, v25  }
0x216: {  	[hbm4b:s7+s21] =	stream.indirect_vreg.scatter [tilespmem:s31], [sflag:$0x3], $0x80, v26, vm0, $0xb8;
	[tilespmem:$0x19800] =	vst v63  }
0x217: {  	s1 =	simm.s32 $0x14000  }
0x218: {  	[hbm4b:s11+s21] =	stream.indirect_vreg.scatter [tilespmem:s1], [sflag:$0x3], $0x80, v26, vm1, $0xb8;
	[tilespmem:$0x19800] =	vst v63  }
0x219: {  	s28 =	simm.s32 $0x14400  }
0x21a: {  	[hbm4b:s7+s21] =	stream.indirect_vreg.scatter [tilespmem:s28], [sflag:$0x3], $0x80, v25, vm0, $0xb8;
	[tilespmem:$0x19800] =	vst v63  }
0x21b: {  	s29 =	simm.s32 $0x14C00  }
0x21c: {  	[hbm4b:s11+s21] =	stream.indirect_vreg.scatter [tilespmem:s29], [sflag:$0x3], $0x80, v25, vm1, $0xb8;
	[tilespmem:$0x19800] =	vst v63  }
0x21d: {  	v25 =	vld [tilespmem:s0+$0x6010];
	_ =	sdelay $0x4  }
0x21e: {  	v26 =	vshrl.u32 v25, $0x3  }
0x21f: {  	v26 =	vmul.u32 $0x18, v26  }
0x220: {  	v25 =	vand.u32 $0x7, v25  }
0x221: {  	v25 =	vor.u32 v25, v26  }
0x222: {  	v26 =	vperm.xlane v25, v22;
	_ =	sdelay $0x1  }
0x223: {  	v26 =	vadd.s32 v23, v26;
	_ =	sdelay $0x1  }
0x224: {  	v25 =	vperm.xlane v25, v24;
	_ =	sdelay $0x1  }
0x225: {  	s30 =	simm.s32 $0x15000;
	v25 =	vadd.s32 v23, v25  }
0x226: {  	[hbm4b:s7+s21] =	stream.indirect_vreg.scatter [tilespmem:s30], [sflag:$0x3], $0x80, v26, vm0, $0xb8;
	[tilespmem:$0x19800] =	vst v63  }
0x227: {  	s15 =	simm.s32 $0x15800  }
0x228: {  	[hbm4b:s11+s21] =	stream.indirect_vreg.scatter [tilespmem:s15], [sflag:$0x3], $0x80, v26, vm1, $0xb8;
	[tilespmem:$0x19800] =	vst v63  }
0x229: {  	s18 =	simm.s32 $0x15C00  }
0x22a: {  	[hbm4b:s7+s21] =	stream.indirect_vreg.scatter [tilespmem:s18], [sflag:$0x3], $0x80, v25, vm0, $0xb8;
	[tilespmem:$0x19800] =	vst v63  }
0x22b: {  	s19 =	simm.s32 $0x16400  }
0x22c: {  	[hbm4b:s11+s21] =	stream.indirect_vreg.scatter [tilespmem:s19], [sflag:$0x3], $0x80, v25, vm1, $0xb8;
	[tilespmem:$0x19800] =	vst v63  }
0x22d: {  	v25 =	vld [tilespmem:s0+$0x6020];
	_ =	sdelay $0x4  }
0x22e: {  	v26 =	vshrl.u32 v25, $0x3  }
0x22f: {  	v26 =	vmul.u32 $0x18, v26  }
0x230: {  	v25 =	vand.u32 $0x7, v25  }
0x231: {  	v25 =	vor.u32 v25, v26  }
0x232: {  	v26 =	vperm.xlane v25, v22;
	_ =	sdelay $0x1  }
0x233: {  	v26 =	vadd.s32 v23, v26;
	_ =	sdelay $0x1  }
0x234: {  	v25 =	vperm.xlane v25, v24;
	_ =	sdelay $0x1  }
0x235: {  	s23 =	simm.s32 $0x16800;
	v25 =	vadd.s32 v23, v25  }
0x236: {  	[hbm4b:s7+s21] =	stream.indirect_vreg.scatter [tilespmem:s23], [sflag:$0x3], $0x80, v26, vm0, $0xb8;
	[tilespmem:$0x19800] =	vst v63  }
0x237: {  	s24 =	simm.s32 $0x17000  }
0x238: {  	[hbm4b:s11+s21] =	stream.indirect_vreg.scatter [tilespmem:s24], [sflag:$0x3], $0x80, v26, vm1, $0xb8;
	[tilespmem:$0x19800] =	vst v63  }
0x239: {  	s25 =	simm.s32 $0x17400  }
0x23a: {  	[hbm4b:s7+s21] =	stream.indirect_vreg.scatter [tilespmem:s25], [sflag:$0x3], $0x80, v25, vm0, $0xb8;
	[tilespmem:$0x19800] =	vst v63  }
0x23b: {  	_ = 	snop  }
0x23c: {  	[hbm4b:s11+s21] =	stream.indirect_vreg.scatter [tilespmem:s16], [sflag:$0x3], $0x80, v25, vm1, $0xb8;
	[tilespmem:$0x19800] =	vst v63  }
0x23d: {  	v25 =	vld [tilespmem:s0+$0x6030];
	_ =	sdelay $0x4  }
0x23e: {  	v26 =	vshrl.u32 v25, $0x3  }
0x23f: {  	v26 =	vmul.u32 $0x18, v26  }
0x240: {  	v25 =	vand.u32 $0x7, v25  }
0x241: {  	v25 =	vor.u32 v25, v26  }
0x242: {  	v26 =	vperm.xlane v25, v22;
	_ =	sdelay $0x1  }
0x243: {  	v26 =	vadd.s32 v23, v26;
	_ =	sdelay $0x1  }
0x244: {  	v25 =	vperm.xlane v25, v24;
	_ =	sdelay $0x1  }
0x245: {  	v25 =	vadd.s32 v23, v25  }
0x246: {  	[hbm4b:s7+s21] =	stream.indirect_vreg.scatter [tilespmem:s5], [sflag:$0x3], $0x80, v26, vm0, $0xb8;
	[tilespmem:$0x19800] =	vst v63  }
0x247: {  	_ = 	snop  }
0x248: {  	[hbm4b:s11+s21] =	stream.indirect_vreg.scatter [tilespmem:s6], [sflag:$0x3], $0x80, v26, vm1, $0xb8;
	[tilespmem:$0x19800] =	vst v63  }
0x249: {  	_ = 	snop  }
0x24a: {  	[hbm4b:s7+s21] =	stream.indirect_vreg.scatter [tilespmem:s8], [sflag:$0x3], $0x80, v25, vm0, $0xb8;
	[tilespmem:$0x19800] =	vst v63  }
0x24b: {  	_ = 	snop  }
0x24c: {  	[hbm4b:s11+s21] =	stream.indirect_vreg.scatter [tilespmem:s9], [sflag:$0x3], $0x80, v25, vm1, $0xb8;
	[tilespmem:$0x19800] =	vst v63  }
0x24d: {  	s26 =	sadd.s32 $0x900, s20;
	s28 =	simm.s32 $0xB800  }
0x24e: {  	[tilespmem:s28], [sflag:$0x1] =	stream.indirect.gather [hbm4b:s3+s17], $0x80, s26, s17, $0xb8;
	[tilespmem:$0x19800] =	vst v63  }
0x24f: {  	s29 =	sadd.s32 $0x6100, s20;
	s30 =	simm.s32 $0xD800  }
0x250: {  	[tilespmem:s30], [sflag:$0x1] =	stream.indirect.gather [hbm4b:s4+s17], $0x80, s29, s17, $0xb8;
	[tilespmem:$0x19800] =	vst v63  }
0x251: {  	_ =	swait.ge [sflag:s10], $0x2000  }
0x252: {  	[sflag:s10] =	ssyncset.done $0x0  }
0x253: {  	[sflag:s10] =	ssyncadd.s32 $0xFFFFE000  }
0x254: {  	_ =	swait.ge [sflag:s10], $0x2000  }
0x255: {  	[sflag:s10] =	ssyncset.done $0x0  }
0x256: {  	[sflag:s10] =	ssyncadd.s32 $0xFFFFE000  }
0x257: {  	_ =	swait.ge [sflag:s12], $0x6000  }
0x258: {  	s20 =	simm.s32 $0xF900;
	[sflag:s12] =	ssyncset.done $0x0  }
0x259: {  	s18 =	simm.s32 $0xFFFFFFFC;
	s19 =	simm.s32 $0x11900;
	[sflag:s12] =	ssyncadd.s32 $0xFFFFA000  }
.LBB2_7:
0x25a: {  	v25 =	vld [tilespmem:s20+$0xFFFFFF00]  }
0x25b: {  	v26 =	vld [tilespmem:s19+$0xFFFFFF00]  }
0x25c: {  	v27 =	vld [tilespmem:s20+$0xFFFFFF10]  }
0x25d: {  	v28 =	vld [tilespmem:s19+$0xFFFFFF10];
	_ =	sdelay $0x1  }
0x25e: {  	v29 =	vunpack.i.l.bf16.f32 v25  }
0x25f: {  	v30 =	vunpack.i.l.bf16.f32 v26;
	v31 =	vunpack.i.u.bf16.f32 v25;
	v25 =	vunpack.i.u.bf16.f32 v26  }
0x260: {  	v32 =	vunpack.i.l.bf16.f32 v27;
	v26 =	vadd.f32 v30, v29;
	v25 =	vadd.f32 v25, v31  }
0x261: {  	v33 =	vunpack.i.l.bf16.f32 v28;
	v27 =	vunpack.i.u.bf16.f32 v27;
	v28 =	vunpack.i.u.bf16.f32 v28  }
0x262: {  	v33 =	vadd.f32 v33, v32;
	v30 =	vmul.f32 $2.000000030e-01, v26;
	v34 =	vmul.f32 $2.000000030e-01, v25  }
0x263: {  	v28 =	vadd.f32 v28, v27  }
0x264: {  	v44 =	vmul.f32 $2.000000030e-01, v33;
	v26 =	vmax.f32 v26, v30;
	v25 =	vmax.f32 v25, v34  }
0x265: {  	v26 =	vmul.f32 v26, v6;
	v25 =	vmul.f32 v25, v7  }
0x266: {  	v45 =	vmul.f32 $2.000000030e-01, v28;
	v30 =	vmax.f32 v33, v44  }
0x267: {  	v25 =	vadd.f32 v26, v25;
	v26 =	vmul.f32 v30, v8  }
0x268: {  	v28 =	vmax.f32 v28, v45  }
0x269: {  	v25 =	vadd.f32 v26, v25;
	v26 =	vmul.f32 v28, v9;
	_ =	sdelay $0x1  }
0x26a: {  	v25 =	vadd.f32 v25, v26;
	_ =	sdelay $0x1  }
0x26b: {  	(xrf2) =	vadd.scan.msk.f32 $0xffff, v25;
	_ =	sdelay $0x9  }
0x26c: {  	v25, _, _ =	vpop (xrf2)  }
0x26d: {  	v25 =	vmul.f32 $1.442695020e+00, v25;
	_ =	sdelay $0x1  }
0x26e: {  	v25 =	vbroadcast v25, $0xF;
	_ =	sdelay $0x1  }
0x26f: {  	(erf) = vpow2.f32 v25;
	_ =	sdelay $0x4  }
0x270: {  	s18 =	sadd.s32 $0x4, s18  }
0x271: {  	s0 =	sshrl.u32 s18, $0x3  }
0x272: {  	s0 =	smul.u32 $0x3000, s0;
	_ =	sdelay $0x1  }
0x273: {  	s24 =	sshra.s32 s0, $0x2;
	v25 =	vpop (erf)  }
0x274: {  	s23 =	sand.u32 $0x200, s21;
	s26 =	sadd.s32 $0x13800, s24;
	v26 =	vmul.f32 v25, v29  }
0x275: {  	s30 =	sor.u32 s23, s26;
	v46 =	vmul.f32 v25, v31  }
0x276: {  	v27 =	vmul.f32 v25, v27;
	[tilespmem:s30+$0x0] =	vst v26  }
0x277: {  	v26 =	vmul.f32 v25, v32;
	[tilespmem:s30+$0x10] =	vst v46  }
0x278: {  	[tilespmem:s30+$0x30] =	vst v27  }
0x279: {  	[tilespmem:s30+$0x20] =	vst v26  }
0x27a: {  	v26 =	vld [tilespmem:s20+$0xFFFFFF20]  }
0x27b: {  	v27 =	vld [tilespmem:s19+$0xFFFFFF20]  }
0x27c: {  	v28 =	vld [tilespmem:s20+$0xFFFFFF30]  }
0x27d: {  	v47 =	vld [tilespmem:s19+$0xFFFFFF30];
	_ =	sdelay $0x1  }
0x27e: {  	v48 =	vunpack.i.l.bf16.f32 v26  }
0x27f: {  	v49 =	vunpack.i.l.bf16.f32 v27;
	v50 =	vunpack.i.u.bf16.f32 v26;
	v26 =	vunpack.i.u.bf16.f32 v27  }
0x280: {  	v51 =	vunpack.i.l.bf16.f32 v28;
	v27 =	vadd.f32 v49, v48;
	v26 =	vadd.f32 v26, v50  }
0x281: {  	v52 =	vunpack.i.l.bf16.f32 v47;
	v28 =	vunpack.i.u.bf16.f32 v28;
	v29 =	vunpack.i.u.bf16.f32 v47  }
0x282: {  	v34 =	vadd.f32 v52, v51;
	v31 =	vmul.f32 $2.000000030e-01, v27;
	v35 =	vmul.f32 $2.000000030e-01, v26  }
0x283: {  	v29 =	vadd.f32 v29, v28  }
0x284: {  	v53 =	vmul.f32 $2.000000030e-01, v34;
	v27 =	vmax.f32 v27, v31;
	v26 =	vmax.f32 v26, v35  }
0x285: {  	v27 =	vmul.f32 v27, v10;
	v26 =	vmul.f32 v26, v11  }
0x286: {  	v54 =	vmul.f32 $2.000000030e-01, v29;
	v31 =	vmax.f32 v34, v53  }
0x287: {  	v26 =	vadd.f32 v27, v26;
	v27 =	vmul.f32 v31, v12  }
0x288: {  	v29 =	vmax.f32 v29, v54  }
0x289: {  	v26 =	vadd.f32 v27, v26;
	v27 =	vmul.f32 v29, v13;
	_ =	sdelay $0x1  }
0x28a: {  	v26 =	vadd.f32 v26, v27;
	_ =	sdelay $0x1  }
0x28b: {  	(xrf2) =	vadd.scan.msk.f32 $0xffff, v26;
	_ =	sdelay $0x9  }
0x28c: {  	v26, _, _ =	vpop (xrf2)  }
0x28d: {  	v26 =	vmul.f32 $1.442695020e+00, v26;
	_ =	sdelay $0x1  }
0x28e: {  	v26 =	vbroadcast v26, $0xF;
	_ =	sdelay $0x1  }
0x28f: {  	(erf) = vpow2.f32 v26;
	_ =	sdelay $0x8  }
0x290: {  	v26 =	vpop (erf)  }
0x291: {  	v27 =	vmul.f32 v26, v48  }
0x292: {  	v55 =	vmul.f32 v26, v50  }
0x293: {  	v28 =	vmul.f32 v26, v28;
	[tilespmem:s30+$0x40] =	vst v27  }
0x294: {  	v27 =	vmul.f32 v26, v51;
	[tilespmem:s30+$0x50] =	vst v55  }
0x295: {  	[tilespmem:s30+$0x70] =	vst v28  }
0x296: {  	[tilespmem:s30+$0x60] =	vst v27  }
0x297: {  	v27 =	vld [tilespmem:s20+$0xFFFFFF40]  }
0x298: {  	v28 =	vld [tilespmem:s19+$0xFFFFFF40]  }
0x299: {  	v29 =	vld [tilespmem:s20+$0xFFFFFF50]  }
0x29a: {  	v56 =	vld [tilespmem:s19+$0xFFFFFF50];
	_ =	sdelay $0x1  }
0x29b: {  	v57 =	vunpack.i.l.bf16.f32 v27  }
0x29c: {  	v58 =	vunpack.i.l.bf16.f32 v28;
	v59 =	vunpack.i.u.bf16.f32 v27;
	v27 =	vunpack.i.u.bf16.f32 v28  }
0x29d: {  	v61 =	vunpack.i.l.bf16.f32 v29;
	v60 =	vadd.f32 v58, v57;
	v27 =	vadd.f32 v27, v59  }
0x29e: {  	v62 =	vunpack.i.l.bf16.f32 v56;
	v29 =	vunpack.i.u.bf16.f32 v29;
	v30 =	vunpack.i.u.bf16.f32 v56  }
0x29f: {  	v35 =	vadd.f32 v62, v61;
	v32 =	vmul.f32 $2.000000030e-01, v60;
	v36 =	vmul.f32 $2.000000030e-01, v27  }
0x2a0: {  	v30 =	vadd.f32 v30, v29  }
0x2a1: {  	v63 =	vmul.f32 $2.000000030e-01, v35;
	v28 =	vmax.f32 v60, v32;
	v27 =	vmax.f32 v27, v36  }
0x2a2: {  	v28 =	vmul.f32 v28, v14;
	v27 =	vmul.f32 v27, v15  }
0x2a3: {  	v32 =	vmax.f32 v35, v63;
	v36 =	vmul.f32 $2.000000030e-01, v30  }
0x2a4: {  	v37 =	vmul.f32 v32, v16;
	v27 =	vadd.f32 v28, v27  }
0x2a5: {  	v30 =	vmax.f32 v30, v36  }
0x2a6: {  	v38 =	vmul.f32 v30, v17;
	v27 =	vadd.f32 v37, v27;
	_ =	sdelay $0x1  }
0x2a7: {  	v27 =	vadd.f32 v27, v38;
	_ =	sdelay $0x1  }
0x2a8: {  	(xrf2) =	vadd.scan.msk.f32 $0xffff, v27;
	_ =	sdelay $0x9  }
0x2a9: {  	v27, _, _ =	vpop (xrf2)  }
0x2aa: {  	v27 =	vmul.f32 $1.442695020e+00, v27;
	_ =	sdelay $0x1  }
0x2ab: {  	v27 =	vbroadcast v27, $0xF;
	_ =	sdelay $0x1  }
0x2ac: {  	(erf) = vpow2.f32 v27;
	_ =	sdelay $0x8  }
0x2ad: {  	v27 =	vpop (erf)  }
0x2ae: {  	s28 =	sadd.s32 $0x13C00, s24;
	v39 =	vmul.f32 v27, v57  }
0x2af: {  	s25 =	sor.u32 s23, s28;
	v40 =	vmul.f32 v27, v59  }
0x2b0: {  	v41 =	vmul.f32 v27, v61;
	[tilespmem:s25+$0x0] =	vst v39  }
0x2b1: {  	v29 =	vmul.f32 v27, v29;
	[tilespmem:s25+$0x10] =	vst v40  }
0x2b2: {  	[tilespmem:s25+$0x20] =	vst v41  }
0x2b3: {  	[tilespmem:s25+$0x30] =	vst v29  }
0x2b4: {  	v29 =	vld [tilespmem:s20+$0xFFFFFF60]  }
0x2b5: {  	v30 =	vld [tilespmem:s19+$0xFFFFFF60]  }
0x2b6: {  	v49 =	vld [tilespmem:s20+$0xFFFFFF90]  }
0x2b7: {  	v48 =	vld [tilespmem:s19+$0xFFFFFF80]  }
0x2b8: {  	v47 =	vld [tilespmem:s20+$0xFFFFFF80]  }
0x2b9: {  	v28 =	vunpack.i.u.bf16.f32 v29  }
0x2ba: {  	v29 =	vunpack.i.l.bf16.f32 v29;
	v42 =	vunpack.i.u.bf16.f32 v30;
	v30 =	vunpack.i.l.bf16.f32 v30  }
0x2bb: {  	v46 =	vld [tilespmem:s19+$0xFFFFFF70];
	v30 =	vadd.f32 v30, v29;
	v31 =	vadd.f32 v42, v28  }
0x2bc: {  	v34 =	vunpack.i.u.bf16.f32 v49;
	v33 =	vunpack.i.u.bf16.f32 v48;
	v38 =	vld [tilespmem:s19+$0xFFFFFF90]  }
0x2bd: {  	v36 =	vunpack.i.u.bf16.f32 v47;
	v43 =	vld [tilespmem:s20+$0xFFFFFF70];
	v44 =	vmul.f32 $2.000000030e-01, v30;
	v45 =	vmul.f32 $2.000000030e-01, v31  }
0x2be: {  	v33 =	vadd.f32 v33, v36;
	v39 =	vunpack.i.l.bf16.f32 v47;
	v40 =	vunpack.i.l.bf16.f32 v48  }
0x2bf: {  	v40 =	vadd.f32 v40, v39;
	v30 =	vmax.f32 v30, v44;
	v31 =	vmax.f32 v31, v45  }
0x2c0: {  	v50 =	vunpack.i.u.bf16.f32 v46;
	v30 =	vmul.f32 v30, v18;
	v31 =	vmul.f32 v31, v19  }
0x2c1: {  	v35 =	vunpack.i.l.bf16.f32 v46;
	v46 =	vmul.f32 $2.000000030e-01, v33;
	v42 =	vmul.f32 $2.000000030e-01, v40  }
0x2c2: {  	v44 =	vunpack.i.l.bf16.f32 v38;
	v37 =	vadd.f32 v30, v31;
	v31 =	vunpack.i.l.bf16.f32 v43  }
0x2c3: {  	v30 =	vunpack.i.u.bf16.f32 v43;
	v43 =	vunpack.i.l.bf16.f32 v49;
	v35 =	vadd.f32 v35, v31  }
0x2c4: {  	v33 =	vmax.f32 v33, v46;
	v40 =	vmax.f32 v40, v42;
	v44 =	vadd.f32 v44, v43  }
0x2c5: {  	v38 =	vunpack.i.u.bf16.f32 v38;
	v32 =	vadd.f32 v50, v30;
	v41 =	vmul.f32 $2.000000030e-01, v35  }
0x2c6: {  	v33 =	vmul.f32 v33, v7;
	v38 =	vadd.f32 v38, v34;
	v51 =	vmul.f32 $2.000000030e-01, v44  }
0x2c7: {  	v40 =	vmul.f32 v40, v6;
	v45 =	vmul.f32 $2.000000030e-01, v32;
	v35 =	vmax.f32 v35, v41  }
0x2c8: {  	v53 =	vmul.f32 $2.000000030e-01, v38;
	v52 =	vmax.f32 v44, v51;
	v35 =	vmul.f32 v35, v20  }
0x2c9: {  	v33 =	vadd.f32 v40, v33;
	v32 =	vmax.f32 v32, v45;
	v54 =	vmul.f32 v52, v8  }
0x2ca: {  	v55 =	vmax.f32 v38, v53;
	v32 =	vmul.f32 v32, v21;
	v35 =	vadd.f32 v35, v37  }
0x2cb: {  	v33 =	vadd.f32 v54, v33;
	v37 =	vmul.f32 v55, v9  }
0x2cc: {  	v32 =	vadd.f32 v35, v32  }
0x2cd: {  	v33 =	vadd.f32 v33, v37  }
0x2ce: {  	(xrf2) =	vadd.scan.msk.f32 $0xffff, v32  }
0x2cf: {  	(xrf2) =	vadd.scan.msk.f32 $0xffff, v33;
	_ =	sdelay $0x8  }
0x2d0: {  	v32, _, _ =	vpop (xrf2)  }
0x2d1: {  	v32 =	vmul.f32 $1.442695020e+00, v32;
	v33, _, _ =	vpop (xrf2)  }
0x2d2: {  	v33 =	vmul.f32 $1.442695020e+00, v33  }
0x2d3: {  	v32 =	vbroadcast v32, $0xF  }
0x2d4: {  	v33 =	vbroadcast v33, $0xF  }
0x2d5: {  	(erf) = vpow2.f32 v32  }
0x2d6: {  	(erf) = vpow2.f32 v33;
	_ =	sdelay $0x7  }
0x2d7: {  	v32 =	vpop (erf)  }
0x2d8: {  	s1 =	sadd.s32 $0x80, s21;
	v33 =	vpop (erf)  }
0x2d9: {  	s29 =	sand.u32 $0x280, s1;
	v56 =	vmul.f32 v33, v39  }
0x2da: {  	s0 =	sor.u32 s29, s26;
	v36 =	vmul.f32 v33, v36  }
0x2db: {  	v57 =	vmul.f32 v33, v43;
	[tilespmem:s0+$0x0] =	vst v56  }
0x2dc: {  	v34 =	vmul.f32 v33, v34;
	[tilespmem:s0+$0x10] =	vst v36  }
0x2dd: {  	[tilespmem:s0+$0x20] =	vst v57  }
0x2de: {  	[tilespmem:s0+$0x30] =	vst v34  }
0x2df: {  	v34 =	vld [tilespmem:s20+$0xFFFFFFA0]  }
0x2e0: {  	v35 =	vld [tilespmem:s19+$0xFFFFFFA0]  }
0x2e1: {  	v36 =	vld [tilespmem:s20+$0xFFFFFFB0]  }
0x2e2: {  	v58 =	vld [tilespmem:s19+$0xFFFFFFB0];
	_ =	sdelay $0x1  }
0x2e3: {  	v59 =	vunpack.i.l.bf16.f32 v34  }
0x2e4: {  	v60 =	vunpack.i.l.bf16.f32 v35;
	v61 =	vunpack.i.u.bf16.f32 v34;
	v62 =	vunpack.i.u.bf16.f32 v35  }
0x2e5: {  	v45 =	vunpack.i.l.bf16.f32 v36;
	v63 =	vadd.f32 v60, v59;
	v34 =	vadd.f32 v62, v61  }
0x2e6: {  	v46 =	vunpack.i.l.bf16.f32 v58;
	v36 =	vunpack.i.u.bf16.f32 v36;
	v37 =	vunpack.i.u.bf16.f32 v58  }
0x2e7: {  	v42 =	vadd.f32 v46, v45;
	v39 =	vmul.f32 $2.000000030e-01, v63;
	v47 =	vmul.f32 $2.000000030e-01, v34  }
0x2e8: {  	v37 =	vadd.f32 v37, v36  }
0x2e9: {  	v48 =	vmul.f32 $2.000000030e-01, v42;
	v35 =	vmax.f32 v63, v39;
	v34 =	vmax.f32 v34, v47  }
0x2ea: {  	v35 =	vmul.f32 v35, v10;
	v34 =	vmul.f32 v34, v11  }
0x2eb: {  	v49 =	vmul.f32 $2.000000030e-01, v37;
	v39 =	vmax.f32 v42, v48  }
0x2ec: {  	v50 =	vmul.f32 v39, v12;
	v34 =	vadd.f32 v35, v34  }
0x2ed: {  	v37 =	vmax.f32 v37, v49  }
0x2ee: {  	v51 =	vmul.f32 v37, v13;
	v34 =	vadd.f32 v50, v34;
	_ =	sdelay $0x1  }
0x2ef: {  	v34 =	vadd.f32 v34, v51;
	_ =	sdelay $0x1  }
0x2f0: {  	(xrf2) =	vadd.scan.msk.f32 $0xffff, v34;
	_ =	sdelay $0x9  }
0x2f1: {  	v34, _, _ =	vpop (xrf2)  }
0x2f2: {  	v34 =	vmul.f32 $1.442695020e+00, v34;
	_ =	sdelay $0x1  }
0x2f3: {  	v34 =	vbroadcast v34, $0xF;
	_ =	sdelay $0x1  }
0x2f4: {  	(erf) = vpow2.f32 v34;
	_ =	sdelay $0x8  }
0x2f5: {  	v34 =	vpop (erf)  }
0x2f6: {  	v52 =	vmul.f32 v34, v59  }
0x2f7: {  	v53 =	vmul.f32 v34, v61  }
0x2f8: {  	v54 =	vmul.f32 v34, v45;
	[tilespmem:s0+$0x40] =	vst v52  }
0x2f9: {  	v36 =	vmul.f32 v34, v36;
	[tilespmem:s0+$0x50] =	vst v53  }
0x2fa: {  	[tilespmem:s0+$0x60] =	vst v54  }
0x2fb: {  	[tilespmem:s0+$0x70] =	vst v36  }
0x2fc: {  	v35 =	vld [tilespmem:s20+$0xFFFFFFC0]  }
0x2fd: {  	v36 =	vld [tilespmem:s19+$0xFFFFFFC0]  }
0x2fe: {  	v37 =	vld [tilespmem:s20+$0xFFFFFFD0]  }
0x2ff: {  	v55 =	vld [tilespmem:s19+$0xFFFFFFD0];
	_ =	sdelay $0x1  }
0x300: {  	v56 =	vunpack.i.l.bf16.f32 v35  }
0x301: {  	v57 =	vunpack.i.l.bf16.f32 v36;
	v58 =	vunpack.i.u.bf16.f32 v35;
	v59 =	vunpack.i.u.bf16.f32 v36  }
0x302: {  	v61 =	vunpack.i.l.bf16.f32 v37;
	v60 =	vadd.f32 v57, v56;
	v35 =	vadd.f32 v59, v58  }
0x303: {  	v62 =	vunpack.i.l.bf16.f32 v55;
	v37 =	vunpack.i.u.bf16.f32 v37;
	v38 =	vunpack.i.u.bf16.f32 v55  }
0x304: {  	v43 =	vadd.f32 v62, v61;
	v40 =	vmul.f32 $2.000000030e-01, v60;
	v63 =	vmul.f32 $2.000000030e-01, v35  }
0x305: {  	v38 =	vadd.f32 v38, v37  }
0x306: {  	v47 =	vmul.f32 $2.000000030e-01, v43;
	v36 =	vmax.f32 v60, v40;
	v35 =	vmax.f32 v35, v63  }
0x307: {  	v36 =	vmul.f32 v36, v14;
	v35 =	vmul.f32 v35, v15  }
0x308: {  	v48 =	vmul.f32 $2.000000030e-01, v38;
	v40 =	vmax.f32 v43, v47  }
0x309: {  	v49 =	vmul.f32 v40, v16;
	v35 =	vadd.f32 v36, v35  }
0x30a: {  	v38 =	vmax.f32 v38, v48  }
0x30b: {  	v50 =	vmul.f32 v38, v17;
	v35 =	vadd.f32 v49, v35;
	_ =	sdelay $0x1  }
0x30c: {  	v35 =	vadd.f32 v35, v50;
	_ =	sdelay $0x1  }
0x30d: {  	(xrf2) =	vadd.scan.msk.f32 $0xffff, v35;
	_ =	sdelay $0x9  }
0x30e: {  	v35, _, _ =	vpop (xrf2)  }
0x30f: {  	v35 =	vmul.f32 $1.442695020e+00, v35;
	_ =	sdelay $0x1  }
0x310: {  	v35 =	vbroadcast v35, $0xF;
	_ =	sdelay $0x1  }
0x311: {  	(erf) = vpow2.f32 v35;
	_ =	sdelay $0x8  }
0x312: {  	v35 =	vpop (erf)  }
0x313: {  	v51 =	vmul.f32 v35, v56  }
0x314: {  	s30 =	sor.u32 s29, s28;
	v52 =	vmul.f32 v35, v58  }
0x315: {  	v53 =	vmul.f32 v35, v61;
	[tilespmem:s30+$0x0] =	vst v51  }
0x316: {  	v37 =	vmul.f32 v35, v37;
	[tilespmem:s30+$0x10] =	vst v52  }
0x317: {  	[tilespmem:s30+$0x20] =	vst v53  }
0x318: {  	[tilespmem:s30+$0x30] =	vst v37  }
0x319: {  	v37 =	vld [tilespmem:s20+$0xFFFFFFE0]  }
0x31a: {  	v38 =	vld [tilespmem:s19+$0xFFFFFFE0]  }
0x31b: {  	v59 =	vld [tilespmem:s20+$0x0]  }
0x31c: {  	v60 =	vld [tilespmem:s19+$0x0];
	_ =	sdelay $0x1  }
0x31d: {  	v63 =	vld [tilespmem:s19+$0x10];
	v36 =	vunpack.i.u.bf16.f32 v37  }
0x31e: {  	v37 =	vunpack.i.l.bf16.f32 v37;
	v54 =	vunpack.i.u.bf16.f32 v38;
	v38 =	vunpack.i.l.bf16.f32 v38  }
0x31f: {  	v61 =	vld [tilespmem:s20+$0x10];
	v38 =	vadd.f32 v38, v37;
	v39 =	vadd.f32 v54, v36  }
0x320: {  	v47 =	vunpack.i.l.bf16.f32 v59;
	v48 =	vunpack.i.l.bf16.f32 v60;
	v55 =	vld [tilespmem:s20+$0xFFFFFFF0]  }
0x321: {  	v48 =	vadd.f32 v48, v47;
	v58 =	vld [tilespmem:s19+$0xFFFFFFF0];
	v56 =	vmul.f32 $2.000000030e-01, v38;
	v57 =	vmul.f32 $2.000000030e-01, v39  }
0x322: {  	v44 =	vunpack.i.u.bf16.f32 v59;
	v41 =	vunpack.i.u.bf16.f32 v60;
	v46 =	vunpack.i.u.bf16.f32 v63  }
0x323: {  	v50 =	vmul.f32 $2.000000030e-01, v48;
	v38 =	vmax.f32 v38, v56;
	v39 =	vmax.f32 v39, v57  }
0x324: {  	v41 =	vadd.f32 v41, v44;
	v38 =	vmul.f32 v38, v18;
	v39 =	vmul.f32 v39, v19  }
0x325: {  	v48 =	vmax.f32 v48, v50;
	v52 =	vunpack.i.l.bf16.f32 v63;
	v51 =	vunpack.i.l.bf16.f32 v61  }
0x326: {  	v43 =	vunpack.i.l.bf16.f32 v58;
	v62 =	vadd.f32 v38, v39;
	v39 =	vunpack.i.l.bf16.f32 v55  }
0x327: {  	v48 =	vmul.f32 v48, v6;
	v52 =	vadd.f32 v52, v51;
	v43 =	vadd.f32 v43, v39  }
0x328: {  	v54 =	vmul.f32 $2.000000030e-01, v41;
	v38 =	vunpack.i.u.bf16.f32 v55;
	v55 =	vunpack.i.u.bf16.f32 v58  }
0x329: {  	v42 =	vunpack.i.u.bf16.f32 v61;
	v40 =	vadd.f32 v55, v38;
	v49 =	vmul.f32 $2.000000030e-01, v43  }
0x32a: {  	v46 =	vadd.f32 v46, v42;
	v41 =	vmax.f32 v41, v54;
	v56 =	vmul.f32 $2.000000030e-01, v52  }
0x32b: {  	v41 =	vmul.f32 v41, v7;
	v53 =	vmul.f32 $2.000000030e-01, v40;
	v43 =	vmax.f32 v43, v49  }
0x32c: {  	v57 =	vmax.f32 v52, v56;
	v58 =	vmul.f32 $2.000000030e-01, v46;
	v43 =	vmul.f32 v43, v20  }
0x32d: {  	v41 =	vadd.f32 v48, v41;
	v59 =	vmul.f32 v57, v8;
	v40 =	vmax.f32 v40, v53  }
0x32e: {  	v60 =	vmax.f32 v46, v58;
	v40 =	vmul.f32 v40, v21;
	v43 =	vadd.f32 v43, v62  }
0x32f: {  	v41 =	vadd.f32 v59, v41;
	v45 =	vmul.f32 v60, v9  }
0x330: {  	v40 =	vadd.f32 v43, v40  }
0x331: {  	v41 =	vadd.f32 v41, v45  }
0x332: {  	(xrf2) =	vadd.scan.msk.f32 $0xffff, v40  }
0x333: {  	(xrf2) =	vadd.scan.msk.f32 $0xffff, v41;
	_ =	sdelay $0x8  }
0x334: {  	v40, _, _ =	vpop (xrf2)  }
0x335: {  	v40 =	vmul.f32 $1.442695020e+00, v40;
	v41, _, _ =	vpop (xrf2)  }
0x336: {  	v41 =	vmul.f32 $1.442695020e+00, v41  }
0x337: {  	v40 =	vbroadcast v40, $0xF  }
0x338: {  	v41 =	vbroadcast v41, $0xF  }
0x339: {  	(erf) = vpow2.f32 v40  }
0x33a: {  	(erf) = vpow2.f32 v41;
	_ =	sdelay $0x7  }
0x33b: {  	v40 =	vpop (erf)  }
0x33c: {  	s15 =	sadd.s32 $0x100, s21;
	v41 =	vpop (erf)  }
0x33d: {  	s1 =	sand.u32 $0x300, s15;
	v61 =	vmul.f32 v41, v47  }
0x33e: {  	s0 =	sor.u32 s1, s26;
	v44 =	vmul.f32 v41, v44  }
0x33f: {  	v62 =	vmul.f32 v41, v51;
	[tilespmem:s0+$0x0] =	vst v61  }
0x340: {  	v42 =	vmul.f32 v41, v42;
	[tilespmem:s0+$0x10] =	vst v44  }
0x341: {  	[tilespmem:s0+$0x20] =	vst v62  }
0x342: {  	[tilespmem:s0+$0x30] =	vst v42  }
0x343: {  	v42 =	vld [tilespmem:s20+$0x20]  }
0x344: {  	v43 =	vld [tilespmem:s19+$0x20]  }
0x345: {  	v44 =	vld [tilespmem:s20+$0x30]  }
0x346: {  	v63 =	vld [tilespmem:s19+$0x30];
	_ =	sdelay $0x1  }
0x347: {  	v54 =	vunpack.i.l.bf16.f32 v42  }
0x348: {  	v55 =	vunpack.i.l.bf16.f32 v43;
	v56 =	vunpack.i.u.bf16.f32 v42;
	v57 =	vunpack.i.u.bf16.f32 v43  }
0x349: {  	v59 =	vunpack.i.l.bf16.f32 v44;
	v58 =	vadd.f32 v55, v54;
	v42 =	vadd.f32 v57, v56  }
0x34a: {  	v60 =	vunpack.i.l.bf16.f32 v63;
	v44 =	vunpack.i.u.bf16.f32 v44;
	v45 =	vunpack.i.u.bf16.f32 v63  }
0x34b: {  	v50 =	vadd.f32 v60, v59;
	v47 =	vmul.f32 $2.000000030e-01, v58;
	v61 =	vmul.f32 $2.000000030e-01, v42  }
0x34c: {  	v45 =	vadd.f32 v45, v44  }
0x34d: {  	v62 =	vmul.f32 $2.000000030e-01, v50;
	v43 =	vmax.f32 v58, v47;
	v42 =	vmax.f32 v42, v61  }
0x34e: {  	v43 =	vmul.f32 v43, v10;
	v42 =	vmul.f32 v42, v11  }
0x34f: {  	v63 =	vmul.f32 $2.000000030e-01, v45;
	v47 =	vmax.f32 v50, v62  }
0x350: {  	v52 =	vmul.f32 v47, v12;
	v42 =	vadd.f32 v43, v42  }
0x351: {  	v45 =	vmax.f32 v45, v63  }
0x352: {  	v53 =	vmul.f32 v45, v13;
	v42 =	vadd.f32 v52, v42;
	_ =	sdelay $0x1  }
0x353: {  	v42 =	vadd.f32 v42, v53;
	_ =	sdelay $0x1  }
0x354: {  	(xrf2) =	vadd.scan.msk.f32 $0xffff, v42;
	_ =	sdelay $0x9  }
0x355: {  	v42, _, _ =	vpop (xrf2)  }
0x356: {  	v42 =	vmul.f32 $1.442695020e+00, v42;
	_ =	sdelay $0x1  }
0x357: {  	v42 =	vbroadcast v42, $0xF;
	_ =	sdelay $0x1  }
0x358: {  	(erf) = vpow2.f32 v42;
	_ =	sdelay $0x8  }
0x359: {  	v42 =	vpop (erf)  }
0x35a: {  	v54 =	vmul.f32 v42, v54  }
0x35b: {  	v55 =	vmul.f32 v42, v56  }
0x35c: {  	v56 =	vmul.f32 v42, v59;
	[tilespmem:s0+$0x40] =	vst v54  }
0x35d: {  	v44 =	vmul.f32 v42, v44;
	[tilespmem:s0+$0x50] =	vst v55  }
0x35e: {  	[tilespmem:s0+$0x60] =	vst v56  }
0x35f: {  	[tilespmem:s0+$0x70] =	vst v44  }
0x360: {  	v43 =	vld [tilespmem:s20+$0x40]  }
0x361: {  	v44 =	vld [tilespmem:s19+$0x40]  }
0x362: {  	v45 =	vld [tilespmem:s20+$0x50]  }
0x363: {  	v57 =	vld [tilespmem:s19+$0x50];
	_ =	sdelay $0x1  }
0x364: {  	v47 =	vunpack.i.l.bf16.f32 v43  }
0x365: {  	v58 =	vunpack.i.l.bf16.f32 v44;
	v49 =	vunpack.i.u.bf16.f32 v43;
	v59 =	vunpack.i.u.bf16.f32 v44  }
0x366: {  	v61 =	vunpack.i.l.bf16.f32 v45;
	v60 =	vadd.f32 v58, v47;
	v43 =	vadd.f32 v59, v49  }
0x367: {  	v62 =	vunpack.i.l.bf16.f32 v57;
	v45 =	vunpack.i.u.bf16.f32 v45;
	v46 =	vunpack.i.u.bf16.f32 v57  }
0x368: {  	v51 =	vadd.f32 v62, v61;
	v48 =	vmul.f32 $2.000000030e-01, v60;
	v63 =	vmul.f32 $2.000000030e-01, v43  }
0x369: {  	v46 =	vadd.f32 v46, v45  }
0x36a: {  	v55 =	vmul.f32 $2.000000030e-01, v51;
	v44 =	vmax.f32 v60, v48;
	v43 =	vmax.f32 v43, v63  }
0x36b: {  	v44 =	vmul.f32 v44, v14;
	v43 =	vmul.f32 v43, v15  }
0x36c: {  	v56 =	vmul.f32 $2.000000030e-01, v46;
	v48 =	vmax.f32 v51, v55  }
0x36d: {  	v57 =	vmul.f32 v48, v16;
	v43 =	vadd.f32 v44, v43  }
0x36e: {  	v46 =	vmax.f32 v46, v56  }
0x36f: {  	v58 =	vmul.f32 v46, v17;
	v43 =	vadd.f32 v57, v43;
	_ =	sdelay $0x1  }
0x370: {  	v43 =	vadd.f32 v43, v58;
	_ =	sdelay $0x1  }
0x371: {  	(xrf2) =	vadd.scan.msk.f32 $0xffff, v43;
	_ =	sdelay $0x9  }
0x372: {  	v43, _, _ =	vpop (xrf2)  }
0x373: {  	v43 =	vmul.f32 $1.442695020e+00, v43;
	_ =	sdelay $0x1  }
0x374: {  	v43 =	vbroadcast v43, $0xF;
	_ =	sdelay $0x1  }
0x375: {  	(erf) = vpow2.f32 v43;
	_ =	sdelay $0x8  }
0x376: {  	v43 =	vpop (erf)  }
0x377: {  	v59 =	vmul.f32 v43, v47  }
0x378: {  	s0 =	sor.u32 s1, s28;
	v60 =	vmul.f32 v43, v49  }
0x379: {  	v61 =	vmul.f32 v43, v61;
	[tilespmem:s0+$0x0] =	vst v59  }
0x37a: {  	v45 =	vmul.f32 v43, v45;
	[tilespmem:s0+$0x10] =	vst v60  }
0x37b: {  	[tilespmem:s0+$0x20] =	vst v61  }
0x37c: {  	[tilespmem:s0+$0x30] =	vst v45  }
0x37d: {  	v45 =	vld [tilespmem:s20+$0x60]  }
0x37e: {  	v46 =	vld [tilespmem:s19+$0x60];
	_ =	sdelay $0x3  }
0x37f: {  	v44 =	vunpack.i.u.bf16.f32 v45  }
0x380: {  	v61 =	vld [tilespmem:s20+$0x80];
	v45 =	vunpack.i.l.bf16.f32 v45;
	v62 =	vunpack.i.u.bf16.f32 v46;
	v46 =	vunpack.i.l.bf16.f32 v46  }
0x381: {  	v48 =	vld [tilespmem:s20+$0x70];
	v46 =	vadd.f32 v46, v45;
	v47 =	vadd.f32 v62, v44  }
0x382: {  	v63 =	vld [tilespmem:s19+$0x70]  }
0x383: {  	v62 =	vld [tilespmem:s19+$0x80];
	v59 =	vmul.f32 $2.000000030e-01, v46;
	v60 =	vmul.f32 $2.000000030e-01, v47;
	_ =	sdelay $0x1  }
0x384: {  	v50 =	vld [tilespmem:s20+$0x90];
	v46 =	vmax.f32 v46, v59;
	v47 =	vmax.f32 v47, v60  }
0x385: {  	v54 =	vld [tilespmem:s19+$0x90];
	v46 =	vmul.f32 v46, v18;
	v47 =	vmul.f32 v47, v19  }
0x386: {  	v56 =	vunpack.i.l.bf16.f32 v61;
	v52 =	vunpack.i.u.bf16.f32 v61;
	v55 =	vunpack.i.l.bf16.f32 v63  }
0x387: {  	v57 =	vunpack.i.l.bf16.f32 v62;
	v51 =	vadd.f32 v46, v47;
	v46 =	vunpack.i.l.bf16.f32 v48  }
0x388: {  	v47 =	vunpack.i.u.bf16.f32 v48;
	v48 =	vadd.f32 v55, v46;
	v55 =	vadd.f32 v57, v56  }
0x389: {  	v49 =	vunpack.i.u.bf16.f32 v63;
	v59 =	vunpack.i.l.bf16.f32 v50;
	v53 =	vunpack.i.u.bf16.f32 v62  }
0x38a: {  	v60 =	vunpack.i.l.bf16.f32 v54;
	v53 =	vadd.f32 v53, v52;
	v58 =	vmul.f32 $2.000000030e-01, v55  }
0x38b: {  	v50 =	vunpack.i.u.bf16.f32 v50;
	v54 =	vunpack.i.u.bf16.f32 v54;
	v60 =	vadd.f32 v60, v59  }
0x38c: {  	v49 =	vadd.f32 v49, v47;
	v55 =	vmax.f32 v55, v58;
	v58 =	vmul.f32 $2.000000030e-01, v53  }
0x38d: {  	v54 =	vadd.f32 v54, v50;
	v57 =	vmul.f32 $2.000000030e-01, v48  }
0x38e: {  	v63 =	vmul.f32 $2.000000030e-01, v60;
	v61 =	vmul.f32 $2.000000030e-01, v49;
	v53 =	vmax.f32 v53, v58  }
0x38f: {  	v48 =	vmax.f32 v48, v57;
	v55 =	vmul.f32 v55, v6;
	v53 =	vmul.f32 v53, v7  }
0x390: {  	v62 =	vmax.f32 v60, v63;
	v63 =	vmul.f32 $2.000000030e-01, v54;
	v48 =	vmul.f32 v48, v20  }
0x391: {  	v49 =	vmax.f32 v49, v61;
	v57 =	vmul.f32 v62, v8;
	v53 =	vadd.f32 v55, v53  }
0x392: {  	v49 =	vmul.f32 v49, v21;
	v58 =	vmax.f32 v54, v63;
	v48 =	vadd.f32 v48, v51  }
0x393: {  	v51 =	vmul.f32 v58, v9;
	v53 =	vadd.f32 v57, v53  }
0x394: {  	v48 =	vadd.f32 v48, v49  }
0x395: {  	v60 =	vadd.f32 v53, v51  }
0x396: {  	(xrf2) =	vadd.scan.msk.f32 $0xffff, v48  }
0x397: {  	(xrf2) =	vadd.scan.msk.f32 $0xffff, v60;
	_ =	sdelay $0x8  }
0x398: {  	v48, _, _ =	vpop (xrf2)  }
0x399: {  	v48 =	vmul.f32 $1.442695020e+00, v48;
	v49, _, _ =	vpop (xrf2)  }
0x39a: {  	v49 =	vmul.f32 $1.442695020e+00, v49  }
0x39b: {  	v48 =	vbroadcast v48, $0xF  }
0x39c: {  	v49 =	vbroadcast v49, $0xF  }
0x39d: {  	(erf) = vpow2.f32 v48  }
0x39e: {  	(erf) = vpow2.f32 v49;
	_ =	sdelay $0x7  }
0x39f: {  	v48 =	vpop (erf)  }
0x3a0: {  	s15 =	sadd.s32 $0x180, s21;
	v49 =	vpop (erf)  }
0x3a1: {  	s15 =	sand.u32 $0x380, s15;
	v61 =	vmul.f32 v49, v56  }
0x3a2: {  	s26 =	sor.u32 s15, s26;
	v52 =	vmul.f32 v49, v52  }
0x3a3: {  	v62 =	vmul.f32 v49, v59;
	[tilespmem:s26+$0x0] =	vst v61  }
0x3a4: {  	v50 =	vmul.f32 v49, v50;
	[tilespmem:s26+$0x10] =	vst v52  }
0x3a5: {  	[tilespmem:s26+$0x20] =	vst v62  }
0x3a6: {  	[tilespmem:s26+$0x30] =	vst v50  }
0x3a7: {  	v50 =	vld [tilespmem:s20+$0xA0]  }
0x3a8: {  	v51 =	vld [tilespmem:s19+$0xA0]  }
0x3a9: {  	v52 =	vld [tilespmem:s20+$0xB0]  }
0x3aa: {  	v53 =	vld [tilespmem:s19+$0xB0];
	_ =	sdelay $0x1  }
0x3ab: {  	v54 =	vunpack.i.l.bf16.f32 v50  }
0x3ac: {  	v63 =	vunpack.i.l.bf16.f32 v51;
	v56 =	vunpack.i.u.bf16.f32 v50;
	v60 =	vunpack.i.u.bf16.f32 v51  }
0x3ad: {  	v57 =	vunpack.i.l.bf16.f32 v52;
	v61 =	vadd.f32 v63, v54;
	v50 =	vadd.f32 v60, v56  }
0x3ae: {  	v62 =	vunpack.i.l.bf16.f32 v53;
	v52 =	vunpack.i.u.bf16.f32 v52;
	v53 =	vunpack.i.u.bf16.f32 v53  }
0x3af: {  	v58 =	vadd.f32 v62, v57;
	v55 =	vmul.f32 $2.000000030e-01, v61;
	v63 =	vmul.f32 $2.000000030e-01, v50  }
0x3b0: {  	v53 =	vadd.f32 v53, v52  }
0x3b1: {  	v59 =	vmul.f32 $2.000000030e-01, v58;
	v51 =	vmax.f32 v61, v55;
	v50 =	vmax.f32 v50, v63  }
0x3b2: {  	v51 =	vmul.f32 v51, v10;
	v50 =	vmul.f32 v50, v11  }
0x3b3: {  	v60 =	vmul.f32 $2.000000030e-01, v53;
	v55 =	vmax.f32 v58, v59  }
0x3b4: {  	v61 =	vmul.f32 v55, v12;
	v50 =	vadd.f32 v51, v50  }
0x3b5: {  	v53 =	vmax.f32 v53, v60  }
0x3b6: {  	v62 =	vmul.f32 v53, v13;
	v50 =	vadd.f32 v61, v50;
	_ =	sdelay $0x1  }
0x3b7: {  	v50 =	vadd.f32 v50, v62;
	_ =	sdelay $0x1  }
0x3b8: {  	(xrf2) =	vadd.scan.msk.f32 $0xffff, v50;
	_ =	sdelay $0x9  }
0x3b9: {  	v50, _, _ =	vpop (xrf2)  }
0x3ba: {  	v50 =	vmul.f32 $1.442695020e+00, v50;
	_ =	sdelay $0x1  }
0x3bb: {  	v50 =	vbroadcast v50, $0xF;
	_ =	sdelay $0x1  }
0x3bc: {  	(erf) = vpow2.f32 v50;
	_ =	sdelay $0x8  }
0x3bd: {  	v50 =	vpop (erf)  }
0x3be: {  	v63 =	vmul.f32 v50, v54  }
0x3bf: {  	v58 =	vmul.f32 v50, v56  }
0x3c0: {  	v59 =	vmul.f32 v50, v57;
	[tilespmem:s26+$0x40] =	vst v63  }
0x3c1: {  	v52 =	vmul.f32 v50, v52;
	[tilespmem:s26+$0x50] =	vst v58  }
0x3c2: {  	[tilespmem:s26+$0x60] =	vst v59  }
0x3c3: {  	[tilespmem:s26+$0x70] =	vst v52  }
0x3c4: {  	v51 =	vld [tilespmem:s20+$0xC0]  }
0x3c5: {  	v52 =	vld [tilespmem:s19+$0xC0]  }
0x3c6: {  	v53 =	vld [tilespmem:s20+$0xD0]  }
0x3c7: {  	v54 =	vld [tilespmem:s19+$0xD0];
	_ =	sdelay $0x1  }
0x3c8: {  	v55 =	vunpack.i.l.bf16.f32 v51  }
0x3c9: {  	v60 =	vunpack.i.l.bf16.f32 v52;
	v51 =	vunpack.i.u.bf16.f32 v51;
	v52 =	vunpack.i.u.bf16.f32 v52  }
0x3ca: {  	v58 =	vunpack.i.l.bf16.f32 v53;
	v56 =	vadd.f32 v60, v55;
	v52 =	vadd.f32 v52, v51  }
0x3cb: {  	v59 =	vunpack.i.l.bf16.f32 v54;
	v53 =	vunpack.i.u.bf16.f32 v53;
	v54 =	vunpack.i.u.bf16.f32 v54  }
0x3cc: {  	v59 =	vadd.f32 v59, v58;
	v57 =	vmul.f32 $2.000000030e-01, v56;
	v60 =	vmul.f32 $2.000000030e-01, v52  }
0x3cd: {  	v54 =	vadd.f32 v54, v53  }
0x3ce: {  	v61 =	vmul.f32 $2.000000030e-01, v59;
	v56 =	vmax.f32 v56, v57;
	v52 =	vmax.f32 v52, v60  }
0x3cf: {  	v56 =	vmul.f32 v56, v14;
	v52 =	vmul.f32 v52, v15  }
0x3d0: {  	v62 =	vmul.f32 $2.000000030e-01, v54;
	v57 =	vmax.f32 v59, v61  }
0x3d1: {  	v63 =	vmul.f32 v57, v16;
	v52 =	vadd.f32 v56, v52  }
0x3d2: {  	v54 =	vmax.f32 v54, v62  }
0x3d3: {  	v54 =	vmul.f32 v54, v17;
	v52 =	vadd.f32 v63, v52;
	_ =	sdelay $0x1  }
0x3d4: {  	v52 =	vadd.f32 v52, v54;
	_ =	sdelay $0x1  }
0x3d5: {  	(xrf2) =	vadd.scan.msk.f32 $0xffff, v52;
	_ =	sdelay $0x9  }
0x3d6: {  	v52, _, _ =	vpop (xrf2)  }
0x3d7: {  	v52 =	vmul.f32 $1.442695020e+00, v52;
	_ =	sdelay $0x1  }
0x3d8: {  	v52 =	vbroadcast v52, $0xF;
	_ =	sdelay $0x1  }
0x3d9: {  	(erf) = vpow2.f32 v52;
	_ =	sdelay $0x8  }
0x3da: {  	v52 =	vpop (erf)  }
0x3db: {  	v60 =	vmul.f32 v52, v55  }
0x3dc: {  	s26 =	sor.u32 s15, s28;
	v51 =	vmul.f32 v52, v51  }
0x3dd: {  	v61 =	vmul.f32 v52, v58;
	[tilespmem:s26+$0x0] =	vst v60  }
0x3de: {  	v62 =	vmul.f32 v52, v53;
	[tilespmem:s26+$0x10] =	vst v51  }
0x3df: {  	[tilespmem:s26+$0x20] =	vst v61  }
0x3e0: {  	[tilespmem:s26+$0x30] =	vst v62  }
0x3e1: {  	v51 =	vld [tilespmem:s20+$0xE0]  }
0x3e2: {  	v63 =	vld [tilespmem:s19+$0xE0]  }
0x3e3: {  	v54 =	vld [tilespmem:s20+$0xF0]  }
0x3e4: {  	v55 =	vld [tilespmem:s19+$0xF0];
	_ =	sdelay $0x1  }
0x3e5: {  	v56 =	vunpack.i.l.bf16.f32 v51  }
0x3e6: {  	v60 =	vunpack.i.l.bf16.f32 v63;
	v51 =	vunpack.i.u.bf16.f32 v51;
	v53 =	vunpack.i.u.bf16.f32 v63  }
0x3e7: {  	v59 =	vunpack.i.l.bf16.f32 v54;
	v57 =	vadd.f32 v60, v56;
	v53 =	vadd.f32 v53, v51  }
0x3e8: {  	v54 =	vunpack.i.u.bf16.f32 v54;
	v60 =	vunpack.i.l.bf16.f32 v55;
	v55 =	vunpack.i.u.bf16.f32 v55  }
0x3e9: {  	v60 =	vadd.f32 v60, v59;
	v58 =	vmul.f32 $2.000000030e-01, v57;
	v61 =	vmul.f32 $2.000000030e-01, v53  }
0x3ea: {  	v55 =	vadd.f32 v55, v54  }
0x3eb: {  	v57 =	vmax.f32 v57, v58;
	v53 =	vmax.f32 v53, v61;
	v61 =	vmul.f32 $2.000000030e-01, v60  }
0x3ec: {  	v57 =	vmul.f32 v57, v18;
	v53 =	vmul.f32 v53, v19  }
0x3ed: {  	v58 =	vmax.f32 v60, v61;
	v60 =	vmul.f32 $2.000000030e-01, v55  }
0x3ee: {  	v53 =	vadd.f32 v57, v53;
	v62 =	vmul.f32 v58, v20  }
0x3ef: {  	v55 =	vmax.f32 v55, v60  }
0x3f0: {  	v53 =	vadd.f32 v62, v53;
	v55 =	vmul.f32 v55, v21;
	_ =	sdelay $0x1  }
0x3f1: {  	v53 =	vadd.f32 v53, v55;
	_ =	sdelay $0x1  }
0x3f2: {  	(xrf2) =	vadd.scan.msk.f32 $0xffff, v53;
	_ =	sdelay $0x2  }
0x3f3: {  	v25 =	vmul.f32 v1, v25;
	_ =	sdelay $0x1  }
0x3f4: {  	v25 =	vadd.f32 $0.0e+00, v25;
	v26 =	vmul.f32 v2, v26;
	_ =	sdelay $0x1  }
0x3f5: {  	v25 =	vadd.f32 v26, v25;
	v27 =	vmul.f32 v3, v27;
	v29 =	vmul.f32 v32, v29  }
0x3f6: {  	v26 =	vmul.f32 v32, v28;
	v33 =	vmul.f32 v1, v33  }
0x3f7: {  	v25 =	vadd.f32 v27, v25;
	v31 =	vmul.f32 v32, v31;
	v27 =	vmul.f32 v4, v32;
	[tilespmem:s25+$0x40] =	vst v29  }
0x3f8: {  	[tilespmem:s25+$0x50] =	vst v26;
	v26 =	vmul.f32 v32, v30;
	v33 =	vadd.f32 $0.0e+00, v33;
	v34 =	vmul.f32 v2, v34;
	v53, _, _ =	vpop (xrf2)  }
0x3f9: {  	s24 =	sadd.s32 $0x14000, s24;
	[tilespmem:s25+$0x60] =	vst v31;
	v25 =	vadd.f32 v27, v25;
	v63 =	vmul.f32 $1.442695020e+00, v53  }
0x3fa: {  	s23 =	sor.u32 s23, s24;
	[tilespmem:s25+$0x70] =	vst v26;
	v26 =	vadd.f32 v34, v33;
	v27 =	vmul.f32 v3, v35;
	v35 =	vmul.f32 v40, v37  }
0x3fb: {  	[tilespmem:s23+$0x0] =	vst v25;
	v25 =	vmul.f32 v40, v36;
	v28 =	vbroadcast v63, $0xF  }
0x3fc: {  	v26 =	vadd.f32 v27, v26;
	v27 =	vmul.f32 v40, v39;
	v37 =	vmul.f32 v1, v41  }
0x3fd: {  	v41 =	vmul.f32 v4, v40;
	(erf) = vpow2.f32 v28  }
0x3fe: {  	[tilespmem:s30+$0x50] =	vst v25;
	v25 =	vmul.f32 v40, v38;
	v29 =	vadd.f32 $0.0e+00, v37;
	v42 =	vmul.f32 v2, v42  }
0x3ff: {  	[tilespmem:s30+$0x60] =	vst v27  }
0x400: {  	v26 =	vadd.f32 v41, v26;
	[tilespmem:s30+$0x70] =	vst v25;
	v25 =	vadd.f32 v42, v29;
	v27 =	vmul.f32 v3, v43  }
0x401: {  	[tilespmem:s30+$0x40] =	vst v35;
	s28 =	sor.u32 s29, s24  }
0x402: {  	v25 =	vadd.f32 v27, v25;
	v27 =	vmul.f32 v48, v46;
	[tilespmem:s28+$0x0] =	vst v26;
	v26 =	vmul.f32 v48, v44  }
0x403: {  	v55 =	vmul.f32 v1, v49  }
0x404: {  	[tilespmem:s0+$0x50] =	vst v26;
	v26 =	vmul.f32 v48, v47;
	v57 =	vmul.f32 v4, v48  }
0x405: {  	[tilespmem:s0+$0x60] =	vst v27;
	v58 =	vmul.f32 v2, v50;
	v29 =	vadd.f32 $0.0e+00, v55;
	v53 =	vmul.f32 v48, v45  }
0x406: {  	[tilespmem:s0+$0x70] =	vst v26;
	v25 =	vadd.f32 v57, v25;
	v27 =	vpop (erf)  }
0x407: {  	s29 =	sor.u32 s1, s24;
	v60 =	vmul.f32 v3, v52;
	v26 =	vadd.f32 v58, v29;
	[tilespmem:s0+$0x40] =	vst v53;
	v61 =	vmul.f32 v27, v56  }
0x408: {  	p0 =	slt.u32 s18, $0x3C;
	[tilespmem:s29+$0x0] =	vst v25;
	v25 =	vmul.f32 v27, v51  }
.Ltmp2:
0x409: {  	v26 =	vadd.f32 v60, v26;
	v62 =	vmul.f32 v27, v59;
	v63 =	vmul.f32 v4, v27;
	[tilespmem:s26+$0x40] =	vst v61;
	(pc) =	sbr.rel @p0 .LBB2_7-.Ltmp2, $4  }
0x40a: {  	[tilespmem:s26+$0x50] =	vst v25;
	v25 =	vmul.f32 v27, v54  }
0x40b: {  	[tilespmem:s26+$0x60] =	vst v62;
	v26 =	vadd.f32 v63, v26  }
0x40c: {  	s30 =	sor.u32 s15, s24;
	[tilespmem:s26+$0x70] =	vst v25  }
0x40d: {  	s21 =	sadd.s32 $0x200, s21;
	s19 =	sadd.s32 $0x200, s19;
	s20 =	sadd.s32 $0x200, s20;
	[tilespmem:s30+$0x0] =	vst v26  }
0x40e: {  	v25 =	vld [tilespmem:s14+$0x6000];
	_ =	sdelay $0x4  }
0x40f: {  	v26 =	vshrl.u32 v25, $0x3  }
0x410: {  	v26 =	vmul.u32 $0x18, v26  }
0x411: {  	v25 =	vand.u32 $0x7, v25  }
0x412: {  	v25 =	vor.u32 v25, v26  }
0x413: {  	v26 =	vperm.xlane v25, v22;
	_ =	sdelay $0x1  }
0x414: {  	v26 =	vadd.s32 v23, v26;
	_ =	sdelay $0x1  }
0x415: {  	v25 =	vperm.xlane v25, v24;
	_ =	sdelay $0x1  }
0x416: {  	v25 =	vadd.s32 v23, v25  }
0x417: {  	[hbm4b:s7+s2] =	stream.indirect_vreg.scatter [tilespmem:s31], [sflag:$0x3], $0x80, v26, vm0, $0xb8;
	[tilespmem:$0x19800] =	vst v63  }
0x418: {  	s0 =	simm.s32 $0x14000  }
0x419: {  	[hbm4b:s11+s2] =	stream.indirect_vreg.scatter [tilespmem:s0], [sflag:$0x3], $0x80, v26, vm1, $0xb8;
	[tilespmem:$0x19800] =	vst v63  }
0x41a: {  	s21 =	simm.s32 $0x14400  }
0x41b: {  	[hbm4b:s7+s2] =	stream.indirect_vreg.scatter [tilespmem:s21], [sflag:$0x3], $0x80, v25, vm0, $0xb8;
	[tilespmem:$0x19800] =	vst v63  }
0x41c: {  	s23 =	simm.s32 $0x14C00  }
0x41d: {  	[hbm4b:s11+s2] =	stream.indirect_vreg.scatter [tilespmem:s23], [sflag:$0x3], $0x80, v25, vm1, $0xb8;
	[tilespmem:$0x19800] =	vst v63  }
0x41e: {  	v25 =	vld [tilespmem:s14+$0x6010];
	_ =	sdelay $0x4  }
0x41f: {  	v60 =	vshrl.u32 v25, $0x3  }
0x420: {  	v26 =	vmul.u32 $0x18, v60  }
0x421: {  	v25 =	vand.u32 $0x7, v25  }
0x422: {  	v25 =	vor.u32 v25, v26  }
0x423: {  	v26 =	vperm.xlane v25, v22;
	_ =	sdelay $0x1  }
0x424: {  	v26 =	vadd.s32 v23, v26;
	_ =	sdelay $0x1  }
0x425: {  	v25 =	vperm.xlane v25, v24;
	_ =	sdelay $0x1  }
0x426: {  	s24 =	simm.s32 $0x15000;
	v25 =	vadd.s32 v23, v25  }
0x427: {  	[hbm4b:s7+s2] =	stream.indirect_vreg.scatter [tilespmem:s24], [sflag:$0x3], $0x80, v26, vm0, $0xb8;
	[tilespmem:$0x19800] =	vst v63  }
0x428: {  	s25 =	simm.s32 $0x15800  }
0x429: {  	[hbm4b:s11+s2] =	stream.indirect_vreg.scatter [tilespmem:s25], [sflag:$0x3], $0x80, v26, vm1, $0xb8;
	[tilespmem:$0x19800] =	vst v63  }
0x42a: {  	s26 =	simm.s32 $0x15C00  }
0x42b: {  	[hbm4b:s7+s2] =	stream.indirect_vreg.scatter [tilespmem:s26], [sflag:$0x3], $0x80, v25, vm0, $0xb8;
	[tilespmem:$0x19800] =	vst v63  }
0x42c: {  	s28 =	simm.s32 $0x16400  }
0x42d: {  	[hbm4b:s11+s2] =	stream.indirect_vreg.scatter [tilespmem:s28], [sflag:$0x3], $0x80, v25, vm1, $0xb8;
	[tilespmem:$0x19800] =	vst v63  }
0x42e: {  	v25 =	vld [tilespmem:s14+$0x6020];
	_ =	sdelay $0x4  }
0x42f: {  	v61 =	vshrl.u32 v25, $0x3  }
0x430: {  	v26 =	vmul.u32 $0x18, v61  }
0x431: {  	v25 =	vand.u32 $0x7, v25  }
0x432: {  	v25 =	vor.u32 v25, v26  }
0x433: {  	v26 =	vperm.xlane v25, v22;
	_ =	sdelay $0x1  }
0x434: {  	v26 =	vadd.s32 v23, v26;
	_ =	sdelay $0x1  }
0x435: {  	v25 =	vperm.xlane v25, v24;
	_ =	sdelay $0x1  }
0x436: {  	s29 =	simm.s32 $0x16800;
	v25 =	vadd.s32 v23, v25  }
0x437: {  	[hbm4b:s7+s2] =	stream.indirect_vreg.scatter [tilespmem:s29], [sflag:$0x3], $0x80, v26, vm0, $0xb8;
	[tilespmem:$0x19800] =	vst v63  }
0x438: {  	s30 =	simm.s32 $0x17000  }
0x439: {  	[hbm4b:s11+s2] =	stream.indirect_vreg.scatter [tilespmem:s30], [sflag:$0x3], $0x80, v26, vm1, $0xb8;
	[tilespmem:$0x19800] =	vst v63  }
0x43a: {  	s31 =	simm.s32 $0x17400  }
0x43b: {  	[hbm4b:s7+s2] =	stream.indirect_vreg.scatter [tilespmem:s31], [sflag:$0x3], $0x80, v25, vm0, $0xb8;
	[tilespmem:$0x19800] =	vst v63  }
0x43c: {  	_ = 	snop  }
0x43d: {  	[hbm4b:s11+s2] =	stream.indirect_vreg.scatter [tilespmem:s16], [sflag:$0x3], $0x80, v25, vm1, $0xb8;
	[tilespmem:$0x19800] =	vst v63  }
0x43e: {  	v25 =	vld [tilespmem:s14+$0x6030];
	_ =	sdelay $0x4  }
0x43f: {  	v62 =	vshrl.u32 v25, $0x3  }
0x440: {  	v26 =	vmul.u32 $0x18, v62  }
0x441: {  	v25 =	vand.u32 $0x7, v25  }
0x442: {  	v25 =	vor.u32 v25, v26  }
0x443: {  	v22 =	vperm.xlane v25, v22;
	_ =	sdelay $0x1  }
0x444: {  	v22 =	vadd.s32 v23, v22;
	_ =	sdelay $0x2  }
0x445: {  	v63 =	vperm.xlane v25, v24  }
0x446: {  	s13 =	sadd.s32 $0x1, s13  }
0x447: {  	v23 =	vadd.s32 v23, v63;
	[hbm4b:s7+s2] =	stream.indirect_vreg.scatter [tilespmem:s5], [sflag:$0x3], $0x80, v22, vm0, $0xb8;
	[tilespmem:$0x19800] =	vst v63  }
0x448: {  	p0 =	sne.s32 s13, $0x54  }
0x449: {  	[hbm4b:s11+s2] =	stream.indirect_vreg.scatter [tilespmem:s6], [sflag:$0x3], $0x80, v22, vm1, $0xb8;
	[tilespmem:$0x19800] =	vst v63  }
.Ltmp3:
0x44a: {  	_ = 	snop;
	(pc) =	sbr.rel @p0 .LBB2_4-.Ltmp3, $4  }
0x44b: {  	_ = 	snop  }
0x44c: {  	[hbm4b:s7+s2] =	stream.indirect_vreg.scatter [tilespmem:s8], [sflag:$0x3], $0x80, v23, vm0, $0xb8;
	[tilespmem:$0x19800] =	vst v63  }
0x44d: {  	_ = 	snop  }
0x44e: {  	[hbm4b:s11+s2] =	stream.indirect_vreg.scatter [tilespmem:s9], [sflag:$0x3], $0x80, v23, vm1, $0xb8;
	[tilespmem:$0x19800] =	vst v63  }
0x44f: {  	_ =	swait.ge [sflag:s22], $0x2000  }
0x450: {  	[sflag:s22] =	ssyncset.done $0x0  }
0x451: {  	[sflag:s22] =	ssyncadd.s32 $0xFFFFE000  }
0x452: {  	_ =	swait.ge [sflag:s22], $0x2000  }
0x453: {  	[sflag:s22] =	ssyncset.done $0x0  }
0x454: {  	[sflag:s22] =	ssyncadd.s32 $0xFFFFE000  }
0x455: {  	_ =	swait.ge [sflag:s12], $0x6000  }
0x456: {  	s1 =	rddreg [dreg:$0x9]  }
0x457: {  	s0 =	rddreg [dreg:$0x7];
	s1 =	sadd.s32 $0x1, s1  }
0x458: {  	p0 =	sne.s32 s1, s0  }
.Ltmp4:
0x459: {  	_ = 	snop;
	(pc) =	sbr.rel @p0 .LBB2_1-.Ltmp4, $3  }
0x45a: {  	_ =	sdelay $0x1  }
0x45b: {  	[sflag:s12] =	ssyncset.done $0x0  }
0x45c: {  	s18 =	simm.s32 $0x800;
	s19 =	simm.s32 $0x6000;
	[sflag:s12] =	ssyncadd.s32 $0xFFFFA000  }
0x45d: {  	_ =	sfence.sel $0x180000  }
0x45e: {  	[bflag:$0x0] =	sbarrier.arrive $0xFFFF  }
0x45f: {  	_ =	strace $0x9000004A  }
0x460: {  	s0 =	stileid.u32;
	[bflag:$0x2] =	sbarrier.arrive $0xFFFF  }
0x461: {  	p0 =	sne.s32 s0, $0x0;
	s0 =	rddreg [dreg:$0x1]  }
0x462: {  	s0 =	sadd.s32 @!p0 $0x100000, s0  }
0x463: {  	[sflag:s0] =	ssyncadd.tile.s32 @!p0 $0x1;
	_ =	shalt  }
.Lfunc_end2:
_tile_overlayer_lowered:
.L_overlay_start_2:
0x464: {  	(tag) =	ssettag $0x2  }
0x465: {  	s0 =	rddreg [dreg:$0x0];
	s2 =	stileid.u32  }
0x466: {  	s1 =	rddreg [dreg:$0x1];
	p0 =	sne.s32 s2, $0x0  }
0x467: {  	s3 =	rddreg [dreg:$0x2];
	[bflag:$0x3] =	sbarrier.arrive $0xFFFF;
	s2 =	simm.s32 @!p0 $0x1C04  }
0x468: {  	[timem:s3], [sflag:s2] =	dma.local @!p0 [hbm:s0], s1  }
0x469: {  	s0 =	simm.s32 @!p0 $0x4  }
0x46a: {  	_ =	swait.ge @!p0 [sflag:s0], s1  }
0x46b: {  	s1 =	ssub.s32 @!p0 $0x0, s1;
	[sflag:s0] =	ssyncset.done @!p0 $0x0  }
0x46c: {  	[sflag:s0] =	ssyncadd.s32 @!p0 s1  }
0x46d: {  	[bflag:$0x3] =	sbarrier.arrive $0xFFFF  }
0x46e: {  	_ =	shalt  }

// kernel: kernel.8.cloned.1.call-start
scs
__scs_entry_jumppad:
0x0: {  	(pc) =	sbr.rel $0x88, $3  }
0x1: {  	(tag) =	ssettag $0x0;
	lr =	simm.s32 $0x1  }
0x2: {  	[smem:$0x3F83] =	sst lr;
	_ =	strace $0xD0000000  }
0x3: {  	_ = 	snop  }
0x4: {  	_ = 	snop  }
0x5: {  	_ = 	snop  }
0x6: {  	_ = 	snop  }
0x7: {  	_ = 	snop  }
__scs_overlays_trampoline_lowered:
0x8: {  	[smem:$0x3F92] =	sst s0  }
0x9: {  	[smem:$0x3F93] =	sst s1  }
0xa: {  	[smem:$0x3F94] =	sst s2  }
0xb: {  	[smem:$0x3F95] =	sst s3  }
0xc: {  	[smem:$0x3F96] =	sst s4  }
0xd: {  	[smem:$0x3F97] =	sst s5  }
0xe: {  	[smem:$0x3F98] =	sst s6  }
0xf: {  	[smem:$0x3F99] =	sst s7  }
0x10: {  	[smem:$0x3F9A] =	sst s8  }
0x11: {  	[smem:$0x3F9B] =	sst s9;
	s0 =	simm.s32 @!p0 $0x0  }
0x12: {  	s1 =	sld [smem:$0x3F81];
	s0 =	simm.s32 @p0 $0x1  }
0x13: {  	[smem:$0x3F9C] =	sst s0;
	s0 =	simm.s32 @!p1 $0x0  }
0x14: {  	s2 =	sld [smem:$0x3F80];
	s0 =	simm.s32 @p1 $0x1  }
0x15: {  	[smem:$0x3F9D] =	sst s0;
	s0 =	simm.s32 @!p2 $0x0  }
0x16: {  	s3 =	sld [smem:$0x3FDB];
	s0 =	simm.s32 @p2 $0x1  }
0x17: {  	s4 =	simm.s32 $0x1BF5;
	[smem:$0x3F9F] =	sst s0  }
0x18: {  	s0 =	sld [smem:$0x3F82];
	_ =	swait.ge [sflag:s4], $0x0  }
0x19: {  	s7 =	sld [smem:$0x3F83]  }
0x1a: {  	s8 =	sadd.s32 $0xFFFFE003, lr  }
0x1b: {  	s9 =	sadd.s32 $0xFFFFFEF7, lr;
	s5 =	simm.s32 $0xFFFFFFFF;
	p2 =	slt.u32 s8, $0xFFFFF086  }
0x1c: {  	p1 =	slt.u32 s9, $0xF7A;
	s5 =	simm.s32 @!p2 $0x0  }
0x1d: {  	s5 =	simm.s32 @p1 $0x1;
	p0 =	seq.s32 s7, s2  }
0x1e: {  	s7 =	smul.u32 @!p0 $0xF7A, s2;
	p2 =	seq.s32 @!p0 s5, $0x0  }
0x1f: {  	s9 =	smul.u32 $0xF7A, s1;
	s8 =	simm.s32 @!p0 $0x1BF5;
	p2 =	por !p2, p0  }
0x20: {  	[sflag:s8] =	ssyncset.s32 @!p0 $0xFFFFF086;
	s6 =	sadd.s32 @!p0 s3, s7;
	s7 =	simm.s32 @!p0 $0x108  }
0x21: {  	s3 =	sadd.s32 s3, s9;
	s6 =	sadd.s32 @!p0 $0x88, s6;
	s7 =	simm.s32 @p2 $0x1082  }
0x22: {  	[simem:s7], [sflag:s8] =	dma.local @!p0 [hbm:s6], $0xF7A  }
0x23: {  	s9 =	sor.u32 $0xD0000000, s2;
	s6 =	simm.s32 $0x108;
	_ =	swait.ge @!p0 [sflag:s8], $0x0  }
0x24: {  	s3 =	sadd.s32 $0x88, s3;
	s6 =	simm.s32 @!p1 $0x1082;
	[sflag:s4] =	ssyncset.s32 $0xFFFFF086  }
0x25: {  	[simem:s6], [sflag:s4] =	dma.local [hbm:s3], $0xF7A  }
0x26: {  	[smem:$0x3F83] =	sst s1;
	(tag) =	ssettag s2;
	_ =	strace s9  }
0x27: {  	s1 =	sld [smem:$0x3F93]  }
0x28: {  	s2 =	sld [smem:$0x3F94]  }
0x29: {  	s4 =	sld [smem:$0x3F96]  }
0x2a: {  	p0 =	seq.s32 s5, $0x0;
	s5 =	sld [smem:$0x3F97]  }
0x2b: {  	s6 =	sld [smem:$0x3F98]  }
0x2c: {  	s7 =	sld [smem:$0x3F99]  }
0x2d: {  	s3 =	simm.s32 $0x108;
	s8 =	sld [smem:$0x3F9A]  }
0x2e: {  	s3 =	simm.s32 @!p0 $0x1082;
	s9 =	sld [smem:$0x3F9B]  }
0x2f: {  	lr =	sadd.s32 s0, s3;
	s0 =	sld [smem:$0x3F92]  }
0x30: {  	s3 =	sld [smem:$0x3F95]  }
0x31: {  	[smem:$0x3F9E] =	sst s10  }
0x32: {  	s10 =	sld [smem:$0x3F9C];
	_ =	sdelay $0x3  }
0x33: {  	p0 =	seq.s32 s10, $0x1;
	s10 =	sld [smem:$0x3F9E];
	_ =	sdelay $0x3  }
0x34: {  	[smem:$0x3F9E] =	sst s10  }
0x35: {  	s10 =	sld [smem:$0x3F9D];
	_ =	sdelay $0x3  }
0x36: {  	p1 =	seq.s32 s10, $0x1;
	s10 =	sld [smem:$0x3F9E];
	_ =	sdelay $0x3  }
0x37: {  	[smem:$0x3F9E] =	sst s10  }
0x38: {  	s10 =	sld [smem:$0x3F9F]  }
0x39: {  	_ = 	snop;
	(pc) =	sbr.ind lr, $3  }
0x3a: {  	_ = 	snop  }
0x3b: {  	_ = 	snop  }
0x3c: {  	p2 =	seq.s32 s10, $0x1;
	s10 =	sld [smem:$0x3F9E]  }
0x3d: {  	_ =	shalt  }
0x3e: {  	_ =	shalt  }
0x3f: {  	_ =	shalt  }
0x40: {  	_ =	shalt  }
0x41: {  	_ =	shalt  }
0x42: {  	_ =	shalt  }
0x43: {  	_ =	shalt  }
0x44: {  	_ =	shalt  }
0x45: {  	_ =	shalt  }
0x46: {  	_ =	shalt  }
0x47: {  	_ =	shalt  }
0x48: {  	_ =	shalt  }
0x49: {  	_ =	shalt  }
0x4a: {  	_ =	shalt  }
0x4b: {  	_ =	shalt  }
0x4c: {  	_ =	shalt  }
0x4d: {  	_ =	shalt  }
0x4e: {  	_ =	shalt  }
0x4f: {  	_ =	shalt  }
0x50: {  	_ =	shalt  }
0x51: {  	_ =	shalt  }
0x52: {  	_ =	shalt  }
0x53: {  	_ =	shalt  }
0x54: {  	_ =	shalt  }
0x55: {  	_ =	shalt  }
0x56: {  	_ =	shalt  }
0x57: {  	_ =	shalt  }
0x58: {  	_ =	shalt  }
0x59: {  	_ =	shalt  }
0x5a: {  	_ =	shalt  }
0x5b: {  	_ =	shalt  }
0x5c: {  	_ =	shalt  }
0x5d: {  	_ =	shalt  }
0x5e: {  	_ =	shalt  }
0x5f: {  	_ =	shalt  }
0x60: {  	_ =	shalt  }
0x61: {  	_ =	shalt  }
0x62: {  	_ =	shalt  }
0x63: {  	_ =	shalt  }
0x64: {  	_ =	shalt  }
0x65: {  	_ =	shalt  }
0x66: {  	_ =	shalt  }
0x67: {  	_ =	shalt  }
0x68: {  	_ =	shalt  }
0x69: {  	_ =	shalt  }
0x6a: {  	_ =	shalt  }
0x6b: {  	_ =	shalt  }
0x6c: {  	_ =	shalt  }
0x6d: {  	_ =	shalt  }
0x6e: {  	_ =	shalt  }
0x6f: {  	_ =	shalt  }
0x70: {  	_ =	shalt  }
0x71: {  	_ =	shalt  }
0x72: {  	_ =	shalt  }
0x73: {  	_ =	shalt  }
0x74: {  	_ =	shalt  }
0x75: {  	_ =	shalt  }
0x76: {  	_ =	shalt  }
0x77: {  	_ =	shalt  }
0x78: {  	_ =	shalt  }
0x79: {  	_ =	shalt  }
0x7a: {  	_ =	shalt  }
0x7b: {  	_ =	shalt  }
0x7c: {  	_ =	shalt  }
0x7d: {  	_ =	shalt  }
0x7e: {  	_ =	shalt  }
0x7f: {  	_ =	shalt  }
0x80: {  	_ =	shalt  }
0x81: {  	_ =	shalt  }
0x82: {  	_ =	shalt  }
0x83: {  	_ =	shalt  }
0x84: {  	_ =	shalt  }
0x85: {  	_ =	shalt  }
0x86: {  	_ =	shalt  }
0x87: {  	_ =	shalt  }
.Lfunc_end0:
.L_simem_size_0:
called_computation_lowered:
.L_overlay_start_0:
0x88: {  	s2 =	sld [smem:$0x3FD9]  }
0x89: {  	s3 =	sld [smem:$0x3FFE];
	_ =	sdelay $0x1  }
0x8a: {  	s1 =	srdreg.scid  }
0x8b: {  	s0 =	sand.u32 $0x1, s1  }
0x8c: {  	s16 =	sshll.u32 s0, $0xA;
	s2 =	sadd.s32 s3, s2  }
0x8d: {  	s2 =	sadd.s32 s2, s16  }
0x8e: {  	[smem:$0x3FAA] =	sst s2  }
0x8f: {  	_ = 	snop  }
0x90: {  	(tm) =	ssettm $0x1  }
0x91: {  	s17 =	sld [smem:$0x3FFB];
	_ =	sdelay $0x3  }
0x92: {  	_ =	strace s17  }
0x93: {  	s2 =	sld [smem:$0x3FFC];
	_ =	sdelay $0x3  }
0x94: {  	_ =	strace s2  }
0x95: {  	s2 =	sld [smem:$0x3FFD];
	_ =	sdelay $0x3  }
0x96: {  	_ =	strace s2  }
0x97: {  	_ =	strace $0x8FFFFFFF  }
0x98: {  	s18 =	sld [smem:$0x3FDB];
	_ =	sdelay $0x1  }
0x99: {  	s19 =	simm.s32 $_scs_section_size  }
0x9a: {  	s4 =	simm.s32 $_size__tile_overlayer_lowered;
	s5 =	simm.s32 $_tile_overlayer_lowered  }
0x9b: {  	s22 =	simm.s32 $0x1BFF;
	s21 =	sshll.u32 s5, $0x1;
	s2 =	sadd.s32 s19, s18  }
0x9c: {  	s6 =	simm.s32 $0x0;
	s20 =	sshll.u32 s4, $0x1;
	s4 =	sadd.s32 s21, s2  }
0x9d: {  	[timem:s6], [sflag:s22] =	dma.local [hbm:s4], s20  }
0x9e: {  	_ =	swait.ge [sflag:s22], s20  }
0x9f: {  	s3 =	ssub.s32 $0x0, s20;
	[sflag:s22] =	ssyncset.done $0x0  }
0xa0: {  	[sflag:s22] =	ssyncadd.s32 s3;
	_ =	sdelay $0x1  }
0xa1: {  	s23 =	simm.s32 $0x1B8B  }
0xa2: {  	_ =	swait.ge [sflag:s23], $0x1  }
0xa3: {  	[sflag:s23] =	ssyncset.done $0x0  }
0xa4: {  	s25 =	simm.s32 $0x1B8E;
	s24 =	sld [smem:$0x3FFE];
	[sflag:s23] =	ssyncadd.s32 $0xFFFFFFFF  }
0xa5: {  	s26 =	simm.s32 $execute0_lowered;
	[smem:$0x3FD2] =	sst s25  }
0xa6: {  	s4 =	sshll.u32 s26, $0x1;
	_ =	strace $0x80000046;
	[dreg:$0x1] =	wrdreg $0xFFFFFFFF  }
0xa7: {  	s28 =	simm.s32 $_size_execute0_lowered;
	s2 =	sadd.s32 s2, s4;
	[dreg:$0x0] =	wrdreg $0x0  }
0xa8: {  	s4 =	sshll.u32 s28, $0x1;
	[dreg:$0x2] =	wrdreg s2  }
0xa9: {  	[dreg:$0x3] =	wrdreg s4  }
0xaa: {  	[dreg:$0x4] =	wrdreg $0xC0  }
0xab: {  	_ =	task [dreg:s6], $0x5FFFF  }
0xac: {  	[dreg:$0x1] =	wrdreg $0xFFFFFFFF  }
0xad: {  	[dreg:$0x0] =	wrdreg $0x60  }
0xae: {  	[dreg:$0x2] =	wrdreg s24  }
0xaf: {  	[dreg:$0x3] =	wrdreg $0x9  }
0xb0: {  	_ =	task.clear_ibuf [dreg:s6], $0x4FFFF;
	_ =	strace $0x90000046  }
0xb1: {  	s29 =	simm.s32 $0x9;
	_ =	strace $0x80000048  }
0xb2: {  	_ =	swait.ge [sflag:s29], $0x1  }
0xb3: {  	[sflag:s29] =	ssyncadd.s32 $0xFFFFFFFF  }
0xb4: {  	_ =	strace $0x90000048  }
0xb5: {  	_ =	sfence  }
0xb6: {  	s30 =	sld [smem:$0x0];
	_ =	sdelay $0x2  }
0xb7: {  	s31 =	sshll.u32 s1, $0xD;
	s1 =	sshrl.u32 s1, $0x2  }
0xb8: {  	s3 =	sand.u32 $0x4000, s31;
	s1 =	sadd.s32 s1, s30  }
0xb9: {  	s0 =	sor.u32 s3, s0;
	s1 =	sshll.u32 s1, $0x11  }
0xba: {  	s0 =	sor.u32 s1, s0  }
0xbb: {  	s0 =	sadd.s32 $0x8F2B, s0  }
0xbc: {  	[sflag:s0] =	ssyncadd.remote.s32 $0x1  }
0xbd: {  	_ =	sfence.sel $0xFFFF  }
0xbe: {  	[dreg:$0x0] =	wrdreg $0xFFFFFFFF;
	(pc) =	sbr.abs _section_cstart, $3  }
0xbf: {  	[dreg:$0x1] =	wrdreg $0xFFFFFFFF  }
0xc0: {  	_ =	task.clear_ibuf [dreg:s6], $0x2FFFF;
	_ =	strace $0x9FFFFFFF  }
0xc1: {  	(tm) =	ssettm $0x7FFFFFFF  }
tec
execute0_lowered:
.L_overlay_start_1:
0x0: {  	(tag) =	ssettag $0x1  }
0x1: {  	s0 =	srdreg.scid  }
0x2: {  	s9 =	stileid.u32;
	s5 =	rddreg [dreg:$0x0]  }
0x3: {  	s2 =	simm.s32 $0x0;
	s18 =	simm.s32 $0x800;
	s19 =	simm.s32 $0x6000  }
0x4: {  	s17 =	simm.s32 $0x40;
	s22 =	simm.s32 $0x1;
	s16 =	simm.s32 $0x17C00  }
0x5: {  	s10 =	simm.s32 $0x2;
	s12 =	simm.s32 $0x3;
	s3 =	smul.u32 $0x5800, s9  }
0x6: {  	s0 =	sand.u32 $0x1, s0;
	[smem:$0x7FF] =	sst s2;
	s6 =	smul.u32 $0x280, s9  }
0x7: {  	s7 =	sadd.s32 $0xCFC00, s5;
	s28 =	sadd.s32 $0xCFE00, s5;
	s11 =	sadd.s32 $0xD7700, s5  }
0x8: {  	s30 =	sshll.u32 s9, $0x6;
	s9 =	simm.s32 $0x19400;
	s1 =	smul.u32 $0x58000, s0  }
0x9: {  	s4 =	smul.u32 $0x2800, s0;
	_ =	strace $0x80000047;
	[dreg:$0x2] =	wrdreg s7  }
0xa: {  	s0 =	ssub.s32 $0x2, s0;
	[dreg:$0x3] =	wrdreg s28;
	s31 =	sor.u32 $0x1C04, s30  }
0xb: {  	s7 =	sadd.s32 $0xD7600, s5;
	s8 =	sshrl.u32 s0, $0x1;
	[dreg:$0x8] =	wrdreg s31  }
0xc: {  	s1 =	sadd.s32 s3, s1;
	s3 =	sadd.s32 $0x3C00, s5;
	s6 =	sadd.s32 s6, s4  }
0xd: {  	s4 =	sadd.s32 $0x53C00, s5;
	s0 =	ssub.s32 s0, s8;
	s1 =	sshrl.u32 s1, $0x3  }
0xe: {  	s6 =	sshrl.u32 s6, $0x3;
	s0 =	smax.u32 s0, $0x1;
	s1 =	sadd.s32 s1, s5  }
0xf: {  	v0 =	vimm.f32 $0.0e+00;
	vm0 =	vcmask $0x300;
	vm1 =	vcmask $0xF0C;
	s6 =	smul.u32 $0x180, s6;
	[dreg:$0x7] =	wrdreg s0;
	s29 =	sadd.s32 $0xB9C00, s1  }
0x10: {  	v5 =	vlaneseq.u32;
	v1 =	vsel vm0, $0x3F800000, v0;
	vm0 =	vcmask $0x704;
	s8 =	simm.s32 $0x18C00;
	s1 =	sadd.s32 $0xA3C00, s1;
	[dreg:$0x5] =	wrdreg s29  }
0x11: {  	v4 =	vsel vm1, $0x3F800000, v0;
	v2 =	vsel vm0, $0x3F800000, v0;
	vm0 =	vcmask $0xB08;
	s5 =	simm.s32 $0x18000;
	s6 =	sadd.s32 s7, s6;
	[dreg:$0x6] =	wrdreg s1  }
0x12: {  	vm1 =	vmmov $0xff;
	v3 =	vsel vm0, $0x3F800000, v0;
	vm0 =	vmmov $0xffff;
	s1 =	simm.s32 $0x0;
	[dreg:$0x4] =	wrdreg s6;
	s6 =	simm.s32 $0x18800  }
.LBB2_1:
0x13: {  	[dreg:$0x9] =	wrdreg s1  }
0x14: {  	s0 =	rddreg [dreg:$0x2];
	s13 =	simm.s32 $0x4  }
0x15: {  	[tilespmem:s2], [sflag:$0x4] =	stream.linear.gather [hbm4b:s0+s2], $0x800, $0x38;
	[tilespmem:$0x19800] =	vst v63  }
0x16: {  	_ =	swait.ge [sflag:s13], $0x800  }
0x17: {  	[sflag:s13] =	ssyncset.done $0x0  }
0x18: {  	[sflag:s13] =	ssyncadd.s32 $0xFFFFF800  }
0x19: {  	v6 =	vld [tilespmem:$0x0]  }
0x1a: {  	v7 =	vld [tilespmem:$0x80]  }
0x1b: {  	v8 =	vld [tilespmem:$0x100]  }
0x1c: {  	v9 =	vld [tilespmem:$0x180]  }
0x1d: {  	v10 =	vld [tilespmem:$0x200]  }
0x1e: {  	v11 =	vld [tilespmem:$0x280]  }
0x1f: {  	v12 =	vld [tilespmem:$0x300]  }
0x20: {  	v13 =	vld [tilespmem:$0x380]  }
0x21: {  	v14 =	vld [tilespmem:$0x400]  }
0x22: {  	v15 =	vld [tilespmem:$0x480]  }
0x23: {  	v16 =	vld [tilespmem:$0x500]  }
0x24: {  	v17 =	vld [tilespmem:$0x580]  }
0x25: {  	s25 =	rddreg [dreg:$0x3];
	v18 =	vld [tilespmem:$0x600]  }
0x26: {  	s26 =	rddreg [dreg:$0x4];
	v19 =	vld [tilespmem:$0x680]  }
0x27: {  	s14 =	rddreg [dreg:$0x8];
	v20 =	vld [tilespmem:$0x700]  }
0x28: {  	v21 =	vld [tilespmem:$0x780];
	[hbm:s26], [sflag:s14] =	dma.local [hbm:s25], $0x7800  }
0x29: {  	_ =	swait.ge [sflag:s13], $0x7800  }
0x2a: {  	[sflag:s13] =	ssyncset.done $0x0  }
0x2b: {  	s28 =	rddreg [dreg:$0x5];
	[sflag:s13] =	ssyncadd.s32 $0xFFFF8800  }
0x2c: {  	[tilespmem:s18], [sflag:$0x4] =	stream.linear.gather [hbm4b:s28+s2], $0x5800, $0x38;
	[tilespmem:$0x19800] =	vst v63  }
0x2d: {  	_ =	swait.ge [sflag:s13], $0x5800  }
0x2e: {  	s29 =	simm.s32 $0x0;
	[sflag:s13] =	ssyncset.done $0x0  }
0x2f: {  	s0 =	smul.u32 $0x3000, s29;
	s30 =	rddreg [dreg:$0x6];
	[sflag:s13] =	ssyncadd.s32 $0xFFFFA800  }
0x30: {  	[tilespmem:s19], [sflag:$0x4] =	stream.linear.gather [hbm4b:s30+s2], $0x5800, $0x38;
	[tilespmem:$0x19800] =	vst v63  }
0x31: {  	s31 =	sand.u32 $0x380, s2;
	s0 =	sshra.s32 s0, $0x2;
	_ =	swait.ge [sflag:s13], $0x5800  }
0x32: {  	s0 =	sor.u32 s31, s0;
	[sflag:s13] =	ssyncset.done $0x0  }
0x33: {  	s0 =	sadd.s32 $0x14000, s0;
	[sflag:s13] =	ssyncadd.s32 $0xFFFFA800  }
0x34: {  	[tilespmem:s0+$0x70] =	vst v0  }
0x35: {  	s1 =	simm.s32 $0x0;
	s14 =	simm.s32 $0x0;
	s13 =	simm.s32 $0x2;
	[tilespmem:s0+$0x10] =	vst v0  }
.LBB2_2:
0x36: {  	p0 =	sne.s32 s13, $0x3F;
	s14 =	smul.u32 $0x3000, s14;
	[tilespmem:s0+$0x20] =	vst v0  }
0x37: {  	s1 =	sadd.s32 $0x80, s1;
	[tilespmem:s0+$0x30] =	vst v0  }
.Ltmp0:
0x38: {  	s15 =	sand.u32 $0x380, s1;
	s14 =	sshra.s32 s14, $0x2;
	[tilespmem:s0+$0x40] =	vst v0;
	(pc) =	sbr.rel @p0 .LBB2_2-.Ltmp0, $4  }
0x39: {  	s14 =	sor.u32 s15, s14;
	[tilespmem:s0+$0x50] =	vst v0  }
0x3a: {  	[tilespmem:s0+$0x60] =	vst v0;
	s0 =	sadd.s32 $0x14000, s14  }
0x3b: {  	[tilespmem:s0+$0x70] =	vst v0  }
0x3c: {  	s14 =	sshrl.u32 s13, $0x3;
	s13 =	sadd.s32 $0x1, s13;
	[tilespmem:s0+$0x10] =	vst v0  }
0x3d: {  	s13 =	smul.u32 $0x3000, s14;
	[tilespmem:s0+$0x20] =	vst v0  }
0x3e: {  	[tilespmem:s0+$0x30] =	vst v0;
	s1 =	sadd.s32 $0x80, s1  }
0x3f: {  	[tilespmem:s0+$0x40] =	vst v0;
	s1 =	sand.u32 $0x380, s1;
	s13 =	sshra.s32 s13, $0x2  }
0x40: {  	[tilespmem:s0+$0x50] =	vst v0;
	s1 =	sor.u32 s1, s13  }
0x41: {  	[tilespmem:s0+$0x60] =	vst v0;
	s1 =	sadd.s32 $0x14000, s1  }
0x42: {  	[tilespmem:s1+$0x70] =	vst v0  }
0x43: {  	[tilespmem:s1+$0x10] =	vst v0  }
0x44: {  	[tilespmem:s1+$0x20] =	vst v0  }
0x45: {  	[tilespmem:s1+$0x30] =	vst v0  }
0x46: {  	[tilespmem:s1+$0x40] =	vst v0  }
0x47: {  	[tilespmem:s1+$0x50] =	vst v0  }
0x48: {  	[tilespmem:s1+$0x60] =	vst v0  }
0x49: {  	s30 =	simm.s32 $0xB800;
	[bflag:$0x0] =	sbarrier.arrive $0xFFFF  }
0x4a: {  	[tilespmem:s30], [sflag:$0x1] =	stream.indirect.gather [hbm4b:s3+s17], $0x80, s18, s17, $0xb8;
	[tilespmem:$0x19800] =	vst v63  }
0x4b: {  	s31 =	simm.s32 $0xD800;
	s13 =	simm.s32 $0x0  }
0x4c: {  	[tilespmem:s31], [sflag:$0x1] =	stream.indirect.gather [hbm4b:s4+s17], $0x80, s19, s17, $0xb8;
	[tilespmem:$0x19800] =	vst v63  }
.LBB2_4:
0x4d: {  	s20 =	sshll.u32 s13, $0x8  }
0x4e: {  	s1 =	simm.s32 $0xF800;
	s0 =	sadd.s32 $0x880, s20  }
0x4f: {  	[tilespmem:s1], [sflag:$0x2] =	stream.indirect.gather [hbm4b:s3+s17], $0x80, s0, s17, $0xb8;
	[tilespmem:$0x19800] =	vst v63  }
0x50: {  	s31 =	simm.s32 $0x11800;
	s30 =	sadd.s32 $0x6080, s20  }
0x51: {  	[tilespmem:s31], [sflag:$0x2] =	stream.indirect.gather [hbm4b:s4+s17], $0x80, s30, s17, $0xb8;
	[tilespmem:$0x19800] =	vst v63  }
0x52: {  	_ =	swait.ge [sflag:s22], $0x2000  }
0x53: {  	[sflag:s22] =	ssyncset.done $0x0  }
0x54: {  	[sflag:s22] =	ssyncadd.s32 $0xFFFFE000  }
0x55: {  	_ =	swait.ge [sflag:s22], $0x2000  }
0x56: {  	p0 =	seq.s32 s13, $0x0;
	[sflag:s22] =	ssyncset.done $0x0  }
0x57: {  	s0 =	simm.s32 @!p0 $0x3;
	[sflag:s22] =	ssyncadd.s32 $0xFFFFE000  }
0x58: {  	s21 =	simm.s32 $0xFFFFFFFC;
	_ =	swait.ge @!p0 [sflag:s0], $0x6000  }
0x59: {  	s18 =	simm.s32 $0xD900;
	s19 =	simm.s32 $0xB900;
	[sflag:s0] =	ssyncset.done @!p0 $0x0  }
0x5a: {  	s23 =	simm.s32 $0x0;
	s14 =	sor.u32 $0x80, s20;
	[sflag:s0] =	ssyncadd.s32 @!p0 $0xFFFFA000  }
.LBB2_5:
0x5b: {  	v22 =	vld [tilespmem:s19+$0xFFFFFF00]  }
0x5c: {  	v23 =	vld [tilespmem:s18+$0xFFFFFF00]  }
0x5d: {  	v24 =	vld [tilespmem:s19+$0xFFFFFF10]  }
0x5e: {  	v25 =	vld [tilespmem:s18+$0xFFFFFF10];
	_ =	sdelay $0x1  }
0x5f: {  	v26 =	vunpack.i.l.bf16.f32 v22  }
0x60: {  	v27 =	vunpack.i.l.bf16.f32 v23;
	v28 =	vunpack.i.u.bf16.f32 v22;
	v22 =	vunpack.i.u.bf16.f32 v23  }
0x61: {  	v29 =	vunpack.i.l.bf16.f32 v24;
	v23 =	vadd.f32 v27, v26;
	v22 =	vadd.f32 v22, v28  }
0x62: {  	v30 =	vunpack.i.l.bf16.f32 v25;
	v24 =	vunpack.i.u.bf16.f32 v24;
	v25 =	vunpack.i.u.bf16.f32 v25  }
0x63: {  	v30 =	vadd.f32 v30, v29;
	v27 =	vmul.f32 $2.000000030e-01, v23;
	v31 =	vmul.f32 $2.000000030e-01, v22  }
0x64: {  	v25 =	vadd.f32 v25, v24  }
0x65: {  	v40 =	vmul.f32 $2.000000030e-01, v30;
	v23 =	vmax.f32 v23, v27;
	v22 =	vmax.f32 v22, v31  }
0x66: {  	v23 =	vmul.f32 v23, v6;
	v22 =	vmul.f32 v22, v7  }
0x67: {  	v41 =	vmul.f32 $2.000000030e-01, v25;
	v27 =	vmax.f32 v30, v40  }
0x68: {  	v22 =	vadd.f32 v23, v22;
	v23 =	vmul.f32 v27, v8  }
0x69: {  	v25 =	vmax.f32 v25, v41  }
0x6a: {  	v22 =	vadd.f32 v23, v22;
	v23 =	vmul.f32 v25, v9;
	_ =	sdelay $0x1  }
0x6b: {  	v22 =	vadd.f32 v22, v23;
	_ =	sdelay $0x1  }
0x6c: {  	(xrf2) =	vadd.scan.msk.f32 $0xffff, v22;
	_ =	sdelay $0x9  }
0x6d: {  	v22, _, _ =	vpop (xrf2)  }
0x6e: {  	v22 =	vmul.f32 $1.442695020e+00, v22;
	_ =	sdelay $0x1  }
0x6f: {  	v22 =	vbroadcast v22, $0xF;
	_ =	sdelay $0x1  }
0x70: {  	(erf) = vpow2.f32 v22;
	_ =	sdelay $0x4  }
0x71: {  	s21 =	sadd.s32 $0x4, s21  }
0x72: {  	s0 =	sshrl.u32 s21, $0x3  }
0x73: {  	s0 =	smul.u32 $0x3000, s0;
	_ =	sdelay $0x1  }
0x74: {  	s25 =	sshra.s32 s0, $0x2;
	v22 =	vpop (erf)  }
0x75: {  	s24 =	sand.u32 $0x200, s23;
	s28 =	sadd.s32 $0x13800, s25;
	v23 =	vmul.f32 v22, v26  }
0x76: {  	s31 =	sor.u32 s24, s28;
	v42 =	vmul.f32 v22, v28  }
0x77: {  	v24 =	vmul.f32 v22, v24;
	[tilespmem:s31+$0x0] =	vst v23  }
0x78: {  	v23 =	vmul.f32 v22, v29;
	[tilespmem:s31+$0x10] =	vst v42  }
0x79: {  	[tilespmem:s31+$0x30] =	vst v24  }
0x7a: {  	[tilespmem:s31+$0x20] =	vst v23  }
0x7b: {  	v23 =	vld [tilespmem:s19+$0xFFFFFF20]  }
0x7c: {  	v24 =	vld [tilespmem:s18+$0xFFFFFF20]  }
0x7d: {  	v25 =	vld [tilespmem:s19+$0xFFFFFF30]  }
0x7e: {  	v43 =	vld [tilespmem:s18+$0xFFFFFF30];
	_ =	sdelay $0x1  }
0x7f: {  	v44 =	vunpack.i.l.bf16.f32 v23  }
0x80: {  	v45 =	vunpack.i.l.bf16.f32 v24;
	v46 =	vunpack.i.u.bf16.f32 v23;
	v23 =	vunpack.i.u.bf16.f32 v24  }
0x81: {  	v48 =	vunpack.i.l.bf16.f32 v25;
	v47 =	vadd.f32 v45, v44;
	v23 =	vadd.f32 v23, v46  }
0x82: {  	v49 =	vunpack.i.l.bf16.f32 v43;
	v25 =	vunpack.i.u.bf16.f32 v25;
	v26 =	vunpack.i.u.bf16.f32 v43  }
0x83: {  	v31 =	vadd.f32 v49, v48;
	v28 =	vmul.f32 $2.000000030e-01, v47;
	v32 =	vmul.f32 $2.000000030e-01, v23  }
0x84: {  	v26 =	vadd.f32 v26, v25  }
0x85: {  	v50 =	vmul.f32 $2.000000030e-01, v31;
	v24 =	vmax.f32 v47, v28;
	v23 =	vmax.f32 v23, v32  }
0x86: {  	v24 =	vmul.f32 v24, v10;
	v23 =	vmul.f32 v23, v11  }
0x87: {  	v51 =	vmul.f32 $2.000000030e-01, v26;
	v28 =	vmax.f32 v31, v50  }
0x88: {  	v52 =	vmul.f32 v28, v12;
	v23 =	vadd.f32 v24, v23  }
0x89: {  	v26 =	vmax.f32 v26, v51  }
0x8a: {  	v53 =	vmul.f32 v26, v13;
	v23 =	vadd.f32 v52, v23;
	_ =	sdelay $0x1  }
0x8b: {  	v23 =	vadd.f32 v23, v53;
	_ =	sdelay $0x1  }
0x8c: {  	(xrf2) =	vadd.scan.msk.f32 $0xffff, v23;
	_ =	sdelay $0x9  }
0x8d: {  	v23, _, _ =	vpop (xrf2)  }
0x8e: {  	v23 =	vmul.f32 $1.442695020e+00, v23;
	_ =	sdelay $0x1  }
0x8f: {  	v23 =	vbroadcast v23, $0xF;
	_ =	sdelay $0x1  }
0x90: {  	(erf) = vpow2.f32 v23;
	_ =	sdelay $0x8  }
0x91: {  	v23 =	vpop (erf)  }
0x92: {  	v54 =	vmul.f32 v23, v44  }
0x93: {  	v55 =	vmul.f32 v23, v46  }
0x94: {  	v56 =	vmul.f32 v23, v48;
	[tilespmem:s31+$0x40] =	vst v54  }
0x95: {  	v25 =	vmul.f32 v23, v25;
	[tilespmem:s31+$0x50] =	vst v55  }
0x96: {  	[tilespmem:s31+$0x60] =	vst v56  }
0x97: {  	[tilespmem:s31+$0x70] =	vst v25  }
0x98: {  	v24 =	vld [tilespmem:s19+$0xFFFFFF40]  }
0x99: {  	v25 =	vld [tilespmem:s18+$0xFFFFFF40]  }
0x9a: {  	v26 =	vld [tilespmem:s19+$0xFFFFFF50]  }
0x9b: {  	v57 =	vld [tilespmem:s18+$0xFFFFFF50];
	_ =	sdelay $0x1  }
0x9c: {  	v58 =	vunpack.i.l.bf16.f32 v24  }
0x9d: {  	v59 =	vunpack.i.l.bf16.f32 v25;
	v60 =	vunpack.i.u.bf16.f32 v24;
	v61 =	vunpack.i.u.bf16.f32 v25  }
0x9e: {  	v63 =	vunpack.i.l.bf16.f32 v26;
	v62 =	vadd.f32 v59, v58;
	v24 =	vadd.f32 v61, v60  }
0x9f: {  	v36 =	vunpack.i.l.bf16.f32 v57;
	v26 =	vunpack.i.u.bf16.f32 v26;
	v27 =	vunpack.i.u.bf16.f32 v57  }
0xa0: {  	v32 =	vadd.f32 v36, v63;
	v29 =	vmul.f32 $2.000000030e-01, v62;
	v33 =	vmul.f32 $2.000000030e-01, v24  }
0xa1: {  	v27 =	vadd.f32 v27, v26  }
0xa2: {  	v37 =	vmul.f32 $2.000000030e-01, v32;
	v25 =	vmax.f32 v62, v29;
	v24 =	vmax.f32 v24, v33  }
0xa3: {  	v25 =	vmul.f32 v25, v14;
	v24 =	vmul.f32 v24, v15  }
0xa4: {  	v38 =	vmul.f32 $2.000000030e-01, v27;
	v29 =	vmax.f32 v32, v37  }
0xa5: {  	v39 =	vmul.f32 v29, v16;
	v24 =	vadd.f32 v25, v24  }
0xa6: {  	v27 =	vmax.f32 v27, v38  }
0xa7: {  	v40 =	vmul.f32 v27, v17;
	v24 =	vadd.f32 v39, v24;
	_ =	sdelay $0x1  }
0xa8: {  	v24 =	vadd.f32 v24, v40;
	_ =	sdelay $0x1  }
0xa9: {  	(xrf2) =	vadd.scan.msk.f32 $0xffff, v24;
	_ =	sdelay $0x9  }
0xaa: {  	v24, _, _ =	vpop (xrf2)  }
0xab: {  	v24 =	vmul.f32 $1.442695020e+00, v24;
	_ =	sdelay $0x1  }
0xac: {  	v24 =	vbroadcast v24, $0xF;
	_ =	sdelay $0x1  }
0xad: {  	(erf) = vpow2.f32 v24;
	_ =	sdelay $0x8  }
0xae: {  	v24 =	vpop (erf)  }
0xaf: {  	s29 =	sadd.s32 $0x13C00, s25;
	v41 =	vmul.f32 v24, v58  }
0xb0: {  	s26 =	sor.u32 s24, s29;
	v42 =	vmul.f32 v24, v60  }
0xb1: {  	v43 =	vmul.f32 v24, v63;
	[tilespmem:s26+$0x0] =	vst v41  }
0xb2: {  	v26 =	vmul.f32 v24, v26;
	[tilespmem:s26+$0x10] =	vst v42  }
0xb3: {  	[tilespmem:s26+$0x20] =	vst v43  }
0xb4: {  	v49 =	vld [tilespmem:s19+$0xFFFFFF80];
	[tilespmem:s26+$0x30] =	vst v26  }
0xb5: {  	v26 =	vld [tilespmem:s19+$0xFFFFFF60]  }
0xb6: {  	v27 =	vld [tilespmem:s18+$0xFFFFFF60]  }
0xb7: {  	v50 =	vld [tilespmem:s18+$0xFFFFFF80];
	_ =	sdelay $0x2  }
0xb8: {  	v51 =	vld [tilespmem:s19+$0xFFFFFF90];
	v36 =	vunpack.i.l.bf16.f32 v49;
	v25 =	vunpack.i.u.bf16.f32 v26  }
0xb9: {  	v26 =	vunpack.i.l.bf16.f32 v26;
	v44 =	vunpack.i.u.bf16.f32 v27;
	v27 =	vunpack.i.l.bf16.f32 v27  }
0xba: {  	v37 =	vunpack.i.l.bf16.f32 v50;
	v27 =	vadd.f32 v27, v26;
	v28 =	vadd.f32 v44, v25  }
0xbb: {  	v37 =	vadd.f32 v37, v36;
	v45 =	vld [tilespmem:s19+$0xFFFFFF70]  }
0xbc: {  	v48 =	vld [tilespmem:s18+$0xFFFFFF70];
	v46 =	vmul.f32 $2.000000030e-01, v27;
	v47 =	vmul.f32 $2.000000030e-01, v28  }
0xbd: {  	v35 =	vld [tilespmem:s18+$0xFFFFFF90];
	v30 =	vunpack.i.u.bf16.f32 v50;
	v31 =	vunpack.i.u.bf16.f32 v51;
	v39 =	vmul.f32 $2.000000030e-01, v37  }
0xbe: {  	v33 =	vunpack.i.u.bf16.f32 v49;
	v27 =	vmax.f32 v27, v46;
	v28 =	vmax.f32 v28, v47  }
0xbf: {  	v37 =	vmax.f32 v37, v39;
	v27 =	vmul.f32 v27, v18;
	v28 =	vmul.f32 v28, v19  }
0xc0: {  	v30 =	vadd.f32 v30, v33;
	v40 =	vunpack.i.l.bf16.f32 v51;
	v37 =	vmul.f32 v37, v6  }
0xc1: {  	v32 =	vunpack.i.l.bf16.f32 v48;
	v34 =	vadd.f32 v27, v28;
	v28 =	vunpack.i.l.bf16.f32 v45  }
0xc2: {  	v41 =	vunpack.i.l.bf16.f32 v35;
	v43 =	vmul.f32 $2.000000030e-01, v30;
	v32 =	vadd.f32 v32, v28  }
0xc3: {  	v41 =	vadd.f32 v41, v40;
	v52 =	vunpack.i.u.bf16.f32 v48;
	v27 =	vunpack.i.u.bf16.f32 v45  }
0xc4: {  	v35 =	vunpack.i.u.bf16.f32 v35;
	v29 =	vadd.f32 v52, v27;
	v38 =	vmul.f32 $2.000000030e-01, v32  }
0xc5: {  	v35 =	vadd.f32 v35, v31;
	v30 =	vmax.f32 v30, v43;
	v53 =	vmul.f32 $2.000000030e-01, v41  }
0xc6: {  	v30 =	vmul.f32 v30, v7;
	v42 =	vmul.f32 $2.000000030e-01, v29;
	v32 =	vmax.f32 v32, v38  }
0xc7: {  	v55 =	vmul.f32 $2.000000030e-01, v35;
	v54 =	vmax.f32 v41, v53;
	v32 =	vmul.f32 v32, v20  }
0xc8: {  	v30 =	vadd.f32 v37, v30;
	v56 =	vmul.f32 v54, v8;
	v29 =	vmax.f32 v29, v42  }
0xc9: {  	v57 =	vmax.f32 v35, v55;
	v29 =	vmul.f32 v29, v21;
	v32 =	vadd.f32 v32, v34  }
0xca: {  	v30 =	vadd.f32 v56, v30;
	v34 =	vmul.f32 v57, v9  }
0xcb: {  	v29 =	vadd.f32 v32, v29  }
0xcc: {  	v30 =	vadd.f32 v30, v34  }
0xcd: {  	(xrf2) =	vadd.scan.msk.f32 $0xffff, v29  }
0xce: {  	(xrf2) =	vadd.scan.msk.f32 $0xffff, v30;
	_ =	sdelay $0x8  }
0xcf: {  	v29, _, _ =	vpop (xrf2)  }
0xd0: {  	v29 =	vmul.f32 $1.442695020e+00, v29;
	v30, _, _ =	vpop (xrf2)  }
0xd1: {  	v30 =	vmul.f32 $1.442695020e+00, v30  }
0xd2: {  	v29 =	vbroadcast v29, $0xF  }
0xd3: {  	v30 =	vbroadcast v30, $0xF  }
0xd4: {  	(erf) = vpow2.f32 v29  }
0xd5: {  	(erf) = vpow2.f32 v30;
	_ =	sdelay $0x7  }
0xd6: {  	v29 =	vpop (erf)  }
0xd7: {  	s1 =	sadd.s32 $0x80, s23;
	v30 =	vpop (erf)  }
0xd8: {  	s30 =	sand.u32 $0x280, s1;
	v58 =	vmul.f32 v30, v36  }
0xd9: {  	s0 =	sor.u32 s30, s28;
	v33 =	vmul.f32 v30, v33  }
0xda: {  	v59 =	vmul.f32 v30, v40;
	[tilespmem:s0+$0x0] =	vst v58  }
0xdb: {  	v31 =	vmul.f32 v30, v31;
	[tilespmem:s0+$0x10] =	vst v33  }
0xdc: {  	[tilespmem:s0+$0x20] =	vst v59  }
0xdd: {  	[tilespmem:s0+$0x30] =	vst v31  }
0xde: {  	v31 =	vld [tilespmem:s19+$0xFFFFFFA0]  }
0xdf: {  	v32 =	vld [tilespmem:s18+$0xFFFFFFA0]  }
0xe0: {  	v33 =	vld [tilespmem:s19+$0xFFFFFFB0]  }
0xe1: {  	v60 =	vld [tilespmem:s18+$0xFFFFFFB0];
	_ =	sdelay $0x1  }
0xe2: {  	v61 =	vunpack.i.l.bf16.f32 v31  }
0xe3: {  	v62 =	vunpack.i.l.bf16.f32 v32;
	v63 =	vunpack.i.u.bf16.f32 v31;
	v43 =	vunpack.i.u.bf16.f32 v32  }
0xe4: {  	v45 =	vunpack.i.l.bf16.f32 v33;
	v44 =	vadd.f32 v62, v61;
	v31 =	vadd.f32 v43, v63  }
0xe5: {  	v46 =	vunpack.i.l.bf16.f32 v60;
	v33 =	vunpack.i.u.bf16.f32 v33;
	v34 =	vunpack.i.u.bf16.f32 v60  }
0xe6: {  	v39 =	vadd.f32 v46, v45;
	v36 =	vmul.f32 $2.000000030e-01, v44;
	v47 =	vmul.f32 $2.000000030e-01, v31  }
0xe7: {  	v34 =	vadd.f32 v34, v33  }
0xe8: {  	v48 =	vmul.f32 $2.000000030e-01, v39;
	v32 =	vmax.f32 v44, v36;
	v31 =	vmax.f32 v31, v47  }
0xe9: {  	v32 =	vmul.f32 v32, v10;
	v31 =	vmul.f32 v31, v11  }
0xea: {  	v49 =	vmul.f32 $2.000000030e-01, v34;
	v36 =	vmax.f32 v39, v48  }
0xeb: {  	v50 =	vmul.f32 v36, v12;
	v31 =	vadd.f32 v32, v31  }
0xec: {  	v34 =	vmax.f32 v34, v49  }
0xed: {  	v51 =	vmul.f32 v34, v13;
	v31 =	vadd.f32 v50, v31;
	_ =	sdelay $0x1  }
0xee: {  	v31 =	vadd.f32 v31, v51;
	_ =	sdelay $0x1  }
0xef: {  	(xrf2) =	vadd.scan.msk.f32 $0xffff, v31;
	_ =	sdelay $0x9  }
0xf0: {  	v31, _, _ =	vpop (xrf2)  }
0xf1: {  	v31 =	vmul.f32 $1.442695020e+00, v31;
	_ =	sdelay $0x1  }
0xf2: {  	v31 =	vbroadcast v31, $0xF;
	_ =	sdelay $0x1  }
0xf3: {  	(erf) = vpow2.f32 v31;
	_ =	sdelay $0x8  }
0xf4: {  	v31 =	vpop (erf)  }
0xf5: {  	v52 =	vmul.f32 v31, v61  }
0xf6: {  	v53 =	vmul.f32 v31, v63  }
0xf7: {  	v54 =	vmul.f32 v31, v45;
	[tilespmem:s0+$0x40] =	vst v52  }
0xf8: {  	v33 =	vmul.f32 v31, v33;
	[tilespmem:s0+$0x50] =	vst v53  }
0xf9: {  	[tilespmem:s0+$0x60] =	vst v54  }
0xfa: {  	[tilespmem:s0+$0x70] =	vst v33  }
0xfb: {  	v32 =	vld [tilespmem:s19+$0xFFFFFFC0]  }
0xfc: {  	v33 =	vld [tilespmem:s18+$0xFFFFFFC0]  }
0xfd: {  	v34 =	vld [tilespmem:s19+$0xFFFFFFD0]  }
0xfe: {  	v55 =	vld [tilespmem:s18+$0xFFFFFFD0];
	_ =	sdelay $0x1  }
0xff: {  	v56 =	vunpack.i.l.bf16.f32 v32  }
0x100: {  	v57 =	vunpack.i.l.bf16.f32 v33;
	v58 =	vunpack.i.u.bf16.f32 v32;
	v59 =	vunpack.i.u.bf16.f32 v33  }
0x101: {  	v61 =	vunpack.i.l.bf16.f32 v34;
	v60 =	vadd.f32 v57, v56;
	v32 =	vadd.f32 v59, v58  }
0x102: {  	v62 =	vunpack.i.l.bf16.f32 v55;
	v34 =	vunpack.i.u.bf16.f32 v34;
	v35 =	vunpack.i.u.bf16.f32 v55  }
0x103: {  	v40 =	vadd.f32 v62, v61;
	v37 =	vmul.f32 $2.000000030e-01, v60;
	v63 =	vmul.f32 $2.000000030e-01, v32  }
0x104: {  	v35 =	vadd.f32 v35, v34  }
0x105: {  	v44 =	vmul.f32 $2.000000030e-01, v40;
	v33 =	vmax.f32 v60, v37;
	v32 =	vmax.f32 v32, v63  }
0x106: {  	v33 =	vmul.f32 v33, v14;
	v32 =	vmul.f32 v32, v15  }
0x107: {  	v45 =	vmul.f32 $2.000000030e-01, v35;
	v37 =	vmax.f32 v40, v44  }
0x108: {  	v46 =	vmul.f32 v37, v16;
	v32 =	vadd.f32 v33, v32  }
0x109: {  	v35 =	vmax.f32 v35, v45  }
0x10a: {  	v47 =	vmul.f32 v35, v17;
	v32 =	vadd.f32 v46, v32;
	_ =	sdelay $0x1  }
0x10b: {  	v32 =	vadd.f32 v32, v47;
	_ =	sdelay $0x1  }
0x10c: {  	(xrf2) =	vadd.scan.msk.f32 $0xffff, v32;
	_ =	sdelay $0x9  }
0x10d: {  	v32, _, _ =	vpop (xrf2)  }
0x10e: {  	v32 =	vmul.f32 $1.442695020e+00, v32;
	_ =	sdelay $0x1  }
0x10f: {  	v32 =	vbroadcast v32, $0xF;
	_ =	sdelay $0x1  }
0x110: {  	(erf) = vpow2.f32 v32;
	_ =	sdelay $0x8  }
0x111: {  	v32 =	vpop (erf)  }
0x112: {  	v48 =	vmul.f32 v32, v56  }
0x113: {  	s31 =	sor.u32 s30, s29;
	v49 =	vmul.f32 v32, v58  }
0x114: {  	v50 =	vmul.f32 v32, v61;
	[tilespmem:s31+$0x0] =	vst v48  }
0x115: {  	v34 =	vmul.f32 v32, v34;
	[tilespmem:s31+$0x10] =	vst v49  }
0x116: {  	[tilespmem:s31+$0x20] =	vst v50  }
0x117: {  	[tilespmem:s31+$0x30] =	vst v34  }
0x118: {  	v34 =	vld [tilespmem:s19+$0xFFFFFFE0]  }
0x119: {  	v35 =	vld [tilespmem:s18+$0xFFFFFFE0];
	_ =	sdelay $0x1  }
0x11a: {  	v57 =	vld [tilespmem:s18+$0x0]  }
0x11b: {  	v60 =	vld [tilespmem:s18+$0x10]  }
0x11c: {  	v56 =	vld [tilespmem:s19+$0x0];
	v33 =	vunpack.i.u.bf16.f32 v34  }
0x11d: {  	v58 =	vld [tilespmem:s19+$0x10];
	v34 =	vunpack.i.l.bf16.f32 v34;
	v51 =	vunpack.i.u.bf16.f32 v35;
	v35 =	vunpack.i.l.bf16.f32 v35  }
0x11e: {  	v35 =	vadd.f32 v35, v34;
	v36 =	vadd.f32 v51, v33  }
0x11f: {  	v45 =	vunpack.i.l.bf16.f32 v57;
	v38 =	vunpack.i.u.bf16.f32 v57;
	v52 =	vld [tilespmem:s19+$0xFFFFFFF0]  }
0x120: {  	v43 =	vunpack.i.u.bf16.f32 v60;
	v55 =	vld [tilespmem:s18+$0xFFFFFFF0];
	v53 =	vmul.f32 $2.000000030e-01, v35;
	v54 =	vmul.f32 $2.000000030e-01, v36  }
0x121: {  	v49 =	vunpack.i.l.bf16.f32 v60;
	v44 =	vunpack.i.l.bf16.f32 v56;
	v41 =	vunpack.i.u.bf16.f32 v56  }
0x122: {  	v48 =	vunpack.i.l.bf16.f32 v58;
	v35 =	vmax.f32 v35, v53;
	v36 =	vmax.f32 v36, v54  }
0x123: {  	v45 =	vadd.f32 v45, v44;
	v35 =	vmul.f32 v35, v18;
	v36 =	vmul.f32 v36, v19  }
0x124: {  	v39 =	vunpack.i.u.bf16.f32 v58;
	v38 =	vadd.f32 v38, v41;
	v49 =	vadd.f32 v49, v48  }
0x125: {  	v40 =	vunpack.i.l.bf16.f32 v55;
	v59 =	vadd.f32 v35, v36;
	v36 =	vunpack.i.l.bf16.f32 v52  }
0x126: {  	v43 =	vadd.f32 v43, v39;
	v47 =	vmul.f32 $2.000000030e-01, v45;
	v40 =	vadd.f32 v40, v36  }
0x127: {  	v61 =	vunpack.i.u.bf16.f32 v55;
	v51 =	vmul.f32 $2.000000030e-01, v38;
	v35 =	vunpack.i.u.bf16.f32 v52  }
0x128: {  	v45 =	vmax.f32 v45, v47;
	v37 =	vadd.f32 v61, v35;
	v46 =	vmul.f32 $2.000000030e-01, v40  }
0x129: {  	v62 =	vmul.f32 $2.000000030e-01, v49;
	v38 =	vmax.f32 v38, v51;
	v45 =	vmul.f32 v45, v6  }
0x12a: {  	v38 =	vmul.f32 v38, v7;
	v50 =	vmul.f32 $2.000000030e-01, v37;
	v40 =	vmax.f32 v40, v46  }
0x12b: {  	v63 =	vmax.f32 v49, v62;
	v49 =	vmul.f32 $2.000000030e-01, v43;
	v40 =	vmul.f32 v40, v20  }
0x12c: {  	v51 =	vmul.f32 v63, v8;
	v38 =	vadd.f32 v45, v38;
	v37 =	vmax.f32 v37, v50  }
0x12d: {  	v52 =	vmax.f32 v43, v49;
	v37 =	vmul.f32 v37, v21;
	v40 =	vadd.f32 v40, v59  }
0x12e: {  	v38 =	vadd.f32 v51, v38;
	v42 =	vmul.f32 v52, v9  }
0x12f: {  	v37 =	vadd.f32 v40, v37  }
0x130: {  	v38 =	vadd.f32 v38, v42  }
0x131: {  	(xrf2) =	vadd.scan.msk.f32 $0xffff, v37  }
0x132: {  	(xrf2) =	vadd.scan.msk.f32 $0xffff, v38;
	_ =	sdelay $0x8  }
0x133: {  	v37, _, _ =	vpop (xrf2)  }
0x134: {  	v37 =	vmul.f32 $1.442695020e+00, v37;
	v38, _, _ =	vpop (xrf2)  }
0x135: {  	v38 =	vmul.f32 $1.442695020e+00, v38  }
0x136: {  	v37 =	vbroadcast v37, $0xF  }
0x137: {  	v38 =	vbroadcast v38, $0xF  }
0x138: {  	(erf) = vpow2.f32 v37  }
0x139: {  	(erf) = vpow2.f32 v38;
	_ =	sdelay $0x7  }
0x13a: {  	v37 =	vpop (erf)  }
0x13b: {  	s15 =	sadd.s32 $0x100, s23;
	v38 =	vpop (erf)  }
0x13c: {  	s1 =	sand.u32 $0x300, s15;
	v53 =	vmul.f32 v38, v44  }
0x13d: {  	s0 =	sor.u32 s1, s28;
	v41 =	vmul.f32 v38, v41  }
0x13e: {  	v54 =	vmul.f32 v38, v48;
	[tilespmem:s0+$0x0] =	vst v53  }
0x13f: {  	v39 =	vmul.f32 v38, v39;
	[tilespmem:s0+$0x10] =	vst v41  }
0x140: {  	[tilespmem:s0+$0x20] =	vst v54  }
0x141: {  	[tilespmem:s0+$0x30] =	vst v39  }
0x142: {  	v39 =	vld [tilespmem:s19+$0x20]  }
0x143: {  	v40 =	vld [tilespmem:s18+$0x20]  }
0x144: {  	v41 =	vld [tilespmem:s19+$0x30]  }
0x145: {  	v55 =	vld [tilespmem:s18+$0x30];
	_ =	sdelay $0x1  }
0x146: {  	v56 =	vunpack.i.l.bf16.f32 v39  }
0x147: {  	v57 =	vunpack.i.l.bf16.f32 v40;
	v58 =	vunpack.i.u.bf16.f32 v39;
	v59 =	vunpack.i.u.bf16.f32 v40  }
0x148: {  	v61 =	vunpack.i.l.bf16.f32 v41;
	v60 =	vadd.f32 v57, v56;
	v39 =	vadd.f32 v59, v58  }
0x149: {  	v62 =	vunpack.i.l.bf16.f32 v55;
	v41 =	vunpack.i.u.bf16.f32 v41;
	v42 =	vunpack.i.u.bf16.f32 v55  }
0x14a: {  	v47 =	vadd.f32 v62, v61;
	v44 =	vmul.f32 $2.000000030e-01, v60;
	v63 =	vmul.f32 $2.000000030e-01, v39  }
0x14b: {  	v42 =	vadd.f32 v42, v41  }
0x14c: {  	v50 =	vmul.f32 $2.000000030e-01, v47;
	v40 =	vmax.f32 v60, v44;
	v39 =	vmax.f32 v39, v63  }
0x14d: {  	v40 =	vmul.f32 v40, v10;
	v39 =	vmul.f32 v39, v11  }
0x14e: {  	v51 =	vmul.f32 $2.000000030e-01, v42;
	v44 =	vmax.f32 v47, v50  }
0x14f: {  	v52 =	vmul.f32 v44, v12;
	v39 =	vadd.f32 v40, v39  }
0x150: {  	v42 =	vmax.f32 v42, v51  }
0x151: {  	v53 =	vmul.f32 v42, v13;
	v39 =	vadd.f32 v52, v39;
	_ =	sdelay $0x1  }
0x152: {  	v39 =	vadd.f32 v39, v53;
	_ =	sdelay $0x1  }
0x153: {  	(xrf2) =	vadd.scan.msk.f32 $0xffff, v39;
	_ =	sdelay $0x9  }
0x154: {  	v39, _, _ =	vpop (xrf2)  }
0x155: {  	v39 =	vmul.f32 $1.442695020e+00, v39;
	_ =	sdelay $0x1  }
0x156: {  	v39 =	vbroadcast v39, $0xF;
	_ =	sdelay $0x1  }
0x157: {  	(erf) = vpow2.f32 v39;
	_ =	sdelay $0x8  }
0x158: {  	v39 =	vpop (erf)  }
0x159: {  	v54 =	vmul.f32 v39, v56  }
0x15a: {  	v55 =	vmul.f32 v39, v58  }
0x15b: {  	v56 =	vmul.f32 v39, v61;
	[tilespmem:s0+$0x40] =	vst v54  }
0x15c: {  	v41 =	vmul.f32 v39, v41;
	[tilespmem:s0+$0x50] =	vst v55  }
0x15d: {  	[tilespmem:s0+$0x60] =	vst v56  }
0x15e: {  	[tilespmem:s0+$0x70] =	vst v41  }
0x15f: {  	v40 =	vld [tilespmem:s19+$0x40]  }
0x160: {  	v41 =	vld [tilespmem:s18+$0x40]  }
0x161: {  	v42 =	vld [tilespmem:s19+$0x50]  }
0x162: {  	v57 =	vld [tilespmem:s18+$0x50];
	_ =	sdelay $0x1  }
0x163: {  	v58 =	vunpack.i.l.bf16.f32 v40  }
0x164: {  	v59 =	vunpack.i.l.bf16.f32 v41;
	v60 =	vunpack.i.u.bf16.f32 v40;
	v61 =	vunpack.i.u.bf16.f32 v41  }
0x165: {  	v63 =	vunpack.i.l.bf16.f32 v42;
	v62 =	vadd.f32 v59, v58;
	v40 =	vadd.f32 v61, v60  }
0x166: {  	v52 =	vunpack.i.l.bf16.f32 v57;
	v42 =	vunpack.i.u.bf16.f32 v42;
	v43 =	vunpack.i.u.bf16.f32 v57  }
0x167: {  	v48 =	vadd.f32 v52, v63;
	v45 =	vmul.f32 $2.000000030e-01, v62;
	v53 =	vmul.f32 $2.000000030e-01, v40  }
0x168: {  	v43 =	vadd.f32 v43, v42  }
0x169: {  	v54 =	vmul.f32 $2.000000030e-01, v48;
	v41 =	vmax.f32 v62, v45;
	v40 =	vmax.f32 v40, v53  }
0x16a: {  	v41 =	vmul.f32 v41, v14;
	v40 =	vmul.f32 v40, v15  }
0x16b: {  	v55 =	vmul.f32 $2.000000030e-01, v43;
	v45 =	vmax.f32 v48, v54  }
0x16c: {  	v56 =	vmul.f32 v45, v16;
	v40 =	vadd.f32 v41, v40  }
0x16d: {  	v43 =	vmax.f32 v43, v55  }
0x16e: {  	v57 =	vmul.f32 v43, v17;
	v40 =	vadd.f32 v56, v40;
	_ =	sdelay $0x1  }
0x16f: {  	v40 =	vadd.f32 v40, v57;
	_ =	sdelay $0x1  }
0x170: {  	(xrf2) =	vadd.scan.msk.f32 $0xffff, v40;
	_ =	sdelay $0x9  }
0x171: {  	v40, _, _ =	vpop (xrf2)  }
0x172: {  	v40 =	vmul.f32 $1.442695020e+00, v40;
	_ =	sdelay $0x1  }
0x173: {  	v40 =	vbroadcast v40, $0xF;
	_ =	sdelay $0x1  }
0x174: {  	(erf) = vpow2.f32 v40;
	_ =	sdelay $0x8  }
0x175: {  	v40 =	vpop (erf)  }
0x176: {  	v58 =	vmul.f32 v40, v58  }
0x177: {  	s0 =	sor.u32 s1, s29;
	v59 =	vmul.f32 v40, v60  }
0x178: {  	v60 =	vmul.f32 v40, v63;
	[tilespmem:s0+$0x0] =	vst v58  }
0x179: {  	v42 =	vmul.f32 v40, v42;
	[tilespmem:s0+$0x10] =	vst v59  }
0x17a: {  	[tilespmem:s0+$0x20] =	vst v60  }
0x17b: {  	[tilespmem:s0+$0x30] =	vst v42  }
0x17c: {  	v42 =	vld [tilespmem:s19+$0x60]  }
0x17d: {  	v43 =	vld [tilespmem:s18+$0x60]  }
0x17e: {  	v58 =	vld [tilespmem:s19+$0x80]  }
0x17f: {  	v59 =	vld [tilespmem:s18+$0x80];
	_ =	sdelay $0x1  }
0x180: {  	v63 =	vld [tilespmem:s18+$0x70];
	v41 =	vunpack.i.u.bf16.f32 v42  }
0x181: {  	v42 =	vunpack.i.l.bf16.f32 v42;
	v61 =	vunpack.i.u.bf16.f32 v43;
	v43 =	vunpack.i.l.bf16.f32 v43  }
0x182: {  	v53 =	vunpack.i.l.bf16.f32 v58;
	v43 =	vadd.f32 v43, v42;
	v44 =	vadd.f32 v61, v41  }
0x183: {  	v60 =	vld [tilespmem:s18+$0x90];
	v54 =	vunpack.i.l.bf16.f32 v59;
	v49 =	vunpack.i.u.bf16.f32 v58;
	v50 =	vunpack.i.u.bf16.f32 v59  }
0x184: {  	v62 =	vld [tilespmem:s19+$0x70];
	v50 =	vadd.f32 v50, v49;
	v56 =	vmul.f32 $2.000000030e-01, v43;
	v57 =	vmul.f32 $2.000000030e-01, v44  }
0x185: {  	v47 =	vld [tilespmem:s19+$0x90];
	v52 =	vunpack.i.l.bf16.f32 v63;
	v46 =	vunpack.i.u.bf16.f32 v63;
	v61 =	vadd.f32 v54, v53  }
0x186: {  	v63 =	vmul.f32 $2.000000030e-01, v50;
	v43 =	vmax.f32 v43, v56;
	v44 =	vmax.f32 v44, v57  }
0x187: {  	v43 =	vmul.f32 v43, v18;
	v44 =	vmul.f32 v44, v19  }
0x188: {  	v51 =	vunpack.i.u.bf16.f32 v60;
	v55 =	vmul.f32 $2.000000030e-01, v61  }
0x189: {  	v50 =	vmax.f32 v50, v63;
	v48 =	vadd.f32 v43, v44;
	v43 =	vunpack.i.l.bf16.f32 v62  }
0x18a: {  	v56 =	vunpack.i.l.bf16.f32 v47;
	v57 =	vunpack.i.l.bf16.f32 v60;
	v45 =	vadd.f32 v52, v43  }
0x18b: {  	v47 =	vunpack.i.u.bf16.f32 v47;
	v57 =	vadd.f32 v57, v56;
	v44 =	vunpack.i.u.bf16.f32 v62  }
0x18c: {  	v50 =	vmul.f32 v50, v7;
	v46 =	vadd.f32 v46, v44;
	v62 =	vmul.f32 $2.000000030e-01, v45  }
0x18d: {  	v51 =	vadd.f32 v51, v47;
	v60 =	vmul.f32 $2.000000030e-01, v57;
	v52 =	vmax.f32 v61, v55  }
0x18e: {  	v52 =	vmul.f32 v52, v6;
	v58 =	vmul.f32 $2.000000030e-01, v46;
	v45 =	vmax.f32 v45, v62  }
0x18f: {  	v61 =	vmax.f32 v57, v60;
	v62 =	vmul.f32 $2.000000030e-01, v51;
	v45 =	vmul.f32 v45, v20  }
0x190: {  	v63 =	vmul.f32 v61, v8;
	v50 =	vadd.f32 v52, v50;
	v46 =	vmax.f32 v46, v58  }
0x191: {  	v46 =	vmul.f32 v46, v21;
	v57 =	vmax.f32 v51, v62;
	v45 =	vadd.f32 v45, v48  }
0x192: {  	v50 =	vadd.f32 v63, v50;
	v48 =	vmul.f32 v57, v9  }
0x193: {  	v45 =	vadd.f32 v45, v46  }
0x194: {  	v58 =	vadd.f32 v50, v48  }
0x195: {  	(xrf2) =	vadd.scan.msk.f32 $0xffff, v45  }
0x196: {  	(xrf2) =	vadd.scan.msk.f32 $0xffff, v58;
	_ =	sdelay $0x8  }
0x197: {  	v45, _, _ =	vpop (xrf2)  }
0x198: {  	v45 =	vmul.f32 $1.442695020e+00, v45;
	v46, _, _ =	vpop (xrf2)  }
0x199: {  	v46 =	vmul.f32 $1.442695020e+00, v46  }
0x19a: {  	v45 =	vbroadcast v45, $0xF  }
0x19b: {  	v46 =	vbroadcast v46, $0xF  }
0x19c: {  	(erf) = vpow2.f32 v45  }
0x19d: {  	(erf) = vpow2.f32 v46;
	_ =	sdelay $0x7  }
0x19e: {  	v45 =	vpop (erf)  }
0x19f: {  	s15 =	sadd.s32 $0x180, s23;
	v46 =	vpop (erf)  }
0x1a0: {  	s15 =	sand.u32 $0x380, s15;
	v59 =	vmul.f32 v46, v53  }
0x1a1: {  	s28 =	sor.u32 s15, s28;
	v49 =	vmul.f32 v46, v49  }
0x1a2: {  	v60 =	vmul.f32 v46, v56;
	[tilespmem:s28+$0x0] =	vst v59  }
0x1a3: {  	v47 =	vmul.f32 v46, v47;
	[tilespmem:s28+$0x10] =	vst v49  }
0x1a4: {  	[tilespmem:s28+$0x20] =	vst v60  }
0x1a5: {  	[tilespmem:s28+$0x30] =	vst v47  }
0x1a6: {  	v47 =	vld [tilespmem:s19+$0xA0]  }
0x1a7: {  	v48 =	vld [tilespmem:s18+$0xA0]  }
0x1a8: {  	v49 =	vld [tilespmem:s19+$0xB0]  }
0x1a9: {  	v50 =	vld [tilespmem:s18+$0xB0];
	_ =	sdelay $0x1  }
0x1aa: {  	v51 =	vunpack.i.l.bf16.f32 v47  }
0x1ab: {  	v61 =	vunpack.i.l.bf16.f32 v48;
	v53 =	vunpack.i.u.bf16.f32 v47;
	v62 =	vunpack.i.u.bf16.f32 v48  }
0x1ac: {  	v54 =	vunpack.i.l.bf16.f32 v49;
	v63 =	vadd.f32 v61, v51;
	v47 =	vadd.f32 v62, v53  }
0x1ad: {  	v60 =	vunpack.i.l.bf16.f32 v50;
	v49 =	vunpack.i.u.bf16.f32 v49;
	v50 =	vunpack.i.u.bf16.f32 v50  }
0x1ae: {  	v55 =	vadd.f32 v60, v54;
	v52 =	vmul.f32 $2.000000030e-01, v63;
	v61 =	vmul.f32 $2.000000030e-01, v47  }
0x1af: {  	v50 =	vadd.f32 v50, v49  }
0x1b0: {  	v62 =	vmul.f32 $2.000000030e-01, v55;
	v48 =	vmax.f32 v63, v52;
	v47 =	vmax.f32 v47, v61  }
0x1b1: {  	v48 =	vmul.f32 v48, v10;
	v47 =	vmul.f32 v47, v11  }
0x1b2: {  	v52 =	vmax.f32 v55, v62;
	v63 =	vmul.f32 $2.000000030e-01, v50  }
0x1b3: {  	v57 =	vmul.f32 v52, v12;
	v47 =	vadd.f32 v48, v47  }
0x1b4: {  	v50 =	vmax.f32 v50, v63  }
0x1b5: {  	v58 =	vmul.f32 v50, v13;
	v47 =	vadd.f32 v57, v47;
	_ =	sdelay $0x1  }
0x1b6: {  	v47 =	vadd.f32 v47, v58;
	_ =	sdelay $0x1  }
0x1b7: {  	(xrf2) =	vadd.scan.msk.f32 $0xffff, v47;
	_ =	sdelay $0x9  }
0x1b8: {  	v47, _, _ =	vpop (xrf2)  }
0x1b9: {  	v47 =	vmul.f32 $1.442695020e+00, v47;
	_ =	sdelay $0x1  }
0x1ba: {  	v47 =	vbroadcast v47, $0xF;
	_ =	sdelay $0x1  }
0x1bb: {  	(erf) = vpow2.f32 v47;
	_ =	sdelay $0x8  }
0x1bc: {  	v47 =	vpop (erf)  }
0x1bd: {  	v59 =	vmul.f32 v47, v51  }
0x1be: {  	v60 =	vmul.f32 v47, v53  }
0x1bf: {  	v61 =	vmul.f32 v47, v54;
	[tilespmem:s28+$0x40] =	vst v59  }
0x1c0: {  	v49 =	vmul.f32 v47, v49;
	[tilespmem:s28+$0x50] =	vst v60  }
0x1c1: {  	[tilespmem:s28+$0x60] =	vst v61  }
0x1c2: {  	[tilespmem:s28+$0x70] =	vst v49  }
0x1c3: {  	v48 =	vld [tilespmem:s19+$0xC0]  }
0x1c4: {  	v49 =	vld [tilespmem:s18+$0xC0]  }
0x1c5: {  	v50 =	vld [tilespmem:s19+$0xD0]  }
0x1c6: {  	v51 =	vld [tilespmem:s18+$0xD0];
	_ =	sdelay $0x1  }
0x1c7: {  	v52 =	vunpack.i.l.bf16.f32 v48  }
0x1c8: {  	v62 =	vunpack.i.l.bf16.f32 v49;
	v48 =	vunpack.i.u.bf16.f32 v48;
	v49 =	vunpack.i.u.bf16.f32 v49  }
0x1c9: {  	v55 =	vunpack.i.l.bf16.f32 v50;
	v53 =	vadd.f32 v62, v52;
	v49 =	vadd.f32 v49, v48  }
0x1ca: {  	v60 =	vunpack.i.l.bf16.f32 v51;
	v50 =	vunpack.i.u.bf16.f32 v50;
	v51 =	vunpack.i.u.bf16.f32 v51  }
0x1cb: {  	v56 =	vadd.f32 v60, v55;
	v63 =	vmul.f32 $2.000000030e-01, v53;
	v61 =	vmul.f32 $2.000000030e-01, v49  }
0x1cc: {  	v51 =	vadd.f32 v51, v50  }
0x1cd: {  	v62 =	vmul.f32 $2.000000030e-01, v56;
	v53 =	vmax.f32 v53, v63;
	v49 =	vmax.f32 v49, v61  }
0x1ce: {  	v53 =	vmul.f32 v53, v14;
	v49 =	vmul.f32 v49, v15  }
0x1cf: {  	v54 =	vmax.f32 v56, v62;
	v63 =	vmul.f32 $2.000000030e-01, v51  }
0x1d0: {  	v57 =	vmul.f32 v54, v16;
	v49 =	vadd.f32 v53, v49  }
0x1d1: {  	v51 =	vmax.f32 v51, v63  }
0x1d2: {  	v51 =	vmul.f32 v51, v17;
	v49 =	vadd.f32 v57, v49;
	_ =	sdelay $0x1  }
0x1d3: {  	v49 =	vadd.f32 v49, v51;
	_ =	sdelay $0x1  }
0x1d4: {  	(xrf2) =	vadd.scan.msk.f32 $0xffff, v49;
	_ =	sdelay $0x9  }
0x1d5: {  	v49, _, _ =	vpop (xrf2)  }
0x1d6: {  	v49 =	vmul.f32 $1.442695020e+00, v49;
	_ =	sdelay $0x1  }
0x1d7: {  	v49 =	vbroadcast v49, $0xF;
	_ =	sdelay $0x1  }
0x1d8: {  	(erf) = vpow2.f32 v49;
	_ =	sdelay $0x8  }
0x1d9: {  	v49 =	vpop (erf)  }
0x1da: {  	v58 =	vmul.f32 v49, v52  }
0x1db: {  	s28 =	sor.u32 s15, s29;
	v48 =	vmul.f32 v49, v48  }
0x1dc: {  	v59 =	vmul.f32 v49, v55;
	[tilespmem:s28+$0x0] =	vst v58  }
0x1dd: {  	v60 =	vmul.f32 v49, v50;
	[tilespmem:s28+$0x10] =	vst v48  }
0x1de: {  	[tilespmem:s28+$0x20] =	vst v59  }
0x1df: {  	[tilespmem:s28+$0x30] =	vst v60  }
0x1e0: {  	v48 =	vld [tilespmem:s19+$0xE0]  }
0x1e1: {  	v61 =	vld [tilespmem:s18+$0xE0]  }
0x1e2: {  	v51 =	vld [tilespmem:s19+$0xF0]  }
0x1e3: {  	v52 =	vld [tilespmem:s18+$0xF0];
	_ =	sdelay $0x1  }
0x1e4: {  	v53 =	vunpack.i.l.bf16.f32 v48  }
0x1e5: {  	v62 =	vunpack.i.l.bf16.f32 v61;
	v48 =	vunpack.i.u.bf16.f32 v48;
	v50 =	vunpack.i.u.bf16.f32 v61  }
0x1e6: {  	v56 =	vunpack.i.l.bf16.f32 v51;
	v54 =	vadd.f32 v62, v53;
	v50 =	vadd.f32 v50, v48  }
0x1e7: {  	v60 =	vunpack.i.l.bf16.f32 v52;
	v51 =	vunpack.i.u.bf16.f32 v51;
	v52 =	vunpack.i.u.bf16.f32 v52  }
0x1e8: {  	v57 =	vadd.f32 v60, v56;
	v63 =	vmul.f32 $2.000000030e-01, v54;
	v61 =	vmul.f32 $2.000000030e-01, v50  }
0x1e9: {  	v52 =	vadd.f32 v52, v51  }
0x1ea: {  	v62 =	vmul.f32 $2.000000030e-01, v57;
	v54 =	vmax.f32 v54, v63;
	v50 =	vmax.f32 v50, v61  }
0x1eb: {  	v54 =	vmul.f32 v54, v18;
	v50 =	vmul.f32 v50, v19  }
0x1ec: {  	v55 =	vmax.f32 v57, v62;
	v63 =	vmul.f32 $2.000000030e-01, v52  }
0x1ed: {  	v60 =	vmul.f32 v55, v20;
	v50 =	vadd.f32 v54, v50  }
0x1ee: {  	v52 =	vmax.f32 v52, v63  }
0x1ef: {  	v52 =	vmul.f32 v52, v21;
	v50 =	vadd.f32 v60, v50;
	_ =	sdelay $0x1  }
0x1f0: {  	v50 =	vadd.f32 v50, v52;
	_ =	sdelay $0x1  }
0x1f1: {  	(xrf2) =	vadd.scan.msk.f32 $0xffff, v50;
	_ =	sdelay $0x5  }
0x1f2: {  	v22 =	vmul.f32 v1, v22;
	_ =	sdelay $0x1  }
0x1f3: {  	v22 =	vadd.f32 $0.0e+00, v22;
	v23 =	vmul.f32 v2, v23  }
0x1f4: {  	v24 =	vmul.f32 v3, v24;
	v26 =	vmul.f32 v29, v26  }
0x1f5: {  	v22 =	vadd.f32 v23, v22;
	v23 =	vmul.f32 v29, v25;
	v28 =	vmul.f32 v29, v28;
	v50, _, _ =	vpop (xrf2)  }
0x1f6: {  	v30 =	vmul.f32 v1, v30;
	v61 =	vmul.f32 $1.442695020e+00, v50  }
0x1f7: {  	v22 =	vadd.f32 v24, v22;
	[tilespmem:s26+$0x50] =	vst v23;
	v23 =	vmul.f32 v29, v27;
	v62 =	vmul.f32 v4, v29  }
0x1f8: {  	[tilespmem:s26+$0x40] =	vst v26;
	v63 =	vadd.f32 $0.0e+00, v30;
	v30 =	vmul.f32 v2, v31;
	v25 =	vbroadcast v61, $0xF  }
0x1f9: {  	s25 =	sadd.s32 $0x14000, s25;
	[tilespmem:s26+$0x60] =	vst v28;
	v36 =	vmul.f32 v37, v36;
	v22 =	vadd.f32 v62, v22;
	v31 =	vmul.f32 v3, v32  }
0x1fa: {  	s24 =	sor.u32 s24, s25;
	[tilespmem:s26+$0x70] =	vst v23;
	v32 =	vmul.f32 v37, v34;
	v23 =	vadd.f32 v30, v63;
	(erf) = vpow2.f32 v25  }
0x1fb: {  	v34 =	vmul.f32 v1, v38;
	[tilespmem:s24+$0x0] =	vst v22;
	v22 =	vmul.f32 v37, v33  }
0x1fc: {  	[tilespmem:s31+$0x60] =	vst v36;
	v38 =	vmul.f32 v4, v37;
	v23 =	vadd.f32 v31, v23  }
0x1fd: {  	v39 =	vmul.f32 v2, v39;
	v26 =	vadd.f32 $0.0e+00, v34;
	[tilespmem:s31+$0x50] =	vst v22;
	v22 =	vmul.f32 v37, v35  }
0x1fe: {  	[tilespmem:s31+$0x40] =	vst v32;
	v23 =	vadd.f32 v38, v23  }
0x1ff: {  	s29 =	sor.u32 s30, s25;
	v55 =	vmul.f32 v45, v43;
	[tilespmem:s31+$0x70] =	vst v22;
	v22 =	vadd.f32 v39, v26;
	v50 =	vmul.f32 v3, v40  }
0x200: {  	v54 =	vmul.f32 v1, v46;
	[tilespmem:s29+$0x0] =	vst v23;
	v23 =	vmul.f32 v45, v41  }
0x201: {  	v57 =	vmul.f32 v4, v45;
	[tilespmem:s0+$0x60] =	vst v55;
	v52 =	vmul.f32 v45, v42;
	v22 =	vadd.f32 v50, v22  }
0x202: {  	v58 =	vmul.f32 v2, v47;
	v26 =	vadd.f32 $0.0e+00, v54;
	[tilespmem:s0+$0x50] =	vst v23;
	v23 =	vmul.f32 v45, v44  }
0x203: {  	[tilespmem:s0+$0x40] =	vst v52;
	v22 =	vadd.f32 v57, v22;
	v59 =	vpop (erf)  }
0x204: {  	s30 =	sor.u32 s1, s25;
	v60 =	vmul.f32 v3, v49;
	[tilespmem:s0+$0x70] =	vst v23;
	v23 =	vadd.f32 v58, v26;
	v61 =	vmul.f32 v59, v53  }
0x205: {  	p0 =	slt.u32 s21, $0x3C;
	[tilespmem:s30+$0x0] =	vst v22;
	v22 =	vmul.f32 v59, v48  }
.Ltmp1:
0x206: {  	v23 =	vadd.f32 v60, v23;
	v62 =	vmul.f32 v59, v56;
	v63 =	vmul.f32 v4, v59;
	[tilespmem:s28+$0x40] =	vst v61;
	(pc) =	sbr.rel @p0 .LBB2_5-.Ltmp1, $4  }
0x207: {  	[tilespmem:s28+$0x50] =	vst v22;
	v22 =	vmul.f32 v59, v51  }
0x208: {  	[tilespmem:s28+$0x60] =	vst v62;
	v23 =	vadd.f32 v63, v23  }
0x209: {  	s31 =	sor.u32 s15, s25;
	[tilespmem:s28+$0x70] =	vst v22  }
0x20a: {  	s23 =	sadd.s32 $0x200, s23;
	s18 =	sadd.s32 $0x200, s18;
	s19 =	sadd.s32 $0x200, s19;
	[tilespmem:s31+$0x0] =	vst v23  }
0x20b: {  	s0 =	sand.u32 $0x3FFFFF00, s20  }
0x20c: {  	v22 =	vld [tilespmem:s0+$0x6000];
	_ =	sdelay $0x4  }
0x20d: {  	v23 =	vshrl.u32 v22, $0x3  }
0x20e: {  	v23 =	vmul.u32 $0x18, v23  }
0x20f: {  	v22 =	vand.u32 $0x7, v22  }
0x210: {  	v25 =	vor.u32 v22, v23;
	v22 =	vand.u32 $0x7, v5;
	v23 =	vshrl.u32 v5, $0x3  }
0x211: {  	v24 =	vperm.xlane v25, v22;
	v23 =	vmul.u32 $0x8, v23;
	_ =	sdelay $0x1  }
0x212: {  	v26 =	vadd.s32 v23, v24  }
0x213: {  	v24 =	vor.u32 $0x8, v5  }
0x214: {  	v25 =	vperm.xlane v25, v24;
	_ =	sdelay $0x1  }
0x215: {  	s21 =	simm.s32 $0x0;
	s31 =	simm.s32 $0x13800;
	v25 =	vadd.s32 v23, v25  }
0x216: {  	[hbm4b:s7+s21] =	stream.indirect_vreg.scatter [tilespmem:s31], [sflag:$0x3], $0x80, v26, vm0, $0xb8;
	[tilespmem:$0x19800] =	vst v63  }
0x217: {  	s1 =	simm.s32 $0x14000  }
0x218: {  	[hbm4b:s11+s21] =	stream.indirect_vreg.scatter [tilespmem:s1], [sflag:$0x3], $0x80, v26, vm1, $0xb8;
	[tilespmem:$0x19800] =	vst v63  }
0x219: {  	s28 =	simm.s32 $0x14400  }
0x21a: {  	[hbm4b:s7+s21] =	stream.indirect_vreg.scatter [tilespmem:s28], [sflag:$0x3], $0x80, v25, vm0, $0xb8;
	[tilespmem:$0x19800] =	vst v63  }
0x21b: {  	s29 =	simm.s32 $0x14C00  }
0x21c: {  	[hbm4b:s11+s21] =	stream.indirect_vreg.scatter [tilespmem:s29], [sflag:$0x3], $0x80, v25, vm1, $0xb8;
	[tilespmem:$0x19800] =	vst v63  }
0x21d: {  	v25 =	vld [tilespmem:s0+$0x6010];
	_ =	sdelay $0x4  }
0x21e: {  	v26 =	vshrl.u32 v25, $0x3  }
0x21f: {  	v26 =	vmul.u32 $0x18, v26  }
0x220: {  	v25 =	vand.u32 $0x7, v25  }
0x221: {  	v25 =	vor.u32 v25, v26  }
0x222: {  	v26 =	vperm.xlane v25, v22;
	_ =	sdelay $0x1  }
0x223: {  	v26 =	vadd.s32 v23, v26;
	_ =	sdelay $0x1  }
0x224: {  	v25 =	vperm.xlane v25, v24;
	_ =	sdelay $0x1  }
0x225: {  	s30 =	simm.s32 $0x15000;
	v25 =	vadd.s32 v23, v25  }
0x226: {  	[hbm4b:s7+s21] =	stream.indirect_vreg.scatter [tilespmem:s30], [sflag:$0x3], $0x80, v26, vm0, $0xb8;
	[tilespmem:$0x19800] =	vst v63  }
0x227: {  	s15 =	simm.s32 $0x15800  }
0x228: {  	[hbm4b:s11+s21] =	stream.indirect_vreg.scatter [tilespmem:s15], [sflag:$0x3], $0x80, v26, vm1, $0xb8;
	[tilespmem:$0x19800] =	vst v63  }
0x229: {  	s18 =	simm.s32 $0x15C00  }
0x22a: {  	[hbm4b:s7+s21] =	stream.indirect_vreg.scatter [tilespmem:s18], [sflag:$0x3], $0x80, v25, vm0, $0xb8;
	[tilespmem:$0x19800] =	vst v63  }
0x22b: {  	s19 =	simm.s32 $0x16400  }
0x22c: {  	[hbm4b:s11+s21] =	stream.indirect_vreg.scatter [tilespmem:s19], [sflag:$0x3], $0x80, v25, vm1, $0xb8;
	[tilespmem:$0x19800] =	vst v63  }
0x22d: {  	v25 =	vld [tilespmem:s0+$0x6020];
	_ =	sdelay $0x4  }
0x22e: {  	v26 =	vshrl.u32 v25, $0x3  }
0x22f: {  	v26 =	vmul.u32 $0x18, v26  }
0x230: {  	v25 =	vand.u32 $0x7, v25  }
0x231: {  	v25 =	vor.u32 v25, v26  }
0x232: {  	v26 =	vperm.xlane v25, v22;
	_ =	sdelay $0x1  }
0x233: {  	v26 =	vadd.s32 v23, v26;
	_ =	sdelay $0x1  }
0x234: {  	v25 =	vperm.xlane v25, v24;
	_ =	sdelay $0x1  }
0x235: {  	s23 =	simm.s32 $0x16800;
	v25 =	vadd.s32 v23, v25  }
0x236: {  	[hbm4b:s7+s21] =	stream.indirect_vreg.scatter [tilespmem:s23], [sflag:$0x3], $0x80, v26, vm0, $0xb8;
	[tilespmem:$0x19800] =	vst v63  }
0x237: {  	s24 =	simm.s32 $0x17000  }
0x238: {  	[hbm4b:s11+s21] =	stream.indirect_vreg.scatter [tilespmem:s24], [sflag:$0x3], $0x80, v26, vm1, $0xb8;
	[tilespmem:$0x19800] =	vst v63  }
0x239: {  	s25 =	simm.s32 $0x17400  }
0x23a: {  	[hbm4b:s7+s21] =	stream.indirect_vreg.scatter [tilespmem:s25], [sflag:$0x3], $0x80, v25, vm0, $0xb8;
	[tilespmem:$0x19800] =	vst v63  }
0x23b: {  	_ = 	snop  }
0x23c: {  	[hbm4b:s11+s21] =	stream.indirect_vreg.scatter [tilespmem:s16], [sflag:$0x3], $0x80, v25, vm1, $0xb8;
	[tilespmem:$0x19800] =	vst v63  }
0x23d: {  	v25 =	vld [tilespmem:s0+$0x6030];
	_ =	sdelay $0x4  }
0x23e: {  	v26 =	vshrl.u32 v25, $0x3  }
0x23f: {  	v26 =	vmul.u32 $0x18, v26  }
0x240: {  	v25 =	vand.u32 $0x7, v25  }
0x241: {  	v25 =	vor.u32 v25, v26  }
0x242: {  	v26 =	vperm.xlane v25, v22;
	_ =	sdelay $0x1  }
0x243: {  	v26 =	vadd.s32 v23, v26;
	_ =	sdelay $0x1  }
0x244: {  	v25 =	vperm.xlane v25, v24;
	_ =	sdelay $0x1  }
0x245: {  	v25 =	vadd.s32 v23, v25  }
0x246: {  	[hbm4b:s7+s21] =	stream.indirect_vreg.scatter [tilespmem:s5], [sflag:$0x3], $0x80, v26, vm0, $0xb8;
	[tilespmem:$0x19800] =	vst v63  }
0x247: {  	_ = 	snop  }
0x248: {  	[hbm4b:s11+s21] =	stream.indirect_vreg.scatter [tilespmem:s6], [sflag:$0x3], $0x80, v26, vm1, $0xb8;
	[tilespmem:$0x19800] =	vst v63  }
0x249: {  	_ = 	snop  }
0x24a: {  	[hbm4b:s7+s21] =	stream.indirect_vreg.scatter [tilespmem:s8], [sflag:$0x3], $0x80, v25, vm0, $0xb8;
	[tilespmem:$0x19800] =	vst v63  }
0x24b: {  	_ = 	snop  }
0x24c: {  	[hbm4b:s11+s21] =	stream.indirect_vreg.scatter [tilespmem:s9], [sflag:$0x3], $0x80, v25, vm1, $0xb8;
	[tilespmem:$0x19800] =	vst v63  }
0x24d: {  	s26 =	sadd.s32 $0x900, s20;
	s28 =	simm.s32 $0xB800  }
0x24e: {  	[tilespmem:s28], [sflag:$0x1] =	stream.indirect.gather [hbm4b:s3+s17], $0x80, s26, s17, $0xb8;
	[tilespmem:$0x19800] =	vst v63  }
0x24f: {  	s29 =	sadd.s32 $0x6100, s20;
	s30 =	simm.s32 $0xD800  }
0x250: {  	[tilespmem:s30], [sflag:$0x1] =	stream.indirect.gather [hbm4b:s4+s17], $0x80, s29, s17, $0xb8;
	[tilespmem:$0x19800] =	vst v63  }
0x251: {  	_ =	swait.ge [sflag:s10], $0x2000  }
0x252: {  	[sflag:s10] =	ssyncset.done $0x0  }
0x253: {  	[sflag:s10] =	ssyncadd.s32 $0xFFFFE000  }
0x254: {  	_ =	swait.ge [sflag:s10], $0x2000  }
0x255: {  	[sflag:s10] =	ssyncset.done $0x0  }
0x256: {  	[sflag:s10] =	ssyncadd.s32 $0xFFFFE000  }
0x257: {  	_ =	swait.ge [sflag:s12], $0x6000  }
0x258: {  	s20 =	simm.s32 $0xF900;
	[sflag:s12] =	ssyncset.done $0x0  }
0x259: {  	s18 =	simm.s32 $0xFFFFFFFC;
	s19 =	simm.s32 $0x11900;
	[sflag:s12] =	ssyncadd.s32 $0xFFFFA000  }
.LBB2_7:
0x25a: {  	v25 =	vld [tilespmem:s20+$0xFFFFFF00]  }
0x25b: {  	v26 =	vld [tilespmem:s19+$0xFFFFFF00]  }
0x25c: {  	v27 =	vld [tilespmem:s20+$0xFFFFFF10]  }
0x25d: {  	v28 =	vld [tilespmem:s19+$0xFFFFFF10];
	_ =	sdelay $0x1  }
0x25e: {  	v29 =	vunpack.i.l.bf16.f32 v25  }
0x25f: {  	v30 =	vunpack.i.l.bf16.f32 v26;
	v31 =	vunpack.i.u.bf16.f32 v25;
	v25 =	vunpack.i.u.bf16.f32 v26  }
0x260: {  	v32 =	vunpack.i.l.bf16.f32 v27;
	v26 =	vadd.f32 v30, v29;
	v25 =	vadd.f32 v25, v31  }
0x261: {  	v33 =	vunpack.i.l.bf16.f32 v28;
	v27 =	vunpack.i.u.bf16.f32 v27;
	v28 =	vunpack.i.u.bf16.f32 v28  }
0x262: {  	v33 =	vadd.f32 v33, v32;
	v30 =	vmul.f32 $2.000000030e-01, v26;
	v34 =	vmul.f32 $2.000000030e-01, v25  }
0x263: {  	v28 =	vadd.f32 v28, v27  }
0x264: {  	v44 =	vmul.f32 $2.000000030e-01, v33;
	v26 =	vmax.f32 v26, v30;
	v25 =	vmax.f32 v25, v34  }
0x265: {  	v26 =	vmul.f32 v26, v6;
	v25 =	vmul.f32 v25, v7  }
0x266: {  	v45 =	vmul.f32 $2.000000030e-01, v28;
	v30 =	vmax.f32 v33, v44  }
0x267: {  	v25 =	vadd.f32 v26, v25;
	v26 =	vmul.f32 v30, v8  }
0x268: {  	v28 =	vmax.f32 v28, v45  }
0x269: {  	v25 =	vadd.f32 v26, v25;
	v26 =	vmul.f32 v28, v9;
	_ =	sdelay $0x1  }
0x26a: {  	v25 =	vadd.f32 v25, v26;
	_ =	sdelay $0x1  }
0x26b: {  	(xrf2) =	vadd.scan.msk.f32 $0xffff, v25;
	_ =	sdelay $0x9  }
0x26c: {  	v25, _, _ =	vpop (xrf2)  }
0x26d: {  	v25 =	vmul.f32 $1.442695020e+00, v25;
	_ =	sdelay $0x1  }
0x26e: {  	v25 =	vbroadcast v25, $0xF;
	_ =	sdelay $0x1  }
0x26f: {  	(erf) = vpow2.f32 v25;
	_ =	sdelay $0x4  }
0x270: {  	s18 =	sadd.s32 $0x4, s18  }
0x271: {  	s0 =	sshrl.u32 s18, $0x3  }
0x272: {  	s0 =	smul.u32 $0x3000, s0;
	_ =	sdelay $0x1  }
0x273: {  	s24 =	sshra.s32 s0, $0x2;
	v25 =	vpop (erf)  }
0x274: {  	s23 =	sand.u32 $0x200, s21;
	s26 =	sadd.s32 $0x13800, s24;
	v26 =	vmul.f32 v25, v29  }
0x275: {  	s30 =	sor.u32 s23, s26;
	v46 =	vmul.f32 v25, v31  }
0x276: {  	v27 =	vmul.f32 v25, v27;
	[tilespmem:s30+$0x0] =	vst v26  }
0x277: {  	v26 =	vmul.f32 v25, v32;
	[tilespmem:s30+$0x10] =	vst v46  }
0x278: {  	[tilespmem:s30+$0x30] =	vst v27  }
0x279: {  	[tilespmem:s30+$0x20] =	vst v26  }
0x27a: {  	v26 =	vld [tilespmem:s20+$0xFFFFFF20]  }
0x27b: {  	v27 =	vld [tilespmem:s19+$0xFFFFFF20]  }
0x27c: {  	v28 =	vld [tilespmem:s20+$0xFFFFFF30]  }
0x27d: {  	v47 =	vld [tilespmem:s19+$0xFFFFFF30];
	_ =	sdelay $0x1  }
0x27e: {  	v48 =	vunpack.i.l.bf16.f32 v26  }
0x27f: {  	v49 =	vunpack.i.l.bf16.f32 v27;
	v50 =	vunpack.i.u.bf16.f32 v26;
	v26 =	vunpack.i.u.bf16.f32 v27  }
0x280: {  	v51 =	vunpack.i.l.bf16.f32 v28;
	v27 =	vadd.f32 v49, v48;
	v26 =	vadd.f32 v26, v50  }
0x281: {  	v52 =	vunpack.i.l.bf16.f32 v47;
	v28 =	vunpack.i.u.bf16.f32 v28;
	v29 =	vunpack.i.u.bf16.f32 v47  }
0x282: {  	v34 =	vadd.f32 v52, v51;
	v31 =	vmul.f32 $2.000000030e-01, v27;
	v35 =	vmul.f32 $2.000000030e-01, v26  }
0x283: {  	v29 =	vadd.f32 v29, v28  }
0x284: {  	v53 =	vmul.f32 $2.000000030e-01, v34;
	v27 =	vmax.f32 v27, v31;
	v26 =	vmax.f32 v26, v35  }
0x285: {  	v27 =	vmul.f32 v27, v10;
	v26 =	vmul.f32 v26, v11  }
0x286: {  	v54 =	vmul.f32 $2.000000030e-01, v29;
	v31 =	vmax.f32 v34, v53  }
0x287: {  	v26 =	vadd.f32 v27, v26;
	v27 =	vmul.f32 v31, v12  }
0x288: {  	v29 =	vmax.f32 v29, v54  }
0x289: {  	v26 =	vadd.f32 v27, v26;
	v27 =	vmul.f32 v29, v13;
	_ =	sdelay $0x1  }
0x28a: {  	v26 =	vadd.f32 v26, v27;
	_ =	sdelay $0x1  }
0x28b: {  	(xrf2) =	vadd.scan.msk.f32 $0xffff, v26;
	_ =	sdelay $0x9  }
0x28c: {  	v26, _, _ =	vpop (xrf2)  }
0x28d: {  	v26 =	vmul.f32 $1.442695020e+00, v26;
	_ =	sdelay $0x1  }
0x28e: {  	v26 =	vbroadcast v26, $0xF;
	_ =	sdelay $0x1  }
0x28f: {  	(erf) = vpow2.f32 v26;
	_ =	sdelay $0x8  }
0x290: {  	v26 =	vpop (erf)  }
0x291: {  	v27 =	vmul.f32 v26, v48  }
0x292: {  	v55 =	vmul.f32 v26, v50  }
0x293: {  	v28 =	vmul.f32 v26, v28;
	[tilespmem:s30+$0x40] =	vst v27  }
0x294: {  	v27 =	vmul.f32 v26, v51;
	[tilespmem:s30+$0x50] =	vst v55  }
0x295: {  	[tilespmem:s30+$0x70] =	vst v28  }
0x296: {  	[tilespmem:s30+$0x60] =	vst v27  }
0x297: {  	v27 =	vld [tilespmem:s20+$0xFFFFFF40]  }
0x298: {  	v28 =	vld [tilespmem:s19+$0xFFFFFF40]  }
0x299: {  	v29 =	vld [tilespmem:s20+$0xFFFFFF50]  }
0x29a: {  	v56 =	vld [tilespmem:s19+$0xFFFFFF50];
	_ =	sdelay $0x1  }
0x29b: {  	v57 =	vunpack.i.l.bf16.f32 v27  }
0x29c: {  	v58 =	vunpack.i.l.bf16.f32 v28;
	v59 =	vunpack.i.u.bf16.f32 v27;
	v27 =	vunpack.i.u.bf16.f32 v28  }
0x29d: {  	v61 =	vunpack.i.l.bf16.f32 v29;
	v60 =	vadd.f32 v58, v57;
	v27 =	vadd.f32 v27, v59  }
0x29e: {  	v62 =	vunpack.i.l.bf16.f32 v56;
	v29 =	vunpack.i.u.bf16.f32 v29;
	v30 =	vunpack.i.u.bf16.f32 v56  }
0x29f: {  	v35 =	vadd.f32 v62, v61;
	v32 =	vmul.f32 $2.000000030e-01, v60;
	v36 =	vmul.f32 $2.000000030e-01, v27  }
0x2a0: {  	v30 =	vadd.f32 v30, v29  }
0x2a1: {  	v63 =	vmul.f32 $2.000000030e-01, v35;
	v28 =	vmax.f32 v60, v32;
	v27 =	vmax.f32 v27, v36  }
0x2a2: {  	v28 =	vmul.f32 v28, v14;
	v27 =	vmul.f32 v27, v15  }
0x2a3: {  	v32 =	vmax.f32 v35, v63;
	v36 =	vmul.f32 $2.000000030e-01, v30  }
0x2a4: {  	v37 =	vmul.f32 v32, v16;
	v27 =	vadd.f32 v28, v27  }
0x2a5: {  	v30 =	vmax.f32 v30, v36  }
0x2a6: {  	v38 =	vmul.f32 v30, v17;
	v27 =	vadd.f32 v37, v27;
	_ =	sdelay $0x1  }
0x2a7: {  	v27 =	vadd.f32 v27, v38;
	_ =	sdelay $0x1  }
0x2a8: {  	(xrf2) =	vadd.scan.msk.f32 $0xffff, v27;
	_ =	sdelay $0x9  }
0x2a9: {  	v27, _, _ =	vpop (xrf2)  }
0x2aa: {  	v27 =	vmul.f32 $1.442695020e+00, v27;
	_ =	sdelay $0x1  }
0x2ab: {  	v27 =	vbroadcast v27, $0xF;
	_ =	sdelay $0x1  }
0x2ac: {  	(erf) = vpow2.f32 v27;
	_ =	sdelay $0x8  }
0x2ad: {  	v27 =	vpop (erf)  }
0x2ae: {  	s28 =	sadd.s32 $0x13C00, s24;
	v39 =	vmul.f32 v27, v57  }
0x2af: {  	s25 =	sor.u32 s23, s28;
	v40 =	vmul.f32 v27, v59  }
0x2b0: {  	v41 =	vmul.f32 v27, v61;
	[tilespmem:s25+$0x0] =	vst v39  }
0x2b1: {  	v29 =	vmul.f32 v27, v29;
	[tilespmem:s25+$0x10] =	vst v40  }
0x2b2: {  	[tilespmem:s25+$0x20] =	vst v41  }
0x2b3: {  	[tilespmem:s25+$0x30] =	vst v29  }
0x2b4: {  	v29 =	vld [tilespmem:s20+$0xFFFFFF60]  }
0x2b5: {  	v30 =	vld [tilespmem:s19+$0xFFFFFF60]  }
0x2b6: {  	v49 =	vld [tilespmem:s20+$0xFFFFFF90]  }
0x2b7: {  	v48 =	vld [tilespmem:s19+$0xFFFFFF80]  }
0x2b8: {  	v47 =	vld [tilespmem:s20+$0xFFFFFF80]  }
0x2b9: {  	v28 =	vunpack.i.u.bf16.f32 v29  }
0x2ba: {  	v29 =	vunpack.i.l.bf16.f32 v29;
	v42 =	vunpack.i.u.bf16.f32 v30;
	v30 =	vunpack.i.l.bf16.f32 v30  }
0x2bb: {  	v46 =	vld [tilespmem:s19+$0xFFFFFF70];
	v30 =	vadd.f32 v30, v29;
	v31 =	vadd.f32 v42, v28  }
0x2bc: {  	v34 =	vunpack.i.u.bf16.f32 v49;
	v33 =	vunpack.i.u.bf16.f32 v48;
	v38 =	vld [tilespmem:s19+$0xFFFFFF90]  }
0x2bd: {  	v36 =	vunpack.i.u.bf16.f32 v47;
	v43 =	vld [tilespmem:s20+$0xFFFFFF70];
	v44 =	vmul.f32 $2.000000030e-01, v30;
	v45 =	vmul.f32 $2.000000030e-01, v31  }
0x2be: {  	v33 =	vadd.f32 v33, v36;
	v39 =	vunpack.i.l.bf16.f32 v47;
	v40 =	vunpack.i.l.bf16.f32 v48  }
0x2bf: {  	v40 =	vadd.f32 v40, v39;
	v30 =	vmax.f32 v30, v44;
	v31 =	vmax.f32 v31, v45  }
0x2c0: {  	v50 =	vunpack.i.u.bf16.f32 v46;
	v30 =	vmul.f32 v30, v18;
	v31 =	vmul.f32 v31, v19  }
0x2c1: {  	v35 =	vunpack.i.l.bf16.f32 v46;
	v46 =	vmul.f32 $2.000000030e-01, v33;
	v42 =	vmul.f32 $2.000000030e-01, v40  }
0x2c2: {  	v44 =	vunpack.i.l.bf16.f32 v38;
	v37 =	vadd.f32 v30, v31;
	v31 =	vunpack.i.l.bf16.f32 v43  }
0x2c3: {  	v30 =	vunpack.i.u.bf16.f32 v43;
	v43 =	vunpack.i.l.bf16.f32 v49;
	v35 =	vadd.f32 v35, v31  }
0x2c4: {  	v33 =	vmax.f32 v33, v46;
	v40 =	vmax.f32 v40, v42;
	v44 =	vadd.f32 v44, v43  }
0x2c5: {  	v38 =	vunpack.i.u.bf16.f32 v38;
	v32 =	vadd.f32 v50, v30;
	v41 =	vmul.f32 $2.000000030e-01, v35  }
0x2c6: {  	v33 =	vmul.f32 v33, v7;
	v38 =	vadd.f32 v38, v34;
	v51 =	vmul.f32 $2.000000030e-01, v44  }
0x2c7: {  	v40 =	vmul.f32 v40, v6;
	v45 =	vmul.f32 $2.000000030e-01, v32;
	v35 =	vmax.f32 v35, v41  }
0x2c8: {  	v53 =	vmul.f32 $2.000000030e-01, v38;
	v52 =	vmax.f32 v44, v51;
	v35 =	vmul.f32 v35, v20  }
0x2c9: {  	v33 =	vadd.f32 v40, v33;
	v32 =	vmax.f32 v32, v45;
	v54 =	vmul.f32 v52, v8  }
0x2ca: {  	v55 =	vmax.f32 v38, v53;
	v32 =	vmul.f32 v32, v21;
	v35 =	vadd.f32 v35, v37  }
0x2cb: {  	v33 =	vadd.f32 v54, v33;
	v37 =	vmul.f32 v55, v9  }
0x2cc: {  	v32 =	vadd.f32 v35, v32  }
0x2cd: {  	v33 =	vadd.f32 v33, v37  }
0x2ce: {  	(xrf2) =	vadd.scan.msk.f32 $0xffff, v32  }
0x2cf: {  	(xrf2) =	vadd.scan.msk.f32 $0xffff, v33;
	_ =	sdelay $0x8  }
0x2d0: {  	v32, _, _ =	vpop (xrf2)  }
0x2d1: {  	v32 =	vmul.f32 $1.442695020e+00, v32;
	v33, _, _ =	vpop (xrf2)  }
0x2d2: {  	v33 =	vmul.f32 $1.442695020e+00, v33  }
0x2d3: {  	v32 =	vbroadcast v32, $0xF  }
0x2d4: {  	v33 =	vbroadcast v33, $0xF  }
0x2d5: {  	(erf) = vpow2.f32 v32  }
0x2d6: {  	(erf) = vpow2.f32 v33;
	_ =	sdelay $0x7  }
0x2d7: {  	v32 =	vpop (erf)  }
0x2d8: {  	s1 =	sadd.s32 $0x80, s21;
	v33 =	vpop (erf)  }
0x2d9: {  	s29 =	sand.u32 $0x280, s1;
	v56 =	vmul.f32 v33, v39  }
0x2da: {  	s0 =	sor.u32 s29, s26;
	v36 =	vmul.f32 v33, v36  }
0x2db: {  	v57 =	vmul.f32 v33, v43;
	[tilespmem:s0+$0x0] =	vst v56  }
0x2dc: {  	v34 =	vmul.f32 v33, v34;
	[tilespmem:s0+$0x10] =	vst v36  }
0x2dd: {  	[tilespmem:s0+$0x20] =	vst v57  }
0x2de: {  	[tilespmem:s0+$0x30] =	vst v34  }
0x2df: {  	v34 =	vld [tilespmem:s20+$0xFFFFFFA0]  }
0x2e0: {  	v35 =	vld [tilespmem:s19+$0xFFFFFFA0]  }
0x2e1: {  	v36 =	vld [tilespmem:s20+$0xFFFFFFB0]  }
0x2e2: {  	v58 =	vld [tilespmem:s19+$0xFFFFFFB0];
	_ =	sdelay $0x1  }
0x2e3: {  	v59 =	vunpack.i.l.bf16.f32 v34  }
0x2e4: {  	v60 =	vunpack.i.l.bf16.f32 v35;
	v61 =	vunpack.i.u.bf16.f32 v34;
	v62 =	vunpack.i.u.bf16.f32 v35  }
0x2e5: {  	v45 =	vunpack.i.l.bf16.f32 v36;
	v63 =	vadd.f32 v60, v59;
	v34 =	vadd.f32 v62, v61  }
0x2e6: {  	v46 =	vunpack.i.l.bf16.f32 v58;
	v36 =	vunpack.i.u.bf16.f32 v36;
	v37 =	vunpack.i.u.bf16.f32 v58  }
0x2e7: {  	v42 =	vadd.f32 v46, v45;
	v39 =	vmul.f32 $2.000000030e-01, v63;
	v47 =	vmul.f32 $2.000000030e-01, v34  }
0x2e8: {  	v37 =	vadd.f32 v37, v36  }
0x2e9: {  	v48 =	vmul.f32 $2.000000030e-01, v42;
	v35 =	vmax.f32 v63, v39;
	v34 =	vmax.f32 v34, v47  }
0x2ea: {  	v35 =	vmul.f32 v35, v10;
	v34 =	vmul.f32 v34, v11  }
0x2eb: {  	v49 =	vmul.f32 $2.000000030e-01, v37;
	v39 =	vmax.f32 v42, v48  }
0x2ec: {  	v50 =	vmul.f32 v39, v12;
	v34 =	vadd.f32 v35, v34  }
0x2ed: {  	v37 =	vmax.f32 v37, v49  }
0x2ee: {  	v51 =	vmul.f32 v37, v13;
	v34 =	vadd.f32 v50, v34;
	_ =	sdelay $0x1  }
0x2ef: {  	v34 =	vadd.f32 v34, v51;
	_ =	sdelay $0x1  }
0x2f0: {  	(xrf2) =	vadd.scan.msk.f32 $0xffff, v34;
	_ =	sdelay $0x9  }
0x2f1: {  	v34, _, _ =	vpop (xrf2)  }
0x2f2: {  	v34 =	vmul.f32 $1.442695020e+00, v34;
	_ =	sdelay $0x1  }
0x2f3: {  	v34 =	vbroadcast v34, $0xF;
	_ =	sdelay $0x1  }
0x2f4: {  	(erf) = vpow2.f32 v34;
	_ =	sdelay $0x8  }
0x2f5: {  	v34 =	vpop (erf)  }
0x2f6: {  	v52 =	vmul.f32 v34, v59  }
0x2f7: {  	v53 =	vmul.f32 v34, v61  }
0x2f8: {  	v54 =	vmul.f32 v34, v45;
	[tilespmem:s0+$0x40] =	vst v52  }
0x2f9: {  	v36 =	vmul.f32 v34, v36;
	[tilespmem:s0+$0x50] =	vst v53  }
0x2fa: {  	[tilespmem:s0+$0x60] =	vst v54  }
0x2fb: {  	[tilespmem:s0+$0x70] =	vst v36  }
0x2fc: {  	v35 =	vld [tilespmem:s20+$0xFFFFFFC0]  }
0x2fd: {  	v36 =	vld [tilespmem:s19+$0xFFFFFFC0]  }
0x2fe: {  	v37 =	vld [tilespmem:s20+$0xFFFFFFD0]  }
0x2ff: {  	v55 =	vld [tilespmem:s19+$0xFFFFFFD0];
	_ =	sdelay $0x1  }
0x300: {  	v56 =	vunpack.i.l.bf16.f32 v35  }
0x301: {  	v57 =	vunpack.i.l.bf16.f32 v36;
	v58 =	vunpack.i.u.bf16.f32 v35;
	v59 =	vunpack.i.u.bf16.f32 v36  }
0x302: {  	v61 =	vunpack.i.l.bf16.f32 v37;
	v60 =	vadd.f32 v57, v56;
	v35 =	vadd.f32 v59, v58  }
0x303: {  	v62 =	vunpack.i.l.bf16.f32 v55;
	v37 =	vunpack.i.u.bf16.f32 v37;
	v38 =	vunpack.i.u.bf16.f32 v55  }
0x304: {  	v43 =	vadd.f32 v62, v61;
	v40 =	vmul.f32 $2.000000030e-01, v60;
	v63 =	vmul.f32 $2.000000030e-01, v35  }
0x305: {  	v38 =	vadd.f32 v38, v37  }
0x306: {  	v47 =	vmul.f32 $2.000000030e-01, v43;
	v36 =	vmax.f32 v60, v40;
	v35 =	vmax.f32 v35, v63  }
0x307: {  	v36 =	vmul.f32 v36, v14;
	v35 =	vmul.f32 v35, v15  }
0x308: {  	v48 =	vmul.f32 $2.000000030e-01, v38;
	v40 =	vmax.f32 v43, v47  }
0x309: {  	v49 =	vmul.f32 v40, v16;
	v35 =	vadd.f32 v36, v35  }
0x30a: {  	v38 =	vmax.f32 v38, v48  }
0x30b: {  	v50 =	vmul.f32 v38, v17;
	v35 =	vadd.f32 v49, v35;
	_ =	sdelay $0x1  }
0x30c: {  	v35 =	vadd.f32 v35, v50;
	_ =	sdelay $0x1  }
0x30d: {  	(xrf2) =	vadd.scan.msk.f32 $0xffff, v35;
	_ =	sdelay $0x9  }
0x30e: {  	v35, _, _ =	vpop (xrf2)  }
0x30f: {  	v35 =	vmul.f32 $1.442695020e+00, v35;
	_ =	sdelay $0x1  }
0x310: {  	v35 =	vbroadcast v35, $0xF;
	_ =	sdelay $0x1  }
0x311: {  	(erf) = vpow2.f32 v35;
	_ =	sdelay $0x8  }
0x312: {  	v35 =	vpop (erf)  }
0x313: {  	v51 =	vmul.f32 v35, v56  }
0x314: {  	s30 =	sor.u32 s29, s28;
	v52 =	vmul.f32 v35, v58  }
0x315: {  	v53 =	vmul.f32 v35, v61;
	[tilespmem:s30+$0x0] =	vst v51  }
0x316: {  	v37 =	vmul.f32 v35, v37;
	[tilespmem:s30+$0x10] =	vst v52  }
0x317: {  	[tilespmem:s30+$0x20] =	vst v53  }
0x318: {  	[tilespmem:s30+$0x30] =	vst v37  }
0x319: {  	v37 =	vld [tilespmem:s20+$0xFFFFFFE0]  }
0x31a: {  	v38 =	vld [tilespmem:s19+$0xFFFFFFE0]  }
0x31b: {  	v59 =	vld [tilespmem:s20+$0x0]  }
0x31c: {  	v60 =	vld [tilespmem:s19+$0x0];
	_ =	sdelay $0x1  }
0x31d: {  	v63 =	vld [tilespmem:s19+$0x10];
	v36 =	vunpack.i.u.bf16.f32 v37  }
0x31e: {  	v37 =	vunpack.i.l.bf16.f32 v37;
	v54 =	vunpack.i.u.bf16.f32 v38;
	v38 =	vunpack.i.l.bf16.f32 v38  }
0x31f: {  	v61 =	vld [tilespmem:s20+$0x10];
	v38 =	vadd.f32 v38, v37;
	v39 =	vadd.f32 v54, v36  }
0x320: {  	v47 =	vunpack.i.l.bf16.f32 v59;
	v48 =	vunpack.i.l.bf16.f32 v60;
	v55 =	vld [tilespmem:s20+$0xFFFFFFF0]  }
0x321: {  	v48 =	vadd.f32 v48, v47;
	v58 =	vld [tilespmem:s19+$0xFFFFFFF0];
	v56 =	vmul.f32 $2.000000030e-01, v38;
	v57 =	vmul.f32 $2.000000030e-01, v39  }
0x322: {  	v44 =	vunpack.i.u.bf16.f32 v59;
	v41 =	vunpack.i.u.bf16.f32 v60;
	v46 =	vunpack.i.u.bf16.f32 v63  }
0x323: {  	v50 =	vmul.f32 $2.000000030e-01, v48;
	v38 =	vmax.f32 v38, v56;
	v39 =	vmax.f32 v39, v57  }
0x324: {  	v41 =	vadd.f32 v41, v44;
	v38 =	vmul.f32 v38, v18;
	v39 =	vmul.f32 v39, v19  }
0x325: {  	v48 =	vmax.f32 v48, v50;
	v52 =	vunpack.i.l.bf16.f32 v63;
	v51 =	vunpack.i.l.bf16.f32 v61  }
0x326: {  	v43 =	vunpack.i.l.bf16.f32 v58;
	v62 =	vadd.f32 v38, v39;
	v39 =	vunpack.i.l.bf16.f32 v55  }
0x327: {  	v48 =	vmul.f32 v48, v6;
	v52 =	vadd.f32 v52, v51;
	v43 =	vadd.f32 v43, v39  }
0x328: {  	v54 =	vmul.f32 $2.000000030e-01, v41;
	v38 =	vunpack.i.u.bf16.f32 v55;
	v55 =	vunpack.i.u.bf16.f32 v58  }
0x329: {  	v42 =	vunpack.i.u.bf16.f32 v61;
	v40 =	vadd.f32 v55, v38;
	v49 =	vmul.f32 $2.000000030e-01, v43  }
0x32a: {  	v46 =	vadd.f32 v46, v42;
	v41 =	vmax.f32 v41, v54;
	v56 =	vmul.f32 $2.000000030e-01, v52  }
0x32b: {  	v41 =	vmul.f32 v41, v7;
	v53 =	vmul.f32 $2.000000030e-01, v40;
	v43 =	vmax.f32 v43, v49  }
0x32c: {  	v57 =	vmax.f32 v52, v56;
	v58 =	vmul.f32 $2.000000030e-01, v46;
	v43 =	vmul.f32 v43, v20  }
0x32d: {  	v41 =	vadd.f32 v48, v41;
	v59 =	vmul.f32 v57, v8;
	v40 =	vmax.f32 v40, v53  }
0x32e: {  	v60 =	vmax.f32 v46, v58;
	v40 =	vmul.f32 v40, v21;
	v43 =	vadd.f32 v43, v62  }
0x32f: {  	v41 =	vadd.f32 v59, v41;
	v45 =	vmul.f32 v60, v9  }
0x330: {  	v40 =	vadd.f32 v43, v40  }
0x331: {  	v41 =	vadd.f32 v41, v45  }
0x332: {  	(xrf2) =	vadd.scan.msk.f32 $0xffff, v40  }
0x333: {  	(xrf2) =	vadd.scan.msk.f32 $0xffff, v41;
	_ =	sdelay $0x8  }
0x334: {  	v40, _, _ =	vpop (xrf2)  }
0x335: {  	v40 =	vmul.f32 $1.442695020e+00, v40;
	v41, _, _ =	vpop (xrf2)  }
0x336: {  	v41 =	vmul.f32 $1.442695020e+00, v41  }
0x337: {  	v40 =	vbroadcast v40, $0xF  }
0x338: {  	v41 =	vbroadcast v41, $0xF  }
0x339: {  	(erf) = vpow2.f32 v40  }
0x33a: {  	(erf) = vpow2.f32 v41;
	_ =	sdelay $0x7  }
0x33b: {  	v40 =	vpop (erf)  }
0x33c: {  	s15 =	sadd.s32 $0x100, s21;
	v41 =	vpop (erf)  }
0x33d: {  	s1 =	sand.u32 $0x300, s15;
	v61 =	vmul.f32 v41, v47  }
0x33e: {  	s0 =	sor.u32 s1, s26;
	v44 =	vmul.f32 v41, v44  }
0x33f: {  	v62 =	vmul.f32 v41, v51;
	[tilespmem:s0+$0x0] =	vst v61  }
0x340: {  	v42 =	vmul.f32 v41, v42;
	[tilespmem:s0+$0x10] =	vst v44  }
0x341: {  	[tilespmem:s0+$0x20] =	vst v62  }
0x342: {  	[tilespmem:s0+$0x30] =	vst v42  }
0x343: {  	v42 =	vld [tilespmem:s20+$0x20]  }
0x344: {  	v43 =	vld [tilespmem:s19+$0x20]  }
0x345: {  	v44 =	vld [tilespmem:s20+$0x30]  }
0x346: {  	v63 =	vld [tilespmem:s19+$0x30];
	_ =	sdelay $0x1  }
0x347: {  	v54 =	vunpack.i.l.bf16.f32 v42  }
0x348: {  	v55 =	vunpack.i.l.bf16.f32 v43;
	v56 =	vunpack.i.u.bf16.f32 v42;
	v57 =	vunpack.i.u.bf16.f32 v43  }
0x349: {  	v59 =	vunpack.i.l.bf16.f32 v44;
	v58 =	vadd.f32 v55, v54;
	v42 =	vadd.f32 v57, v56  }
0x34a: {  	v60 =	vunpack.i.l.bf16.f32 v63;
	v44 =	vunpack.i.u.bf16.f32 v44;
	v45 =	vunpack.i.u.bf16.f32 v63  }
0x34b: {  	v50 =	vadd.f32 v60, v59;
	v47 =	vmul.f32 $2.000000030e-01, v58;
	v61 =	vmul.f32 $2.000000030e-01, v42  }
0x34c: {  	v45 =	vadd.f32 v45, v44  }
0x34d: {  	v62 =	vmul.f32 $2.000000030e-01, v50;
	v43 =	vmax.f32 v58, v47;
	v42 =	vmax.f32 v42, v61  }
0x34e: {  	v43 =	vmul.f32 v43, v10;
	v42 =	vmul.f32 v42, v11  }
0x34f: {  	v63 =	vmul.f32 $2.000000030e-01, v45;
	v47 =	vmax.f32 v50, v62  }
0x350: {  	v52 =	vmul.f32 v47, v12;
	v42 =	vadd.f32 v43, v42  }
0x351: {  	v45 =	vmax.f32 v45, v63  }
0x352: {  	v53 =	vmul.f32 v45, v13;
	v42 =	vadd.f32 v52, v42;
	_ =	sdelay $0x1  }
0x353: {  	v42 =	vadd.f32 v42, v53;
	_ =	sdelay $0x1  }
0x354: {  	(xrf2) =	vadd.scan.msk.f32 $0xffff, v42;
	_ =	sdelay $0x9  }
0x355: {  	v42, _, _ =	vpop (xrf2)  }
0x356: {  	v42 =	vmul.f32 $1.442695020e+00, v42;
	_ =	sdelay $0x1  }
0x357: {  	v42 =	vbroadcast v42, $0xF;
	_ =	sdelay $0x1  }
0x358: {  	(erf) = vpow2.f32 v42;
	_ =	sdelay $0x8  }
0x359: {  	v42 =	vpop (erf)  }
0x35a: {  	v54 =	vmul.f32 v42, v54  }
0x35b: {  	v55 =	vmul.f32 v42, v56  }
0x35c: {  	v56 =	vmul.f32 v42, v59;
	[tilespmem:s0+$0x40] =	vst v54  }
0x35d: {  	v44 =	vmul.f32 v42, v44;
	[tilespmem:s0+$0x50] =	vst v55  }
0x35e: {  	[tilespmem:s0+$0x60] =	vst v56  }
0x35f: {  	[tilespmem:s0+$0x70] =	vst v44  }
0x360: {  	v43 =	vld [tilespmem:s20+$0x40]  }
0x361: {  	v44 =	vld [tilespmem:s19+$0x40]  }
0x362: {  	v45 =	vld [tilespmem:s20+$0x50]  }
0x363: {  	v57 =	vld [tilespmem:s19+$0x50];
	_ =	sdelay $0x1  }
0x364: {  	v47 =	vunpack.i.l.bf16.f32 v43  }
0x365: {  	v58 =	vunpack.i.l.bf16.f32 v44;
	v49 =	vunpack.i.u.bf16.f32 v43;
	v59 =	vunpack.i.u.bf16.f32 v44  }
0x366: {  	v61 =	vunpack.i.l.bf16.f32 v45;
	v60 =	vadd.f32 v58, v47;
	v43 =	vadd.f32 v59, v49  }
0x367: {  	v62 =	vunpack.i.l.bf16.f32 v57;
	v45 =	vunpack.i.u.bf16.f32 v45;
	v46 =	vunpack.i.u.bf16.f32 v57  }
0x368: {  	v51 =	vadd.f32 v62, v61;
	v48 =	vmul.f32 $2.000000030e-01, v60;
	v63 =	vmul.f32 $2.000000030e-01, v43  }
0x369: {  	v46 =	vadd.f32 v46, v45  }
0x36a: {  	v55 =	vmul.f32 $2.000000030e-01, v51;
	v44 =	vmax.f32 v60, v48;
	v43 =	vmax.f32 v43, v63  }
0x36b: {  	v44 =	vmul.f32 v44, v14;
	v43 =	vmul.f32 v43, v15  }
0x36c: {  	v56 =	vmul.f32 $2.000000030e-01, v46;
	v48 =	vmax.f32 v51, v55  }
0x36d: {  	v57 =	vmul.f32 v48, v16;
	v43 =	vadd.f32 v44, v43  }
0x36e: {  	v46 =	vmax.f32 v46, v56  }
0x36f: {  	v58 =	vmul.f32 v46, v17;
	v43 =	vadd.f32 v57, v43;
	_ =	sdelay $0x1  }
0x370: {  	v43 =	vadd.f32 v43, v58;
	_ =	sdelay $0x1  }
0x371: {  	(xrf2) =	vadd.scan.msk.f32 $0xffff, v43;
	_ =	sdelay $0x9  }
0x372: {  	v43, _, _ =	vpop (xrf2)  }
0x373: {  	v43 =	vmul.f32 $1.442695020e+00, v43;
	_ =	sdelay $0x1  }
0x374: {  	v43 =	vbroadcast v43, $0xF;
	_ =	sdelay $0x1  }
0x375: {  	(erf) = vpow2.f32 v43;
	_ =	sdelay $0x8  }
0x376: {  	v43 =	vpop (erf)  }
0x377: {  	v59 =	vmul.f32 v43, v47  }
0x378: {  	s0 =	sor.u32 s1, s28;
	v60 =	vmul.f32 v43, v49  }
0x379: {  	v61 =	vmul.f32 v43, v61;
	[tilespmem:s0+$0x0] =	vst v59  }
0x37a: {  	v45 =	vmul.f32 v43, v45;
	[tilespmem:s0+$0x10] =	vst v60  }
0x37b: {  	[tilespmem:s0+$0x20] =	vst v61  }
0x37c: {  	[tilespmem:s0+$0x30] =	vst v45  }
0x37d: {  	v45 =	vld [tilespmem:s20+$0x60]  }
0x37e: {  	v46 =	vld [tilespmem:s19+$0x60];
	_ =	sdelay $0x3  }
0x37f: {  	v44 =	vunpack.i.u.bf16.f32 v45  }
0x380: {  	v61 =	vld [tilespmem:s20+$0x80];
	v45 =	vunpack.i.l.bf16.f32 v45;
	v62 =	vunpack.i.u.bf16.f32 v46;
	v46 =	vunpack.i.l.bf16.f32 v46  }
0x381: {  	v48 =	vld [tilespmem:s20+$0x70];
	v46 =	vadd.f32 v46, v45;
	v47 =	vadd.f32 v62, v44  }
0x382: {  	v63 =	vld [tilespmem:s19+$0x70]  }
0x383: {  	v62 =	vld [tilespmem:s19+$0x80];
	v59 =	vmul.f32 $2.000000030e-01, v46;
	v60 =	vmul.f32 $2.000000030e-01, v47;
	_ =	sdelay $0x1  }
0x384: {  	v50 =	vld [tilespmem:s20+$0x90];
	v46 =	vmax.f32 v46, v59;
	v47 =	vmax.f32 v47, v60  }
0x385: {  	v54 =	vld [tilespmem:s19+$0x90];
	v46 =	vmul.f32 v46, v18;
	v47 =	vmul.f32 v47, v19  }
0x386: {  	v56 =	vunpack.i.l.bf16.f32 v61;
	v52 =	vunpack.i.u.bf16.f32 v61;
	v55 =	vunpack.i.l.bf16.f32 v63  }
0x387: {  	v57 =	vunpack.i.l.bf16.f32 v62;
	v51 =	vadd.f32 v46, v47;
	v46 =	vunpack.i.l.bf16.f32 v48  }
0x388: {  	v47 =	vunpack.i.u.bf16.f32 v48;
	v48 =	vadd.f32 v55, v46;
	v55 =	vadd.f32 v57, v56  }
0x389: {  	v49 =	vunpack.i.u.bf16.f32 v63;
	v59 =	vunpack.i.l.bf16.f32 v50;
	v53 =	vunpack.i.u.bf16.f32 v62  }
0x38a: {  	v60 =	vunpack.i.l.bf16.f32 v54;
	v53 =	vadd.f32 v53, v52;
	v58 =	vmul.f32 $2.000000030e-01, v55  }
0x38b: {  	v50 =	vunpack.i.u.bf16.f32 v50;
	v54 =	vunpack.i.u.bf16.f32 v54;
	v60 =	vadd.f32 v60, v59  }
0x38c: {  	v49 =	vadd.f32 v49, v47;
	v55 =	vmax.f32 v55, v58;
	v58 =	vmul.f32 $2.000000030e-01, v53  }
0x38d: {  	v54 =	vadd.f32 v54, v50;
	v57 =	vmul.f32 $2.000000030e-01, v48  }
0x38e: {  	v63 =	vmul.f32 $2.000000030e-01, v60;
	v61 =	vmul.f32 $2.000000030e-01, v49;
	v53 =	vmax.f32 v53, v58  }
0x38f: {  	v48 =	vmax.f32 v48, v57;
	v55 =	vmul.f32 v55, v6;
	v53 =	vmul.f32 v53, v7  }
0x390: {  	v62 =	vmax.f32 v60, v63;
	v63 =	vmul.f32 $2.000000030e-01, v54;
	v48 =	vmul.f32 v48, v20  }
0x391: {  	v49 =	vmax.f32 v49, v61;
	v57 =	vmul.f32 v62, v8;
	v53 =	vadd.f32 v55, v53  }
0x392: {  	v49 =	vmul.f32 v49, v21;
	v58 =	vmax.f32 v54, v63;
	v48 =	vadd.f32 v48, v51  }
0x393: {  	v51 =	vmul.f32 v58, v9;
	v53 =	vadd.f32 v57, v53  }
0x394: {  	v48 =	vadd.f32 v48, v49  }
0x395: {  	v60 =	vadd.f32 v53, v51  }
0x396: {  	(xrf2) =	vadd.scan.msk.f32 $0xffff, v48  }
0x397: {  	(xrf2) =	vadd.scan.msk.f32 $0xffff, v60;
	_ =	sdelay $0x8  }
0x398: {  	v48, _, _ =	vpop (xrf2)  }
0x399: {  	v48 =	vmul.f32 $1.442695020e+00, v48;
	v49, _, _ =	vpop (xrf2)  }
0x39a: {  	v49 =	vmul.f32 $1.442695020e+00, v49  }
0x39b: {  	v48 =	vbroadcast v48, $0xF  }
0x39c: {  	v49 =	vbroadcast v49, $0xF  }
0x39d: {  	(erf) = vpow2.f32 v48  }
0x39e: {  	(erf) = vpow2.f32 v49;
	_ =	sdelay $0x7  }
0x39f: {  	v48 =	vpop (erf)  }
0x3a0: {  	s15 =	sadd.s32 $0x180, s21;
	v49 =	vpop (erf)  }
0x3a1: {  	s15 =	sand.u32 $0x380, s15;
	v61 =	vmul.f32 v49, v56  }
0x3a2: {  	s26 =	sor.u32 s15, s26;
	v52 =	vmul.f32 v49, v52  }
0x3a3: {  	v62 =	vmul.f32 v49, v59;
	[tilespmem:s26+$0x0] =	vst v61  }
0x3a4: {  	v50 =	vmul.f32 v49, v50;
	[tilespmem:s26+$0x10] =	vst v52  }
0x3a5: {  	[tilespmem:s26+$0x20] =	vst v62  }
0x3a6: {  	[tilespmem:s26+$0x30] =	vst v50  }
0x3a7: {  	v50 =	vld [tilespmem:s20+$0xA0]  }
0x3a8: {  	v51 =	vld [tilespmem:s19+$0xA0]  }
0x3a9: {  	v52 =	vld [tilespmem:s20+$0xB0]  }
0x3aa: {  	v53 =	vld [tilespmem:s19+$0xB0];
	_ =	sdelay $0x1  }
0x3ab: {  	v54 =	vunpack.i.l.bf16.f32 v50  }
0x3ac: {  	v63 =	vunpack.i.l.bf16.f32 v51;
	v56 =	vunpack.i.u.bf16.f32 v50;
	v60 =	vunpack.i.u.bf16.f32 v51  }
0x3ad: {  	v57 =	vunpack.i.l.bf16.f32 v52;
	v61 =	vadd.f32 v63, v54;
	v50 =	vadd.f32 v60, v56  }
0x3ae: {  	v62 =	vunpack.i.l.bf16.f32 v53;
	v52 =	vunpack.i.u.bf16.f32 v52;
	v53 =	vunpack.i.u.bf16.f32 v53  }
0x3af: {  	v58 =	vadd.f32 v62, v57;
	v55 =	vmul.f32 $2.000000030e-01, v61;
	v63 =	vmul.f32 $2.000000030e-01, v50  }
0x3b0: {  	v53 =	vadd.f32 v53, v52  }
0x3b1: {  	v59 =	vmul.f32 $2.000000030e-01, v58;
	v51 =	vmax.f32 v61, v55;
	v50 =	vmax.f32 v50, v63  }
0x3b2: {  	v51 =	vmul.f32 v51, v10;
	v50 =	vmul.f32 v50, v11  }
0x3b3: {  	v60 =	vmul.f32 $2.000000030e-01, v53;
	v55 =	vmax.f32 v58, v59  }
0x3b4: {  	v61 =	vmul.f32 v55, v12;
	v50 =	vadd.f32 v51, v50  }
0x3b5: {  	v53 =	vmax.f32 v53, v60  }
0x3b6: {  	v62 =	vmul.f32 v53, v13;
	v50 =	vadd.f32 v61, v50;
	_ =	sdelay $0x1  }
0x3b7: {  	v50 =	vadd.f32 v50, v62;
	_ =	sdelay $0x1  }
0x3b8: {  	(xrf2) =	vadd.scan.msk.f32 $0xffff, v50;
	_ =	sdelay $0x9  }
0x3b9: {  	v50, _, _ =	vpop (xrf2)  }
0x3ba: {  	v50 =	vmul.f32 $1.442695020e+00, v50;
	_ =	sdelay $0x1  }
0x3bb: {  	v50 =	vbroadcast v50, $0xF;
	_ =	sdelay $0x1  }
0x3bc: {  	(erf) = vpow2.f32 v50;
	_ =	sdelay $0x8  }
0x3bd: {  	v50 =	vpop (erf)  }
0x3be: {  	v63 =	vmul.f32 v50, v54  }
0x3bf: {  	v58 =	vmul.f32 v50, v56  }
0x3c0: {  	v59 =	vmul.f32 v50, v57;
	[tilespmem:s26+$0x40] =	vst v63  }
0x3c1: {  	v52 =	vmul.f32 v50, v52;
	[tilespmem:s26+$0x50] =	vst v58  }
0x3c2: {  	[tilespmem:s26+$0x60] =	vst v59  }
0x3c3: {  	[tilespmem:s26+$0x70] =	vst v52  }
0x3c4: {  	v51 =	vld [tilespmem:s20+$0xC0]  }
0x3c5: {  	v52 =	vld [tilespmem:s19+$0xC0]  }
0x3c6: {  	v53 =	vld [tilespmem:s20+$0xD0]  }
0x3c7: {  	v54 =	vld [tilespmem:s19+$0xD0];
	_ =	sdelay $0x1  }
0x3c8: {  	v55 =	vunpack.i.l.bf16.f32 v51  }
0x3c9: {  	v60 =	vunpack.i.l.bf16.f32 v52;
	v51 =	vunpack.i.u.bf16.f32 v51;
	v52 =	vunpack.i.u.bf16.f32 v52  }
0x3ca: {  	v58 =	vunpack.i.l.bf16.f32 v53;
	v56 =	vadd.f32 v60, v55;
	v52 =	vadd.f32 v52, v51  }
0x3cb: {  	v59 =	vunpack.i.l.bf16.f32 v54;
	v53 =	vunpack.i.u.bf16.f32 v53;
	v54 =	vunpack.i.u.bf16.f32 v54  }
0x3cc: {  	v59 =	vadd.f32 v59, v58;
	v57 =	vmul.f32 $2.000000030e-01, v56;
	v60 =	vmul.f32 $2.000000030e-01, v52  }
0x3cd: {  	v54 =	vadd.f32 v54, v53  }
0x3ce: {  	v61 =	vmul.f32 $2.000000030e-01, v59;
	v56 =	vmax.f32 v56, v57;
	v52 =	vmax.f32 v52, v60  }
0x3cf: {  	v56 =	vmul.f32 v56, v14;
	v52 =	vmul.f32 v52, v15  }
0x3d0: {  	v62 =	vmul.f32 $2.000000030e-01, v54;
	v57 =	vmax.f32 v59, v61  }
0x3d1: {  	v63 =	vmul.f32 v57, v16;
	v52 =	vadd.f32 v56, v52  }
0x3d2: {  	v54 =	vmax.f32 v54, v62  }
0x3d3: {  	v54 =	vmul.f32 v54, v17;
	v52 =	vadd.f32 v63, v52;
	_ =	sdelay $0x1  }
0x3d4: {  	v52 =	vadd.f32 v52, v54;
	_ =	sdelay $0x1  }
0x3d5: {  	(xrf2) =	vadd.scan.msk.f32 $0xffff, v52;
	_ =	sdelay $0x9  }
0x3d6: {  	v52, _, _ =	vpop (xrf2)  }
0x3d7: {  	v52 =	vmul.f32 $1.442695020e+00, v52;
	_ =	sdelay $0x1  }
0x3d8: {  	v52 =	vbroadcast v52, $0xF;
	_ =	sdelay $0x1  }
0x3d9: {  	(erf) = vpow2.f32 v52;
	_ =	sdelay $0x8  }
0x3da: {  	v52 =	vpop (erf)  }
0x3db: {  	v60 =	vmul.f32 v52, v55  }
0x3dc: {  	s26 =	sor.u32 s15, s28;
	v51 =	vmul.f32 v52, v51  }
0x3dd: {  	v61 =	vmul.f32 v52, v58;
	[tilespmem:s26+$0x0] =	vst v60  }
0x3de: {  	v62 =	vmul.f32 v52, v53;
	[tilespmem:s26+$0x10] =	vst v51  }
0x3df: {  	[tilespmem:s26+$0x20] =	vst v61  }
0x3e0: {  	[tilespmem:s26+$0x30] =	vst v62  }
0x3e1: {  	v51 =	vld [tilespmem:s20+$0xE0]  }
0x3e2: {  	v63 =	vld [tilespmem:s19+$0xE0]  }
0x3e3: {  	v54 =	vld [tilespmem:s20+$0xF0]  }
0x3e4: {  	v55 =	vld [tilespmem:s19+$0xF0];
	_ =	sdelay $0x1  }
0x3e5: {  	v56 =	vunpack.i.l.bf16.f32 v51  }
0x3e6: {  	v60 =	vunpack.i.l.bf16.f32 v63;
	v51 =	vunpack.i.u.bf16.f32 v51;
	v53 =	vunpack.i.u.bf16.f32 v63  }
0x3e7: {  	v59 =	vunpack.i.l.bf16.f32 v54;
	v57 =	vadd.f32 v60, v56;
	v53 =	vadd.f32 v53, v51  }
0x3e8: {  	v54 =	vunpack.i.u.bf16.f32 v54;
	v60 =	vunpack.i.l.bf16.f32 v55;
	v55 =	vunpack.i.u.bf16.f32 v55  }
0x3e9: {  	v60 =	vadd.f32 v60, v59;
	v58 =	vmul.f32 $2.000000030e-01, v57;
	v61 =	vmul.f32 $2.000000030e-01, v53  }
0x3ea: {  	v55 =	vadd.f32 v55, v54  }
0x3eb: {  	v57 =	vmax.f32 v57, v58;
	v53 =	vmax.f32 v53, v61;
	v61 =	vmul.f32 $2.000000030e-01, v60  }
0x3ec: {  	v57 =	vmul.f32 v57, v18;
	v53 =	vmul.f32 v53, v19  }
0x3ed: {  	v58 =	vmax.f32 v60, v61;
	v60 =	vmul.f32 $2.000000030e-01, v55  }
0x3ee: {  	v53 =	vadd.f32 v57, v53;
	v62 =	vmul.f32 v58, v20  }
0x3ef: {  	v55 =	vmax.f32 v55, v60  }
0x3f0: {  	v53 =	vadd.f32 v62, v53;
	v55 =	vmul.f32 v55, v21;
	_ =	sdelay $0x1  }
0x3f1: {  	v53 =	vadd.f32 v53, v55;
	_ =	sdelay $0x1  }
0x3f2: {  	(xrf2) =	vadd.scan.msk.f32 $0xffff, v53;
	_ =	sdelay $0x2  }
0x3f3: {  	v25 =	vmul.f32 v1, v25;
	_ =	sdelay $0x1  }
0x3f4: {  	v25 =	vadd.f32 $0.0e+00, v25;
	v26 =	vmul.f32 v2, v26;
	_ =	sdelay $0x1  }
0x3f5: {  	v25 =	vadd.f32 v26, v25;
	v27 =	vmul.f32 v3, v27;
	v29 =	vmul.f32 v32, v29  }
0x3f6: {  	v26 =	vmul.f32 v32, v28;
	v33 =	vmul.f32 v1, v33  }
0x3f7: {  	v25 =	vadd.f32 v27, v25;
	v31 =	vmul.f32 v32, v31;
	v27 =	vmul.f32 v4, v32;
	[tilespmem:s25+$0x40] =	vst v29  }
0x3f8: {  	[tilespmem:s25+$0x50] =	vst v26;
	v26 =	vmul.f32 v32, v30;
	v33 =	vadd.f32 $0.0e+00, v33;
	v34 =	vmul.f32 v2, v34;
	v53, _, _ =	vpop (xrf2)  }
0x3f9: {  	s24 =	sadd.s32 $0x14000, s24;
	[tilespmem:s25+$0x60] =	vst v31;
	v25 =	vadd.f32 v27, v25;
	v63 =	vmul.f32 $1.442695020e+00, v53  }
0x3fa: {  	s23 =	sor.u32 s23, s24;
	[tilespmem:s25+$0x70] =	vst v26;
	v26 =	vadd.f32 v34, v33;
	v27 =	vmul.f32 v3, v35;
	v35 =	vmul.f32 v40, v37  }
0x3fb: {  	[tilespmem:s23+$0x0] =	vst v25;
	v25 =	vmul.f32 v40, v36;
	v28 =	vbroadcast v63, $0xF  }
0x3fc: {  	v26 =	vadd.f32 v27, v26;
	v27 =	vmul.f32 v40, v39;
	v37 =	vmul.f32 v1, v41  }
0x3fd: {  	v41 =	vmul.f32 v4, v40;
	(erf) = vpow2.f32 v28  }
0x3fe: {  	[tilespmem:s30+$0x50] =	vst v25;
	v25 =	vmul.f32 v40, v38;
	v29 =	vadd.f32 $0.0e+00, v37;
	v42 =	vmul.f32 v2, v42  }
0x3ff: {  	[tilespmem:s30+$0x60] =	vst v27  }
0x400: {  	v26 =	vadd.f32 v41, v26;
	[tilespmem:s30+$0x70] =	vst v25;
	v25 =	vadd.f32 v42, v29;
	v27 =	vmul.f32 v3, v43  }
0x401: {  	[tilespmem:s30+$0x40] =	vst v35;
	s28 =	sor.u32 s29, s24  }
0x402: {  	v25 =	vadd.f32 v27, v25;
	v27 =	vmul.f32 v48, v46;
	[tilespmem:s28+$0x0] =	vst v26;
	v26 =	vmul.f32 v48, v44  }
0x403: {  	v55 =	vmul.f32 v1, v49  }
0x404: {  	[tilespmem:s0+$0x50] =	vst v26;
	v26 =	vmul.f32 v48, v47;
	v57 =	vmul.f32 v4, v48  }
0x405: {  	[tilespmem:s0+$0x60] =	vst v27;
	v58 =	vmul.f32 v2, v50;
	v29 =	vadd.f32 $0.0e+00, v55;
	v53 =	vmul.f32 v48, v45  }
0x406: {  	[tilespmem:s0+$0x70] =	vst v26;
	v25 =	vadd.f32 v57, v25;
	v27 =	vpop (erf)  }
0x407: {  	s29 =	sor.u32 s1, s24;
	v60 =	vmul.f32 v3, v52;
	v26 =	vadd.f32 v58, v29;
	[tilespmem:s0+$0x40] =	vst v53;
	v61 =	vmul.f32 v27, v56  }
0x408: {  	p0 =	slt.u32 s18, $0x3C;
	[tilespmem:s29+$0x0] =	vst v25;
	v25 =	vmul.f32 v27, v51  }
.Ltmp2:
0x409: {  	v26 =	vadd.f32 v60, v26;
	v62 =	vmul.f32 v27, v59;
	v63 =	vmul.f32 v4, v27;
	[tilespmem:s26+$0x40] =	vst v61;
	(pc) =	sbr.rel @p0 .LBB2_7-.Ltmp2, $4  }
0x40a: {  	[tilespmem:s26+$0x50] =	vst v25;
	v25 =	vmul.f32 v27, v54  }
0x40b: {  	[tilespmem:s26+$0x60] =	vst v62;
	v26 =	vadd.f32 v63, v26  }
0x40c: {  	s30 =	sor.u32 s15, s24;
	[tilespmem:s26+$0x70] =	vst v25  }
0x40d: {  	s21 =	sadd.s32 $0x200, s21;
	s19 =	sadd.s32 $0x200, s19;
	s20 =	sadd.s32 $0x200, s20;
	[tilespmem:s30+$0x0] =	vst v26  }
0x40e: {  	v25 =	vld [tilespmem:s14+$0x6000];
	_ =	sdelay $0x4  }
0x40f: {  	v26 =	vshrl.u32 v25, $0x3  }
0x410: {  	v26 =	vmul.u32 $0x18, v26  }
0x411: {  	v25 =	vand.u32 $0x7, v25  }
0x412: {  	v25 =	vor.u32 v25, v26  }
0x413: {  	v26 =	vperm.xlane v25, v22;
	_ =	sdelay $0x1  }
0x414: {  	v26 =	vadd.s32 v23, v26;
	_ =	sdelay $0x1  }
0x415: {  	v25 =	vperm.xlane v25, v24;
	_ =	sdelay $0x1  }
0x416: {  	v25 =	vadd.s32 v23, v25  }
0x417: {  	[hbm4b:s7+s2] =	stream.indirect_vreg.scatter [tilespmem:s31], [sflag:$0x3], $0x80, v26, vm0, $0xb8;
	[tilespmem:$0x19800] =	vst v63  }
0x418: {  	s0 =	simm.s32 $0x14000  }
0x419: {  	[hbm4b:s11+s2] =	stream.indirect_vreg.scatter [tilespmem:s0], [sflag:$0x3], $0x80, v26, vm1, $0xb8;
	[tilespmem:$0x19800] =	vst v63  }
0x41a: {  	s21 =	simm.s32 $0x14400  }
0x41b: {  	[hbm4b:s7+s2] =	stream.indirect_vreg.scatter [tilespmem:s21], [sflag:$0x3], $0x80, v25, vm0, $0xb8;
	[tilespmem:$0x19800] =	vst v63  }
0x41c: {  	s23 =	simm.s32 $0x14C00  }
0x41d: {  	[hbm4b:s11+s2] =	stream.indirect_vreg.scatter [tilespmem:s23], [sflag:$0x3], $0x80, v25, vm1, $0xb8;
	[tilespmem:$0x19800] =	vst v63  }
0x41e: {  	v25 =	vld [tilespmem:s14+$0x6010];
	_ =	sdelay $0x4  }
0x41f: {  	v60 =	vshrl.u32 v25, $0x3  }
0x420: {  	v26 =	vmul.u32 $0x18, v60  }
0x421: {  	v25 =	vand.u32 $0x7, v25  }
0x422: {  	v25 =	vor.u32 v25, v26  }
0x423: {  	v26 =	vperm.xlane v25, v22;
	_ =	sdelay $0x1  }
0x424: {  	v26 =	vadd.s32 v23, v26;
	_ =	sdelay $0x1  }
0x425: {  	v25 =	vperm.xlane v25, v24;
	_ =	sdelay $0x1  }
0x426: {  	s24 =	simm.s32 $0x15000;
	v25 =	vadd.s32 v23, v25  }
0x427: {  	[hbm4b:s7+s2] =	stream.indirect_vreg.scatter [tilespmem:s24], [sflag:$0x3], $0x80, v26, vm0, $0xb8;
	[tilespmem:$0x19800] =	vst v63  }
0x428: {  	s25 =	simm.s32 $0x15800  }
0x429: {  	[hbm4b:s11+s2] =	stream.indirect_vreg.scatter [tilespmem:s25], [sflag:$0x3], $0x80, v26, vm1, $0xb8;
	[tilespmem:$0x19800] =	vst v63  }
0x42a: {  	s26 =	simm.s32 $0x15C00  }
0x42b: {  	[hbm4b:s7+s2] =	stream.indirect_vreg.scatter [tilespmem:s26], [sflag:$0x3], $0x80, v25, vm0, $0xb8;
	[tilespmem:$0x19800] =	vst v63  }
0x42c: {  	s28 =	simm.s32 $0x16400  }
0x42d: {  	[hbm4b:s11+s2] =	stream.indirect_vreg.scatter [tilespmem:s28], [sflag:$0x3], $0x80, v25, vm1, $0xb8;
	[tilespmem:$0x19800] =	vst v63  }
0x42e: {  	v25 =	vld [tilespmem:s14+$0x6020];
	_ =	sdelay $0x4  }
0x42f: {  	v61 =	vshrl.u32 v25, $0x3  }
0x430: {  	v26 =	vmul.u32 $0x18, v61  }
0x431: {  	v25 =	vand.u32 $0x7, v25  }
0x432: {  	v25 =	vor.u32 v25, v26  }
0x433: {  	v26 =	vperm.xlane v25, v22;
	_ =	sdelay $0x1  }
0x434: {  	v26 =	vadd.s32 v23, v26;
	_ =	sdelay $0x1  }
0x435: {  	v25 =	vperm.xlane v25, v24;
	_ =	sdelay $0x1  }
0x436: {  	s29 =	simm.s32 $0x16800;
	v25 =	vadd.s32 v23, v25  }
0x437: {  	[hbm4b:s7+s2] =	stream.indirect_vreg.scatter [tilespmem:s29], [sflag:$0x3], $0x80, v26, vm0, $0xb8;
	[tilespmem:$0x19800] =	vst v63  }
0x438: {  	s30 =	simm.s32 $0x17000  }
0x439: {  	[hbm4b:s11+s2] =	stream.indirect_vreg.scatter [tilespmem:s30], [sflag:$0x3], $0x80, v26, vm1, $0xb8;
	[tilespmem:$0x19800] =	vst v63  }
0x43a: {  	s31 =	simm.s32 $0x17400  }
0x43b: {  	[hbm4b:s7+s2] =	stream.indirect_vreg.scatter [tilespmem:s31], [sflag:$0x3], $0x80, v25, vm0, $0xb8;
	[tilespmem:$0x19800] =	vst v63  }
0x43c: {  	_ = 	snop  }
0x43d: {  	[hbm4b:s11+s2] =	stream.indirect_vreg.scatter [tilespmem:s16], [sflag:$0x3], $0x80, v25, vm1, $0xb8;
	[tilespmem:$0x19800] =	vst v63  }
0x43e: {  	v25 =	vld [tilespmem:s14+$0x6030];
	_ =	sdelay $0x4  }
0x43f: {  	v62 =	vshrl.u32 v25, $0x3  }
0x440: {  	v26 =	vmul.u32 $0x18, v62  }
0x441: {  	v25 =	vand.u32 $0x7, v25  }
0x442: {  	v25 =	vor.u32 v25, v26  }
0x443: {  	v22 =	vperm.xlane v25, v22;
	_ =	sdelay $0x1  }
0x444: {  	v22 =	vadd.s32 v23, v22;
	_ =	sdelay $0x2  }
0x445: {  	v63 =	vperm.xlane v25, v24  }
0x446: {  	s13 =	sadd.s32 $0x1, s13  }
0x447: {  	v23 =	vadd.s32 v23, v63;
	[hbm4b:s7+s2] =	stream.indirect_vreg.scatter [tilespmem:s5], [sflag:$0x3], $0x80, v22, vm0, $0xb8;
	[tilespmem:$0x19800] =	vst v63  }
0x448: {  	p0 =	sne.s32 s13, $0x54  }
0x449: {  	[hbm4b:s11+s2] =	stream.indirect_vreg.scatter [tilespmem:s6], [sflag:$0x3], $0x80, v22, vm1, $0xb8;
	[tilespmem:$0x19800] =	vst v63  }
.Ltmp3:
0x44a: {  	_ = 	snop;
	(pc) =	sbr.rel @p0 .LBB2_4-.Ltmp3, $4  }
0x44b: {  	_ = 	snop  }
0x44c: {  	[hbm4b:s7+s2] =	stream.indirect_vreg.scatter [tilespmem:s8], [sflag:$0x3], $0x80, v23, vm0, $0xb8;
	[tilespmem:$0x19800] =	vst v63  }
0x44d: {  	_ = 	snop  }
0x44e: {  	[hbm4b:s11+s2] =	stream.indirect_vreg.scatter [tilespmem:s9], [sflag:$0x3], $0x80, v23, vm1, $0xb8;
	[tilespmem:$0x19800] =	vst v63  }
0x44f: {  	_ =	swait.ge [sflag:s22], $0x2000  }
0x450: {  	[sflag:s22] =	ssyncset.done $0x0  }
0x451: {  	[sflag:s22] =	ssyncadd.s32 $0xFFFFE000  }
0x452: {  	_ =	swait.ge [sflag:s22], $0x2000  }
0x453: {  	[sflag:s22] =	ssyncset.done $0x0  }
0x454: {  	[sflag:s22] =	ssyncadd.s32 $0xFFFFE000  }
0x455: {  	_ =	swait.ge [sflag:s12], $0x6000  }
0x456: {  	s1 =	rddreg [dreg:$0x9]  }
0x457: {  	s0 =	rddreg [dreg:$0x7];
	s1 =	sadd.s32 $0x1, s1  }
0x458: {  	p0 =	sne.s32 s1, s0  }
.Ltmp4:
0x459: {  	_ = 	snop;
	(pc) =	sbr.rel @p0 .LBB2_1-.Ltmp4, $3  }
0x45a: {  	_ =	sdelay $0x1  }
0x45b: {  	[sflag:s12] =	ssyncset.done $0x0  }
0x45c: {  	s18 =	simm.s32 $0x800;
	s19 =	simm.s32 $0x6000;
	[sflag:s12] =	ssyncadd.s32 $0xFFFFA000  }
0x45d: {  	_ =	sfence.sel $0x180000  }
0x45e: {  	[bflag:$0x0] =	sbarrier.arrive $0xFFFF  }
0x45f: {  	_ =	strace $0x90000047  }
0x460: {  	s0 =	stileid.u32;
	[bflag:$0x2] =	sbarrier.arrive $0xFFFF  }
0x461: {  	p0 =	sne.s32 s0, $0x0;
	s0 =	rddreg [dreg:$0x1]  }
0x462: {  	s0 =	sadd.s32 @!p0 $0x100000, s0  }
0x463: {  	[sflag:s0] =	ssyncadd.tile.s32 @!p0 $0x1;
	_ =	shalt  }
.Lfunc_end2:
_tile_overlayer_lowered:
.L_overlay_start_2:
0x464: {  	(tag) =	ssettag $0x2  }
0x465: {  	s0 =	rddreg [dreg:$0x0];
	s2 =	stileid.u32  }
0x466: {  	s1 =	rddreg [dreg:$0x1];
	p0 =	sne.s32 s2, $0x0  }
0x467: {  	s3 =	rddreg [dreg:$0x2];
	[bflag:$0x3] =	sbarrier.arrive $0xFFFF;
	s2 =	simm.s32 @!p0 $0x1C04  }
0x468: {  	[timem:s3], [sflag:s2] =	dma.local @!p0 [hbm:s0], s1  }
0x469: {  	s0 =	simm.s32 @!p0 $0x4  }
0x46a: {  	_ =	swait.ge @!p0 [sflag:s0], s1  }
0x46b: {  	s1 =	ssub.s32 @!p0 $0x0, s1;
	[sflag:s0] =	ssyncset.done @!p0 $0x0  }
0x46c: {  	[sflag:s0] =	ssyncadd.s32 @!p0 s1  }
0x46d: {  	[bflag:$0x3] =	sbarrier.arrive $0xFFFF  }
0x46e: {  	_ =	shalt  }

</sc_bundles>
